<compile_context>
chip_gen: v7x
topology: tpu7x:2x2x1
jax: 0.10.2.dev20260603
libtpu: 0.0.44.dev20260713+nightly
codegen_flags: <defaults>
</compile_context>

<pallas_src>
import functools

import jax
import jax.numpy as jnp
from jax import lax
from jax.experimental import pallas as pl
from jax.experimental.pallas import tpu as pltpu
from jax.experimental.pallas import tpu_sc as plsc

HIDDEN = 128
EPS = 1e-12

NC, NS = 2, 16
NW = NC * NS
CHUNK = 80
K = 2
GROUP = K * CHUNK
PH = GROUP // 2

BB = 64
SLICES = 2


def _sc_gather_pack(word_emb, idx3):
    n_chunks = idx3.shape[1]
    n_rows = NW * n_chunks * CHUNK
    per_w = n_chunks * CHUNK
    n_groups = n_chunks // K
    assert n_chunks % K == 0 and n_groups >= 4
    mesh = plsc.VectorSubcoreMesh(core_axis_name="c", subcore_axis_name="s")

    @functools.partial(
        pl.kernel,
        out_type=jax.ShapeDtypeStruct((n_rows // 2, HIDDEN), jnp.uint32),
        mesh=mesh,
        compiler_params=pltpu.CompilerParams(needs_layout_passes=False),
        scratch_types=[
            pltpu.VMEM((n_chunks, CHUNK), jnp.int32),
            pltpu.VMEM((2 * GROUP, HIDDEN), jnp.float32),
            pltpu.VMEM((2 * PH, HIDDEN), jnp.uint32),
            pltpu.SemaphoreType.DMA,
            pltpu.SemaphoreType.DMA,
        ],
    )
    def k(table_hbm, idx_hbm, out_hbm, idx_v, rows_v, pk_v, gsem, wsem):
        wid = lax.axis_index("s") * NC + lax.axis_index("c")
        base_pk = wid * (per_w // 2)

        pltpu.sync_copy(idx_hbm.at[wid], idx_v)

        def fire_group(g, half):
            for t in range(K):
                pltpu.async_copy(
                    table_hbm.at[idx_v.at[g * K + t]],
                    rows_v.at[pl.ds(half * GROUP + t * CHUNK, CHUNK)],
                    gsem,
                )

        def drain_gathers():
            for _ in range(K):
                pltpu.make_async_copy(
                    table_hbm.at[idx_v.at[0]], rows_v.at[pl.ds(0, CHUNK)], gsem
                ).wait()

        def convert(half):
            fb = half * GROUP
            pb = half * PH

            @plsc.parallel_loop(0, PH, 1, unroll=4)
            def _(l):
                for j in range(HIDDEN // 16):
                    ai = plsc.bitcast(rows_v[fb + l, pl.ds(j * 16, 16)],
                                      jnp.uint32)
                    bi = plsc.bitcast(rows_v[fb + PH + l, pl.ds(j * 16, 16)],
                                      jnp.uint32)
                    word = (ai >> 16) | (bi & jnp.uint32(0xFFFF0000))
                    pk_v[pb + l, pl.ds(j * 16, 16)] = word

        def fire_write(g, half):
            pltpu.async_copy(
                pk_v.at[pl.ds(half * PH, PH)],
                out_hbm.at[pl.ds(base_pk + g * PH, PH)],
                wsem,
            )

        def drain_write():
            pltpu.make_async_copy(
                pk_v.at[pl.ds(0, PH)], out_hbm.at[pl.ds(base_pk, PH)], wsem
            ).wait()

        fire_group(0, 0)
        fire_group(1, 1)
        drain_gathers()
        convert(0)
        fire_write(0, 0)
        fire_group(2, 0)
        drain_gathers()
        convert(1)
        fire_write(1, 1)

        def body(g, _):
            half = g % 2
            fire_group(g + 1, 1 - half)
            drain_gathers()
            drain_write()
            convert(half)
            fire_write(g, half)
            return 0

        lax.fori_loop(2, n_groups - 1, body, 0)

        gl = n_groups - 1
        drain_gathers()
        drain_write()
        convert(gl % 2)
        fire_write(gl, gl % 2)
        drain_write()
        drain_write()

    return k(word_emb, idx3)


def _tc_ln_body(tt_ref, pk_ref, pos_ref, td_ref, gm_ref, bt_ref, o_ref):
    bb, s, h = o_ref.shape
    rows = bb * s
    w = pk_ref[...]
    lo = lax.bitcast_convert_type(w << 16, jnp.float32)
    hi = lax.bitcast_convert_type(w & jnp.uint32(0xFFFF0000), jnp.float32)
    nstrip = (rows // 2) // PH
    x = jnp.stack(
        [lo.reshape(nstrip, PH, h), hi.reshape(nstrip, PH, h)], axis=1
    ).reshape(bb, s, h)
    t = tt_ref[...].astype(jnp.float32)[..., None]
    x = x + pos_ref[...][None, :, :] + t * td_ref[...][None, :, :]
    x2 = x.reshape(rows, h)
    ones = jnp.full((h, h), 1.0 / h, jnp.bfloat16)
    xb = x2.astype(jnp.bfloat16)
    mean = lax.dot_general(xb, ones, (((1,), (0,)), ((), ())),
                           preferred_element_type=jnp.float32)
    m2 = lax.dot_general(xb * xb, ones, (((1,), (0,)), ((), ())),
                         preferred_element_type=jnp.float32)
    var = m2 - mean * mean
    scale = lax.rsqrt(var + EPS) * gm_ref[...].reshape(1, h)
    o_ref[...] = ((x2 - mean) * scale).reshape(bb, s, h) + bt_ref[...][None, :, :]


def _tc_ln(tt, pk, pos, td, gm, bt, prev, off, B, S):
    H = HIDDEN
    Gh = (2 * pk.shape[0]) // (BB * S)
    pkb = BB * S // 2
    in_specs = [
        pl.BlockSpec((BB, S), lambda i, off=off: (i + off, 0)),
        pl.BlockSpec((pkb, H), lambda i: (i, 0)),
        pl.BlockSpec((S, H), lambda i: (0, 0)),
        pl.BlockSpec((1, H), lambda i: (0, 0)),
        pl.BlockSpec((1, H), lambda i: (0, 0)),
        pl.BlockSpec((1, H), lambda i: (0, 0)),
    ]
    args = [tt, pk, pos, td, gm, bt]
    aliases = {}
    if prev is not None:
        in_specs.append(pl.BlockSpec(memory_space=pl.ANY))
        args.append(prev)
        aliases = {6: 0}

    def body(*refs):
        _tc_ln_body(*refs[:6], refs[-1])

    return pl.pallas_call(
        body,
        out_shape=jax.ShapeDtypeStruct((B, S, H), jnp.float32),
        grid=(Gh,),
        in_specs=in_specs,
        out_specs=pl.BlockSpec((BB, S, H), lambda i, off=off: (i + off, 0, 0)),
        input_output_aliases=aliases,
    )(*args)


def kernel(input_ids, token_type_ids, word_emb, pos_emb, type_emb, ln_gamma, ln_beta):
    B, S = input_ids.shape
    H = HIDDEN
    n = B * S
    Bh = B // SLICES
    nh = n // SLICES
    assert nh % (NW * CHUNK) == 0 and Bh % BB == 0 and (BB * S) % GROUP == 0
    n_chunks = nh // (NW * CHUNK)
    ids = input_ids.reshape(SLICES, NW, n_chunks, CHUNK).astype(jnp.int32)
    tt = token_type_ids.astype(jnp.int32)

    pos = pos_emb[:S] + type_emb[0][None, :]
    td = (type_emb[1] - type_emb[0])[None, :]
    gm = ln_gamma[None, :]
    bt = ln_beta[None, :]

    pks = [_sc_gather_pack(word_emb, ids[s]) for s in range(SLICES)]
    out = None
    for s in range(SLICES):
        out = _tc_ln(tt, pks[s], pos, td, gm, bt, out, s * (Bh // BB), B, S)
    return out

# --- scband reference (transcript-rebuilt; emitter-appended) ---
"""Pipeline reference for scband-bert-embeddings-17609365913814 (READ-ONLY COPY).

The authoritative reference and input builder live on the scoring server;
editing this copy changes nothing except your own understanding.
"""

import jax, jax.numpy as jnp
import numpy as np

VOCAB = 100000
HIDDEN = 128
MAX_POS = 512
TYPE_VOCAB = 2
B, S = 1024, 200
EPS = 1e-12


def setup_inputs(seed: int = 0) -> dict:
    key = jax.random.key(seed)
    k1, k2, k3, k4, k5, k6 = jax.random.split(key, 6)
    input_ids = jax.random.randint(k1, (B, S), 0, VOCAB, dtype=jnp.int64 if jax.config.read('jax_enable_x64') else jnp.int32)
    token_type_ids = jax.random.randint(k2, (B, S), 0, TYPE_VOCAB, dtype=input_ids.dtype)
    word_emb = jax.random.normal(k3, (VOCAB, HIDDEN), dtype=jnp.float32) * 0.02
    word_emb = word_emb.at[0].set(0.0)  # padding_idx=0 row initialized to zeros
    pos_emb = jax.random.normal(k4, (MAX_POS, HIDDEN), dtype=jnp.float32) * 0.02
    type_emb = jax.random.normal(k5, (TYPE_VOCAB, HIDDEN), dtype=jnp.float32) * 0.02
    ln_gamma = jnp.ones((HIDDEN,), dtype=jnp.float32)
    ln_beta = jnp.zeros((HIDDEN,), dtype=jnp.float32)
    return {
        'input_ids': input_ids,
        'token_type_ids': token_type_ids,
        'word_emb': word_emb,
        'pos_emb': pos_emb,
        'type_emb': type_emb,
        'ln_gamma': ln_gamma,
        'ln_beta': ln_beta,
    }


def _layer_norm(x, gamma, beta, eps):
    mean = jnp.mean(x, axis=-1, keepdims=True)
    var = jnp.mean(jnp.square(x - mean), axis=-1, keepdims=True)
    xhat = (x - mean) / jnp.sqrt(var + eps)
    return xhat * gamma + beta


def reference(input_ids, token_type_ids, word_emb, pos_emb, type_emb, ln_gamma, ln_beta):
    seq_length = input_ids.shape[1]
    position_ids = jnp.arange(seq_length)
    word_embedding = jnp.take(word_emb, input_ids, axis=0)          # [B, S, H] gather
    token_type_embedding = jnp.take(type_emb, token_type_ids, axis=0)  # [B, S, H] gather
    position_embedding = jnp.take(pos_emb, position_ids, axis=0)    # [S, H]
    embedding = word_embedding + position_embedding[None, :, :] + token_type_embedding
    embedding = _layer_norm(embedding, ln_gamma, ln_beta, EPS)
    # dropout is identity in eval mode
    return embedding

if __name__ == "__main__":
    import jax
    _d = setup_inputs()
    print(jax.jit(kernel)(*tuple(_d.values())))

</pallas_src>

<mosaic_0001>
#map = affine_map<(d0, d1) -> (0, 0)>
#map1 = affine_map<(d0, d1) -> (0, 0, 0)>
module attributes {stable_mosaic.version = 14 : i64} {
  func.func @k(%arg0: i32, %arg1: i32, %arg2: memref<100000x128xf32, #tpu.memory_space<hbm>>, %arg3: memref<32x40x80xi32, #tpu.memory_space<hbm>>, %arg4: memref<51200x128xi32, #tpu.memory_space<hbm>>, %arg5: memref<40x80xi32, #tpu.memory_space<vmem>>, %arg6: memref<320x128xf32, #tpu.memory_space<vmem>>, %arg7: memref<160x128xi32, #tpu.memory_space<vmem>>, %arg8: memref<!tpu.dma_semaphore, #tpu.memory_space<semaphore_mem>>, %arg9: memref<!tpu.dma_semaphore, #tpu.memory_space<semaphore_mem>>) attributes {dimension_semantics = [#tpu.dimension_semantics<core_parallel>, #tpu.dimension_semantics<subcore_parallel>], iteration_bounds = array<i64: 2, 16>, scalar_prefetch = 0 : i64, scratch_operands = 5 : i64, tpu.core_type = #tpu.core_type<sc_vector_subcore>, window_params = [{transform_indices = #map}, {transform_indices = #map1}, {transform_indices = #map}]} {
    %mul3A = arith.constant 2 : i32
    %mul3A_0 = arith.muli %arg1, %mul3A : i32
    %add3A = arith.addi %mul3A_0, %arg0 : i32
    %mul3A_1 = arith.constant 1600 : i32
    %mul3A_2 = arith.muli %add3A, %mul3A_1 : i32
    "tpu.region"() ({
      %run_scoped3A = tpu.sem_alloc : memref<!tpu.dma_semaphore, #tpu.memory_space<semaphore_mem>>
      %dma_start3A_201 = arith.constant 0 : i32
      %dma_start3A_202 = arith.constant 0 : i32
      %dma_start3A_203 = tpu.memref_slice %arg3[%add3A, %dma_start3A_201, %dma_start3A_202] : memref<32x40x80xi32, #tpu.memory_space<hbm>> -> memref<1x40x80xi32, #tpu.memory_space<hbm>>
      %dma_start3A_204 = tpu.memref_squeeze %dma_start3A_203 : memref<1x40x80xi32, #tpu.memory_space<hbm>> -> memref<40x80xi32, #tpu.memory_space<hbm>>
      %dma_start3A_205 = arith.constant 0 : i32
      %dma_start3A_206 = arith.constant 0 : i32
      %dma_start3A_207 = tpu.memref_slice %arg3[%add3A, %dma_start3A_205, %dma_start3A_206] : memref<32x40x80xi32, #tpu.memory_space<hbm>> -> memref<1x40x80xi32, #tpu.memory_space<hbm>>
      %dma_start3A_208 = tpu.memref_squeeze %dma_start3A_207 : memref<1x40x80xi32, #tpu.memory_space<hbm>> -> memref<40x80xi32, #tpu.memory_space<hbm>>
      tpu.enqueue_dma source(%dma_start3A_208 : memref<40x80xi32, #tpu.memory_space<hbm>>) target(%arg5 : memref<40x80xi32, #tpu.memory_space<vmem>>) target_semaphore(%run_scoped3A : memref<!tpu.dma_semaphore, #tpu.memory_space<semaphore_mem>>)
      %dma_wait3A_209 = arith.constant 0 : i32
      %dma_wait3A_210 = arith.constant 0 : i32
      %dma_wait3A_211 = tpu.memref_slice %arg3[%add3A, %dma_wait3A_209, %dma_wait3A_210] : memref<32x40x80xi32, #tpu.memory_space<hbm>> -> memref<1x40x80xi32, #tpu.memory_space<hbm>>
      %dma_wait3A_212 = tpu.memref_squeeze %dma_wait3A_211 : memref<1x40x80xi32, #tpu.memory_space<hbm>> -> memref<40x80xi32, #tpu.memory_space<hbm>>
      %dma_wait3A_213 = arith.constant 0 : i32
      %dma_wait3A_214 = arith.constant 0 : i32
      %dma_wait3A_215 = tpu.memref_slice %arg3[%add3A, %dma_wait3A_213, %dma_wait3A_214] : memref<32x40x80xi32, #tpu.memory_space<hbm>> -> memref<1x40x80xi32, #tpu.memory_space<hbm>>
      %dma_wait3A_216 = tpu.memref_squeeze %dma_wait3A_215 : memref<1x40x80xi32, #tpu.memory_space<hbm>> -> memref<40x80xi32, #tpu.memory_space<hbm>>
      tpu.wait_dma2 semaphore(%run_scoped3A : memref<!tpu.dma_semaphore, #tpu.memory_space<semaphore_mem>>) src(%dma_wait3A_216 : memref<40x80xi32, #tpu.memory_space<hbm>>) dst(%arg5 : memref<40x80xi32, #tpu.memory_space<vmem>>)
      tpu.yield
    }) : () -> ()
    %dma_start3A = arith.constant 0 : i32
    %dma_start3A_3 = arith.constant 0 : i32
    %dma_start3A_4 = arith.constant 0 : i32
    %dma_start3A_5 = tpu.memref_slice %arg6[%dma_start3A_3, %dma_start3A_4] : memref<320x128xf32, #tpu.memory_space<vmem>> -> memref<80x128xf32, #tpu.memory_space<vmem>>
    %dma_start3A_6 = arith.constant 0 : i32
    %dma_start3A_7 = tpu.memref_slice %arg5[%dma_start3A, %dma_start3A_6] : memref<40x80xi32, #tpu.memory_space<vmem>> -> memref<1x80xi32, #tpu.memory_space<vmem>>
    %dma_start3A_8 = tpu.memref_squeeze %dma_start3A_7 : memref<1x80xi32, #tpu.memory_space<vmem>> -> memref<80xi32, #tpu.memory_space<vmem>>
    %dma_start3A_9 = arith.constant 0 : i32
    %dma_start3A_10 = arith.constant 0 : i32
    %dma_start3A_11 = tpu.memref_slice %arg2[%dma_start3A_9, %dma_start3A_10] : memref<100000x128xf32, #tpu.memory_space<hbm>> -> memref<100000x128xf32, #tpu.memory_space<hbm>>
    tpu.enqueue_indirect_dma source(%dma_start3A_11 : memref<100000x128xf32, #tpu.memory_space<hbm>>) target(%dma_start3A_5 : memref<80x128xf32, #tpu.memory_space<vmem>>) offsets(%dma_start3A_8 : memref<80xi32, #tpu.memory_space<vmem>>) semaphore(%arg8 : memref<!tpu.dma_semaphore, #tpu.memory_space<semaphore_mem>>)
    %dma_start3A_12 = arith.constant 1 : i32
    %dma_start3A_13 = arith.constant 80 : i32
    %dma_start3A_14 = arith.constant 0 : i32
    %dma_start3A_15 = tpu.memref_slice %arg6[%dma_start3A_13, %dma_start3A_14] : memref<320x128xf32, #tpu.memory_space<vmem>> -> memref<80x128xf32, #tpu.memory_space<vmem>>
    %dma_start3A_16 = arith.constant 0 : i32
    %dma_start3A_17 = tpu.memref_slice %arg5[%dma_start3A_12, %dma_start3A_16] : memref<40x80xi32, #tpu.memory_space<vmem>> -> memref<1x80xi32, #tpu.memory_space<vmem>>
    %dma_start3A_18 = tpu.memref_squeeze %dma_start3A_17 : memref<1x80xi32, #tpu.memory_space<vmem>> -> memref<80xi32, #tpu.memory_space<vmem>>
    %dma_start3A_19 = arith.constant 0 : i32
    %dma_start3A_20 = arith.constant 0 : i32
    %dma_start3A_21 = tpu.memref_slice %arg2[%dma_start3A_19, %dma_start3A_20] : memref<100000x128xf32, #tpu.memory_space<hbm>> -> memref<100000x128xf32, #tpu.memory_space<hbm>>
    tpu.enqueue_indirect_dma source(%dma_start3A_21 : memref<100000x128xf32, #tpu.memory_space<hbm>>) target(%dma_start3A_15 : memref<80x128xf32, #tpu.memory_space<vmem>>) offsets(%dma_start3A_18 : memref<80xi32, #tpu.memory_space<vmem>>) semaphore(%arg8 : memref<!tpu.dma_semaphore, #tpu.memory_space<semaphore_mem>>)
    %dma_start3A_22 = arith.constant 2 : i32
    %dma_start3A_23 = arith.constant 160 : i32
    %dma_start3A_24 = arith.constant 0 : i32
    %dma_start3A_25 = tpu.memref_slice %arg6[%dma_start3A_23, %dma_start3A_24] : memref<320x128xf32, #tpu.memory_space<vmem>> -> memref<80x128xf32, #tpu.memory_space<vmem>>
    %dma_start3A_26 = arith.constant 0 : i32
    %dma_start3A_27 = tpu.memref_slice %arg5[%dma_start3A_22, %dma_start3A_26] : memref<40x80xi32, #tpu.memory_space<vmem>> -> memref<1x80xi32, #tpu.memory_space<vmem>>
    %dma_start3A_28 = tpu.memref_squeeze %dma_start3A_27 : memref<1x80xi32, #tpu.memory_space<vmem>> -> memref<80xi32, #tpu.memory_space<vmem>>
    %dma_start3A_29 = arith.constant 0 : i32
    %dma_start3A_30 = arith.constant 0 : i32
    %dma_start3A_31 = tpu.memref_slice %arg2[%dma_start3A_29, %dma_start3A_30] : memref<100000x128xf32, #tpu.memory_space<hbm>> -> memref<100000x128xf32, #tpu.memory_space<hbm>>
    tpu.enqueue_indirect_dma source(%dma_start3A_31 : memref<100000x128xf32, #tpu.memory_space<hbm>>) target(%dma_start3A_25 : memref<80x128xf32, #tpu.memory_space<vmem>>) offsets(%dma_start3A_28 : memref<80xi32, #tpu.memory_space<vmem>>) semaphore(%arg8 : memref<!tpu.dma_semaphore, #tpu.memory_space<semaphore_mem>>)
    %dma_start3A_32 = arith.constant 3 : i32
    %dma_start3A_33 = arith.constant 240 : i32
    %dma_start3A_34 = arith.constant 0 : i32
    %dma_start3A_35 = tpu.memref_slice %arg6[%dma_start3A_33, %dma_start3A_34] : memref<320x128xf32, #tpu.memory_space<vmem>> -> memref<80x128xf32, #tpu.memory_space<vmem>>
    %dma_start3A_36 = arith.constant 0 : i32
    %dma_start3A_37 = tpu.memref_slice %arg5[%dma_start3A_32, %dma_start3A_36] : memref<40x80xi32, #tpu.memory_space<vmem>> -> memref<1x80xi32, #tpu.memory_space<vmem>>
    %dma_start3A_38 = tpu.memref_squeeze %dma_start3A_37 : memref<1x80xi32, #tpu.memory_space<vmem>> -> memref<80xi32, #tpu.memory_space<vmem>>
    %dma_start3A_39 = arith.constant 0 : i32
    %dma_start3A_40 = arith.constant 0 : i32
    %dma_start3A_41 = tpu.memref_slice %arg2[%dma_start3A_39, %dma_start3A_40] : memref<100000x128xf32, #tpu.memory_space<hbm>> -> memref<100000x128xf32, #tpu.memory_space<hbm>>
    tpu.enqueue_indirect_dma source(%dma_start3A_41 : memref<100000x128xf32, #tpu.memory_space<hbm>>) target(%dma_start3A_35 : memref<80x128xf32, #tpu.memory_space<vmem>>) offsets(%dma_start3A_38 : memref<80xi32, #tpu.memory_space<vmem>>) semaphore(%arg8 : memref<!tpu.dma_semaphore, #tpu.memory_space<semaphore_mem>>)
    %dma_wait3A = arith.constant 0 : i32
    %dma_wait3A_42 = arith.constant 0 : i32
    %dma_wait3A_43 = arith.constant 0 : i32
    %dma_wait3A_44 = tpu.memref_slice %arg6[%dma_wait3A_42, %dma_wait3A_43] : memref<320x128xf32, #tpu.memory_space<vmem>> -> memref<80x128xf32, #tpu.memory_space<vmem>>
    %dma_wait3A_45 = arith.constant 0 : i32
    %dma_wait3A_46 = tpu.memref_slice %arg5[%dma_wait3A, %dma_wait3A_45] : memref<40x80xi32, #tpu.memory_space<vmem>> -> memref<1x80xi32, #tpu.memory_space<vmem>>
    %dma_wait3A_47 = tpu.memref_squeeze %dma_wait3A_46 : memref<1x80xi32, #tpu.memory_space<vmem>> -> memref<80xi32, #tpu.memory_space<vmem>>
    %dma_wait3A_48 = arith.constant 0 : i32
    %dma_wait3A_49 = arith.constant 0 : i32
    %dma_wait3A_50 = tpu.memref_slice %arg2[%dma_wait3A_48, %dma_wait3A_49] : memref<100000x128xf32, #tpu.memory_space<hbm>> -> memref<100000x128xf32, #tpu.memory_space<hbm>>
    tpu.wait_indirect_dma semaphore(%arg8 : memref<!tpu.dma_semaphore, #tpu.memory_space<semaphore_mem>>) src(%dma_wait3A_50 : memref<100000x128xf32, #tpu.memory_space<hbm>>) dst(%dma_wait3A_44 : memref<80x128xf32, #tpu.memory_space<vmem>>)
    %dma_wait3A_51 = arith.constant 0 : i32
    %dma_wait3A_52 = arith.constant 0 : i32
    %dma_wait3A_53 = arith.constant 0 : i32
    %dma_wait3A_54 = tpu.memref_slice %arg6[%dma_wait3A_52, %dma_wait3A_53] : memref<320x128xf32, #tpu.memory_space<vmem>> -> memref<80x128xf32, #tpu.memory_space<vmem>>
    %dma_wait3A_55 = arith.constant 0 : i32
    %dma_wait3A_56 = tpu.memref_slice %arg5[%dma_wait3A_51, %dma_wait3A_55] : memref<40x80xi32, #tpu.memory_space<vmem>> -> memref<1x80xi32, #tpu.memory_space<vmem>>
    %dma_wait3A_57 = tpu.memref_squeeze %dma_wait3A_56 : memref<1x80xi32, #tpu.memory_space<vmem>> -> memref<80xi32, #tpu.memory_space<vmem>>
    %dma_wait3A_58 = arith.constant 0 : i32
    %dma_wait3A_59 = arith.constant 0 : i32
    %dma_wait3A_60 = tpu.memref_slice %arg2[%dma_wait3A_58, %dma_wait3A_59] : memref<100000x128xf32, #tpu.memory_space<hbm>> -> memref<100000x128xf32, #tpu.memory_space<hbm>>
    tpu.wait_indirect_dma semaphore(%arg8 : memref<!tpu.dma_semaphore, #tpu.memory_space<semaphore_mem>>) src(%dma_wait3A_60 : memref<100000x128xf32, #tpu.memory_space<hbm>>) dst(%dma_wait3A_54 : memref<80x128xf32, #tpu.memory_space<vmem>>)
    %parallel_loop3A = arith.constant 0 : i32
    %parallel_loop3A_61 = arith.constant 80 : i32
    %parallel_loop3A_62 = arith.constant 1 : i32
    scf.for %parallel_loop3A_201 = %parallel_loop3A to %parallel_loop3A_61 step %parallel_loop3A_62  : i32 {
      %parallel_loop3A_202 = arith.constant 0 : i32
      %parallel_loop3A_203 = arith.addi %parallel_loop3A_202, %parallel_loop3A_201 : i32
      %parallel_loop3A_204 = arith.index_cast %parallel_loop3A_203 : i32 to index
      %parallel_loop3A_205 = arith.constant 0 : index
      %parallel_loop3A_206 = tpu.vector_load %arg6[%parallel_loop3A_204, %parallel_loop3A_205] {strides = array<i32>} : memref<320x128xf32, #tpu.memory_space<vmem>>, vector<16xf32>,
      %parallel_loop3A_207 = vector.bitcast %parallel_loop3A_206 : vector<16xf32> to vector<16xi32>
      %parallel_loop3A_208 = arith.constant 80 : i32
      %parallel_loop3A_209 = arith.addi %parallel_loop3A_208, %parallel_loop3A_201 : i32
      %parallel_loop3A_210 = arith.index_cast %parallel_loop3A_209 : i32 to index
      %parallel_loop3A_211 = arith.constant 0 : index
      %parallel_loop3A_212 = tpu.vector_load %arg6[%parallel_loop3A_210, %parallel_loop3A_211] {strides = array<i32>} : memref<320x128xf32, #tpu.memory_space<vmem>>, vector<16xf32>,
      %parallel_loop3A_213 = vector.bitcast %parallel_loop3A_212 : vector<16xf32> to vector<16xi32>
      %parallel_loop3A_214 = arith.constant 16 : i32
      %parallel_loop3A_215 = vector.broadcast %parallel_loop3A_214 : i32 to vector<16xi32>
      %parallel_loop3A_216 = arith.shrui %parallel_loop3A_207, %parallel_loop3A_215 : vector<16xi32>
      %parallel_loop3A_217 = arith.constant -65536 : i32
      %parallel_loop3A_218 = vector.broadcast %parallel_loop3A_217 : i32 to vector<16xi32>
      %parallel_loop3A_219 = arith.andi %parallel_loop3A_213, %parallel_loop3A_218 : vector<16xi32>
      %parallel_loop3A_220 = arith.ori %parallel_loop3A_216, %parallel_loop3A_219 : vector<16xi32>
      %parallel_loop3A_221 = arith.constant 0 : i32
      %parallel_loop3A_222 = arith.addi %parallel_loop3A_221, %parallel_loop3A_201 : i32
      %parallel_loop3A_223 = arith.index_cast %parallel_loop3A_222 : i32 to index
      %parallel_loop3A_224 = arith.constant 0 : index
      %parallel_loop3A_225 = tpu.vector_load %arg7[%parallel_loop3A_223, %parallel_loop3A_224] {strides = array<i32>} : memref<160x128xi32, #tpu.memory_space<vmem>>, vector<16xi32>,
      tpu.vector_store %arg7[%parallel_loop3A_223, %parallel_loop3A_224], %parallel_loop3A_220 {strides = array<i32>} : memref<160x128xi32, #tpu.memory_space<vmem>>, vector<16xi32>,
      %parallel_loop3A_226 = arith.constant 0 : i32
      %parallel_loop3A_227 = arith.addi %parallel_loop3A_226, %parallel_loop3A_201 : i32
      %parallel_loop3A_228 = arith.index_cast %parallel_loop3A_227 : i32 to index
      %parallel_loop3A_229 = arith.constant 16 : index
      %parallel_loop3A_230 = tpu.vector_load %arg6[%parallel_loop3A_228, %parallel_loop3A_229] {strides = array<i32>} : memref<320x128xf32, #tpu.memory_space<vmem>>, vector<16xf32>,
      %parallel_loop3A_231 = vector.bitcast %parallel_loop3A_230 : vector<16xf32> to vector<16xi32>
      %parallel_loop3A_232 = arith.constant 80 : i32
      %parallel_loop3A_233 = arith.addi %parallel_loop3A_232, %parallel_loop3A_201 : i32
      %parallel_loop3A_234 = arith.index_cast %parallel_loop3A_233 : i32 to index
      %parallel_loop3A_235 = arith.constant 16 : index
      %parallel_loop3A_236 = tpu.vector_load %arg6[%parallel_loop3A_234, %parallel_loop3A_235] {strides = array<i32>} : memref<320x128xf32, #tpu.memory_space<vmem>>, vector<16xf32>,
      %parallel_loop3A_237 = vector.bitcast %parallel_loop3A_236 : vector<16xf32> to vector<16xi32>
      %parallel_loop3A_238 = arith.constant 16 : i32
      %parallel_loop3A_239 = vector.broadcast %parallel_loop3A_238 : i32 to vector<16xi32>
      %parallel_loop3A_240 = arith.shrui %parallel_loop3A_231, %parallel_loop3A_239 : vector<16xi32>
      %parallel_loop3A_241 = arith.constant -65536 : i32
      %parallel_loop3A_242 = vector.broadcast %parallel_loop3A_241 : i32 to vector<16xi32>
      %parallel_loop3A_243 = arith.andi %parallel_loop3A_237, %parallel_loop3A_242 : vector<16xi32>
      %parallel_loop3A_244 = arith.ori %parallel_loop3A_240, %parallel_loop3A_243 : vector<16xi32>
      %parallel_loop3A_245 = arith.constant 0 : i32
      %parallel_loop3A_246 = arith.addi %parallel_loop3A_245, %parallel_loop3A_201 : i32
      %parallel_loop3A_247 = arith.index_cast %parallel_loop3A_246 : i32 to index
      %parallel_loop3A_248 = arith.constant 16 : index
      %parallel_loop3A_249 = tpu.vector_load %arg7[%parallel_loop3A_247, %parallel_loop3A_248] {strides = array<i32>} : memref<160x128xi32, #tpu.memory_space<vmem>>, vector<16xi32>,
      tpu.vector_store %arg7[%parallel_loop3A_247, %parallel_loop3A_248], %parallel_loop3A_244 {strides = array<i32>} : memref<160x128xi32, #tpu.memory_space<vmem>>, vector<16xi32>,
      %parallel_loop3A_250 = arith.constant 0 : i32
      %parallel_loop3A_251 = arith.addi %parallel_loop3A_250, %parallel_loop3A_201 : i32
      %parallel_loop3A_252 = arith.index_cast %parallel_loop3A_251 : i32 to index
      %parallel_loop3A_253 = arith.constant 32 : index
      %parallel_loop3A_254 = tpu.vector_load %arg6[%parallel_loop3A_252, %parallel_loop3A_253] {strides = array<i32>} : memref<320x128xf32, #tpu.memory_space<vmem>>, vector<16xf32>,
      %parallel_loop3A_255 = vector.bitcast %parallel_loop3A_254 : vector<16xf32> to vector<16xi32>
      %parallel_loop3A_256 = arith.constant 80 : i32
      %parallel_loop3A_257 = arith.addi %parallel_loop3A_256, %parallel_loop3A_201 : i32
      %parallel_loop3A_258 = arith.index_cast %parallel_loop3A_257 : i32 to index
      %parallel_loop3A_259 = arith.constant 32 : index
      %parallel_loop3A_260 = tpu.vector_load %arg6[%parallel_loop3A_258, %parallel_loop3A_259] {strides = array<i32>} : memref<320x128xf32, #tpu.memory_space<vmem>>, vector<16xf32>,
      %parallel_loop3A_261 = vector.bitcast %parallel_loop3A_260 : vector<16xf32> to vector<16xi32>
      %parallel_loop3A_262 = arith.constant 16 : i32
      %parallel_loop3A_263 = vector.broadcast %parallel_loop3A_262 : i32 to vector<16xi32>
      %parallel_loop3A_264 = arith.shrui %parallel_loop3A_255, %parallel_loop3A_263 : vector<16xi32>
      %parallel_loop3A_265 = arith.constant -65536 : i32
      %parallel_loop3A_266 = vector.broadcast %parallel_loop3A_265 : i32 to vector<16xi32>
      %parallel_loop3A_267 = arith.andi %parallel_loop3A_261, %parallel_loop3A_266 : vector<16xi32>
      %parallel_loop3A_268 = arith.ori %parallel_loop3A_264, %parallel_loop3A_267 : vector<16xi32>
      %parallel_loop3A_269 = arith.constant 0 : i32
      %parallel_loop3A_270 = arith.addi %parallel_loop3A_269, %parallel_loop3A_201 : i32
      %parallel_loop3A_271 = arith.index_cast %parallel_loop3A_270 : i32 to index
      %parallel_loop3A_272 = arith.constant 32 : index
      %parallel_loop3A_273 = tpu.vector_load %arg7[%parallel_loop3A_271, %parallel_loop3A_272] {strides = array<i32>} : memref<160x128xi32, #tpu.memory_space<vmem>>, vector<16xi32>,
      tpu.vector_store %arg7[%parallel_loop3A_271, %parallel_loop3A_272], %parallel_loop3A_268 {strides = array<i32>} : memref<160x128xi32, #tpu.memory_space<vmem>>, vector<16xi32>,
      %parallel_loop3A_274 = arith.constant 0 : i32
      %parallel_loop3A_275 = arith.addi %parallel_loop3A_274, %parallel_loop3A_201 : i32
      %parallel_loop3A_276 = arith.index_cast %parallel_loop3A_275 : i32 to index
      %parallel_loop3A_277 = arith.constant 48 : index
      %parallel_loop3A_278 = tpu.vector_load %arg6[%parallel_loop3A_276, %parallel_loop3A_277] {strides = array<i32>} : memref<320x128xf32, #tpu.memory_space<vmem>>, vector<16xf32>,
      %parallel_loop3A_279 = vector.bitcast %parallel_loop3A_278 : vector<16xf32> to vector<16xi32>
      %parallel_loop3A_280 = arith.constant 80 : i32
      %parallel_loop3A_281 = arith.addi %parallel_loop3A_280, %parallel_loop3A_201 : i32
      %parallel_loop3A_282 = arith.index_cast %parallel_loop3A_281 : i32 to index
      %parallel_loop3A_283 = arith.constant 48 : index
      %parallel_loop3A_284 = tpu.vector_load %arg6[%parallel_loop3A_282, %parallel_loop3A_283] {strides = array<i32>} : memref<320x128xf32, #tpu.memory_space<vmem>>, vector<16xf32>,
      %parallel_loop3A_285 = vector.bitcast %parallel_loop3A_284 : vector<16xf32> to vector<16xi32>
      %parallel_loop3A_286 = arith.constant 16 : i32
      %parallel_loop3A_287 = vector.broadcast %parallel_loop3A_286 : i32 to vector<16xi32>
      %parallel_loop3A_288 = arith.shrui %parallel_loop3A_279, %parallel_loop3A_287 : vector<16xi32>
      %parallel_loop3A_289 = arith.constant -65536 : i32
      %parallel_loop3A_290 = vector.broadcast %parallel_loop3A_289 : i32 to vector<16xi32>
      %parallel_loop3A_291 = arith.andi %parallel_loop3A_285, %parallel_loop3A_290 : vector<16xi32>
      %parallel_loop3A_292 = arith.ori %parallel_loop3A_288, %parallel_loop3A_291 : vector<16xi32>
      %parallel_loop3A_293 = arith.constant 0 : i32
      %parallel_loop3A_294 = arith.addi %parallel_loop3A_293, %parallel_loop3A_201 : i32
      %parallel_loop3A_295 = arith.index_cast %parallel_loop3A_294 : i32 to index
      %parallel_loop3A_296 = arith.constant 48 : index
      %parallel_loop3A_297 = tpu.vector_load %arg7[%parallel_loop3A_295, %parallel_loop3A_296] {strides = array<i32>} : memref<160x128xi32, #tpu.memory_space<vmem>>, vector<16xi32>,
      tpu.vector_store %arg7[%parallel_loop3A_295, %parallel_loop3A_296], %parallel_loop3A_292 {strides = array<i32>} : memref<160x128xi32, #tpu.memory_space<vmem>>, vector<16xi32>,
      %parallel_loop3A_298 = arith.constant 0 : i32
      %parallel_loop3A_299 = arith.addi %parallel_loop3A_298, %parallel_loop3A_201 : i32
      %parallel_loop3A_300 = arith.index_cast %parallel_loop3A_299 : i32 to index
      %parallel_loop3A_301 = arith.constant 64 : index
      %parallel_loop3A_302 = tpu.vector_load %arg6[%parallel_loop3A_300, %parallel_loop3A_301] {strides = array<i32>} : memref<320x128xf32, #tpu.memory_space<vmem>>, vector<16xf32>,
      %parallel_loop3A_303 = vector.bitcast %parallel_loop3A_302 : vector<16xf32> to vector<16xi32>
      %parallel_loop3A_304 = arith.constant 80 : i32
      %parallel_loop3A_305 = arith.addi %parallel_loop3A_304, %parallel_loop3A_201 : i32
      %parallel_loop3A_306 = arith.index_cast %parallel_loop3A_305 : i32 to index
      %parallel_loop3A_307 = arith.constant 64 : index
      %parallel_loop3A_308 = tpu.vector_load %arg6[%parallel_loop3A_306, %parallel_loop3A_307] {strides = array<i32>} : memref<320x128xf32, #tpu.memory_space<vmem>>, vector<16xf32>,
      %parallel_loop3A_309 = vector.bitcast %parallel_loop3A_308 : vector<16xf32> to vector<16xi32>
      %parallel_loop3A_310 = arith.constant 16 : i32
      %parallel_loop3A_311 = vector.broadcast %parallel_loop3A_310 : i32 to vector<16xi32>
      %parallel_loop3A_312 = arith.shrui %parallel_loop3A_303, %parallel_loop3A_311 : vector<16xi32>
      %parallel_loop3A_313 = arith.constant -65536 : i32
      %parallel_loop3A_314 = vector.broadcast %parallel_loop3A_313 : i32 to vector<16xi32>
      %parallel_loop3A_315 = arith.andi %parallel_loop3A_309, %parallel_loop3A_314 : vector<16xi32>
      %parallel_loop3A_316 = arith.ori %parallel_loop3A_312, %parallel_loop3A_315 : vector<16xi32>
      %parallel_loop3A_317 = arith.constant 0 : i32
      %parallel_loop3A_318 = arith.addi %parallel_loop3A_317, %parallel_loop3A_201 : i32
      %parallel_loop3A_319 = arith.index_cast %parallel_loop3A_318 : i32 to index
      %parallel_loop3A_320 = arith.constant 64 : index
      %parallel_loop3A_321 = tpu.vector_load %arg7[%parallel_loop3A_319, %parallel_loop3A_320] {strides = array<i32>} : memref<160x128xi32, #tpu.memory_space<vmem>>, vector<16xi32>,
      tpu.vector_store %arg7[%parallel_loop3A_319, %parallel_loop3A_320], %parallel_loop3A_316 {strides = array<i32>} : memref<160x128xi32, #tpu.memory_space<vmem>>, vector<16xi32>,
      %parallel_loop3A_322 = arith.constant 0 : i32
      %parallel_loop3A_323 = arith.addi %parallel_loop3A_322, %parallel_loop3A_201 : i32
      %parallel_loop3A_324 = arith.index_cast %parallel_loop3A_323 : i32 to index
      %parallel_loop3A_325 = arith.constant 80 : index
      %parallel_loop3A_326 = tpu.vector_load %arg6[%parallel_loop3A_324, %parallel_loop3A_325] {strides = array<i32>} : memref<320x128xf32, #tpu.memory_space<vmem>>, vector<16xf32>,
      %parallel_loop3A_327 = vector.bitcast %parallel_loop3A_326 : vector<16xf32> to vector<16xi32>
      %parallel_loop3A_328 = arith.constant 80 : i32
      %parallel_loop3A_329 = arith.addi %parallel_loop3A_328, %parallel_loop3A_201 : i32
      %parallel_loop3A_330 = arith.index_cast %parallel_loop3A_329 : i32 to index
      %parallel_loop3A_331 = arith.constant 80 : index
      %parallel_loop3A_332 = tpu.vector_load %arg6[%parallel_loop3A_330, %parallel_loop3A_331] {strides = array<i32>} : memref<320x128xf32, #tpu.memory_space<vmem>>, vector<16xf32>,
      %parallel_loop3A_333 = vector.bitcast %parallel_loop3A_332 : vector<16xf32> to vector<16xi32>
      %parallel_loop3A_334 = arith.constant 16 : i32
      %parallel_loop3A_335 = vector.broadcast %parallel_loop3A_334 : i32 to vector<16xi32>
      %parallel_loop3A_336 = arith.shrui %parallel_loop3A_327, %parallel_loop3A_335 : vector<16xi32>
      %parallel_loop3A_337 = arith.constant -65536 : i32
      %parallel_loop3A_338 = vector.broadcast %parallel_loop3A_337 : i32 to vector<16xi32>
      %parallel_loop3A_339 = arith.andi %parallel_loop3A_333, %parallel_loop3A_338 : vector<16xi32>
      %parallel_loop3A_340 = arith.ori %parallel_loop3A_336, %parallel_loop3A_339 : vector<16xi32>
      %parallel_loop3A_341 = arith.constant 0 : i32
      %parallel_loop3A_342 = arith.addi %parallel_loop3A_341, %parallel_loop3A_201 : i32
      %parallel_loop3A_343 = arith.index_cast %parallel_loop3A_342 : i32 to index
      %parallel_loop3A_344 = arith.constant 80 : index
      %parallel_loop3A_345 = tpu.vector_load %arg7[%parallel_loop3A_343, %parallel_loop3A_344] {strides = array<i32>} : memref<160x128xi32, #tpu.memory_space<vmem>>, vector<16xi32>,
      tpu.vector_store %arg7[%parallel_loop3A_343, %parallel_loop3A_344], %parallel_loop3A_340 {strides = array<i32>} : memref<160x128xi32, #tpu.memory_space<vmem>>, vector<16xi32>,
      %parallel_loop3A_346 = arith.constant 0 : i32
      %parallel_loop3A_347 = arith.addi %parallel_loop3A_346, %parallel_loop3A_201 : i32
      %parallel_loop3A_348 = arith.index_cast %parallel_loop3A_347 : i32 to index
      %parallel_loop3A_349 = arith.constant 96 : index
      %parallel_loop3A_350 = tpu.vector_load %arg6[%parallel_loop3A_348, %parallel_loop3A_349] {strides = array<i32>} : memref<320x128xf32, #tpu.memory_space<vmem>>, vector<16xf32>,
      %parallel_loop3A_351 = vector.bitcast %parallel_loop3A_350 : vector<16xf32> to vector<16xi32>
      %parallel_loop3A_352 = arith.constant 80 : i32
      %parallel_loop3A_353 = arith.addi %parallel_loop3A_352, %parallel_loop3A_201 : i32
      %parallel_loop3A_354 = arith.index_cast %parallel_loop3A_353 : i32 to index
      %parallel_loop3A_355 = arith.constant 96 : index
      %parallel_loop3A_356 = tpu.vector_load %arg6[%parallel_loop3A_354, %parallel_loop3A_355] {strides = array<i32>} : memref<320x128xf32, #tpu.memory_space<vmem>>, vector<16xf32>,
      %parallel_loop3A_357 = vector.bitcast %parallel_loop3A_356 : vector<16xf32> to vector<16xi32>
      %parallel_loop3A_358 = arith.constant 16 : i32
      %parallel_loop3A_359 = vector.broadcast %parallel_loop3A_358 : i32 to vector<16xi32>
      %parallel_loop3A_360 = arith.shrui %parallel_loop3A_351, %parallel_loop3A_359 : vector<16xi32>
      %parallel_loop3A_361 = arith.constant -65536 : i32
      %parallel_loop3A_362 = vector.broadcast %parallel_loop3A_361 : i32 to vector<16xi32>
      %parallel_loop3A_363 = arith.andi %parallel_loop3A_357, %parallel_loop3A_362 : vector<16xi32>
      %parallel_loop3A_364 = arith.ori %parallel_loop3A_360, %parallel_loop3A_363 : vector<16xi32>
      %parallel_loop3A_365 = arith.constant 0 : i32
      %parallel_loop3A_366 = arith.addi %parallel_loop3A_365, %parallel_loop3A_201 : i32
      %parallel_loop3A_367 = arith.index_cast %parallel_loop3A_366 : i32 to index
      %parallel_loop3A_368 = arith.constant 96 : index
      %parallel_loop3A_369 = tpu.vector_load %arg7[%parallel_loop3A_367, %parallel_loop3A_368] {strides = array<i32>} : memref<160x128xi32, #tpu.memory_space<vmem>>, vector<16xi32>,
      tpu.vector_store %arg7[%parallel_loop3A_367, %parallel_loop3A_368], %parallel_loop3A_364 {strides = array<i32>} : memref<160x128xi32, #tpu.memory_space<vmem>>, vector<16xi32>,
      %parallel_loop3A_370 = arith.constant 0 : i32
      %parallel_loop3A_371 = arith.addi %parallel_loop3A_370, %parallel_loop3A_201 : i32
      %parallel_loop3A_372 = arith.index_cast %parallel_loop3A_371 : i32 to index
      %parallel_loop3A_373 = arith.constant 112 : index
      %parallel_loop3A_374 = tpu.vector_load %arg6[%parallel_loop3A_372, %parallel_loop3A_373] {strides = array<i32>} : memref<320x128xf32, #tpu.memory_space<vmem>>, vector<16xf32>,
      %parallel_loop3A_375 = vector.bitcast %parallel_loop3A_374 : vector<16xf32> to vector<16xi32>
      %parallel_loop3A_376 = arith.constant 80 : i32
      %parallel_loop3A_377 = arith.addi %parallel_loop3A_376, %parallel_loop3A_201 : i32
      %parallel_loop3A_378 = arith.index_cast %parallel_loop3A_377 : i32 to index
      %parallel_loop3A_379 = arith.constant 112 : index
      %parallel_loop3A_380 = tpu.vector_load %arg6[%parallel_loop3A_378, %parallel_loop3A_379] {strides = array<i32>} : memref<320x128xf32, #tpu.memory_space<vmem>>, vector<16xf32>,
      %parallel_loop3A_381 = vector.bitcast %parallel_loop3A_380 : vector<16xf32> to vector<16xi32>
      %parallel_loop3A_382 = arith.constant 16 : i32
      %parallel_loop3A_383 = vector.broadcast %parallel_loop3A_382 : i32 to vector<16xi32>
      %parallel_loop3A_384 = arith.shrui %parallel_loop3A_375, %parallel_loop3A_383 : vector<16xi32>
      %parallel_loop3A_385 = arith.constant -65536 : i32
      %parallel_loop3A_386 = vector.broadcast %parallel_loop3A_385 : i32 to vector<16xi32>
      %parallel_loop3A_387 = arith.andi %parallel_loop3A_381, %parallel_loop3A_386 : vector<16xi32>
      %parallel_loop3A_388 = arith.ori %parallel_loop3A_384, %parallel_loop3A_387 : vector<16xi32>
      %parallel_loop3A_389 = arith.constant 0 : i32
      %parallel_loop3A_390 = arith.addi %parallel_loop3A_389, %parallel_loop3A_201 : i32
      %parallel_loop3A_391 = arith.index_cast %parallel_loop3A_390 : i32 to index
      %parallel_loop3A_392 = arith.constant 112 : index
      %parallel_loop3A_393 = tpu.vector_load %arg7[%parallel_loop3A_391, %parallel_loop3A_392] {strides = array<i32>} : memref<160x128xi32, #tpu.memory_space<vmem>>, vector<16xi32>,
      tpu.vector_store %arg7[%parallel_loop3A_391, %parallel_loop3A_392], %parallel_loop3A_388 {strides = array<i32>} : memref<160x128xi32, #tpu.memory_space<vmem>>, vector<16xi32>,
    } {sc.loop_unroll_factor = 4 : i64, sc.parallel_access}
    %add3A_63 = arith.constant 0 : i32
    %add3A_64 = arith.addi %mul3A_2, %add3A_63 : i32
    %dma_start3A_65 = arith.constant 0 : i32
    %dma_start3A_66 = arith.constant 0 : i32
    %dma_start3A_67 = tpu.memref_slice %arg7[%dma_start3A_65, %dma_start3A_66] : memref<160x128xi32, #tpu.memory_space<vmem>> -> memref<80x128xi32, #tpu.memory_space<vmem>>
    %dma_start3A_68 = arith.constant 0 : i32
    %dma_start3A_69 = tpu.memref_slice %arg4[%add3A_64, %dma_start3A_68] : memref<51200x128xi32, #tpu.memory_space<hbm>> -> memref<80x128xi32, #tpu.memory_space<hbm>>
    %dma_start3A_70 = arith.constant 0 : i32
    %dma_start3A_71 = tpu.memref_slice %arg4[%add3A_64, %dma_start3A_70] : memref<51200x128xi32, #tpu.memory_space<hbm>> -> memref<80x128xi32, #tpu.memory_space<hbm>>
    %dma_start3A_72 = arith.constant 0 : i32
    %dma_start3A_73 = arith.constant 0 : i32
    %dma_start3A_74 = tpu.memref_slice %arg7[%dma_start3A_72, %dma_start3A_73] : memref<160x128xi32, #tpu.memory_space<vmem>> -> memref<80x128xi32, #tpu.memory_space<vmem>>
    tpu.enqueue_dma source(%dma_start3A_74 : memref<80x128xi32, #tpu.memory_space<vmem>>) target(%dma_start3A_71 : memref<80x128xi32, #tpu.memory_space<hbm>>) target_semaphore(%arg9 : memref<!tpu.dma_semaphore, #tpu.memory_space<semaphore_mem>>)
    %dma_start3A_75 = arith.constant 4 : i32
    %dma_start3A_76 = arith.constant 0 : i32
    %dma_start3A_77 = arith.constant 0 : i32
    %dma_start3A_78 = tpu.memref_slice %arg6[%dma_start3A_76, %dma_start3A_77] : memref<320x128xf32, #tpu.memory_space<vmem>> -> memref<80x128xf32, #tpu.memory_space<vmem>>
    %dma_start3A_79 = arith.constant 0 : i32
    %dma_start3A_80 = tpu.memref_slice %arg5[%dma_start3A_75, %dma_start3A_79] : memref<40x80xi32, #tpu.memory_space<vmem>> -> memref<1x80xi32, #tpu.memory_space<vmem>>
    %dma_start3A_81 = tpu.memref_squeeze %dma_start3A_80 : memref<1x80xi32, #tpu.memory_space<vmem>> -> memref<80xi32, #tpu.memory_space<vmem>>
    %dma_start3A_82 = arith.constant 0 : i32
    %dma_start3A_83 = arith.constant 0 : i32
    %dma_start3A_84 = tpu.memref_slice %arg2[%dma_start3A_82, %dma_start3A_83] : memref<100000x128xf32, #tpu.memory_space<hbm>> -> memref<100000x128xf32, #tpu.memory_space<hbm>>
    tpu.enqueue_indirect_dma source(%dma_start3A_84 : memref<100000x128xf32, #tpu.memory_space<hbm>>) target(%dma_start3A_78 : memref<80x128xf32, #tpu.memory_space<vmem>>) offsets(%dma_start3A_81 : memref<80xi32, #tpu.memory_space<vmem>>) semaphore(%arg8 : memref<!tpu.dma_semaphore, #tpu.memory_space<semaphore_mem>>)
    %dma_start3A_85 = arith.constant 5 : i32
    %dma_start3A_86 = arith.constant 80 : i32
    %dma_start3A_87 = arith.constant 0 : i32
    %dma_start3A_88 = tpu.memref_slice %arg6[%dma_start3A_86, %dma_start3A_87] : memref<320x128xf32, #tpu.memory_space<vmem>> -> memref<80x128xf32, #tpu.memory_space<vmem>>
    %dma_start3A_89 = arith.constant 0 : i32
    %dma_start3A_90 = tpu.memref_slice %arg5[%dma_start3A_85, %dma_start3A_89] : memref<40x80xi32, #tpu.memory_space<vmem>> -> memref<1x80xi32, #tpu.memory_space<vmem>>
    %dma_start3A_91 = tpu.memref_squeeze %dma_start3A_90 : memref<1x80xi32, #tpu.memory_space<vmem>> -> memref<80xi32, #tpu.memory_space<vmem>>
    %dma_start3A_92 = arith.constant 0 : i32
    %dma_start3A_93 = arith.constant 0 : i32
    %dma_start3A_94 = tpu.memref_slice %arg2[%dma_start3A_92, %dma_start3A_93] : memref<100000x128xf32, #tpu.memory_space<hbm>> -> memref<100000x128xf32, #tpu.memory_space<hbm>>
    tpu.enqueue_indirect_dma source(%dma_start3A_94 : memref<100000x128xf32, #tpu.memory_space<hbm>>) target(%dma_start3A_88 : memref<80x128xf32, #tpu.memory_space<vmem>>) offsets(%dma_start3A_91 : memref<80xi32, #tpu.memory_space<vmem>>) semaphore(%arg8 : memref<!tpu.dma_semaphore, #tpu.memory_space<semaphore_mem>>)
    %dma_wait3A_95 = arith.constant 0 : i32
    %dma_wait3A_96 = arith.constant 0 : i32
    %dma_wait3A_97 = arith.constant 0 : i32
    %dma_wait3A_98 = tpu.memref_slice %arg6[%dma_wait3A_96, %dma_wait3A_97] : memref<320x128xf32, #tpu.memory_space<vmem>> -> memref<80x128xf32, #tpu.memory_space<vmem>>
    %dma_wait3A_99 = arith.constant 0 : i32
    %dma_wait3A_100 = tpu.memref_slice %arg5[%dma_wait3A_95, %dma_wait3A_99] : memref<40x80xi32, #tpu.memory_space<vmem>> -> memref<1x80xi32, #tpu.memory_space<vmem>>
    %dma_wait3A_101 = tpu.memref_squeeze %dma_wait3A_100 : memref<1x80xi32, #tpu.memory_space<vmem>> -> memref<80xi32, #tpu.memory_space<vmem>>
    %dma_wait3A_102 = arith.constant 0 : i32
    %dma_wait3A_103 = arith.constant 0 : i32
    %dma_wait3A_104 = tpu.memref_slice %arg2[%dma_wait3A_102, %dma_wait3A_103] : memref<100000x128xf32, #tpu.memory_space<hbm>> -> memref<100000x128xf32, #tpu.memory_space<hbm>>
    tpu.wait_indirect_dma semaphore(%arg8 : memref<!tpu.dma_semaphore, #tpu.memory_space<semaphore_mem>>) src(%dma_wait3A_104 : memref<100000x128xf32, #tpu.memory_space<hbm>>) dst(%dma_wait3A_98 : memref<80x128xf32, #tpu.memory_space<vmem>>)
    %dma_wait3A_105 = arith.constant 0 : i32
    %dma_wait3A_106 = arith.constant 0 : i32
    %dma_wait3A_107 = arith.constant 0 : i32
    %dma_wait3A_108 = tpu.memref_slice %arg6[%dma_wait3A_106, %dma_wait3A_107] : memref<320x128xf32, #tpu.memory_space<vmem>> -> memref<80x128xf32, #tpu.memory_space<vmem>>
    %dma_wait3A_109 = arith.constant 0 : i32
    %dma_wait3A_110 = tpu.memref_slice %arg5[%dma_wait3A_105, %dma_wait3A_109] : memref<40x80xi32, #tpu.memory_space<vmem>> -> memref<1x80xi32, #tpu.memory_space<vmem>>
    %dma_wait3A_111 = tpu.memref_squeeze %dma_wait3A_110 : memref<1x80xi32, #tpu.memory_space<vmem>> -> memref<80xi32, #tpu.memory_space<vmem>>
    %dma_wait3A_112 = arith.constant 0 : i32
    %dma_wait3A_113 = arith.constant 0 : i32
    %dma_wait3A_114 = tpu.memref_slice %arg2[%dma_wait3A_112, %dma_wait3A_113] : memref<100000x128xf32, #tpu.memory_space<hbm>> -> memref<100000x128xf32, #tpu.memory_space<hbm>>
    tpu.wait_indirect_dma semaphore(%arg8 : memref<!tpu.dma_semaphore, #tpu.memory_space<semaphore_mem>>) src(%dma_wait3A_114 : memref<100000x128xf32, #tpu.memory_space<hbm>>) dst(%dma_wait3A_108 : memref<80x128xf32, #tpu.memory_space<vmem>>)
    %parallel_loop3A_115 = arith.constant 0 : i32
    %parallel_loop3A_116 = arith.constant 80 : i32
    %parallel_loop3A_117 = arith.constant 1 : i32
    scf.for %parallel_loop3A_201 = %parallel_loop3A_115 to %parallel_loop3A_116 step %parallel_loop3A_117  : i32 {
      %parallel_loop3A_202 = arith.constant 160 : i32
      %parallel_loop3A_203 = arith.addi %parallel_loop3A_202, %parallel_loop3A_201 : i32
      %parallel_loop3A_204 = arith.index_cast %parallel_loop3A_203 : i32 to index
      %parallel_loop3A_205 = arith.constant 0 : index
      %parallel_loop3A_206 = tpu.vector_load %arg6[%parallel_loop3A_204, %parallel_loop3A_205] {strides = array<i32>} : memref<320x128xf32, #tpu.memory_space<vmem>>, vector<16xf32>,
      %parallel_loop3A_207 = vector.bitcast %parallel_loop3A_206 : vector<16xf32> to vector<16xi32>
      %parallel_loop3A_208 = arith.constant 240 : i32
      %parallel_loop3A_209 = arith.addi %parallel_loop3A_208, %parallel_loop3A_201 : i32
      %parallel_loop3A_210 = arith.index_cast %parallel_loop3A_209 : i32 to index
      %parallel_loop3A_211 = arith.constant 0 : index
      %parallel_loop3A_212 = tpu.vector_load %arg6[%parallel_loop3A_210, %parallel_loop3A_211] {strides = array<i32>} : memref<320x128xf32, #tpu.memory_space<vmem>>, vector<16xf32>,
      %parallel_loop3A_213 = vector.bitcast %parallel_loop3A_212 : vector<16xf32> to vector<16xi32>
      %parallel_loop3A_214 = arith.constant 16 : i32
      %parallel_loop3A_215 = vector.broadcast %parallel_loop3A_214 : i32 to vector<16xi32>
      %parallel_loop3A_216 = arith.shrui %parallel_loop3A_207, %parallel_loop3A_215 : vector<16xi32>
      %parallel_loop3A_217 = arith.constant -65536 : i32
      %parallel_loop3A_218 = vector.broadcast %parallel_loop3A_217 : i32 to vector<16xi32>
      %parallel_loop3A_219 = arith.andi %parallel_loop3A_213, %parallel_loop3A_218 : vector<16xi32>
      %parallel_loop3A_220 = arith.ori %parallel_loop3A_216, %parallel_loop3A_219 : vector<16xi32>
      %parallel_loop3A_221 = arith.constant 80 : i32
      %parallel_loop3A_222 = arith.addi %parallel_loop3A_221, %parallel_loop3A_201 : i32
      %parallel_loop3A_223 = arith.index_cast %parallel_loop3A_222 : i32 to index
      %parallel_loop3A_224 = arith.constant 0 : index
      %parallel_loop3A_225 = tpu.vector_load %arg7[%parallel_loop3A_223, %parallel_loop3A_224] {strides = array<i32>} : memref<160x128xi32, #tpu.memory_space<vmem>>, vector<16xi32>,
      tpu.vector_store %arg7[%parallel_loop3A_223, %parallel_loop3A_224], %parallel_loop3A_220 {strides = array<i32>} : memref<160x128xi32, #tpu.memory_space<vmem>>, vector<16xi32>,
      %parallel_loop3A_226 = arith.constant 160 : i32
      %parallel_loop3A_227 = arith.addi %parallel_loop3A_226, %parallel_loop3A_201 : i32
      %parallel_loop3A_228 = arith.index_cast %parallel_loop3A_227 : i32 to index
      %parallel_loop3A_229 = arith.constant 16 : index
      %parallel_loop3A_230 = tpu.vector_load %arg6[%parallel_loop3A_228, %parallel_loop3A_229] {strides = array<i32>} : memref<320x128xf32, #tpu.memory_space<vmem>>, vector<16xf32>,
      %parallel_loop3A_231 = vector.bitcast %parallel_loop3A_230 : vector<16xf32> to vector<16xi32>
      %parallel_loop3A_232 = arith.constant 240 : i32
      %parallel_loop3A_233 = arith.addi %parallel_loop3A_232, %parallel_loop3A_201 : i32
      %parallel_loop3A_234 = arith.index_cast %parallel_loop3A_233 : i32 to index
      %parallel_loop3A_235 = arith.constant 16 : index
      %parallel_loop3A_236 = tpu.vector_load %arg6[%parallel_loop3A_234, %parallel_loop3A_235] {strides = array<i32>} : memref<320x128xf32, #tpu.memory_space<vmem>>, vector<16xf32>,
      %parallel_loop3A_237 = vector.bitcast %parallel_loop3A_236 : vector<16xf32> to vector<16xi32>
      %parallel_loop3A_238 = arith.constant 16 : i32
      %parallel_loop3A_239 = vector.broadcast %parallel_loop3A_238 : i32 to vector<16xi32>
      %parallel_loop3A_240 = arith.shrui %parallel_loop3A_231, %parallel_loop3A_239 : vector<16xi32>
      %parallel_loop3A_241 = arith.constant -65536 : i32
      %parallel_loop3A_242 = vector.broadcast %parallel_loop3A_241 : i32 to vector<16xi32>
      %parallel_loop3A_243 = arith.andi %parallel_loop3A_237, %parallel_loop3A_242 : vector<16xi32>
      %parallel_loop3A_244 = arith.ori %parallel_loop3A_240, %parallel_loop3A_243 : vector<16xi32>
      %parallel_loop3A_245 = arith.constant 80 : i32
      %parallel_loop3A_246 = arith.addi %parallel_loop3A_245, %parallel_loop3A_201 : i32
      %parallel_loop3A_247 = arith.index_cast %parallel_loop3A_246 : i32 to index
      %parallel_loop3A_248 = arith.constant 16 : index
      %parallel_loop3A_249 = tpu.vector_load %arg7[%parallel_loop3A_247, %parallel_loop3A_248] {strides = array<i32>} : memref<160x128xi32, #tpu.memory_space<vmem>>, vector<16xi32>,
      tpu.vector_store %arg7[%parallel_loop3A_247, %parallel_loop3A_248], %parallel_loop3A_244 {strides = array<i32>} : memref<160x128xi32, #tpu.memory_space<vmem>>, vector<16xi32>,
      %parallel_loop3A_250 = arith.constant 160 : i32
      %parallel_loop3A_251 = arith.addi %parallel_loop3A_250, %parallel_loop3A_201 : i32
      %parallel_loop3A_252 = arith.index_cast %parallel_loop3A_251 : i32 to index
      %parallel_loop3A_253 = arith.constant 32 : index
      %parallel_loop3A_254 = tpu.vector_load %arg6[%parallel_loop3A_252, %parallel_loop3A_253] {strides = array<i32>} : memref<320x128xf32, #tpu.memory_space<vmem>>, vector<16xf32>,
      %parallel_loop3A_255 = vector.bitcast %parallel_loop3A_254 : vector<16xf32> to vector<16xi32>
      %parallel_loop3A_256 = arith.constant 240 : i32
      %parallel_loop3A_257 = arith.addi %parallel_loop3A_256, %parallel_loop3A_201 : i32
      %parallel_loop3A_258 = arith.index_cast %parallel_loop3A_257 : i32 to index
      %parallel_loop3A_259 = arith.constant 32 : index
      %parallel_loop3A_260 = tpu.vector_load %arg6[%parallel_loop3A_258, %parallel_loop3A_259] {strides = array<i32>} : memref<320x128xf32, #tpu.memory_space<vmem>>, vector<16xf32>,
      %parallel_loop3A_261 = vector.bitcast %parallel_loop3A_260 : vector<16xf32> to vector<16xi32>
      %parallel_loop3A_262 = arith.constant 16 : i32
      %parallel_loop3A_263 = vector.broadcast %parallel_loop3A_262 : i32 to vector<16xi32>
      %parallel_loop3A_264 = arith.shrui %parallel_loop3A_255, %parallel_loop3A_263 : vector<16xi32>
      %parallel_loop3A_265 = arith.constant -65536 : i32
      %parallel_loop3A_266 = vector.broadcast %parallel_loop3A_265 : i32 to vector<16xi32>
      %parallel_loop3A_267 = arith.andi %parallel_loop3A_261, %parallel_loop3A_266 : vector<16xi32>
      %parallel_loop3A_268 = arith.ori %parallel_loop3A_264, %parallel_loop3A_267 : vector<16xi32>
      %parallel_loop3A_269 = arith.constant 80 : i32
      %parallel_loop3A_270 = arith.addi %parallel_loop3A_269, %parallel_loop3A_201 : i32
      %parallel_loop3A_271 = arith.index_cast %parallel_loop3A_270 : i32 to index
      %parallel_loop3A_272 = arith.constant 32 : index
      %parallel_loop3A_273 = tpu.vector_load %arg7[%parallel_loop3A_271, %parallel_loop3A_272] {strides = array<i32>} : memref<160x128xi32, #tpu.memory_space<vmem>>, vector<16xi32>,
      tpu.vector_store %arg7[%parallel_loop3A_271, %parallel_loop3A_272], %parallel_loop3A_268 {strides = array<i32>} : memref<160x128xi32, #tpu.memory_space<vmem>>, vector<16xi32>,
      %parallel_loop3A_274 = arith.constant 160 : i32
      %parallel_loop3A_275 = arith.addi %parallel_loop3A_274, %parallel_loop3A_201 : i32
      %parallel_loop3A_276 = arith.index_cast %parallel_loop3A_275 : i32 to index
      %parallel_loop3A_277 = arith.constant 48 : index
      %parallel_loop3A_278 = tpu.vector_load %arg6[%parallel_loop3A_276, %parallel_loop3A_277] {strides = array<i32>} : memref<320x128xf32, #tpu.memory_space<vmem>>, vector<16xf32>,
      %parallel_loop3A_279 = vector.bitcast %parallel_loop3A_278 : vector<16xf32> to vector<16xi32>
      %parallel_loop3A_280 = arith.constant 240 : i32
      %parallel_loop3A_281 = arith.addi %parallel_loop3A_280, %parallel_loop3A_201 : i32
      %parallel_loop3A_282 = arith.index_cast %parallel_loop3A_281 : i32 to index
      %parallel_loop3A_283 = arith.constant 48 : index
      %parallel_loop3A_284 = tpu.vector_load %arg6[%parallel_loop3A_282, %parallel_loop3A_283] {strides = array<i32>} : memref<320x128xf32, #tpu.memory_space<vmem>>, vector<16xf32>,
      %parallel_loop3A_285 = vector.bitcast %parallel_loop3A_284 : vector<16xf32> to vector<16xi32>
      %parallel_loop3A_286 = arith.constant 16 : i32
      %parallel_loop3A_287 = vector.broadcast %parallel_loop3A_286 : i32 to vector<16xi32>
      %parallel_loop3A_288 = arith.shrui %parallel_loop3A_279, %parallel_loop3A_287 : vector<16xi32>
      %parallel_loop3A_289 = arith.constant -65536 : i32
      %parallel_loop3A_290 = vector.broadcast %parallel_loop3A_289 : i32 to vector<16xi32>
      %parallel_loop3A_291 = arith.andi %parallel_loop3A_285, %parallel_loop3A_290 : vector<16xi32>
      %parallel_loop3A_292 = arith.ori %parallel_loop3A_288, %parallel_loop3A_291 : vector<16xi32>
      %parallel_loop3A_293 = arith.constant 80 : i32
      %parallel_loop3A_294 = arith.addi %parallel_loop3A_293, %parallel_loop3A_201 : i32
      %parallel_loop3A_295 = arith.index_cast %parallel_loop3A_294 : i32 to index
      %parallel_loop3A_296 = arith.constant 48 : index
      %parallel_loop3A_297 = tpu.vector_load %arg7[%parallel_loop3A_295, %parallel_loop3A_296] {strides = array<i32>} : memref<160x128xi32, #tpu.memory_space<vmem>>, vector<16xi32>,
      tpu.vector_store %arg7[%parallel_loop3A_295, %parallel_loop3A_296], %parallel_loop3A_292 {strides = array<i32>} : memref<160x128xi32, #tpu.memory_space<vmem>>, vector<16xi32>,
      %parallel_loop3A_298 = arith.constant 160 : i32
      %parallel_loop3A_299 = arith.addi %parallel_loop3A_298, %parallel_loop3A_201 : i32
      %parallel_loop3A_300 = arith.index_cast %parallel_loop3A_299 : i32 to index
      %parallel_loop3A_301 = arith.constant 64 : index
      %parallel_loop3A_302 = tpu.vector_load %arg6[%parallel_loop3A_300, %parallel_loop3A_301] {strides = array<i32>} : memref<320x128xf32, #tpu.memory_space<vmem>>, vector<16xf32>,
      %parallel_loop3A_303 = vector.bitcast %parallel_loop3A_302 : vector<16xf32> to vector<16xi32>
      %parallel_loop3A_304 = arith.constant 240 : i32
      %parallel_loop3A_305 = arith.addi %parallel_loop3A_304, %parallel_loop3A_201 : i32
      %parallel_loop3A_306 = arith.index_cast %parallel_loop3A_305 : i32 to index
      %parallel_loop3A_307 = arith.constant 64 : index
      %parallel_loop3A_308 = tpu.vector_load %arg6[%parallel_loop3A_306, %parallel_loop3A_307] {strides = array<i32>} : memref<320x128xf32, #tpu.memory_space<vmem>>, vector<16xf32>,
      %parallel_loop3A_309 = vector.bitcast %parallel_loop3A_308 : vector<16xf32> to vector<16xi32>
      %parallel_loop3A_310 = arith.constant 16 : i32
      %parallel_loop3A_311 = vector.broadcast %parallel_loop3A_310 : i32 to vector<16xi32>
      %parallel_loop3A_312 = arith.shrui %parallel_loop3A_303, %parallel_loop3A_311 : vector<16xi32>
      %parallel_loop3A_313 = arith.constant -65536 : i32
      %parallel_loop3A_314 = vector.broadcast %parallel_loop3A_313 : i32 to vector<16xi32>
      %parallel_loop3A_315 = arith.andi %parallel_loop3A_309, %parallel_loop3A_314 : vector<16xi32>
      %parallel_loop3A_316 = arith.ori %parallel_loop3A_312, %parallel_loop3A_315 : vector<16xi32>
      %parallel_loop3A_317 = arith.constant 80 : i32
      %parallel_loop3A_318 = arith.addi %parallel_loop3A_317, %parallel_loop3A_201 : i32
      %parallel_loop3A_319 = arith.index_cast %parallel_loop3A_318 : i32 to index
      %parallel_loop3A_320 = arith.constant 64 : index
      %parallel_loop3A_321 = tpu.vector_load %arg7[%parallel_loop3A_319, %parallel_loop3A_320] {strides = array<i32>} : memref<160x128xi32, #tpu.memory_space<vmem>>, vector<16xi32>,
      tpu.vector_store %arg7[%parallel_loop3A_319, %parallel_loop3A_320], %parallel_loop3A_316 {strides = array<i32>} : memref<160x128xi32, #tpu.memory_space<vmem>>, vector<16xi32>,
      %parallel_loop3A_322 = arith.constant 160 : i32
      %parallel_loop3A_323 = arith.addi %parallel_loop3A_322, %parallel_loop3A_201 : i32
      %parallel_loop3A_324 = arith.index_cast %parallel_loop3A_323 : i32 to index
      %parallel_loop3A_325 = arith.constant 80 : index
      %parallel_loop3A_326 = tpu.vector_load %arg6[%parallel_loop3A_324, %parallel_loop3A_325] {strides = array<i32>} : memref<320x128xf32, #tpu.memory_space<vmem>>, vector<16xf32>,
      %parallel_loop3A_327 = vector.bitcast %parallel_loop3A_326 : vector<16xf32> to vector<16xi32>
      %parallel_loop3A_328 = arith.constant 240 : i32
      %parallel_loop3A_329 = arith.addi %parallel_loop3A_328, %parallel_loop3A_201 : i32
      %parallel_loop3A_330 = arith.index_cast %parallel_loop3A_329 : i32 to index
      %parallel_loop3A_331 = arith.constant 80 : index
      %parallel_loop3A_332 = tpu.vector_load %arg6[%parallel_loop3A_330, %parallel_loop3A_331] {strides = array<i32>} : memref<320x128xf32, #tpu.memory_space<vmem>>, vector<16xf32>,
      %parallel_loop3A_333 = vector.bitcast %parallel_loop3A_332 : vector<16xf32> to vector<16xi32>
      %parallel_loop3A_334 = arith.constant 16 : i32
      %parallel_loop3A_335 = vector.broadcast %parallel_loop3A_334 : i32 to vector<16xi32>
      %parallel_loop3A_336 = arith.shrui %parallel_loop3A_327, %parallel_loop3A_335 : vector<16xi32>
      %parallel_loop3A_337 = arith.constant -65536 : i32
      %parallel_loop3A_338 = vector.broadcast %parallel_loop3A_337 : i32 to vector<16xi32>
      %parallel_loop3A_339 = arith.andi %parallel_loop3A_333, %parallel_loop3A_338 : vector<16xi32>
      %parallel_loop3A_340 = arith.ori %parallel_loop3A_336, %parallel_loop3A_339 : vector<16xi32>
      %parallel_loop3A_341 = arith.constant 80 : i32
      %parallel_loop3A_342 = arith.addi %parallel_loop3A_341, %parallel_loop3A_201 : i32
      %parallel_loop3A_343 = arith.index_cast %parallel_loop3A_342 : i32 to index
      %parallel_loop3A_344 = arith.constant 80 : index
      %parallel_loop3A_345 = tpu.vector_load %arg7[%parallel_loop3A_343, %parallel_loop3A_344] {strides = array<i32>} : memref<160x128xi32, #tpu.memory_space<vmem>>, vector<16xi32>,
      tpu.vector_store %arg7[%parallel_loop3A_343, %parallel_loop3A_344], %parallel_loop3A_340 {strides = array<i32>} : memref<160x128xi32, #tpu.memory_space<vmem>>, vector<16xi32>,
      %parallel_loop3A_346 = arith.constant 160 : i32
      %parallel_loop3A_347 = arith.addi %parallel_loop3A_346, %parallel_loop3A_201 : i32
      %parallel_loop3A_348 = arith.index_cast %parallel_loop3A_347 : i32 to index
      %parallel_loop3A_349 = arith.constant 96 : index
      %parallel_loop3A_350 = tpu.vector_load %arg6[%parallel_loop3A_348, %parallel_loop3A_349] {strides = array<i32>} : memref<320x128xf32, #tpu.memory_space<vmem>>, vector<16xf32>,
      %parallel_loop3A_351 = vector.bitcast %parallel_loop3A_350 : vector<16xf32> to vector<16xi32>
      %parallel_loop3A_352 = arith.constant 240 : i32
      %parallel_loop3A_353 = arith.addi %parallel_loop3A_352, %parallel_loop3A_201 : i32
      %parallel_loop3A_354 = arith.index_cast %parallel_loop3A_353 : i32 to index
      %parallel_loop3A_355 = arith.constant 96 : index
      %parallel_loop3A_356 = tpu.vector_load %arg6[%parallel_loop3A_354, %parallel_loop3A_355] {strides = array<i32>} : memref<320x128xf32, #tpu.memory_space<vmem>>, vector<16xf32>,
      %parallel_loop3A_357 = vector.bitcast %parallel_loop3A_356 : vector<16xf32> to vector<16xi32>
      %parallel_loop3A_358 = arith.constant 16 : i32
      %parallel_loop3A_359 = vector.broadcast %parallel_loop3A_358 : i32 to vector<16xi32>
      %parallel_loop3A_360 = arith.shrui %parallel_loop3A_351, %parallel_loop3A_359 : vector<16xi32>
      %parallel_loop3A_361 = arith.constant -65536 : i32
      %parallel_loop3A_362 = vector.broadcast %parallel_loop3A_361 : i32 to vector<16xi32>
      %parallel_loop3A_363 = arith.andi %parallel_loop3A_357, %parallel_loop3A_362 : vector<16xi32>
      %parallel_loop3A_364 = arith.ori %parallel_loop3A_360, %parallel_loop3A_363 : vector<16xi32>
      %parallel_loop3A_365 = arith.constant 80 : i32
      %parallel_loop3A_366 = arith.addi %parallel_loop3A_365, %parallel_loop3A_201 : i32
      %parallel_loop3A_367 = arith.index_cast %parallel_loop3A_366 : i32 to index
      %parallel_loop3A_368 = arith.constant 96 : index
      %parallel_loop3A_369 = tpu.vector_load %arg7[%parallel_loop3A_367, %parallel_loop3A_368] {strides = array<i32>} : memref<160x128xi32, #tpu.memory_space<vmem>>, vector<16xi32>,
      tpu.vector_store %arg7[%parallel_loop3A_367, %parallel_loop3A_368], %parallel_loop3A_364 {strides = array<i32>} : memref<160x128xi32, #tpu.memory_space<vmem>>, vector<16xi32>,
      %parallel_loop3A_370 = arith.constant 160 : i32
      %parallel_loop3A_371 = arith.addi %parallel_loop3A_370, %parallel_loop3A_201 : i32
      %parallel_loop3A_372 = arith.index_cast %parallel_loop3A_371 : i32 to index
      %parallel_loop3A_373 = arith.constant 112 : index
      %parallel_loop3A_374 = tpu.vector_load %arg6[%parallel_loop3A_372, %parallel_loop3A_373] {strides = array<i32>} : memref<320x128xf32, #tpu.memory_space<vmem>>, vector<16xf32>,
      %parallel_loop3A_375 = vector.bitcast %parallel_loop3A_374 : vector<16xf32> to vector<16xi32>
      %parallel_loop3A_376 = arith.constant 240 : i32
      %parallel_loop3A_377 = arith.addi %parallel_loop3A_376, %parallel_loop3A_201 : i32
      %parallel_loop3A_378 = arith.index_cast %parallel_loop3A_377 : i32 to index
      %parallel_loop3A_379 = arith.constant 112 : index
      %parallel_loop3A_380 = tpu.vector_load %arg6[%parallel_loop3A_378, %parallel_loop3A_379] {strides = array<i32>} : memref<320x128xf32, #tpu.memory_space<vmem>>, vector<16xf32>,
      %parallel_loop3A_381 = vector.bitcast %parallel_loop3A_380 : vector<16xf32> to vector<16xi32>
      %parallel_loop3A_382 = arith.constant 16 : i32
      %parallel_loop3A_383 = vector.broadcast %parallel_loop3A_382 : i32 to vector<16xi32>
      %parallel_loop3A_384 = arith.shrui %parallel_loop3A_375, %parallel_loop3A_383 : vector<16xi32>
      %parallel_loop3A_385 = arith.constant -65536 : i32
      %parallel_loop3A_386 = vector.broadcast %parallel_loop3A_385 : i32 to vector<16xi32>
      %parallel_loop3A_387 = arith.andi %parallel_loop3A_381, %parallel_loop3A_386 : vector<16xi32>
      %parallel_loop3A_388 = arith.ori %parallel_loop3A_384, %parallel_loop3A_387 : vector<16xi32>
      %parallel_loop3A_389 = arith.constant 80 : i32
      %parallel_loop3A_390 = arith.addi %parallel_loop3A_389, %parallel_loop3A_201 : i32
      %parallel_loop3A_391 = arith.index_cast %parallel_loop3A_390 : i32 to index
      %parallel_loop3A_392 = arith.constant 112 : index
      %parallel_loop3A_393 = tpu.vector_load %arg7[%parallel_loop3A_391, %parallel_loop3A_392] {strides = array<i32>} : memref<160x128xi32, #tpu.memory_space<vmem>>, vector<16xi32>,
      tpu.vector_store %arg7[%parallel_loop3A_391, %parallel_loop3A_392], %parallel_loop3A_388 {strides = array<i32>} : memref<160x128xi32, #tpu.memory_space<vmem>>, vector<16xi32>,
    } {sc.loop_unroll_factor = 4 : i64, sc.parallel_access}
    %add3A_118 = arith.constant 80 : i32
    %add3A_119 = arith.addi %mul3A_2, %add3A_118 : i32
    %dma_start3A_120 = arith.constant 80 : i32
    %dma_start3A_121 = arith.constant 0 : i32
    %dma_start3A_122 = tpu.memref_slice %arg7[%dma_start3A_120, %dma_start3A_121] : memref<160x128xi32, #tpu.memory_space<vmem>> -> memref<80x128xi32, #tpu.memory_space<vmem>>
    %dma_start3A_123 = arith.constant 0 : i32
    %dma_start3A_124 = tpu.memref_slice %arg4[%add3A_119, %dma_start3A_123] : memref<51200x128xi32, #tpu.memory_space<hbm>> -> memref<80x128xi32, #tpu.memory_space<hbm>>
    %dma_start3A_125 = arith.constant 0 : i32
    %dma_start3A_126 = tpu.memref_slice %arg4[%add3A_119, %dma_start3A_125] : memref<51200x128xi32, #tpu.memory_space<hbm>> -> memref<80x128xi32, #tpu.memory_space<hbm>>
    %dma_start3A_127 = arith.constant 80 : i32
    %dma_start3A_128 = arith.constant 0 : i32
    %dma_start3A_129 = tpu.memref_slice %arg7[%dma_start3A_127, %dma_start3A_128] : memref<160x128xi32, #tpu.memory_space<vmem>> -> memref<80x128xi32, #tpu.memory_space<vmem>>
    tpu.enqueue_dma source(%dma_start3A_129 : memref<80x128xi32, #tpu.memory_space<vmem>>) target(%dma_start3A_126 : memref<80x128xi32, #tpu.memory_space<hbm>>) target_semaphore(%arg9 : memref<!tpu.dma_semaphore, #tpu.memory_space<semaphore_mem>>)
    %scan3A = arith.constant 0 : i32
    %scan3A_130 = arith.constant 2 : i32
    %scan3A_131 = arith.constant 17 : i32
    %scan3A_132 = arith.addi %scan3A_130, %scan3A_131 : i32
    %scan3A_133 = arith.constant 1 : i32
    %scan3A_134 = scf.for %scan3A_201 = %scan3A_130 to %scan3A_132 step %scan3A_133 iter_args(%scan3A_202 = %scan3A) -> (i32)  : i32 {
      %jit3A = arith.constant 2 : i32
      %eq3A = arith.constant 0 : i32
      %eq3A_203 = arith.cmpi eq, %jit3A, %eq3A : i32
      %jit3A_204 = arith.constant 1 : i32
      %select_n3A = arith.select %eq3A_203, %jit3A_204, %jit3A : i32
      %rem3A = arith.remsi %scan3A_201, %select_n3A : i32
      %ne3A = arith.constant 0 : i32
      %ne3A_205 = arith.cmpi ne, %rem3A, %ne3A : i32
      %lt3A = arith.constant 0 : i32
      %lt3A_206 = arith.cmpi slt, %rem3A, %lt3A : i32
      %lt3A_207 = arith.constant 0 : i32
      %lt3A_208 = arith.cmpi slt, %select_n3A, %lt3A_207 : i32
      %ne3A_209 = arith.xori %lt3A_206, %lt3A_208 : i1
      %and3A = arith.andi %ne3A_209, %ne3A_205 : i1
      %add3A_210 = arith.addi %rem3A, %select_n3A : i32
      %select_n3A_211 = arith.select %and3A, %add3A_210, %rem3A : i32
      %add3A_212 = arith.constant 1 : i32
      %add3A_213 = arith.addi %scan3A_201, %add3A_212 : i32
      %sub3A = arith.constant 1 : i32
      %sub3A_214 = arith.subi %sub3A, %select_n3A_211 : i32
      %mul3A_215 = arith.constant 2 : i32
      %mul3A_216 = arith.muli %add3A_213, %mul3A_215 : i32
      %add3A_217 = arith.constant 0 : i32
      %add3A_218 = arith.addi %mul3A_216, %add3A_217 : i32
      %mul3A_219 = arith.constant 160 : i32
      %mul3A_220 = arith.muli %sub3A_214, %mul3A_219 : i32
      %add3A_221 = arith.constant 0 : i32
      %add3A_222 = arith.addi %mul3A_220, %add3A_221 : i32
      %dma_start3A_223 = arith.constant 0 : i32
      %dma_start3A_224 = tpu.memref_slice %arg6[%add3A_222, %dma_start3A_223] : memref<320x128xf32, #tpu.memory_space<vmem>> -> memref<80x128xf32, #tpu.memory_space<vmem>>
      %dma_start3A_225 = arith.constant 0 : i32
      %dma_start3A_226 = tpu.memref_slice %arg5[%add3A_218, %dma_start3A_225] : memref<40x80xi32, #tpu.memory_space<vmem>> -> memref<1x80xi32, #tpu.memory_space<vmem>>
      %dma_start3A_227 = tpu.memref_squeeze %dma_start3A_226 : memref<1x80xi32, #tpu.memory_space<vmem>> -> memref<80xi32, #tpu.memory_space<vmem>>
      %dma_start3A_228 = arith.constant 0 : i32
      %dma_start3A_229 = arith.constant 0 : i32
      %dma_start3A_230 = tpu.memref_slice %arg2[%dma_start3A_228, %dma_start3A_229] : memref<100000x128xf32, #tpu.memory_space<hbm>> -> memref<100000x128xf32, #tpu.memory_space<hbm>>
      tpu.enqueue_indirect_dma source(%dma_start3A_230 : memref<100000x128xf32, #tpu.memory_space<hbm>>) target(%dma_start3A_224 : memref<80x128xf32, #tpu.memory_space<vmem>>) offsets(%dma_start3A_227 : memref<80xi32, #tpu.memory_space<vmem>>) semaphore(%arg8 : memref<!tpu.dma_semaphore, #tpu.memory_space<semaphore_mem>>)
      %mul3A_231 = arith.constant 2 : i32
      %mul3A_232 = arith.muli %add3A_213, %mul3A_231 : i32
      %add3A_233 = arith.constant 1 : i32
      %add3A_234 = arith.addi %mul3A_232, %add3A_233 : i32
      %mul3A_235 = arith.constant 160 : i32
      %mul3A_236 = arith.muli %sub3A_214, %mul3A_235 : i32
      %add3A_237 = arith.constant 80 : i32
      %add3A_238 = arith.addi %mul3A_236, %add3A_237 : i32
      %dma_start3A_239 = arith.constant 0 : i32
      %dma_start3A_240 = tpu.memref_slice %arg6[%add3A_238, %dma_start3A_239] : memref<320x128xf32, #tpu.memory_space<vmem>> -> memref<80x128xf32, #tpu.memory_space<vmem>>
      %dma_start3A_241 = arith.constant 0 : i32
      %dma_start3A_242 = tpu.memref_slice %arg5[%add3A_234, %dma_start3A_241] : memref<40x80xi32, #tpu.memory_space<vmem>> -> memref<1x80xi32, #tpu.memory_space<vmem>>
      %dma_start3A_243 = tpu.memref_squeeze %dma_start3A_242 : memref<1x80xi32, #tpu.memory_space<vmem>> -> memref<80xi32, #tpu.memory_space<vmem>>
      %dma_start3A_244 = arith.constant 0 : i32
      %dma_start3A_245 = arith.constant 0 : i32
      %dma_start3A_246 = tpu.memref_slice %arg2[%dma_start3A_244, %dma_start3A_245] : memref<100000x128xf32, #tpu.memory_space<hbm>> -> memref<100000x128xf32, #tpu.memory_space<hbm>>
      tpu.enqueue_indirect_dma source(%dma_start3A_246 : memref<100000x128xf32, #tpu.memory_space<hbm>>) target(%dma_start3A_240 : memref<80x128xf32, #tpu.memory_space<vmem>>) offsets(%dma_start3A_243 : memref<80xi32, #tpu.memory_space<vmem>>) semaphore(%arg8 : memref<!tpu.dma_semaphore, #tpu.memory_space<semaphore_mem>>)
      %dma_wait3A_247 = arith.constant 0 : i32
      %dma_wait3A_248 = arith.constant 0 : i32
      %dma_wait3A_249 = arith.constant 0 : i32
      %dma_wait3A_250 = tpu.memref_slice %arg6[%dma_wait3A_248, %dma_wait3A_249] : memref<320x128xf32, #tpu.memory_space<vmem>> -> memref<80x128xf32, #tpu.memory_space<vmem>>
      %dma_wait3A_251 = arith.constant 0 : i32
      %dma_wait3A_252 = tpu.memref_slice %arg5[%dma_wait3A_247, %dma_wait3A_251] : memref<40x80xi32, #tpu.memory_space<vmem>> -> memref<1x80xi32, #tpu.memory_space<vmem>>
      %dma_wait3A_253 = tpu.memref_squeeze %dma_wait3A_252 : memref<1x80xi32, #tpu.memory_space<vmem>> -> memref<80xi32, #tpu.memory_space<vmem>>
      %dma_wait3A_254 = arith.constant 0 : i32
      %dma_wait3A_255 = arith.constant 0 : i32
      %dma_wait3A_256 = tpu.memref_slice %arg2[%dma_wait3A_254, %dma_wait3A_255] : memref<100000x128xf32, #tpu.memory_space<hbm>> -> memref<100000x128xf32, #tpu.memory_space<hbm>>
      tpu.wait_indirect_dma semaphore(%arg8 : memref<!tpu.dma_semaphore, #tpu.memory_space<semaphore_mem>>) src(%dma_wait3A_256 : memref<100000x128xf32, #tpu.memory_space<hbm>>) dst(%dma_wait3A_250 : memref<80x128xf32, #tpu.memory_space<vmem>>)
      %dma_wait3A_257 = arith.constant 0 : i32
      %dma_wait3A_258 = arith.constant 0 : i32
      %dma_wait3A_259 = arith.constant 0 : i32
      %dma_wait3A_260 = tpu.memref_slice %arg6[%dma_wait3A_258, %dma_wait3A_259] : memref<320x128xf32, #tpu.memory_space<vmem>> -> memref<80x128xf32, #tpu.memory_space<vmem>>
      %dma_wait3A_261 = arith.constant 0 : i32
      %dma_wait3A_262 = tpu.memref_slice %arg5[%dma_wait3A_257, %dma_wait3A_261] : memref<40x80xi32, #tpu.memory_space<vmem>> -> memref<1x80xi32, #tpu.memory_space<vmem>>
      %dma_wait3A_263 = tpu.memref_squeeze %dma_wait3A_262 : memref<1x80xi32, #tpu.memory_space<vmem>> -> memref<80xi32, #tpu.memory_space<vmem>>
      %dma_wait3A_264 = arith.constant 0 : i32
      %dma_wait3A_265 = arith.constant 0 : i32
      %dma_wait3A_266 = tpu.memref_slice %arg2[%dma_wait3A_264, %dma_wait3A_265] : memref<100000x128xf32, #tpu.memory_space<hbm>> -> memref<100000x128xf32, #tpu.memory_space<hbm>>
      tpu.wait_indirect_dma semaphore(%arg8 : memref<!tpu.dma_semaphore, #tpu.memory_space<semaphore_mem>>) src(%dma_wait3A_266 : memref<100000x128xf32, #tpu.memory_space<hbm>>) dst(%dma_wait3A_260 : memref<80x128xf32, #tpu.memory_space<vmem>>)
      %dma_wait3A_267 = arith.constant 0 : i32
      %dma_wait3A_268 = arith.constant 0 : i32
      %dma_wait3A_269 = tpu.memref_slice %arg7[%dma_wait3A_267, %dma_wait3A_268] : memref<160x128xi32, #tpu.memory_space<vmem>> -> memref<80x128xi32, #tpu.memory_space<vmem>>
      %dma_wait3A_270 = arith.constant 0 : i32
      %dma_wait3A_271 = tpu.memref_slice %arg4[%mul3A_2, %dma_wait3A_270] : memref<51200x128xi32, #tpu.memory_space<hbm>> -> memref<80x128xi32, #tpu.memory_space<hbm>>
      %dma_wait3A_272 = arith.constant 0 : i32
      %dma_wait3A_273 = tpu.memref_slice %arg4[%mul3A_2, %dma_wait3A_272] : memref<51200x128xi32, #tpu.memory_space<hbm>> -> memref<80x128xi32, #tpu.memory_space<hbm>>
      %dma_wait3A_274 = arith.constant 0 : i32
      %dma_wait3A_275 = arith.constant 0 : i32
      %dma_wait3A_276 = tpu.memref_slice %arg7[%dma_wait3A_274, %dma_wait3A_275] : memref<160x128xi32, #tpu.memory_space<vmem>> -> memref<80x128xi32, #tpu.memory_space<vmem>>
      tpu.wait_dma2 semaphore(%arg9 : memref<!tpu.dma_semaphore, #tpu.memory_space<semaphore_mem>>) src(%dma_wait3A_276 : memref<80x128xi32, #tpu.memory_space<vmem>>) dst(%dma_wait3A_273 : memref<80x128xi32, #tpu.memory_space<hbm>>)
      %mul3A_277 = arith.constant 160 : i32
      %mul3A_278 = arith.muli %select_n3A_211, %mul3A_277 : i32
      %mul3A_279 = arith.constant 80 : i32
      %mul3A_280 = arith.muli %select_n3A_211, %mul3A_279 : i32
      %parallel_loop3A_281 = arith.constant 0 : i32
      %parallel_loop3A_282 = arith.constant 80 : i32
      %parallel_loop3A_283 = arith.constant 1 : i32
      scf.for %parallel_loop3A_298 = %parallel_loop3A_281 to %parallel_loop3A_282 step %parallel_loop3A_283  : i32 {
        %parallel_loop3A_299 = arith.addi %mul3A_278, %parallel_loop3A_298 : i32
        %parallel_loop3A_300 = arith.index_cast %parallel_loop3A_299 : i32 to index
        %parallel_loop3A_301 = arith.constant 0 : index
        %parallel_loop3A_302 = tpu.vector_load %arg6[%parallel_loop3A_300, %parallel_loop3A_301] {strides = array<i32>} : memref<320x128xf32, #tpu.memory_space<vmem>>, vector<16xf32>,
        %parallel_loop3A_303 = vector.bitcast %parallel_loop3A_302 : vector<16xf32> to vector<16xi32>
        %parallel_loop3A_304 = arith.constant 80 : i32
        %parallel_loop3A_305 = arith.addi %mul3A_278, %parallel_loop3A_304 : i32
        %parallel_loop3A_306 = arith.addi %parallel_loop3A_305, %parallel_loop3A_298 : i32
        %parallel_loop3A_307 = arith.index_cast %parallel_loop3A_306 : i32 to index
        %parallel_loop3A_308 = arith.constant 0 : index
        %parallel_loop3A_309 = tpu.vector_load %arg6[%parallel_loop3A_307, %parallel_loop3A_308] {strides = array<i32>} : memref<320x128xf32, #tpu.memory_space<vmem>>, vector<16xf32>,
        %parallel_loop3A_310 = vector.bitcast %parallel_loop3A_309 : vector<16xf32> to vector<16xi32>
        %parallel_loop3A_311 = arith.constant 16 : i32
        %parallel_loop3A_312 = vector.broadcast %parallel_loop3A_311 : i32 to vector<16xi32>
        %parallel_loop3A_313 = arith.shrui %parallel_loop3A_303, %parallel_loop3A_312 : vector<16xi32>
        %parallel_loop3A_314 = arith.constant -65536 : i32
        %parallel_loop3A_315 = vector.broadcast %parallel_loop3A_314 : i32 to vector<16xi32>
        %parallel_loop3A_316 = arith.andi %parallel_loop3A_310, %parallel_loop3A_315 : vector<16xi32>
        %parallel_loop3A_317 = arith.ori %parallel_loop3A_313, %parallel_loop3A_316 : vector<16xi32>
        %parallel_loop3A_318 = arith.addi %mul3A_280, %parallel_loop3A_298 : i32
        %parallel_loop3A_319 = arith.index_cast %parallel_loop3A_318 : i32 to index
        %parallel_loop3A_320 = arith.constant 0 : index
        %parallel_loop3A_321 = tpu.vector_load %arg7[%parallel_loop3A_319, %parallel_loop3A_320] {strides = array<i32>} : memref<160x128xi32, #tpu.memory_space<vmem>>, vector<16xi32>,
        tpu.vector_store %arg7[%parallel_loop3A_319, %parallel_loop3A_320], %parallel_loop3A_317 {strides = array<i32>} : memref<160x128xi32, #tpu.memory_space<vmem>>, vector<16xi32>,
        %parallel_loop3A_322 = arith.addi %mul3A_278, %parallel_loop3A_298 : i32
        %parallel_loop3A_323 = arith.index_cast %parallel_loop3A_322 : i32 to index
        %parallel_loop3A_324 = arith.constant 16 : index
        %parallel_loop3A_325 = tpu.vector_load %arg6[%parallel_loop3A_323, %parallel_loop3A_324] {strides = array<i32>} : memref<320x128xf32, #tpu.memory_space<vmem>>, vector<16xf32>,
        %parallel_loop3A_326 = vector.bitcast %parallel_loop3A_325 : vector<16xf32> to vector<16xi32>
        %parallel_loop3A_327 = arith.constant 80 : i32
        %parallel_loop3A_328 = arith.addi %mul3A_278, %parallel_loop3A_327 : i32
        %parallel_loop3A_329 = arith.addi %parallel_loop3A_328, %parallel_loop3A_298 : i32
        %parallel_loop3A_330 = arith.index_cast %parallel_loop3A_329 : i32 to index
        %parallel_loop3A_331 = arith.constant 16 : index
        %parallel_loop3A_332 = tpu.vector_load %arg6[%parallel_loop3A_330, %parallel_loop3A_331] {strides = array<i32>} : memref<320x128xf32, #tpu.memory_space<vmem>>, vector<16xf32>,
        %parallel_loop3A_333 = vector.bitcast %parallel_loop3A_332 : vector<16xf32> to vector<16xi32>
        %parallel_loop3A_334 = arith.constant 16 : i32
        %parallel_loop3A_335 = vector.broadcast %parallel_loop3A_334 : i32 to vector<16xi32>
        %parallel_loop3A_336 = arith.shrui %parallel_loop3A_326, %parallel_loop3A_335 : vector<16xi32>
        %parallel_loop3A_337 = arith.constant -65536 : i32
        %parallel_loop3A_338 = vector.broadcast %parallel_loop3A_337 : i32 to vector<16xi32>
        %parallel_loop3A_339 = arith.andi %parallel_loop3A_333, %parallel_loop3A_338 : vector<16xi32>
        %parallel_loop3A_340 = arith.ori %parallel_loop3A_336, %parallel_loop3A_339 : vector<16xi32>
        %parallel_loop3A_341 = arith.addi %mul3A_280, %parallel_loop3A_298 : i32
        %parallel_loop3A_342 = arith.index_cast %parallel_loop3A_341 : i32 to index
        %parallel_loop3A_343 = arith.constant 16 : index
        %parallel_loop3A_344 = tpu.vector_load %arg7[%parallel_loop3A_342, %parallel_loop3A_343] {strides = array<i32>} : memref<160x128xi32, #tpu.memory_space<vmem>>, vector<16xi32>,
        tpu.vector_store %arg7[%parallel_loop3A_342, %parallel_loop3A_343], %parallel_loop3A_340 {strides = array<i32>} : memref<160x128xi32, #tpu.memory_space<vmem>>, vector<16xi32>,
        %parallel_loop3A_345 = arith.addi %mul3A_278, %parallel_loop3A_298 : i32
        %parallel_loop3A_346 = arith.index_cast %parallel_loop3A_345 : i32 to index
        %parallel_loop3A_347 = arith.constant 32 : index
        %parallel_loop3A_348 = tpu.vector_load %arg6[%parallel_loop3A_346, %parallel_loop3A_347] {strides = array<i32>} : memref<320x128xf32, #tpu.memory_space<vmem>>, vector<16xf32>,
        %parallel_loop3A_349 = vector.bitcast %parallel_loop3A_348 : vector<16xf32> to vector<16xi32>
        %parallel_loop3A_350 = arith.constant 80 : i32
        %parallel_loop3A_351 = arith.addi %mul3A_278, %parallel_loop3A_350 : i32
        %parallel_loop3A_352 = arith.addi %parallel_loop3A_351, %parallel_loop3A_298 : i32
        %parallel_loop3A_353 = arith.index_cast %parallel_loop3A_352 : i32 to index
        %parallel_loop3A_354 = arith.constant 32 : index
        %parallel_loop3A_355 = tpu.vector_load %arg6[%parallel_loop3A_353, %parallel_loop3A_354] {strides = array<i32>} : memref<320x128xf32, #tpu.memory_space<vmem>>, vector<16xf32>,
        %parallel_loop3A_356 = vector.bitcast %parallel_loop3A_355 : vector<16xf32> to vector<16xi32>
        %parallel_loop3A_357 = arith.constant 16 : i32
        %parallel_loop3A_358 = vector.broadcast %parallel_loop3A_357 : i32 to vector<16xi32>
        %parallel_loop3A_359 = arith.shrui %parallel_loop3A_349, %parallel_loop3A_358 : vector<16xi32>
        %parallel_loop3A_360 = arith.constant -65536 : i32
        %parallel_loop3A_361 = vector.broadcast %parallel_loop3A_360 : i32 to vector<16xi32>
        %parallel_loop3A_362 = arith.andi %parallel_loop3A_356, %parallel_loop3A_361 : vector<16xi32>
        %parallel_loop3A_363 = arith.ori %parallel_loop3A_359, %parallel_loop3A_362 : vector<16xi32>
        %parallel_loop3A_364 = arith.addi %mul3A_280, %parallel_loop3A_298 : i32
        %parallel_loop3A_365 = arith.index_cast %parallel_loop3A_364 : i32 to index
        %parallel_loop3A_366 = arith.constant 32 : index
        %parallel_loop3A_367 = tpu.vector_load %arg7[%parallel_loop3A_365, %parallel_loop3A_366] {strides = array<i32>} : memref<160x128xi32, #tpu.memory_space<vmem>>, vector<16xi32>,
        tpu.vector_store %arg7[%parallel_loop3A_365, %parallel_loop3A_366], %parallel_loop3A_363 {strides = array<i32>} : memref<160x128xi32, #tpu.memory_space<vmem>>, vector<16xi32>,
        %parallel_loop3A_368 = arith.addi %mul3A_278, %parallel_loop3A_298 : i32
        %parallel_loop3A_369 = arith.index_cast %parallel_loop3A_368 : i32 to index
        %parallel_loop3A_370 = arith.constant 48 : index
        %parallel_loop3A_371 = tpu.vector_load %arg6[%parallel_loop3A_369, %parallel_loop3A_370] {strides = array<i32>} : memref<320x128xf32, #tpu.memory_space<vmem>>, vector<16xf32>,
        %parallel_loop3A_372 = vector.bitcast %parallel_loop3A_371 : vector<16xf32> to vector<16xi32>
        %parallel_loop3A_373 = arith.constant 80 : i32
        %parallel_loop3A_374 = arith.addi %mul3A_278, %parallel_loop3A_373 : i32
        %parallel_loop3A_375 = arith.addi %parallel_loop3A_374, %parallel_loop3A_298 : i32
        %parallel_loop3A_376 = arith.index_cast %parallel_loop3A_375 : i32 to index
        %parallel_loop3A_377 = arith.constant 48 : index
        %parallel_loop3A_378 = tpu.vector_load %arg6[%parallel_loop3A_376, %parallel_loop3A_377] {strides = array<i32>} : memref<320x128xf32, #tpu.memory_space<vmem>>, vector<16xf32>,
        %parallel_loop3A_379 = vector.bitcast %parallel_loop3A_378 : vector<16xf32> to vector<16xi32>
        %parallel_loop3A_380 = arith.constant 16 : i32
        %parallel_loop3A_381 = vector.broadcast %parallel_loop3A_380 : i32 to vector<16xi32>
        %parallel_loop3A_382 = arith.shrui %parallel_loop3A_372, %parallel_loop3A_381 : vector<16xi32>
        %parallel_loop3A_383 = arith.constant -65536 : i32
        %parallel_loop3A_384 = vector.broadcast %parallel_loop3A_383 : i32 to vector<16xi32>
        %parallel_loop3A_385 = arith.andi %parallel_loop3A_379, %parallel_loop3A_384 : vector<16xi32>
        %parallel_loop3A_386 = arith.ori %parallel_loop3A_382, %parallel_loop3A_385 : vector<16xi32>
        %parallel_loop3A_387 = arith.addi %mul3A_280, %parallel_loop3A_298 : i32
        %parallel_loop3A_388 = arith.index_cast %parallel_loop3A_387 : i32 to index
        %parallel_loop3A_389 = arith.constant 48 : index
        %parallel_loop3A_390 = tpu.vector_load %arg7[%parallel_loop3A_388, %parallel_loop3A_389] {strides = array<i32>} : memref<160x128xi32, #tpu.memory_space<vmem>>, vector<16xi32>,
        tpu.vector_store %arg7[%parallel_loop3A_388, %parallel_loop3A_389], %parallel_loop3A_386 {strides = array<i32>} : memref<160x128xi32, #tpu.memory_space<vmem>>, vector<16xi32>,
        %parallel_loop3A_391 = arith.addi %mul3A_278, %parallel_loop3A_298 : i32
        %parallel_loop3A_392 = arith.index_cast %parallel_loop3A_391 : i32 to index
        %parallel_loop3A_393 = arith.constant 64 : index
        %parallel_loop3A_394 = tpu.vector_load %arg6[%parallel_loop3A_392, %parallel_loop3A_393] {strides = array<i32>} : memref<320x128xf32, #tpu.memory_space<vmem>>, vector<16xf32>,
        %parallel_loop3A_395 = vector.bitcast %parallel_loop3A_394 : vector<16xf32> to vector<16xi32>
        %parallel_loop3A_396 = arith.constant 80 : i32
        %parallel_loop3A_397 = arith.addi %mul3A_278, %parallel_loop3A_396 : i32
        %parallel_loop3A_398 = arith.addi %parallel_loop3A_397, %parallel_loop3A_298 : i32
        %parallel_loop3A_399 = arith.index_cast %parallel_loop3A_398 : i32 to index
        %parallel_loop3A_400 = arith.constant 64 : index
        %parallel_loop3A_401 = tpu.vector_load %arg6[%parallel_loop3A_399, %parallel_loop3A_400] {strides = array<i32>} : memref<320x128xf32, #tpu.memory_space<vmem>>, vector<16xf32>,
        %parallel_loop3A_402 = vector.bitcast %parallel_loop3A_401 : vector<16xf32> to vector<16xi32>
        %parallel_loop3A_403 = arith.constant 16 : i32
        %parallel_loop3A_404 = vector.broadcast %parallel_loop3A_403 : i32 to vector<16xi32>
        %parallel_loop3A_405 = arith.shrui %parallel_loop3A_395, %parallel_loop3A_404 : vector<16xi32>
        %parallel_loop3A_406 = arith.constant -65536 : i32
        %parallel_loop3A_407 = vector.broadcast %parallel_loop3A_406 : i32 to vector<16xi32>
        %parallel_loop3A_408 = arith.andi %parallel_loop3A_402, %parallel_loop3A_407 : vector<16xi32>
        %parallel_loop3A_409 = arith.ori %parallel_loop3A_405, %parallel_loop3A_408 : vector<16xi32>
        %parallel_loop3A_410 = arith.addi %mul3A_280, %parallel_loop3A_298 : i32
        %parallel_loop3A_411 = arith.index_cast %parallel_loop3A_410 : i32 to index
        %parallel_loop3A_412 = arith.constant 64 : index
        %parallel_loop3A_413 = tpu.vector_load %arg7[%parallel_loop3A_411, %parallel_loop3A_412] {strides = array<i32>} : memref<160x128xi32, #tpu.memory_space<vmem>>, vector<16xi32>,
        tpu.vector_store %arg7[%parallel_loop3A_411, %parallel_loop3A_412], %parallel_loop3A_409 {strides = array<i32>} : memref<160x128xi32, #tpu.memory_space<vmem>>, vector<16xi32>,
        %parallel_loop3A_414 = arith.addi %mul3A_278, %parallel_loop3A_298 : i32
        %parallel_loop3A_415 = arith.index_cast %parallel_loop3A_414 : i32 to index
        %parallel_loop3A_416 = arith.constant 80 : index
        %parallel_loop3A_417 = tpu.vector_load %arg6[%parallel_loop3A_415, %parallel_loop3A_416] {strides = array<i32>} : memref<320x128xf32, #tpu.memory_space<vmem>>, vector<16xf32>,
        %parallel_loop3A_418 = vector.bitcast %parallel_loop3A_417 : vector<16xf32> to vector<16xi32>
        %parallel_loop3A_419 = arith.constant 80 : i32
        %parallel_loop3A_420 = arith.addi %mul3A_278, %parallel_loop3A_419 : i32
        %parallel_loop3A_421 = arith.addi %parallel_loop3A_420, %parallel_loop3A_298 : i32
        %parallel_loop3A_422 = arith.index_cast %parallel_loop3A_421 : i32 to index
        %parallel_loop3A_423 = arith.constant 80 : index
        %parallel_loop3A_424 = tpu.vector_load %arg6[%parallel_loop3A_422, %parallel_loop3A_423] {strides = array<i32>} : memref<320x128xf32, #tpu.memory_space<vmem>>, vector<16xf32>,
        %parallel_loop3A_425 = vector.bitcast %parallel_loop3A_424 : vector<16xf32> to vector<16xi32>
        %parallel_loop3A_426 = arith.constant 16 : i32
        %parallel_loop3A_427 = vector.broadcast %parallel_loop3A_426 : i32 to vector<16xi32>
        %parallel_loop3A_428 = arith.shrui %parallel_loop3A_418, %parallel_loop3A_427 : vector<16xi32>
        %parallel_loop3A_429 = arith.constant -65536 : i32
        %parallel_loop3A_430 = vector.broadcast %parallel_loop3A_429 : i32 to vector<16xi32>
        %parallel_loop3A_431 = arith.andi %parallel_loop3A_425, %parallel_loop3A_430 : vector<16xi32>
        %parallel_loop3A_432 = arith.ori %parallel_loop3A_428, %parallel_loop3A_431 : vector<16xi32>
        %parallel_loop3A_433 = arith.addi %mul3A_280, %parallel_loop3A_298 : i32
        %parallel_loop3A_434 = arith.index_cast %parallel_loop3A_433 : i32 to index
        %parallel_loop3A_435 = arith.constant 80 : index
        %parallel_loop3A_436 = tpu.vector_load %arg7[%parallel_loop3A_434, %parallel_loop3A_435] {strides = array<i32>} : memref<160x128xi32, #tpu.memory_space<vmem>>, vector<16xi32>,
        tpu.vector_store %arg7[%parallel_loop3A_434, %parallel_loop3A_435], %parallel_loop3A_432 {strides = array<i32>} : memref<160x128xi32, #tpu.memory_space<vmem>>, vector<16xi32>,
        %parallel_loop3A_437 = arith.addi %mul3A_278, %parallel_loop3A_298 : i32
        %parallel_loop3A_438 = arith.index_cast %parallel_loop3A_437 : i32 to index
        %parallel_loop3A_439 = arith.constant 96 : index
        %parallel_loop3A_440 = tpu.vector_load %arg6[%parallel_loop3A_438, %parallel_loop3A_439] {strides = array<i32>} : memref<320x128xf32, #tpu.memory_space<vmem>>, vector<16xf32>,
        %parallel_loop3A_441 = vector.bitcast %parallel_loop3A_440 : vector<16xf32> to vector<16xi32>
        %parallel_loop3A_442 = arith.constant 80 : i32
        %parallel_loop3A_443 = arith.addi %mul3A_278, %parallel_loop3A_442 : i32
        %parallel_loop3A_444 = arith.addi %parallel_loop3A_443, %parallel_loop3A_298 : i32
        %parallel_loop3A_445 = arith.index_cast %parallel_loop3A_444 : i32 to index
        %parallel_loop3A_446 = arith.constant 96 : index
        %parallel_loop3A_447 = tpu.vector_load %arg6[%parallel_loop3A_445, %parallel_loop3A_446] {strides = array<i32>} : memref<320x128xf32, #tpu.memory_space<vmem>>, vector<16xf32>,
        %parallel_loop3A_448 = vector.bitcast %parallel_loop3A_447 : vector<16xf32> to vector<16xi32>
        %parallel_loop3A_449 = arith.constant 16 : i32
        %parallel_loop3A_450 = vector.broadcast %parallel_loop3A_449 : i32 to vector<16xi32>
        %parallel_loop3A_451 = arith.shrui %parallel_loop3A_441, %parallel_loop3A_450 : vector<16xi32>
        %parallel_loop3A_452 = arith.constant -65536 : i32
        %parallel_loop3A_453 = vector.broadcast %parallel_loop3A_452 : i32 to vector<16xi32>
        %parallel_loop3A_454 = arith.andi %parallel_loop3A_448, %parallel_loop3A_453 : vector<16xi32>
        %parallel_loop3A_455 = arith.ori %parallel_loop3A_451, %parallel_loop3A_454 : vector<16xi32>
        %parallel_loop3A_456 = arith.addi %mul3A_280, %parallel_loop3A_298 : i32
        %parallel_loop3A_457 = arith.index_cast %parallel_loop3A_456 : i32 to index
        %parallel_loop3A_458 = arith.constant 96 : index
        %parallel_loop3A_459 = tpu.vector_load %arg7[%parallel_loop3A_457, %parallel_loop3A_458] {strides = array<i32>} : memref<160x128xi32, #tpu.memory_space<vmem>>, vector<16xi32>,
        tpu.vector_store %arg7[%parallel_loop3A_457, %parallel_loop3A_458], %parallel_loop3A_455 {strides = array<i32>} : memref<160x128xi32, #tpu.memory_space<vmem>>, vector<16xi32>,
        %parallel_loop3A_460 = arith.addi %mul3A_278, %parallel_loop3A_298 : i32
        %parallel_loop3A_461 = arith.index_cast %parallel_loop3A_460 : i32 to index
        %parallel_loop3A_462 = arith.constant 112 : index
        %parallel_loop3A_463 = tpu.vector_load %arg6[%parallel_loop3A_461, %parallel_loop3A_462] {strides = array<i32>} : memref<320x128xf32, #tpu.memory_space<vmem>>, vector<16xf32>,
        %parallel_loop3A_464 = vector.bitcast %parallel_loop3A_463 : vector<16xf32> to vector<16xi32>
        %parallel_loop3A_465 = arith.constant 80 : i32
        %parallel_loop3A_466 = arith.addi %mul3A_278, %parallel_loop3A_465 : i32
        %parallel_loop3A_467 = arith.addi %parallel_loop3A_466, %parallel_loop3A_298 : i32
        %parallel_loop3A_468 = arith.index_cast %parallel_loop3A_467 : i32 to index
        %parallel_loop3A_469 = arith.constant 112 : index
        %parallel_loop3A_470 = tpu.vector_load %arg6[%parallel_loop3A_468, %parallel_loop3A_469] {strides = array<i32>} : memref<320x128xf32, #tpu.memory_space<vmem>>, vector<16xf32>,
        %parallel_loop3A_471 = vector.bitcast %parallel_loop3A_470 : vector<16xf32> to vector<16xi32>
        %parallel_loop3A_472 = arith.constant 16 : i32
        %parallel_loop3A_473 = vector.broadcast %parallel_loop3A_472 : i32 to vector<16xi32>
        %parallel_loop3A_474 = arith.shrui %parallel_loop3A_464, %parallel_loop3A_473 : vector<16xi32>
        %parallel_loop3A_475 = arith.constant -65536 : i32
        %parallel_loop3A_476 = vector.broadcast %parallel_loop3A_475 : i32 to vector<16xi32>
        %parallel_loop3A_477 = arith.andi %parallel_loop3A_471, %parallel_loop3A_476 : vector<16xi32>
        %parallel_loop3A_478 = arith.ori %parallel_loop3A_474, %parallel_loop3A_477 : vector<16xi32>
        %parallel_loop3A_479 = arith.addi %mul3A_280, %parallel_loop3A_298 : i32
        %parallel_loop3A_480 = arith.index_cast %parallel_loop3A_479 : i32 to index
        %parallel_loop3A_481 = arith.constant 112 : index
        %parallel_loop3A_482 = tpu.vector_load %arg7[%parallel_loop3A_480, %parallel_loop3A_481] {strides = array<i32>} : memref<160x128xi32, #tpu.memory_space<vmem>>, vector<16xi32>,
        tpu.vector_store %arg7[%parallel_loop3A_480, %parallel_loop3A_481], %parallel_loop3A_478 {strides = array<i32>} : memref<160x128xi32, #tpu.memory_space<vmem>>, vector<16xi32>,
      } {sc.loop_unroll_factor = 4 : i64, sc.parallel_access}
      %mul3A_284 = arith.constant 80 : i32
      %mul3A_285 = arith.muli %select_n3A_211, %mul3A_284 : i32
      %mul3A_286 = arith.constant 80 : i32
      %mul3A_287 = arith.muli %scan3A_201, %mul3A_286 : i32
      %add3A_288 = arith.addi %mul3A_2, %mul3A_287 : i32
      %dma_start3A_289 = arith.constant 0 : i32
      %dma_start3A_290 = tpu.memref_slice %arg7[%mul3A_285, %dma_start3A_289] : memref<160x128xi32, #tpu.memory_space<vmem>> -> memref<80x128xi32, #tpu.memory_space<vmem>>
      %dma_start3A_291 = arith.constant 0 : i32
      %dma_start3A_292 = tpu.memref_slice %arg4[%add3A_288, %dma_start3A_291] : memref<51200x128xi32, #tpu.memory_space<hbm>> -> memref<80x128xi32, #tpu.memory_space<hbm>>
      %dma_start3A_293 = arith.constant 0 : i32
      %dma_start3A_294 = tpu.memref_slice %arg4[%add3A_288, %dma_start3A_293] : memref<51200x128xi32, #tpu.memory_space<hbm>> -> memref<80x128xi32, #tpu.memory_space<hbm>>
      %dma_start3A_295 = arith.constant 0 : i32
      %dma_start3A_296 = tpu.memref_slice %arg7[%mul3A_285, %dma_start3A_295] : memref<160x128xi32, #tpu.memory_space<vmem>> -> memref<80x128xi32, #tpu.memory_space<vmem>>
      tpu.enqueue_dma source(%dma_start3A_296 : memref<80x128xi32, #tpu.memory_space<vmem>>) target(%dma_start3A_294 : memref<80x128xi32, #tpu.memory_space<hbm>>) target_semaphore(%arg9 : memref<!tpu.dma_semaphore, #tpu.memory_space<semaphore_mem>>)
      %scan3A_297 = arith.constant 0 : i32
      scf.yield %scan3A_297 : i32
    }
    %scan3A_135 = arith.constant 17 : i32
    %dma_wait3A_136 = arith.constant 0 : i32
    %dma_wait3A_137 = arith.constant 0 : i32
    %dma_wait3A_138 = arith.constant 0 : i32
    %dma_wait3A_139 = tpu.memref_slice %arg6[%dma_wait3A_137, %dma_wait3A_138] : memref<320x128xf32, #tpu.memory_space<vmem>> -> memref<80x128xf32, #tpu.memory_space<vmem>>
    %dma_wait3A_140 = arith.constant 0 : i32
    %dma_wait3A_141 = tpu.memref_slice %arg5[%dma_wait3A_136, %dma_wait3A_140] : memref<40x80xi32, #tpu.memory_space<vmem>> -> memref<1x80xi32, #tpu.memory_space<vmem>>
    %dma_wait3A_142 = tpu.memref_squeeze %dma_wait3A_141 : memref<1x80xi32, #tpu.memory_space<vmem>> -> memref<80xi32, #tpu.memory_space<vmem>>
    %dma_wait3A_143 = arith.constant 0 : i32
    %dma_wait3A_144 = arith.constant 0 : i32
    %dma_wait3A_145 = tpu.memref_slice %arg2[%dma_wait3A_143, %dma_wait3A_144] : memref<100000x128xf32, #tpu.memory_space<hbm>> -> memref<100000x128xf32, #tpu.memory_space<hbm>>
    tpu.wait_indirect_dma semaphore(%arg8 : memref<!tpu.dma_semaphore, #tpu.memory_space<semaphore_mem>>) src(%dma_wait3A_145 : memref<100000x128xf32, #tpu.memory_space<hbm>>) dst(%dma_wait3A_139 : memref<80x128xf32, #tpu.memory_space<vmem>>)
    %dma_wait3A_146 = arith.constant 0 : i32
    %dma_wait3A_147 = arith.constant 0 : i32
    %dma_wait3A_148 = arith.constant 0 : i32
    %dma_wait3A_149 = tpu.memref_slice %arg6[%dma_wait3A_147, %dma_wait3A_148] : memref<320x128xf32, #tpu.memory_space<vmem>> -> memref<80x128xf32, #tpu.memory_space<vmem>>
    %dma_wait3A_150 = arith.constant 0 : i32
    %dma_wait3A_151 = tpu.memref_slice %arg5[%dma_wait3A_146, %dma_wait3A_150] : memref<40x80xi32, #tpu.memory_space<vmem>> -> memref<1x80xi32, #tpu.memory_space<vmem>>
    %dma_wait3A_152 = tpu.memref_squeeze %dma_wait3A_151 : memref<1x80xi32, #tpu.memory_space<vmem>> -> memref<80xi32, #tpu.memory_space<vmem>>
    %dma_wait3A_153 = arith.constant 0 : i32
    %dma_wait3A_154 = arith.constant 0 : i32
    %dma_wait3A_155 = tpu.memref_slice %arg2[%dma_wait3A_153, %dma_wait3A_154] : memref<100000x128xf32, #tpu.memory_space<hbm>> -> memref<100000x128xf32, #tpu.memory_space<hbm>>
    tpu.wait_indirect_dma semaphore(%arg8 : memref<!tpu.dma_semaphore, #tpu.memory_space<semaphore_mem>>) src(%dma_wait3A_155 : memref<100000x128xf32, #tpu.memory_space<hbm>>) dst(%dma_wait3A_149 : memref<80x128xf32, #tpu.memory_space<vmem>>)
    %dma_wait3A_156 = arith.constant 0 : i32
    %dma_wait3A_157 = arith.constant 0 : i32
    %dma_wait3A_158 = tpu.memref_slice %arg7[%dma_wait3A_156, %dma_wait3A_157] : memref<160x128xi32, #tpu.memory_space<vmem>> -> memref<80x128xi32, #tpu.memory_space<vmem>>
    %dma_wait3A_159 = arith.constant 0 : i32
    %dma_wait3A_160 = tpu.memref_slice %arg4[%mul3A_2, %dma_wait3A_159] : memref<51200x128xi32, #tpu.memory_space<hbm>> -> memref<80x128xi32, #tpu.memory_space<hbm>>
    %dma_wait3A_161 = arith.constant 0 : i32
    %dma_wait3A_162 = tpu.memref_slice %arg4[%mul3A_2, %dma_wait3A_161] : memref<51200x128xi32, #tpu.memory_space<hbm>> -> memref<80x128xi32, #tpu.memory_space<hbm>>
    %dma_wait3A_163 = arith.constant 0 : i32
    %dma_wait3A_164 = arith.constant 0 : i32
    %dma_wait3A_165 = tpu.memref_slice %arg7[%dma_wait3A_163, %dma_wait3A_164] : memref<160x128xi32, #tpu.memory_space<vmem>> -> memref<80x128xi32, #tpu.memory_space<vmem>>
    tpu.wait_dma2 semaphore(%arg9 : memref<!tpu.dma_semaphore, #tpu.memory_space<semaphore_mem>>) src(%dma_wait3A_165 : memref<80x128xi32, #tpu.memory_space<vmem>>) dst(%dma_wait3A_162 : memref<80x128xi32, #tpu.memory_space<hbm>>)
    %parallel_loop3A_166 = arith.constant 0 : i32
    %parallel_loop3A_167 = arith.constant 80 : i32
    %parallel_loop3A_168 = arith.constant 1 : i32
    scf.for %parallel_loop3A_201 = %parallel_loop3A_166 to %parallel_loop3A_167 step %parallel_loop3A_168  : i32 {
      %parallel_loop3A_202 = arith.constant 160 : i32
      %parallel_loop3A_203 = arith.addi %parallel_loop3A_202, %parallel_loop3A_201 : i32
      %parallel_loop3A_204 = arith.index_cast %parallel_loop3A_203 : i32 to index
      %parallel_loop3A_205 = arith.constant 0 : index
      %parallel_loop3A_206 = tpu.vector_load %arg6[%parallel_loop3A_204, %parallel_loop3A_205] {strides = array<i32>} : memref<320x128xf32, #tpu.memory_space<vmem>>, vector<16xf32>,
      %parallel_loop3A_207 = vector.bitcast %parallel_loop3A_206 : vector<16xf32> to vector<16xi32>
      %parallel_loop3A_208 = arith.constant 240 : i32
      %parallel_loop3A_209 = arith.addi %parallel_loop3A_208, %parallel_loop3A_201 : i32
      %parallel_loop3A_210 = arith.index_cast %parallel_loop3A_209 : i32 to index
      %parallel_loop3A_211 = arith.constant 0 : index
      %parallel_loop3A_212 = tpu.vector_load %arg6[%parallel_loop3A_210, %parallel_loop3A_211] {strides = array<i32>} : memref<320x128xf32, #tpu.memory_space<vmem>>, vector<16xf32>,
      %parallel_loop3A_213 = vector.bitcast %parallel_loop3A_212 : vector<16xf32> to vector<16xi32>
      %parallel_loop3A_214 = arith.constant 16 : i32
      %parallel_loop3A_215 = vector.broadcast %parallel_loop3A_214 : i32 to vector<16xi32>
      %parallel_loop3A_216 = arith.shrui %parallel_loop3A_207, %parallel_loop3A_215 : vector<16xi32>
      %parallel_loop3A_217 = arith.constant -65536 : i32
      %parallel_loop3A_218 = vector.broadcast %parallel_loop3A_217 : i32 to vector<16xi32>
      %parallel_loop3A_219 = arith.andi %parallel_loop3A_213, %parallel_loop3A_218 : vector<16xi32>
      %parallel_loop3A_220 = arith.ori %parallel_loop3A_216, %parallel_loop3A_219 : vector<16xi32>
      %parallel_loop3A_221 = arith.constant 80 : i32
      %parallel_loop3A_222 = arith.addi %parallel_loop3A_221, %parallel_loop3A_201 : i32
      %parallel_loop3A_223 = arith.index_cast %parallel_loop3A_222 : i32 to index
      %parallel_loop3A_224 = arith.constant 0 : index
      %parallel_loop3A_225 = tpu.vector_load %arg7[%parallel_loop3A_223, %parallel_loop3A_224] {strides = array<i32>} : memref<160x128xi32, #tpu.memory_space<vmem>>, vector<16xi32>,
      tpu.vector_store %arg7[%parallel_loop3A_223, %parallel_loop3A_224], %parallel_loop3A_220 {strides = array<i32>} : memref<160x128xi32, #tpu.memory_space<vmem>>, vector<16xi32>,
      %parallel_loop3A_226 = arith.constant 160 : i32
      %parallel_loop3A_227 = arith.addi %parallel_loop3A_226, %parallel_loop3A_201 : i32
      %parallel_loop3A_228 = arith.index_cast %parallel_loop3A_227 : i32 to index
      %parallel_loop3A_229 = arith.constant 16 : index
      %parallel_loop3A_230 = tpu.vector_load %arg6[%parallel_loop3A_228, %parallel_loop3A_229] {strides = array<i32>} : memref<320x128xf32, #tpu.memory_space<vmem>>, vector<16xf32>,
      %parallel_loop3A_231 = vector.bitcast %parallel_loop3A_230 : vector<16xf32> to vector<16xi32>
      %parallel_loop3A_232 = arith.constant 240 : i32
      %parallel_loop3A_233 = arith.addi %parallel_loop3A_232, %parallel_loop3A_201 : i32
      %parallel_loop3A_234 = arith.index_cast %parallel_loop3A_233 : i32 to index
      %parallel_loop3A_235 = arith.constant 16 : index
      %parallel_loop3A_236 = tpu.vector_load %arg6[%parallel_loop3A_234, %parallel_loop3A_235] {strides = array<i32>} : memref<320x128xf32, #tpu.memory_space<vmem>>, vector<16xf32>,
      %parallel_loop3A_237 = vector.bitcast %parallel_loop3A_236 : vector<16xf32> to vector<16xi32>
      %parallel_loop3A_238 = arith.constant 16 : i32
      %parallel_loop3A_239 = vector.broadcast %parallel_loop3A_238 : i32 to vector<16xi32>
      %parallel_loop3A_240 = arith.shrui %parallel_loop3A_231, %parallel_loop3A_239 : vector<16xi32>
      %parallel_loop3A_241 = arith.constant -65536 : i32
      %parallel_loop3A_242 = vector.broadcast %parallel_loop3A_241 : i32 to vector<16xi32>
      %parallel_loop3A_243 = arith.andi %parallel_loop3A_237, %parallel_loop3A_242 : vector<16xi32>
      %parallel_loop3A_244 = arith.ori %parallel_loop3A_240, %parallel_loop3A_243 : vector<16xi32>
      %parallel_loop3A_245 = arith.constant 80 : i32
      %parallel_loop3A_246 = arith.addi %parallel_loop3A_245, %parallel_loop3A_201 : i32
      %parallel_loop3A_247 = arith.index_cast %parallel_loop3A_246 : i32 to index
      %parallel_loop3A_248 = arith.constant 16 : index
      %parallel_loop3A_249 = tpu.vector_load %arg7[%parallel_loop3A_247, %parallel_loop3A_248] {strides = array<i32>} : memref<160x128xi32, #tpu.memory_space<vmem>>, vector<16xi32>,
      tpu.vector_store %arg7[%parallel_loop3A_247, %parallel_loop3A_248], %parallel_loop3A_244 {strides = array<i32>} : memref<160x128xi32, #tpu.memory_space<vmem>>, vector<16xi32>,
      %parallel_loop3A_250 = arith.constant 160 : i32
      %parallel_loop3A_251 = arith.addi %parallel_loop3A_250, %parallel_loop3A_201 : i32
      %parallel_loop3A_252 = arith.index_cast %parallel_loop3A_251 : i32 to index
      %parallel_loop3A_253 = arith.constant 32 : index
      %parallel_loop3A_254 = tpu.vector_load %arg6[%parallel_loop3A_252, %parallel_loop3A_253] {strides = array<i32>} : memref<320x128xf32, #tpu.memory_space<vmem>>, vector<16xf32>,
      %parallel_loop3A_255 = vector.bitcast %parallel_loop3A_254 : vector<16xf32> to vector<16xi32>
      %parallel_loop3A_256 = arith.constant 240 : i32
      %parallel_loop3A_257 = arith.addi %parallel_loop3A_256, %parallel_loop3A_201 : i32
      %parallel_loop3A_258 = arith.index_cast %parallel_loop3A_257 : i32 to index
      %parallel_loop3A_259 = arith.constant 32 : index
      %parallel_loop3A_260 = tpu.vector_load %arg6[%parallel_loop3A_258, %parallel_loop3A_259] {strides = array<i32>} : memref<320x128xf32, #tpu.memory_space<vmem>>, vector<16xf32>,
      %parallel_loop3A_261 = vector.bitcast %parallel_loop3A_260 : vector<16xf32> to vector<16xi32>
      %parallel_loop3A_262 = arith.constant 16 : i32
      %parallel_loop3A_263 = vector.broadcast %parallel_loop3A_262 : i32 to vector<16xi32>
      %parallel_loop3A_264 = arith.shrui %parallel_loop3A_255, %parallel_loop3A_263 : vector<16xi32>
      %parallel_loop3A_265 = arith.constant -65536 : i32
      %parallel_loop3A_266 = vector.broadcast %parallel_loop3A_265 : i32 to vector<16xi32>
      %parallel_loop3A_267 = arith.andi %parallel_loop3A_261, %parallel_loop3A_266 : vector<16xi32>
      %parallel_loop3A_268 = arith.ori %parallel_loop3A_264, %parallel_loop3A_267 : vector<16xi32>
      %parallel_loop3A_269 = arith.constant 80 : i32
      %parallel_loop3A_270 = arith.addi %parallel_loop3A_269, %parallel_loop3A_201 : i32
      %parallel_loop3A_271 = arith.index_cast %parallel_loop3A_270 : i32 to index
      %parallel_loop3A_272 = arith.constant 32 : index
      %parallel_loop3A_273 = tpu.vector_load %arg7[%parallel_loop3A_271, %parallel_loop3A_272] {strides = array<i32>} : memref<160x128xi32, #tpu.memory_space<vmem>>, vector<16xi32>,
      tpu.vector_store %arg7[%parallel_loop3A_271, %parallel_loop3A_272], %parallel_loop3A_268 {strides = array<i32>} : memref<160x128xi32, #tpu.memory_space<vmem>>, vector<16xi32>,
      %parallel_loop3A_274 = arith.constant 160 : i32
      %parallel_loop3A_275 = arith.addi %parallel_loop3A_274, %parallel_loop3A_201 : i32
      %parallel_loop3A_276 = arith.index_cast %parallel_loop3A_275 : i32 to index
      %parallel_loop3A_277 = arith.constant 48 : index
      %parallel_loop3A_278 = tpu.vector_load %arg6[%parallel_loop3A_276, %parallel_loop3A_277] {strides = array<i32>} : memref<320x128xf32, #tpu.memory_space<vmem>>, vector<16xf32>,
      %parallel_loop3A_279 = vector.bitcast %parallel_loop3A_278 : vector<16xf32> to vector<16xi32>
      %parallel_loop3A_280 = arith.constant 240 : i32
      %parallel_loop3A_281 = arith.addi %parallel_loop3A_280, %parallel_loop3A_201 : i32
      %parallel_loop3A_282 = arith.index_cast %parallel_loop3A_281 : i32 to index
      %parallel_loop3A_283 = arith.constant 48 : index
      %parallel_loop3A_284 = tpu.vector_load %arg6[%parallel_loop3A_282, %parallel_loop3A_283] {strides = array<i32>} : memref<320x128xf32, #tpu.memory_space<vmem>>, vector<16xf32>,
      %parallel_loop3A_285 = vector.bitcast %parallel_loop3A_284 : vector<16xf32> to vector<16xi32>
      %parallel_loop3A_286 = arith.constant 16 : i32
      %parallel_loop3A_287 = vector.broadcast %parallel_loop3A_286 : i32 to vector<16xi32>
      %parallel_loop3A_288 = arith.shrui %parallel_loop3A_279, %parallel_loop3A_287 : vector<16xi32>
      %parallel_loop3A_289 = arith.constant -65536 : i32
      %parallel_loop3A_290 = vector.broadcast %parallel_loop3A_289 : i32 to vector<16xi32>
      %parallel_loop3A_291 = arith.andi %parallel_loop3A_285, %parallel_loop3A_290 : vector<16xi32>
      %parallel_loop3A_292 = arith.ori %parallel_loop3A_288, %parallel_loop3A_291 : vector<16xi32>
      %parallel_loop3A_293 = arith.constant 80 : i32
      %parallel_loop3A_294 = arith.addi %parallel_loop3A_293, %parallel_loop3A_201 : i32
      %parallel_loop3A_295 = arith.index_cast %parallel_loop3A_294 : i32 to index
      %parallel_loop3A_296 = arith.constant 48 : index
      %parallel_loop3A_297 = tpu.vector_load %arg7[%parallel_loop3A_295, %parallel_loop3A_296] {strides = array<i32>} : memref<160x128xi32, #tpu.memory_space<vmem>>, vector<16xi32>,
      tpu.vector_store %arg7[%parallel_loop3A_295, %parallel_loop3A_296], %parallel_loop3A_292 {strides = array<i32>} : memref<160x128xi32, #tpu.memory_space<vmem>>, vector<16xi32>,
      %parallel_loop3A_298 = arith.constant 160 : i32
      %parallel_loop3A_299 = arith.addi %parallel_loop3A_298, %parallel_loop3A_201 : i32
      %parallel_loop3A_300 = arith.index_cast %parallel_loop3A_299 : i32 to index
      %parallel_loop3A_301 = arith.constant 64 : index
      %parallel_loop3A_302 = tpu.vector_load %arg6[%parallel_loop3A_300, %parallel_loop3A_301] {strides = array<i32>} : memref<320x128xf32, #tpu.memory_space<vmem>>, vector<16xf32>,
      %parallel_loop3A_303 = vector.bitcast %parallel_loop3A_302 : vector<16xf32> to vector<16xi32>
      %parallel_loop3A_304 = arith.constant 240 : i32
      %parallel_loop3A_305 = arith.addi %parallel_loop3A_304, %parallel_loop3A_201 : i32
      %parallel_loop3A_306 = arith.index_cast %parallel_loop3A_305 : i32 to index
      %parallel_loop3A_307 = arith.constant 64 : index
      %parallel_loop3A_308 = tpu.vector_load %arg6[%parallel_loop3A_306, %parallel_loop3A_307] {strides = array<i32>} : memref<320x128xf32, #tpu.memory_space<vmem>>, vector<16xf32>,
      %parallel_loop3A_309 = vector.bitcast %parallel_loop3A_308 : vector<16xf32> to vector<16xi32>
      %parallel_loop3A_310 = arith.constant 16 : i32
      %parallel_loop3A_311 = vector.broadcast %parallel_loop3A_310 : i32 to vector<16xi32>
      %parallel_loop3A_312 = arith.shrui %parallel_loop3A_303, %parallel_loop3A_311 : vector<16xi32>
      %parallel_loop3A_313 = arith.constant -65536 : i32
      %parallel_loop3A_314 = vector.broadcast %parallel_loop3A_313 : i32 to vector<16xi32>
      %parallel_loop3A_315 = arith.andi %parallel_loop3A_309, %parallel_loop3A_314 : vector<16xi32>
      %parallel_loop3A_316 = arith.ori %parallel_loop3A_312, %parallel_loop3A_315 : vector<16xi32>
      %parallel_loop3A_317 = arith.constant 80 : i32
      %parallel_loop3A_318 = arith.addi %parallel_loop3A_317, %parallel_loop3A_201 : i32
      %parallel_loop3A_319 = arith.index_cast %parallel_loop3A_318 : i32 to index
      %parallel_loop3A_320 = arith.constant 64 : index
      %parallel_loop3A_321 = tpu.vector_load %arg7[%parallel_loop3A_319, %parallel_loop3A_320] {strides = array<i32>} : memref<160x128xi32, #tpu.memory_space<vmem>>, vector<16xi32>,
      tpu.vector_store %arg7[%parallel_loop3A_319, %parallel_loop3A_320], %parallel_loop3A_316 {strides = array<i32>} : memref<160x128xi32, #tpu.memory_space<vmem>>, vector<16xi32>,
      %parallel_loop3A_322 = arith.constant 160 : i32
      %parallel_loop3A_323 = arith.addi %parallel_loop3A_322, %parallel_loop3A_201 : i32
      %parallel_loop3A_324 = arith.index_cast %parallel_loop3A_323 : i32 to index
      %parallel_loop3A_325 = arith.constant 80 : index
      %parallel_loop3A_326 = tpu.vector_load %arg6[%parallel_loop3A_324, %parallel_loop3A_325] {strides = array<i32>} : memref<320x128xf32, #tpu.memory_space<vmem>>, vector<16xf32>,
      %parallel_loop3A_327 = vector.bitcast %parallel_loop3A_326 : vector<16xf32> to vector<16xi32>
      %parallel_loop3A_328 = arith.constant 240 : i32
      %parallel_loop3A_329 = arith.addi %parallel_loop3A_328, %parallel_loop3A_201 : i32
      %parallel_loop3A_330 = arith.index_cast %parallel_loop3A_329 : i32 to index
      %parallel_loop3A_331 = arith.constant 80 : index
      %parallel_loop3A_332 = tpu.vector_load %arg6[%parallel_loop3A_330, %parallel_loop3A_331] {strides = array<i32>} : memref<320x128xf32, #tpu.memory_space<vmem>>, vector<16xf32>,
      %parallel_loop3A_333 = vector.bitcast %parallel_loop3A_332 : vector<16xf32> to vector<16xi32>
      %parallel_loop3A_334 = arith.constant 16 : i32
      %parallel_loop3A_335 = vector.broadcast %parallel_loop3A_334 : i32 to vector<16xi32>
      %parallel_loop3A_336 = arith.shrui %parallel_loop3A_327, %parallel_loop3A_335 : vector<16xi32>
      %parallel_loop3A_337 = arith.constant -65536 : i32
      %parallel_loop3A_338 = vector.broadcast %parallel_loop3A_337 : i32 to vector<16xi32>
      %parallel_loop3A_339 = arith.andi %parallel_loop3A_333, %parallel_loop3A_338 : vector<16xi32>
      %parallel_loop3A_340 = arith.ori %parallel_loop3A_336, %parallel_loop3A_339 : vector<16xi32>
      %parallel_loop3A_341 = arith.constant 80 : i32
      %parallel_loop3A_342 = arith.addi %parallel_loop3A_341, %parallel_loop3A_201 : i32
      %parallel_loop3A_343 = arith.index_cast %parallel_loop3A_342 : i32 to index
      %parallel_loop3A_344 = arith.constant 80 : index
      %parallel_loop3A_345 = tpu.vector_load %arg7[%parallel_loop3A_343, %parallel_loop3A_344] {strides = array<i32>} : memref<160x128xi32, #tpu.memory_space<vmem>>, vector<16xi32>,
      tpu.vector_store %arg7[%parallel_loop3A_343, %parallel_loop3A_344], %parallel_loop3A_340 {strides = array<i32>} : memref<160x128xi32, #tpu.memory_space<vmem>>, vector<16xi32>,
      %parallel_loop3A_346 = arith.constant 160 : i32
      %parallel_loop3A_347 = arith.addi %parallel_loop3A_346, %parallel_loop3A_201 : i32
      %parallel_loop3A_348 = arith.index_cast %parallel_loop3A_347 : i32 to index
      %parallel_loop3A_349 = arith.constant 96 : index
      %parallel_loop3A_350 = tpu.vector_load %arg6[%parallel_loop3A_348, %parallel_loop3A_349] {strides = array<i32>} : memref<320x128xf32, #tpu.memory_space<vmem>>, vector<16xf32>,
      %parallel_loop3A_351 = vector.bitcast %parallel_loop3A_350 : vector<16xf32> to vector<16xi32>
      %parallel_loop3A_352 = arith.constant 240 : i32
      %parallel_loop3A_353 = arith.addi %parallel_loop3A_352, %parallel_loop3A_201 : i32
      %parallel_loop3A_354 = arith.index_cast %parallel_loop3A_353 : i32 to index
      %parallel_loop3A_355 = arith.constant 96 : index
      %parallel_loop3A_356 = tpu.vector_load %arg6[%parallel_loop3A_354, %parallel_loop3A_355] {strides = array<i32>} : memref<320x128xf32, #tpu.memory_space<vmem>>, vector<16xf32>,
      %parallel_loop3A_357 = vector.bitcast %parallel_loop3A_356 : vector<16xf32> to vector<16xi32>
      %parallel_loop3A_358 = arith.constant 16 : i32
      %parallel_loop3A_359 = vector.broadcast %parallel_loop3A_358 : i32 to vector<16xi32>
      %parallel_loop3A_360 = arith.shrui %parallel_loop3A_351, %parallel_loop3A_359 : vector<16xi32>
      %parallel_loop3A_361 = arith.constant -65536 : i32
      %parallel_loop3A_362 = vector.broadcast %parallel_loop3A_361 : i32 to vector<16xi32>
      %parallel_loop3A_363 = arith.andi %parallel_loop3A_357, %parallel_loop3A_362 : vector<16xi32>
      %parallel_loop3A_364 = arith.ori %parallel_loop3A_360, %parallel_loop3A_363 : vector<16xi32>
      %parallel_loop3A_365 = arith.constant 80 : i32
      %parallel_loop3A_366 = arith.addi %parallel_loop3A_365, %parallel_loop3A_201 : i32
      %parallel_loop3A_367 = arith.index_cast %parallel_loop3A_366 : i32 to index
      %parallel_loop3A_368 = arith.constant 96 : index
      %parallel_loop3A_369 = tpu.vector_load %arg7[%parallel_loop3A_367, %parallel_loop3A_368] {strides = array<i32>} : memref<160x128xi32, #tpu.memory_space<vmem>>, vector<16xi32>,
      tpu.vector_store %arg7[%parallel_loop3A_367, %parallel_loop3A_368], %parallel_loop3A_364 {strides = array<i32>} : memref<160x128xi32, #tpu.memory_space<vmem>>, vector<16xi32>,
      %parallel_loop3A_370 = arith.constant 160 : i32
      %parallel_loop3A_371 = arith.addi %parallel_loop3A_370, %parallel_loop3A_201 : i32
      %parallel_loop3A_372 = arith.index_cast %parallel_loop3A_371 : i32 to index
      %parallel_loop3A_373 = arith.constant 112 : index
      %parallel_loop3A_374 = tpu.vector_load %arg6[%parallel_loop3A_372, %parallel_loop3A_373] {strides = array<i32>} : memref<320x128xf32, #tpu.memory_space<vmem>>, vector<16xf32>,
      %parallel_loop3A_375 = vector.bitcast %parallel_loop3A_374 : vector<16xf32> to vector<16xi32>
      %parallel_loop3A_376 = arith.constant 240 : i32
      %parallel_loop3A_377 = arith.addi %parallel_loop3A_376, %parallel_loop3A_201 : i32
      %parallel_loop3A_378 = arith.index_cast %parallel_loop3A_377 : i32 to index
      %parallel_loop3A_379 = arith.constant 112 : index
      %parallel_loop3A_380 = tpu.vector_load %arg6[%parallel_loop3A_378, %parallel_loop3A_379] {strides = array<i32>} : memref<320x128xf32, #tpu.memory_space<vmem>>, vector<16xf32>,
      %parallel_loop3A_381 = vector.bitcast %parallel_loop3A_380 : vector<16xf32> to vector<16xi32>
      %parallel_loop3A_382 = arith.constant 16 : i32
      %parallel_loop3A_383 = vector.broadcast %parallel_loop3A_382 : i32 to vector<16xi32>
      %parallel_loop3A_384 = arith.shrui %parallel_loop3A_375, %parallel_loop3A_383 : vector<16xi32>
      %parallel_loop3A_385 = arith.constant -65536 : i32
      %parallel_loop3A_386 = vector.broadcast %parallel_loop3A_385 : i32 to vector<16xi32>
      %parallel_loop3A_387 = arith.andi %parallel_loop3A_381, %parallel_loop3A_386 : vector<16xi32>
      %parallel_loop3A_388 = arith.ori %parallel_loop3A_384, %parallel_loop3A_387 : vector<16xi32>
      %parallel_loop3A_389 = arith.constant 80 : i32
      %parallel_loop3A_390 = arith.addi %parallel_loop3A_389, %parallel_loop3A_201 : i32
      %parallel_loop3A_391 = arith.index_cast %parallel_loop3A_390 : i32 to index
      %parallel_loop3A_392 = arith.constant 112 : index
      %parallel_loop3A_393 = tpu.vector_load %arg7[%parallel_loop3A_391, %parallel_loop3A_392] {strides = array<i32>} : memref<160x128xi32, #tpu.memory_space<vmem>>, vector<16xi32>,
      tpu.vector_store %arg7[%parallel_loop3A_391, %parallel_loop3A_392], %parallel_loop3A_388 {strides = array<i32>} : memref<160x128xi32, #tpu.memory_space<vmem>>, vector<16xi32>,
    } {sc.loop_unroll_factor = 4 : i64, sc.parallel_access}
    %add3A_169 = arith.constant 1520 : i32
    %add3A_170 = arith.addi %mul3A_2, %add3A_169 : i32
    %dma_start3A_171 = arith.constant 80 : i32
    %dma_start3A_172 = arith.constant 0 : i32
    %dma_start3A_173 = tpu.memref_slice %arg7[%dma_start3A_171, %dma_start3A_172] : memref<160x128xi32, #tpu.memory_space<vmem>> -> memref<80x128xi32, #tpu.memory_space<vmem>>
    %dma_start3A_174 = arith.constant 0 : i32
    %dma_start3A_175 = tpu.memref_slice %arg4[%add3A_170, %dma_start3A_174] : memref<51200x128xi32, #tpu.memory_space<hbm>> -> memref<80x128xi32, #tpu.memory_space<hbm>>
    %dma_start3A_176 = arith.constant 0 : i32
    %dma_start3A_177 = tpu.memref_slice %arg4[%add3A_170, %dma_start3A_176] : memref<51200x128xi32, #tpu.memory_space<hbm>> -> memref<80x128xi32, #tpu.memory_space<hbm>>
    %dma_start3A_178 = arith.constant 80 : i32
    %dma_start3A_179 = arith.constant 0 : i32
    %dma_start3A_180 = tpu.memref_slice %arg7[%dma_start3A_178, %dma_start3A_179] : memref<160x128xi32, #tpu.memory_space<vmem>> -> memref<80x128xi32, #tpu.memory_space<vmem>>
    tpu.enqueue_dma source(%dma_start3A_180 : memref<80x128xi32, #tpu.memory_space<vmem>>) target(%dma_start3A_177 : memref<80x128xi32, #tpu.memory_space<hbm>>) target_semaphore(%arg9 : memref<!tpu.dma_semaphore, #tpu.memory_space<semaphore_mem>>)
    %dma_wait3A_181 = arith.constant 0 : i32
    %dma_wait3A_182 = arith.constant 0 : i32
    %dma_wait3A_183 = tpu.memref_slice %arg7[%dma_wait3A_181, %dma_wait3A_182] : memref<160x128xi32, #tpu.memory_space<vmem>> -> memref<80x128xi32, #tpu.memory_space<vmem>>
    %dma_wait3A_184 = arith.constant 0 : i32
    %dma_wait3A_185 = tpu.memref_slice %arg4[%mul3A_2, %dma_wait3A_184] : memref<51200x128xi32, #tpu.memory_space<hbm>> -> memref<80x128xi32, #tpu.memory_space<hbm>>
    %dma_wait3A_186 = arith.constant 0 : i32
    %dma_wait3A_187 = tpu.memref_slice %arg4[%mul3A_2, %dma_wait3A_186] : memref<51200x128xi32, #tpu.memory_space<hbm>> -> memref<80x128xi32, #tpu.memory_space<hbm>>
    %dma_wait3A_188 = arith.constant 0 : i32
    %dma_wait3A_189 = arith.constant 0 : i32
    %dma_wait3A_190 = tpu.memref_slice %arg7[%dma_wait3A_188, %dma_wait3A_189] : memref<160x128xi32, #tpu.memory_space<vmem>> -> memref<80x128xi32, #tpu.memory_space<vmem>>
    tpu.wait_dma2 semaphore(%arg9 : memref<!tpu.dma_semaphore, #tpu.memory_space<semaphore_mem>>) src(%dma_wait3A_190 : memref<80x128xi32, #tpu.memory_space<vmem>>) dst(%dma_wait3A_187 : memref<80x128xi32, #tpu.memory_space<hbm>>)
    %dma_wait3A_191 = arith.constant 0 : i32
    %dma_wait3A_192 = arith.constant 0 : i32
    %dma_wait3A_193 = tpu.memref_slice %arg7[%dma_wait3A_191, %dma_wait3A_192] : memref<160x128xi32, #tpu.memory_space<vmem>> -> memref<80x128xi32, #tpu.memory_space<vmem>>
    %dma_wait3A_194 = arith.constant 0 : i32
    %dma_wait3A_195 = tpu.memref_slice %arg4[%mul3A_2, %dma_wait3A_194] : memref<51200x128xi32, #tpu.memory_space<hbm>> -> memref<80x128xi32, #tpu.memory_space<hbm>>
    %dma_wait3A_196 = arith.constant 0 : i32
    %dma_wait3A_197 = tpu.memref_slice %arg4[%mul3A_2, %dma_wait3A_196] : memref<51200x128xi32, #tpu.memory_space<hbm>> -> memref<80x128xi32, #tpu.memory_space<hbm>>
    %dma_wait3A_198 = arith.constant 0 : i32
    %dma_wait3A_199 = arith.constant 0 : i32
    %dma_wait3A_200 = tpu.memref_slice %arg7[%dma_wait3A_198, %dma_wait3A_199] : memref<160x128xi32, #tpu.memory_space<vmem>> -> memref<80x128xi32, #tpu.memory_space<vmem>>
    tpu.wait_dma2 semaphore(%arg9 : memref<!tpu.dma_semaphore, #tpu.memory_space<semaphore_mem>>) src(%dma_wait3A_200 : memref<80x128xi32, #tpu.memory_space<vmem>>) dst(%dma_wait3A_197 : memref<80x128xi32, #tpu.memory_space<hbm>>)
    return
  }
}

#map = affine_map<(d0, d1) -> (0, 0)>
#map1 = affine_map<(d0, d1) -> (0, 0, 0)>
module attributes {stable_mosaic.version = 14 : i64} {
  func.func @k(%arg0: i32, %arg1: i32, %arg2: memref<100000x128xf32, #tpu.memory_space<hbm>>, %arg3: memref<32x40x80xi32, #tpu.memory_space<hbm>>, %arg4: memref<51200x128xi32, #tpu.memory_space<hbm>>, %arg5: memref<40x80xi32, #tpu.memory_space<vmem>>, %arg6: memref<320x128xf32, #tpu.memory_space<vmem>>, %arg7: memref<160x128xi32, #tpu.memory_space<vmem>>, %arg8: memref<!tpu.dma_semaphore, #tpu.memory_space<semaphore_mem>>, %arg9: memref<!tpu.dma_semaphore, #tpu.memory_space<semaphore_mem>>) attributes {dimension_semantics = [#tpu.dimension_semantics<core_parallel>, #tpu.dimension_semantics<subcore_parallel>], iteration_bounds = array<i64: 2, 16>, scalar_prefetch = 0 : i64, scratch_operands = 5 : i64, tpu.core_type = #tpu.core_type<sc_vector_subcore>, window_params = [{transform_indices = #map}, {transform_indices = #map1}, {transform_indices = #map}]} {
    %mul3A = arith.constant 2 : i32
    %mul3A_0 = arith.muli %arg1, %mul3A : i32
    %add3A = arith.addi %mul3A_0, %arg0 : i32
    %mul3A_1 = arith.constant 1600 : i32
    %mul3A_2 = arith.muli %add3A, %mul3A_1 : i32
    "tpu.region"() ({
      %run_scoped3A = tpu.sem_alloc : memref<!tpu.dma_semaphore, #tpu.memory_space<semaphore_mem>>
      %dma_start3A_201 = arith.constant 0 : i32
      %dma_start3A_202 = arith.constant 0 : i32
      %dma_start3A_203 = tpu.memref_slice %arg3[%add3A, %dma_start3A_201, %dma_start3A_202] : memref<32x40x80xi32, #tpu.memory_space<hbm>> -> memref<1x40x80xi32, #tpu.memory_space<hbm>>
      %dma_start3A_204 = tpu.memref_squeeze %dma_start3A_203 : memref<1x40x80xi32, #tpu.memory_space<hbm>> -> memref<40x80xi32, #tpu.memory_space<hbm>>
      %dma_start3A_205 = arith.constant 0 : i32
      %dma_start3A_206 = arith.constant 0 : i32
      %dma_start3A_207 = tpu.memref_slice %arg3[%add3A, %dma_start3A_205, %dma_start3A_206] : memref<32x40x80xi32, #tpu.memory_space<hbm>> -> memref<1x40x80xi32, #tpu.memory_space<hbm>>
      %dma_start3A_208 = tpu.memref_squeeze %dma_start3A_207 : memref<1x40x80xi32, #tpu.memory_space<hbm>> -> memref<40x80xi32, #tpu.memory_space<hbm>>
      tpu.enqueue_dma source(%dma_start3A_208 : memref<40x80xi32, #tpu.memory_space<hbm>>) target(%arg5 : memref<40x80xi32, #tpu.memory_space<vmem>>) target_semaphore(%run_scoped3A : memref<!tpu.dma_semaphore, #tpu.memory_space<semaphore_mem>>)
      %dma_wait3A_209 = arith.constant 0 : i32
      %dma_wait3A_210 = arith.constant 0 : i32
      %dma_wait3A_211 = tpu.memref_slice %arg3[%add3A, %dma_wait3A_209, %dma_wait3A_210] : memref<32x40x80xi32, #tpu.memory_space<hbm>> -> memref<1x40x80xi32, #tpu.memory_space<hbm>>
      %dma_wait3A_212 = tpu.memref_squeeze %dma_wait3A_211 : memref<1x40x80xi32, #tpu.memory_space<hbm>> -> memref<40x80xi32, #tpu.memory_space<hbm>>
      %dma_wait3A_213 = arith.constant 0 : i32
      %dma_wait3A_214 = arith.constant 0 : i32
      %dma_wait3A_215 = tpu.memref_slice %arg3[%add3A, %dma_wait3A_213, %dma_wait3A_214] : memref<32x40x80xi32, #tpu.memory_space<hbm>> -> memref<1x40x80xi32, #tpu.memory_space<hbm>>
      %dma_wait3A_216 = tpu.memref_squeeze %dma_wait3A_215 : memref<1x40x80xi32, #tpu.memory_space<hbm>> -> memref<40x80xi32, #tpu.memory_space<hbm>>
      tpu.wait_dma2 semaphore(%run_scoped3A : memref<!tpu.dma_semaphore, #tpu.memory_space<semaphore_mem>>) src(%dma_wait3A_216 : memref<40x80xi32, #tpu.memory_space<hbm>>) dst(%arg5 : memref<40x80xi32, #tpu.memory_space<vmem>>)
      tpu.yield
    }) : () -> ()
    %dma_start3A = arith.constant 0 : i32
    %dma_start3A_3 = arith.constant 0 : i32
    %dma_start3A_4 = arith.constant 0 : i32
    %dma_start3A_5 = tpu.memref_slice %arg6[%dma_start3A_3, %dma_start3A_4] : memref<320x128xf32, #tpu.memory_space<vmem>> -> memref<80x128xf32, #tpu.memory_space<vmem>>
    %dma_start3A_6 = arith.constant 0 : i32
    %dma_start3A_7 = tpu.memref_slice %arg5[%dma_start3A, %dma_start3A_6] : memref<40x80xi32, #tpu.memory_space<vmem>> -> memref<1x80xi32, #tpu.memory_space<vmem>>
    %dma_start3A_8 = tpu.memref_squeeze %dma_start3A_7 : memref<1x80xi32, #tpu.memory_space<vmem>> -> memref<80xi32, #tpu.memory_space<vmem>>
    %dma_start3A_9 = arith.constant 0 : i32
    %dma_start3A_10 = arith.constant 0 : i32
    %dma_start3A_11 = tpu.memref_slice %arg2[%dma_start3A_9, %dma_start3A_10] : memref<100000x128xf32, #tpu.memory_space<hbm>> -> memref<100000x128xf32, #tpu.memory_space<hbm>>
    tpu.enqueue_indirect_dma source(%dma_start3A_11 : memref<100000x128xf32, #tpu.memory_space<hbm>>) target(%dma_start3A_5 : memref<80x128xf32, #tpu.memory_space<vmem>>) offsets(%dma_start3A_8 : memref<80xi32, #tpu.memory_space<vmem>>) semaphore(%arg8 : memref<!tpu.dma_semaphore, #tpu.memory_space<semaphore_mem>>)
    %dma_start3A_12 = arith.constant 1 : i32
    %dma_start3A_13 = arith.constant 80 : i32
    %dma_start3A_14 = arith.constant 0 : i32
    %dma_start3A_15 = tpu.memref_slice %arg6[%dma_start3A_13, %dma_start3A_14] : memref<320x128xf32, #tpu.memory_space<vmem>> -> memref<80x128xf32, #tpu.memory_space<vmem>>
    %dma_start3A_16 = arith.constant 0 : i32
    %dma_start3A_17 = tpu.memref_slice %arg5[%dma_start3A_12, %dma_start3A_16] : memref<40x80xi32, #tpu.memory_space<vmem>> -> memref<1x80xi32, #tpu.memory_space<vmem>>
    %dma_start3A_18 = tpu.memref_squeeze %dma_start3A_17 : memref<1x80xi32, #tpu.memory_space<vmem>> -> memref<80xi32, #tpu.memory_space<vmem>>
    %dma_start3A_19 = arith.constant 0 : i32
    %dma_start3A_20 = arith.constant 0 : i32
    %dma_start3A_21 = tpu.memref_slice %arg2[%dma_start3A_19, %dma_start3A_20] : memref<100000x128xf32, #tpu.memory_space<hbm>> -> memref<100000x128xf32, #tpu.memory_space<hbm>>
    tpu.enqueue_indirect_dma source(%dma_start3A_21 : memref<100000x128xf32, #tpu.memory_space<hbm>>) target(%dma_start3A_15 : memref<80x128xf32, #tpu.memory_space<vmem>>) offsets(%dma_start3A_18 : memref<80xi32, #tpu.memory_space<vmem>>) semaphore(%arg8 : memref<!tpu.dma_semaphore, #tpu.memory_space<semaphore_mem>>)
    %dma_start3A_22 = arith.constant 2 : i32
    %dma_start3A_23 = arith.constant 160 : i32
    %dma_start3A_24 = arith.constant 0 : i32
    %dma_start3A_25 = tpu.memref_slice %arg6[%dma_start3A_23, %dma_start3A_24] : memref<320x128xf32, #tpu.memory_space<vmem>> -> memref<80x128xf32, #tpu.memory_space<vmem>>
    %dma_start3A_26 = arith.constant 0 : i32
    %dma_start3A_27 = tpu.memref_slice %arg5[%dma_start3A_22, %dma_start3A_26] : memref<40x80xi32, #tpu.memory_space<vmem>> -> memref<1x80xi32, #tpu.memory_space<vmem>>
    %dma_start3A_28 = tpu.memref_squeeze %dma_start3A_27 : memref<1x80xi32, #tpu.memory_space<vmem>> -> memref<80xi32, #tpu.memory_space<vmem>>
    %dma_start3A_29 = arith.constant 0 : i32
    %dma_start3A_30 = arith.constant 0 : i32
    %dma_start3A_31 = tpu.memref_slice %arg2[%dma_start3A_29, %dma_start3A_30] : memref<100000x128xf32, #tpu.memory_space<hbm>> -> memref<100000x128xf32, #tpu.memory_space<hbm>>
    tpu.enqueue_indirect_dma source(%dma_start3A_31 : memref<100000x128xf32, #tpu.memory_space<hbm>>) target(%dma_start3A_25 : memref<80x128xf32, #tpu.memory_space<vmem>>) offsets(%dma_start3A_28 : memref<80xi32, #tpu.memory_space<vmem>>) semaphore(%arg8 : memref<!tpu.dma_semaphore, #tpu.memory_space<semaphore_mem>>)
    %dma_start3A_32 = arith.constant 3 : i32
    %dma_start3A_33 = arith.constant 240 : i32
    %dma_start3A_34 = arith.constant 0 : i32
    %dma_start3A_35 = tpu.memref_slice %arg6[%dma_start3A_33, %dma_start3A_34] : memref<320x128xf32, #tpu.memory_space<vmem>> -> memref<80x128xf32, #tpu.memory_space<vmem>>
    %dma_start3A_36 = arith.constant 0 : i32
    %dma_start3A_37 = tpu.memref_slice %arg5[%dma_start3A_32, %dma_start3A_36] : memref<40x80xi32, #tpu.memory_space<vmem>> -> memref<1x80xi32, #tpu.memory_space<vmem>>
    %dma_start3A_38 = tpu.memref_squeeze %dma_start3A_37 : memref<1x80xi32, #tpu.memory_space<vmem>> -> memref<80xi32, #tpu.memory_space<vmem>>
    %dma_start3A_39 = arith.constant 0 : i32
    %dma_start3A_40 = arith.constant 0 : i32
    %dma_start3A_41 = tpu.memref_slice %arg2[%dma_start3A_39, %dma_start3A_40] : memref<100000x128xf32, #tpu.memory_space<hbm>> -> memref<100000x128xf32, #tpu.memory_space<hbm>>
    tpu.enqueue_indirect_dma source(%dma_start3A_41 : memref<100000x128xf32, #tpu.memory_space<hbm>>) target(%dma_start3A_35 : memref<80x128xf32, #tpu.memory_space<vmem>>) offsets(%dma_start3A_38 : memref<80xi32, #tpu.memory_space<vmem>>) semaphore(%arg8 : memref<!tpu.dma_semaphore, #tpu.memory_space<semaphore_mem>>)
    %dma_wait3A = arith.constant 0 : i32
    %dma_wait3A_42 = arith.constant 0 : i32
    %dma_wait3A_43 = arith.constant 0 : i32
    %dma_wait3A_44 = tpu.memref_slice %arg6[%dma_wait3A_42, %dma_wait3A_43] : memref<320x128xf32, #tpu.memory_space<vmem>> -> memref<80x128xf32, #tpu.memory_space<vmem>>
    %dma_wait3A_45 = arith.constant 0 : i32
    %dma_wait3A_46 = tpu.memref_slice %arg5[%dma_wait3A, %dma_wait3A_45] : memref<40x80xi32, #tpu.memory_space<vmem>> -> memref<1x80xi32, #tpu.memory_space<vmem>>
    %dma_wait3A_47 = tpu.memref_squeeze %dma_wait3A_46 : memref<1x80xi32, #tpu.memory_space<vmem>> -> memref<80xi32, #tpu.memory_space<vmem>>
    %dma_wait3A_48 = arith.constant 0 : i32
    %dma_wait3A_49 = arith.constant 0 : i32
    %dma_wait3A_50 = tpu.memref_slice %arg2[%dma_wait3A_48, %dma_wait3A_49] : memref<100000x128xf32, #tpu.memory_space<hbm>> -> memref<100000x128xf32, #tpu.memory_space<hbm>>
    tpu.wait_indirect_dma semaphore(%arg8 : memref<!tpu.dma_semaphore, #tpu.memory_space<semaphore_mem>>) src(%dma_wait3A_50 : memref<100000x128xf32, #tpu.memory_space<hbm>>) dst(%dma_wait3A_44 : memref<80x128xf32, #tpu.memory_space<vmem>>)
    %dma_wait3A_51 = arith.constant 0 : i32
    %dma_wait3A_52 = arith.constant 0 : i32
    %dma_wait3A_53 = arith.constant 0 : i32
    %dma_wait3A_54 = tpu.memref_slice %arg6[%dma_wait3A_52, %dma_wait3A_53] : memref<320x128xf32, #tpu.memory_space<vmem>> -> memref<80x128xf32, #tpu.memory_space<vmem>>
    %dma_wait3A_55 = arith.constant 0 : i32
    %dma_wait3A_56 = tpu.memref_slice %arg5[%dma_wait3A_51, %dma_wait3A_55] : memref<40x80xi32, #tpu.memory_space<vmem>> -> memref<1x80xi32, #tpu.memory_space<vmem>>
    %dma_wait3A_57 = tpu.memref_squeeze %dma_wait3A_56 : memref<1x80xi32, #tpu.memory_space<vmem>> -> memref<80xi32, #tpu.memory_space<vmem>>
    %dma_wait3A_58 = arith.constant 0 : i32
    %dma_wait3A_59 = arith.constant 0 : i32
    %dma_wait3A_60 = tpu.memref_slice %arg2[%dma_wait3A_58, %dma_wait3A_59] : memref<100000x128xf32, #tpu.memory_space<hbm>> -> memref<100000x128xf32, #tpu.memory_space<hbm>>
    tpu.wait_indirect_dma semaphore(%arg8 : memref<!tpu.dma_semaphore, #tpu.memory_space<semaphore_mem>>) src(%dma_wait3A_60 : memref<100000x128xf32, #tpu.memory_space<hbm>>) dst(%dma_wait3A_54 : memref<80x128xf32, #tpu.memory_space<vmem>>)
    %parallel_loop3A = arith.constant 0 : i32
    %parallel_loop3A_61 = arith.constant 80 : i32
    %parallel_loop3A_62 = arith.constant 1 : i32
    scf.for %parallel_loop3A_201 = %parallel_loop3A to %parallel_loop3A_61 step %parallel_loop3A_62  : i32 {
      %parallel_loop3A_202 = arith.constant 0 : i32
      %parallel_loop3A_203 = arith.addi %parallel_loop3A_202, %parallel_loop3A_201 : i32
      %parallel_loop3A_204 = arith.index_cast %parallel_loop3A_203 : i32 to index
      %parallel_loop3A_205 = arith.constant 0 : index
      %parallel_loop3A_206 = tpu.vector_load %arg6[%parallel_loop3A_204, %parallel_loop3A_205] {strides = array<i32>} : memref<320x128xf32, #tpu.memory_space<vmem>>, vector<16xf32>,
      %parallel_loop3A_207 = vector.bitcast %parallel_loop3A_206 : vector<16xf32> to vector<16xi32>
      %parallel_loop3A_208 = arith.constant 80 : i32
      %parallel_loop3A_209 = arith.addi %parallel_loop3A_208, %parallel_loop3A_201 : i32
      %parallel_loop3A_210 = arith.index_cast %parallel_loop3A_209 : i32 to index
      %parallel_loop3A_211 = arith.constant 0 : index
      %parallel_loop3A_212 = tpu.vector_load %arg6[%parallel_loop3A_210, %parallel_loop3A_211] {strides = array<i32>} : memref<320x128xf32, #tpu.memory_space<vmem>>, vector<16xf32>,
      %parallel_loop3A_213 = vector.bitcast %parallel_loop3A_212 : vector<16xf32> to vector<16xi32>
      %parallel_loop3A_214 = arith.constant 16 : i32
      %parallel_loop3A_215 = vector.broadcast %parallel_loop3A_214 : i32 to vector<16xi32>
      %parallel_loop3A_216 = arith.shrui %parallel_loop3A_207, %parallel_loop3A_215 : vector<16xi32>
      %parallel_loop3A_217 = arith.constant -65536 : i32
      %parallel_loop3A_218 = vector.broadcast %parallel_loop3A_217 : i32 to vector<16xi32>
      %parallel_loop3A_219 = arith.andi %parallel_loop3A_213, %parallel_loop3A_218 : vector<16xi32>
      %parallel_loop3A_220 = arith.ori %parallel_loop3A_216, %parallel_loop3A_219 : vector<16xi32>
      %parallel_loop3A_221 = arith.constant 0 : i32
      %parallel_loop3A_222 = arith.addi %parallel_loop3A_221, %parallel_loop3A_201 : i32
      %parallel_loop3A_223 = arith.index_cast %parallel_loop3A_222 : i32 to index
      %parallel_loop3A_224 = arith.constant 0 : index
      %parallel_loop3A_225 = tpu.vector_load %arg7[%parallel_loop3A_223, %parallel_loop3A_224] {strides = array<i32>} : memref<160x128xi32, #tpu.memory_space<vmem>>, vector<16xi32>,
      tpu.vector_store %arg7[%parallel_loop3A_223, %parallel_loop3A_224], %parallel_loop3A_220 {strides = array<i32>} : memref<160x128xi32, #tpu.memory_space<vmem>>, vector<16xi32>,
      %parallel_loop3A_226 = arith.constant 0 : i32
      %parallel_loop3A_227 = arith.addi %parallel_loop3A_226, %parallel_loop3A_201 : i32
      %parallel_loop3A_228 = arith.index_cast %parallel_loop3A_227 : i32 to index
      %parallel_loop3A_229 = arith.constant 16 : index
      %parallel_loop3A_230 = tpu.vector_load %arg6[%parallel_loop3A_228, %parallel_loop3A_229] {strides = array<i32>} : memref<320x128xf32, #tpu.memory_space<vmem>>, vector<16xf32>,
      %parallel_loop3A_231 = vector.bitcast %parallel_loop3A_230 : vector<16xf32> to vector<16xi32>
      %parallel_loop3A_232 = arith.constant 80 : i32
      %parallel_loop3A_233 = arith.addi %parallel_loop3A_232, %parallel_loop3A_201 : i32
      %parallel_loop3A_234 = arith.index_cast %parallel_loop3A_233 : i32 to index
      %parallel_loop3A_235 = arith.constant 16 : index
      %parallel_loop3A_236 = tpu.vector_load %arg6[%parallel_loop3A_234, %parallel_loop3A_235] {strides = array<i32>} : memref<320x128xf32, #tpu.memory_space<vmem>>, vector<16xf32>,
      %parallel_loop3A_237 = vector.bitcast %parallel_loop3A_236 : vector<16xf32> to vector<16xi32>
      %parallel_loop3A_238 = arith.constant 16 : i32
      %parallel_loop3A_239 = vector.broadcast %parallel_loop3A_238 : i32 to vector<16xi32>
      %parallel_loop3A_240 = arith.shrui %parallel_loop3A_231, %parallel_loop3A_239 : vector<16xi32>
      %parallel_loop3A_241 = arith.constant -65536 : i32
      %parallel_loop3A_242 = vector.broadcast %parallel_loop3A_241 : i32 to vector<16xi32>
      %parallel_loop3A_243 = arith.andi %parallel_loop3A_237, %parallel_loop3A_242 : vector<16xi32>
      %parallel_loop3A_244 = arith.ori %parallel_loop3A_240, %parallel_loop3A_243 : vector<16xi32>
      %parallel_loop3A_245 = arith.constant 0 : i32
      %parallel_loop3A_246 = arith.addi %parallel_loop3A_245, %parallel_loop3A_201 : i32
      %parallel_loop3A_247 = arith.index_cast %parallel_loop3A_246 : i32 to index
      %parallel_loop3A_248 = arith.constant 16 : index
      %parallel_loop3A_249 = tpu.vector_load %arg7[%parallel_loop3A_247, %parallel_loop3A_248] {strides = array<i32>} : memref<160x128xi32, #tpu.memory_space<vmem>>, vector<16xi32>,
      tpu.vector_store %arg7[%parallel_loop3A_247, %parallel_loop3A_248], %parallel_loop3A_244 {strides = array<i32>} : memref<160x128xi32, #tpu.memory_space<vmem>>, vector<16xi32>,
      %parallel_loop3A_250 = arith.constant 0 : i32
      %parallel_loop3A_251 = arith.addi %parallel_loop3A_250, %parallel_loop3A_201 : i32
      %parallel_loop3A_252 = arith.index_cast %parallel_loop3A_251 : i32 to index
      %parallel_loop3A_253 = arith.constant 32 : index
      %parallel_loop3A_254 = tpu.vector_load %arg6[%parallel_loop3A_252, %parallel_loop3A_253] {strides = array<i32>} : memref<320x128xf32, #tpu.memory_space<vmem>>, vector<16xf32>,
      %parallel_loop3A_255 = vector.bitcast %parallel_loop3A_254 : vector<16xf32> to vector<16xi32>
      %parallel_loop3A_256 = arith.constant 80 : i32
      %parallel_loop3A_257 = arith.addi %parallel_loop3A_256, %parallel_loop3A_201 : i32
      %parallel_loop3A_258 = arith.index_cast %parallel_loop3A_257 : i32 to index
      %parallel_loop3A_259 = arith.constant 32 : index
      %parallel_loop3A_260 = tpu.vector_load %arg6[%parallel_loop3A_258, %parallel_loop3A_259] {strides = array<i32>} : memref<320x128xf32, #tpu.memory_space<vmem>>, vector<16xf32>,
      %parallel_loop3A_261 = vector.bitcast %parallel_loop3A_260 : vector<16xf32> to vector<16xi32>
      %parallel_loop3A_262 = arith.constant 16 : i32
      %parallel_loop3A_263 = vector.broadcast %parallel_loop3A_262 : i32 to vector<16xi32>
      %parallel_loop3A_264 = arith.shrui %parallel_loop3A_255, %parallel_loop3A_263 : vector<16xi32>
      %parallel_loop3A_265 = arith.constant -65536 : i32
      %parallel_loop3A_266 = vector.broadcast %parallel_loop3A_265 : i32 to vector<16xi32>
      %parallel_loop3A_267 = arith.andi %parallel_loop3A_261, %parallel_loop3A_266 : vector<16xi32>
      %parallel_loop3A_268 = arith.ori %parallel_loop3A_264, %parallel_loop3A_267 : vector<16xi32>
      %parallel_loop3A_269 = arith.constant 0 : i32
      %parallel_loop3A_270 = arith.addi %parallel_loop3A_269, %parallel_loop3A_201 : i32
      %parallel_loop3A_271 = arith.index_cast %parallel_loop3A_270 : i32 to index
      %parallel_loop3A_272 = arith.constant 32 : index
      %parallel_loop3A_273 = tpu.vector_load %arg7[%parallel_loop3A_271, %parallel_loop3A_272] {strides = array<i32>} : memref<160x128xi32, #tpu.memory_space<vmem>>, vector<16xi32>,
      tpu.vector_store %arg7[%parallel_loop3A_271, %parallel_loop3A_272], %parallel_loop3A_268 {strides = array<i32>} : memref<160x128xi32, #tpu.memory_space<vmem>>, vector<16xi32>,
      %parallel_loop3A_274 = arith.constant 0 : i32
      %parallel_loop3A_275 = arith.addi %parallel_loop3A_274, %parallel_loop3A_201 : i32
      %parallel_loop3A_276 = arith.index_cast %parallel_loop3A_275 : i32 to index
      %parallel_loop3A_277 = arith.constant 48 : index
      %parallel_loop3A_278 = tpu.vector_load %arg6[%parallel_loop3A_276, %parallel_loop3A_277] {strides = array<i32>} : memref<320x128xf32, #tpu.memory_space<vmem>>, vector<16xf32>,
      %parallel_loop3A_279 = vector.bitcast %parallel_loop3A_278 : vector<16xf32> to vector<16xi32>
      %parallel_loop3A_280 = arith.constant 80 : i32
      %parallel_loop3A_281 = arith.addi %parallel_loop3A_280, %parallel_loop3A_201 : i32
      %parallel_loop3A_282 = arith.index_cast %parallel_loop3A_281 : i32 to index
      %parallel_loop3A_283 = arith.constant 48 : index
      %parallel_loop3A_284 = tpu.vector_load %arg6[%parallel_loop3A_282, %parallel_loop3A_283] {strides = array<i32>} : memref<320x128xf32, #tpu.memory_space<vmem>>, vector<16xf32>,
      %parallel_loop3A_285 = vector.bitcast %parallel_loop3A_284 : vector<16xf32> to vector<16xi32>
      %parallel_loop3A_286 = arith.constant 16 : i32
      %parallel_loop3A_287 = vector.broadcast %parallel_loop3A_286 : i32 to vector<16xi32>
      %parallel_loop3A_288 = arith.shrui %parallel_loop3A_279, %parallel_loop3A_287 : vector<16xi32>
      %parallel_loop3A_289 = arith.constant -65536 : i32
      %parallel_loop3A_290 = vector.broadcast %parallel_loop3A_289 : i32 to vector<16xi32>
      %parallel_loop3A_291 = arith.andi %parallel_loop3A_285, %parallel_loop3A_290 : vector<16xi32>
      %parallel_loop3A_292 = arith.ori %parallel_loop3A_288, %parallel_loop3A_291 : vector<16xi32>
      %parallel_loop3A_293 = arith.constant 0 : i32
      %parallel_loop3A_294 = arith.addi %parallel_loop3A_293, %parallel_loop3A_201 : i32
      %parallel_loop3A_295 = arith.index_cast %parallel_loop3A_294 : i32 to index
      %parallel_loop3A_296 = arith.constant 48 : index
      %parallel_loop3A_297 = tpu.vector_load %arg7[%parallel_loop3A_295, %parallel_loop3A_296] {strides = array<i32>} : memref<160x128xi32, #tpu.memory_space<vmem>>, vector<16xi32>,
      tpu.vector_store %arg7[%parallel_loop3A_295, %parallel_loop3A_296], %parallel_loop3A_292 {strides = array<i32>} : memref<160x128xi32, #tpu.memory_space<vmem>>, vector<16xi32>,
      %parallel_loop3A_298 = arith.constant 0 : i32
      %parallel_loop3A_299 = arith.addi %parallel_loop3A_298, %parallel_loop3A_201 : i32
      %parallel_loop3A_300 = arith.index_cast %parallel_loop3A_299 : i32 to index
      %parallel_loop3A_301 = arith.constant 64 : index
      %parallel_loop3A_302 = tpu.vector_load %arg6[%parallel_loop3A_300, %parallel_loop3A_301] {strides = array<i32>} : memref<320x128xf32, #tpu.memory_space<vmem>>, vector<16xf32>,
      %parallel_loop3A_303 = vector.bitcast %parallel_loop3A_302 : vector<16xf32> to vector<16xi32>
      %parallel_loop3A_304 = arith.constant 80 : i32
      %parallel_loop3A_305 = arith.addi %parallel_loop3A_304, %parallel_loop3A_201 : i32
      %parallel_loop3A_306 = arith.index_cast %parallel_loop3A_305 : i32 to index
      %parallel_loop3A_307 = arith.constant 64 : index
      %parallel_loop3A_308 = tpu.vector_load %arg6[%parallel_loop3A_306, %parallel_loop3A_307] {strides = array<i32>} : memref<320x128xf32, #tpu.memory_space<vmem>>, vector<16xf32>,
      %parallel_loop3A_309 = vector.bitcast %parallel_loop3A_308 : vector<16xf32> to vector<16xi32>
      %parallel_loop3A_310 = arith.constant 16 : i32
      %parallel_loop3A_311 = vector.broadcast %parallel_loop3A_310 : i32 to vector<16xi32>
      %parallel_loop3A_312 = arith.shrui %parallel_loop3A_303, %parallel_loop3A_311 : vector<16xi32>
      %parallel_loop3A_313 = arith.constant -65536 : i32
      %parallel_loop3A_314 = vector.broadcast %parallel_loop3A_313 : i32 to vector<16xi32>
      %parallel_loop3A_315 = arith.andi %parallel_loop3A_309, %parallel_loop3A_314 : vector<16xi32>
      %parallel_loop3A_316 = arith.ori %parallel_loop3A_312, %parallel_loop3A_315 : vector<16xi32>
      %parallel_loop3A_317 = arith.constant 0 : i32
      %parallel_loop3A_318 = arith.addi %parallel_loop3A_317, %parallel_loop3A_201 : i32
      %parallel_loop3A_319 = arith.index_cast %parallel_loop3A_318 : i32 to index
      %parallel_loop3A_320 = arith.constant 64 : index
      %parallel_loop3A_321 = tpu.vector_load %arg7[%parallel_loop3A_319, %parallel_loop3A_320] {strides = array<i32>} : memref<160x128xi32, #tpu.memory_space<vmem>>, vector<16xi32>,
      tpu.vector_store %arg7[%parallel_loop3A_319, %parallel_loop3A_320], %parallel_loop3A_316 {strides = array<i32>} : memref<160x128xi32, #tpu.memory_space<vmem>>, vector<16xi32>,
      %parallel_loop3A_322 = arith.constant 0 : i32
      %parallel_loop3A_323 = arith.addi %parallel_loop3A_322, %parallel_loop3A_201 : i32
      %parallel_loop3A_324 = arith.index_cast %parallel_loop3A_323 : i32 to index
      %parallel_loop3A_325 = arith.constant 80 : index
      %parallel_loop3A_326 = tpu.vector_load %arg6[%parallel_loop3A_324, %parallel_loop3A_325] {strides = array<i32>} : memref<320x128xf32, #tpu.memory_space<vmem>>, vector<16xf32>,
      %parallel_loop3A_327 = vector.bitcast %parallel_loop3A_326 : vector<16xf32> to vector<16xi32>
      %parallel_loop3A_328 = arith.constant 80 : i32
      %parallel_loop3A_329 = arith.addi %parallel_loop3A_328, %parallel_loop3A_201 : i32
      %parallel_loop3A_330 = arith.index_cast %parallel_loop3A_329 : i32 to index
      %parallel_loop3A_331 = arith.constant 80 : index
      %parallel_loop3A_332 = tpu.vector_load %arg6[%parallel_loop3A_330, %parallel_loop3A_331] {strides = array<i32>} : memref<320x128xf32, #tpu.memory_space<vmem>>, vector<16xf32>,
      %parallel_loop3A_333 = vector.bitcast %parallel_loop3A_332 : vector<16xf32> to vector<16xi32>
      %parallel_loop3A_334 = arith.constant 16 : i32
      %parallel_loop3A_335 = vector.broadcast %parallel_loop3A_334 : i32 to vector<16xi32>
      %parallel_loop3A_336 = arith.shrui %parallel_loop3A_327, %parallel_loop3A_335 : vector<16xi32>
      %parallel_loop3A_337 = arith.constant -65536 : i32
      %parallel_loop3A_338 = vector.broadcast %parallel_loop3A_337 : i32 to vector<16xi32>
      %parallel_loop3A_339 = arith.andi %parallel_loop3A_333, %parallel_loop3A_338 : vector<16xi32>
      %parallel_loop3A_340 = arith.ori %parallel_loop3A_336, %parallel_loop3A_339 : vector<16xi32>
      %parallel_loop3A_341 = arith.constant 0 : i32
      %parallel_loop3A_342 = arith.addi %parallel_loop3A_341, %parallel_loop3A_201 : i32
      %parallel_loop3A_343 = arith.index_cast %parallel_loop3A_342 : i32 to index
      %parallel_loop3A_344 = arith.constant 80 : index
      %parallel_loop3A_345 = tpu.vector_load %arg7[%parallel_loop3A_343, %parallel_loop3A_344] {strides = array<i32>} : memref<160x128xi32, #tpu.memory_space<vmem>>, vector<16xi32>,
      tpu.vector_store %arg7[%parallel_loop3A_343, %parallel_loop3A_344], %parallel_loop3A_340 {strides = array<i32>} : memref<160x128xi32, #tpu.memory_space<vmem>>, vector<16xi32>,
      %parallel_loop3A_346 = arith.constant 0 : i32
      %parallel_loop3A_347 = arith.addi %parallel_loop3A_346, %parallel_loop3A_201 : i32
      %parallel_loop3A_348 = arith.index_cast %parallel_loop3A_347 : i32 to index
      %parallel_loop3A_349 = arith.constant 96 : index
      %parallel_loop3A_350 = tpu.vector_load %arg6[%parallel_loop3A_348, %parallel_loop3A_349] {strides = array<i32>} : memref<320x128xf32, #tpu.memory_space<vmem>>, vector<16xf32>,
      %parallel_loop3A_351 = vector.bitcast %parallel_loop3A_350 : vector<16xf32> to vector<16xi32>
      %parallel_loop3A_352 = arith.constant 80 : i32
      %parallel_loop3A_353 = arith.addi %parallel_loop3A_352, %parallel_loop3A_201 : i32
      %parallel_loop3A_354 = arith.index_cast %parallel_loop3A_353 : i32 to index
      %parallel_loop3A_355 = arith.constant 96 : index
      %parallel_loop3A_356 = tpu.vector_load %arg6[%parallel_loop3A_354, %parallel_loop3A_355] {strides = array<i32>} : memref<320x128xf32, #tpu.memory_space<vmem>>, vector<16xf32>,
      %parallel_loop3A_357 = vector.bitcast %parallel_loop3A_356 : vector<16xf32> to vector<16xi32>
      %parallel_loop3A_358 = arith.constant 16 : i32
      %parallel_loop3A_359 = vector.broadcast %parallel_loop3A_358 : i32 to vector<16xi32>
      %parallel_loop3A_360 = arith.shrui %parallel_loop3A_351, %parallel_loop3A_359 : vector<16xi32>
      %parallel_loop3A_361 = arith.constant -65536 : i32
      %parallel_loop3A_362 = vector.broadcast %parallel_loop3A_361 : i32 to vector<16xi32>
      %parallel_loop3A_363 = arith.andi %parallel_loop3A_357, %parallel_loop3A_362 : vector<16xi32>
      %parallel_loop3A_364 = arith.ori %parallel_loop3A_360, %parallel_loop3A_363 : vector<16xi32>
      %parallel_loop3A_365 = arith.constant 0 : i32
      %parallel_loop3A_366 = arith.addi %parallel_loop3A_365, %parallel_loop3A_201 : i32
      %parallel_loop3A_367 = arith.index_cast %parallel_loop3A_366 : i32 to index
      %parallel_loop3A_368 = arith.constant 96 : index
      %parallel_loop3A_369 = tpu.vector_load %arg7[%parallel_loop3A_367, %parallel_loop3A_368] {strides = array<i32>} : memref<160x128xi32, #tpu.memory_space<vmem>>, vector<16xi32>,
      tpu.vector_store %arg7[%parallel_loop3A_367, %parallel_loop3A_368], %parallel_loop3A_364 {strides = array<i32>} : memref<160x128xi32, #tpu.memory_space<vmem>>, vector<16xi32>,
      %parallel_loop3A_370 = arith.constant 0 : i32
      %parallel_loop3A_371 = arith.addi %parallel_loop3A_370, %parallel_loop3A_201 : i32
      %parallel_loop3A_372 = arith.index_cast %parallel_loop3A_371 : i32 to index
      %parallel_loop3A_373 = arith.constant 112 : index
      %parallel_loop3A_374 = tpu.vector_load %arg6[%parallel_loop3A_372, %parallel_loop3A_373] {strides = array<i32>} : memref<320x128xf32, #tpu.memory_space<vmem>>, vector<16xf32>,
      %parallel_loop3A_375 = vector.bitcast %parallel_loop3A_374 : vector<16xf32> to vector<16xi32>
      %parallel_loop3A_376 = arith.constant 80 : i32
      %parallel_loop3A_377 = arith.addi %parallel_loop3A_376, %parallel_loop3A_201 : i32
      %parallel_loop3A_378 = arith.index_cast %parallel_loop3A_377 : i32 to index
      %parallel_loop3A_379 = arith.constant 112 : index
      %parallel_loop3A_380 = tpu.vector_load %arg6[%parallel_loop3A_378, %parallel_loop3A_379] {strides = array<i32>} : memref<320x128xf32, #tpu.memory_space<vmem>>, vector<16xf32>,
      %parallel_loop3A_381 = vector.bitcast %parallel_loop3A_380 : vector<16xf32> to vector<16xi32>
      %parallel_loop3A_382 = arith.constant 16 : i32
      %parallel_loop3A_383 = vector.broadcast %parallel_loop3A_382 : i32 to vector<16xi32>
      %parallel_loop3A_384 = arith.shrui %parallel_loop3A_375, %parallel_loop3A_383 : vector<16xi32>
      %parallel_loop3A_385 = arith.constant -65536 : i32
      %parallel_loop3A_386 = vector.broadcast %parallel_loop3A_385 : i32 to vector<16xi32>
      %parallel_loop3A_387 = arith.andi %parallel_loop3A_381, %parallel_loop3A_386 : vector<16xi32>
      %parallel_loop3A_388 = arith.ori %parallel_loop3A_384, %parallel_loop3A_387 : vector<16xi32>
      %parallel_loop3A_389 = arith.constant 0 : i32
      %parallel_loop3A_390 = arith.addi %parallel_loop3A_389, %parallel_loop3A_201 : i32
      %parallel_loop3A_391 = arith.index_cast %parallel_loop3A_390 : i32 to index
      %parallel_loop3A_392 = arith.constant 112 : index
      %parallel_loop3A_393 = tpu.vector_load %arg7[%parallel_loop3A_391, %parallel_loop3A_392] {strides = array<i32>} : memref<160x128xi32, #tpu.memory_space<vmem>>, vector<16xi32>,
      tpu.vector_store %arg7[%parallel_loop3A_391, %parallel_loop3A_392], %parallel_loop3A_388 {strides = array<i32>} : memref<160x128xi32, #tpu.memory_space<vmem>>, vector<16xi32>,
    } {sc.loop_unroll_factor = 4 : i64, sc.parallel_access}
    %add3A_63 = arith.constant 0 : i32
    %add3A_64 = arith.addi %mul3A_2, %add3A_63 : i32
    %dma_start3A_65 = arith.constant 0 : i32
    %dma_start3A_66 = arith.constant 0 : i32
    %dma_start3A_67 = tpu.memref_slice %arg7[%dma_start3A_65, %dma_start3A_66] : memref<160x128xi32, #tpu.memory_space<vmem>> -> memref<80x128xi32, #tpu.memory_space<vmem>>
    %dma_start3A_68 = arith.constant 0 : i32
    %dma_start3A_69 = tpu.memref_slice %arg4[%add3A_64, %dma_start3A_68] : memref<51200x128xi32, #tpu.memory_space<hbm>> -> memref<80x128xi32, #tpu.memory_space<hbm>>
    %dma_start3A_70 = arith.constant 0 : i32
    %dma_start3A_71 = tpu.memref_slice %arg4[%add3A_64, %dma_start3A_70] : memref<51200x128xi32, #tpu.memory_space<hbm>> -> memref<80x128xi32, #tpu.memory_space<hbm>>
    %dma_start3A_72 = arith.constant 0 : i32
    %dma_start3A_73 = arith.constant 0 : i32
    %dma_start3A_74 = tpu.memref_slice %arg7[%dma_start3A_72, %dma_start3A_73] : memref<160x128xi32, #tpu.memory_space<vmem>> -> memref<80x128xi32, #tpu.memory_space<vmem>>
    tpu.enqueue_dma source(%dma_start3A_74 : memref<80x128xi32, #tpu.memory_space<vmem>>) target(%dma_start3A_71 : memref<80x128xi32, #tpu.memory_space<hbm>>) target_semaphore(%arg9 : memref<!tpu.dma_semaphore, #tpu.memory_space<semaphore_mem>>)
    %dma_start3A_75 = arith.constant 4 : i32
    %dma_start3A_76 = arith.constant 0 : i32
    %dma_start3A_77 = arith.constant 0 : i32
    %dma_start3A_78 = tpu.memref_slice %arg6[%dma_start3A_76, %dma_start3A_77] : memref<320x128xf32, #tpu.memory_space<vmem>> -> memref<80x128xf32, #tpu.memory_space<vmem>>
    %dma_start3A_79 = arith.constant 0 : i32
    %dma_start3A_80 = tpu.memref_slice %arg5[%dma_start3A_75, %dma_start3A_79] : memref<40x80xi32, #tpu.memory_space<vmem>> -> memref<1x80xi32, #tpu.memory_space<vmem>>
    %dma_start3A_81 = tpu.memref_squeeze %dma_start3A_80 : memref<1x80xi32, #tpu.memory_space<vmem>> -> memref<80xi32, #tpu.memory_space<vmem>>
    %dma_start3A_82 = arith.constant 0 : i32
    %dma_start3A_83 = arith.constant 0 : i32
    %dma_start3A_84 = tpu.memref_slice %arg2[%dma_start3A_82, %dma_start3A_83] : memref<100000x128xf32, #tpu.memory_space<hbm>> -> memref<100000x128xf32, #tpu.memory_space<hbm>>
    tpu.enqueue_indirect_dma source(%dma_start3A_84 : memref<100000x128xf32, #tpu.memory_space<hbm>>) target(%dma_start3A_78 : memref<80x128xf32, #tpu.memory_space<vmem>>) offsets(%dma_start3A_81 : memref<80xi32, #tpu.memory_space<vmem>>) semaphore(%arg8 : memref<!tpu.dma_semaphore, #tpu.memory_space<semaphore_mem>>)
    %dma_start3A_85 = arith.constant 5 : i32
    %dma_start3A_86 = arith.constant 80 : i32
    %dma_start3A_87 = arith.constant 0 : i32
    %dma_start3A_88 = tpu.memref_slice %arg6[%dma_start3A_86, %dma_start3A_87] : memref<320x128xf32, #tpu.memory_space<vmem>> -> memref<80x128xf32, #tpu.memory_space<vmem>>
    %dma_start3A_89 = arith.constant 0 : i32
    %dma_start3A_90 = tpu.memref_slice %arg5[%dma_start3A_85, %dma_start3A_89] : memref<40x80xi32, #tpu.memory_space<vmem>> -> memref<1x80xi32, #tpu.memory_space<vmem>>
    %dma_start3A_91 = tpu.memref_squeeze %dma_start3A_90 : memref<1x80xi32, #tpu.memory_space<vmem>> -> memref<80xi32, #tpu.memory_space<vmem>>
    %dma_start3A_92 = arith.constant 0 : i32
    %dma_start3A_93 = arith.constant 0 : i32
    %dma_start3A_94 = tpu.memref_slice %arg2[%dma_start3A_92, %dma_start3A_93] : memref<100000x128xf32, #tpu.memory_space<hbm>> -> memref<100000x128xf32, #tpu.memory_space<hbm>>
    tpu.enqueue_indirect_dma source(%dma_start3A_94 : memref<100000x128xf32, #tpu.memory_space<hbm>>) target(%dma_start3A_88 : memref<80x128xf32, #tpu.memory_space<vmem>>) offsets(%dma_start3A_91 : memref<80xi32, #tpu.memory_space<vmem>>) semaphore(%arg8 : memref<!tpu.dma_semaphore, #tpu.memory_space<semaphore_mem>>)
    %dma_wait3A_95 = arith.constant 0 : i32
    %dma_wait3A_96 = arith.constant 0 : i32
    %dma_wait3A_97 = arith.constant 0 : i32
    %dma_wait3A_98 = tpu.memref_slice %arg6[%dma_wait3A_96, %dma_wait3A_97] : memref<320x128xf32, #tpu.memory_space<vmem>> -> memref<80x128xf32, #tpu.memory_space<vmem>>
    %dma_wait3A_99 = arith.constant 0 : i32
    %dma_wait3A_100 = tpu.memref_slice %arg5[%dma_wait3A_95, %dma_wait3A_99] : memref<40x80xi32, #tpu.memory_space<vmem>> -> memref<1x80xi32, #tpu.memory_space<vmem>>
    %dma_wait3A_101 = tpu.memref_squeeze %dma_wait3A_100 : memref<1x80xi32, #tpu.memory_space<vmem>> -> memref<80xi32, #tpu.memory_space<vmem>>
    %dma_wait3A_102 = arith.constant 0 : i32
    %dma_wait3A_103 = arith.constant 0 : i32
    %dma_wait3A_104 = tpu.memref_slice %arg2[%dma_wait3A_102, %dma_wait3A_103] : memref<100000x128xf32, #tpu.memory_space<hbm>> -> memref<100000x128xf32, #tpu.memory_space<hbm>>
    tpu.wait_indirect_dma semaphore(%arg8 : memref<!tpu.dma_semaphore, #tpu.memory_space<semaphore_mem>>) src(%dma_wait3A_104 : memref<100000x128xf32, #tpu.memory_space<hbm>>) dst(%dma_wait3A_98 : memref<80x128xf32, #tpu.memory_space<vmem>>)
    %dma_wait3A_105 = arith.constant 0 : i32
    %dma_wait3A_106 = arith.constant 0 : i32
    %dma_wait3A_107 = arith.constant 0 : i32
    %dma_wait3A_108 = tpu.memref_slice %arg6[%dma_wait3A_106, %dma_wait3A_107] : memref<320x128xf32, #tpu.memory_space<vmem>> -> memref<80x128xf32, #tpu.memory_space<vmem>>
    %dma_wait3A_109 = arith.constant 0 : i32
    %dma_wait3A_110 = tpu.memref_slice %arg5[%dma_wait3A_105, %dma_wait3A_109] : memref<40x80xi32, #tpu.memory_space<vmem>> -> memref<1x80xi32, #tpu.memory_space<vmem>>
    %dma_wait3A_111 = tpu.memref_squeeze %dma_wait3A_110 : memref<1x80xi32, #tpu.memory_space<vmem>> -> memref<80xi32, #tpu.memory_space<vmem>>
    %dma_wait3A_112 = arith.constant 0 : i32
    %dma_wait3A_113 = arith.constant 0 : i32
    %dma_wait3A_114 = tpu.memref_slice %arg2[%dma_wait3A_112, %dma_wait3A_113] : memref<100000x128xf32, #tpu.memory_space<hbm>> -> memref<100000x128xf32, #tpu.memory_space<hbm>>
    tpu.wait_indirect_dma semaphore(%arg8 : memref<!tpu.dma_semaphore, #tpu.memory_space<semaphore_mem>>) src(%dma_wait3A_114 : memref<100000x128xf32, #tpu.memory_space<hbm>>) dst(%dma_wait3A_108 : memref<80x128xf32, #tpu.memory_space<vmem>>)
    %parallel_loop3A_115 = arith.constant 0 : i32
    %parallel_loop3A_116 = arith.constant 80 : i32
    %parallel_loop3A_117 = arith.constant 1 : i32
    scf.for %parallel_loop3A_201 = %parallel_loop3A_115 to %parallel_loop3A_116 step %parallel_loop3A_117  : i32 {
      %parallel_loop3A_202 = arith.constant 160 : i32
      %parallel_loop3A_203 = arith.addi %parallel_loop3A_202, %parallel_loop3A_201 : i32
      %parallel_loop3A_204 = arith.index_cast %parallel_loop3A_203 : i32 to index
      %parallel_loop3A_205 = arith.constant 0 : index
      %parallel_loop3A_206 = tpu.vector_load %arg6[%parallel_loop3A_204, %parallel_loop3A_205] {strides = array<i32>} : memref<320x128xf32, #tpu.memory_space<vmem>>, vector<16xf32>,
      %parallel_loop3A_207 = vector.bitcast %parallel_loop3A_206 : vector<16xf32> to vector<16xi32>
      %parallel_loop3A_208 = arith.constant 240 : i32
      %parallel_loop3A_209 = arith.addi %parallel_loop3A_208, %parallel_loop3A_201 : i32
      %parallel_loop3A_210 = arith.index_cast %parallel_loop3A_209 : i32 to index
      %parallel_loop3A_211 = arith.constant 0 : index
      %parallel_loop3A_212 = tpu.vector_load %arg6[%parallel_loop3A_210, %parallel_loop3A_211] {strides = array<i32>} : memref<320x128xf32, #tpu.memory_space<vmem>>, vector<16xf32>,
      %parallel_loop3A_213 = vector.bitcast %parallel_loop3A_212 : vector<16xf32> to vector<16xi32>
      %parallel_loop3A_214 = arith.constant 16 : i32
      %parallel_loop3A_215 = vector.broadcast %parallel_loop3A_214 : i32 to vector<16xi32>
      %parallel_loop3A_216 = arith.shrui %parallel_loop3A_207, %parallel_loop3A_215 : vector<16xi32>
      %parallel_loop3A_217 = arith.constant -65536 : i32
      %parallel_loop3A_218 = vector.broadcast %parallel_loop3A_217 : i32 to vector<16xi32>
      %parallel_loop3A_219 = arith.andi %parallel_loop3A_213, %parallel_loop3A_218 : vector<16xi32>
      %parallel_loop3A_220 = arith.ori %parallel_loop3A_216, %parallel_loop3A_219 : vector<16xi32>
      %parallel_loop3A_221 = arith.constant 80 : i32
      %parallel_loop3A_222 = arith.addi %parallel_loop3A_221, %parallel_loop3A_201 : i32
      %parallel_loop3A_223 = arith.index_cast %parallel_loop3A_222 : i32 to index
      %parallel_loop3A_224 = arith.constant 0 : index
      %parallel_loop3A_225 = tpu.vector_load %arg7[%parallel_loop3A_223, %parallel_loop3A_224] {strides = array<i32>} : memref<160x128xi32, #tpu.memory_space<vmem>>, vector<16xi32>,
      tpu.vector_store %arg7[%parallel_loop3A_223, %parallel_loop3A_224], %parallel_loop3A_220 {strides = array<i32>} : memref<160x128xi32, #tpu.memory_space<vmem>>, vector<16xi32>,
      %parallel_loop3A_226 = arith.constant 160 : i32
      %parallel_loop3A_227 = arith.addi %parallel_loop3A_226, %parallel_loop3A_201 : i32
      %parallel_loop3A_228 = arith.index_cast %parallel_loop3A_227 : i32 to index
      %parallel_loop3A_229 = arith.constant 16 : index
      %parallel_loop3A_230 = tpu.vector_load %arg6[%parallel_loop3A_228, %parallel_loop3A_229] {strides = array<i32>} : memref<320x128xf32, #tpu.memory_space<vmem>>, vector<16xf32>,
      %parallel_loop3A_231 = vector.bitcast %parallel_loop3A_230 : vector<16xf32> to vector<16xi32>
      %parallel_loop3A_232 = arith.constant 240 : i32
      %parallel_loop3A_233 = arith.addi %parallel_loop3A_232, %parallel_loop3A_201 : i32
      %parallel_loop3A_234 = arith.index_cast %parallel_loop3A_233 : i32 to index
      %parallel_loop3A_235 = arith.constant 16 : index
      %parallel_loop3A_236 = tpu.vector_load %arg6[%parallel_loop3A_234, %parallel_loop3A_235] {strides = array<i32>} : memref<320x128xf32, #tpu.memory_space<vmem>>, vector<16xf32>,
      %parallel_loop3A_237 = vector.bitcast %parallel_loop3A_236 : vector<16xf32> to vector<16xi32>
      %parallel_loop3A_238 = arith.constant 16 : i32
      %parallel_loop3A_239 = vector.broadcast %parallel_loop3A_238 : i32 to vector<16xi32>
      %parallel_loop3A_240 = arith.shrui %parallel_loop3A_231, %parallel_loop3A_239 : vector<16xi32>
      %parallel_loop3A_241 = arith.constant -65536 : i32
      %parallel_loop3A_242 = vector.broadcast %parallel_loop3A_241 : i32 to vector<16xi32>
      %parallel_loop3A_243 = arith.andi %parallel_loop3A_237, %parallel_loop3A_242 : vector<16xi32>
      %parallel_loop3A_244 = arith.ori %parallel_loop3A_240, %parallel_loop3A_243 : vector<16xi32>
      %parallel_loop3A_245 = arith.constant 80 : i32
      %parallel_loop3A_246 = arith.addi %parallel_loop3A_245, %parallel_loop3A_201 : i32
      %parallel_loop3A_247 = arith.index_cast %parallel_loop3A_246 : i32 to index
      %parallel_loop3A_248 = arith.constant 16 : index
      %parallel_loop3A_249 = tpu.vector_load %arg7[%parallel_loop3A_247, %parallel_loop3A_248] {strides = array<i32>} : memref<160x128xi32, #tpu.memory_space<vmem>>, vector<16xi32>,
      tpu.vector_store %arg7[%parallel_loop3A_247, %parallel_loop3A_248], %parallel_loop3A_244 {strides = array<i32>} : memref<160x128xi32, #tpu.memory_space<vmem>>, vector<16xi32>,
      %parallel_loop3A_250 = arith.constant 160 : i32
      %parallel_loop3A_251 = arith.addi %parallel_loop3A_250, %parallel_loop3A_201 : i32
      %parallel_loop3A_252 = arith.index_cast %parallel_loop3A_251 : i32 to index
      %parallel_loop3A_253 = arith.constant 32 : index
      %parallel_loop3A_254 = tpu.vector_load %arg6[%parallel_loop3A_252, %parallel_loop3A_253] {strides = array<i32>} : memref<320x128xf32, #tpu.memory_space<vmem>>, vector<16xf32>,
      %parallel_loop3A_255 = vector.bitcast %parallel_loop3A_254 : vector<16xf32> to vector<16xi32>
      %parallel_loop3A_256 = arith.constant 240 : i32
      %parallel_loop3A_257 = arith.addi %parallel_loop3A_256, %parallel_loop3A_201 : i32
      %parallel_loop3A_258 = arith.index_cast %parallel_loop3A_257 : i32 to index
      %parallel_loop3A_259 = arith.constant 32 : index
      %parallel_loop3A_260 = tpu.vector_load %arg6[%parallel_loop3A_258, %parallel_loop3A_259] {strides = array<i32>} : memref<320x128xf32, #tpu.memory_space<vmem>>, vector<16xf32>,
      %parallel_loop3A_261 = vector.bitcast %parallel_loop3A_260 : vector<16xf32> to vector<16xi32>
      %parallel_loop3A_262 = arith.constant 16 : i32
      %parallel_loop3A_263 = vector.broadcast %parallel_loop3A_262 : i32 to vector<16xi32>
      %parallel_loop3A_264 = arith.shrui %parallel_loop3A_255, %parallel_loop3A_263 : vector<16xi32>
      %parallel_loop3A_265 = arith.constant -65536 : i32
      %parallel_loop3A_266 = vector.broadcast %parallel_loop3A_265 : i32 to vector<16xi32>
      %parallel_loop3A_267 = arith.andi %parallel_loop3A_261, %parallel_loop3A_266 : vector<16xi32>
      %parallel_loop3A_268 = arith.ori %parallel_loop3A_264, %parallel_loop3A_267 : vector<16xi32>
      %parallel_loop3A_269 = arith.constant 80 : i32
      %parallel_loop3A_270 = arith.addi %parallel_loop3A_269, %parallel_loop3A_201 : i32
      %parallel_loop3A_271 = arith.index_cast %parallel_loop3A_270 : i32 to index
      %parallel_loop3A_272 = arith.constant 32 : index
      %parallel_loop3A_273 = tpu.vector_load %arg7[%parallel_loop3A_271, %parallel_loop3A_272] {strides = array<i32>} : memref<160x128xi32, #tpu.memory_space<vmem>>, vector<16xi32>,
      tpu.vector_store %arg7[%parallel_loop3A_271, %parallel_loop3A_272], %parallel_loop3A_268 {strides = array<i32>} : memref<160x128xi32, #tpu.memory_space<vmem>>, vector<16xi32>,
      %parallel_loop3A_274 = arith.constant 160 : i32
      %parallel_loop3A_275 = arith.addi %parallel_loop3A_274, %parallel_loop3A_201 : i32
      %parallel_loop3A_276 = arith.index_cast %parallel_loop3A_275 : i32 to index
      %parallel_loop3A_277 = arith.constant 48 : index
      %parallel_loop3A_278 = tpu.vector_load %arg6[%parallel_loop3A_276, %parallel_loop3A_277] {strides = array<i32>} : memref<320x128xf32, #tpu.memory_space<vmem>>, vector<16xf32>,
      %parallel_loop3A_279 = vector.bitcast %parallel_loop3A_278 : vector<16xf32> to vector<16xi32>
      %parallel_loop3A_280 = arith.constant 240 : i32
      %parallel_loop3A_281 = arith.addi %parallel_loop3A_280, %parallel_loop3A_201 : i32
      %parallel_loop3A_282 = arith.index_cast %parallel_loop3A_281 : i32 to index
      %parallel_loop3A_283 = arith.constant 48 : index
      %parallel_loop3A_284 = tpu.vector_load %arg6[%parallel_loop3A_282, %parallel_loop3A_283] {strides = array<i32>} : memref<320x128xf32, #tpu.memory_space<vmem>>, vector<16xf32>,
      %parallel_loop3A_285 = vector.bitcast %parallel_loop3A_284 : vector<16xf32> to vector<16xi32>
      %parallel_loop3A_286 = arith.constant 16 : i32
      %parallel_loop3A_287 = vector.broadcast %parallel_loop3A_286 : i32 to vector<16xi32>
      %parallel_loop3A_288 = arith.shrui %parallel_loop3A_279, %parallel_loop3A_287 : vector<16xi32>
      %parallel_loop3A_289 = arith.constant -65536 : i32
      %parallel_loop3A_290 = vector.broadcast %parallel_loop3A_289 : i32 to vector<16xi32>
      %parallel_loop3A_291 = arith.andi %parallel_loop3A_285, %parallel_loop3A_290 : vector<16xi32>
      %parallel_loop3A_292 = arith.ori %parallel_loop3A_288, %parallel_loop3A_291 : vector<16xi32>
      %parallel_loop3A_293 = arith.constant 80 : i32
      %parallel_loop3A_294 = arith.addi %parallel_loop3A_293, %parallel_loop3A_201 : i32
      %parallel_loop3A_295 = arith.index_cast %parallel_loop3A_294 : i32 to index
      %parallel_loop3A_296 = arith.constant 48 : index
      %parallel_loop3A_297 = tpu.vector_load %arg7[%parallel_loop3A_295, %parallel_loop3A_296] {strides = array<i32>} : memref<160x128xi32, #tpu.memory_space<vmem>>, vector<16xi32>,
      tpu.vector_store %arg7[%parallel_loop3A_295, %parallel_loop3A_296], %parallel_loop3A_292 {strides = array<i32>} : memref<160x128xi32, #tpu.memory_space<vmem>>, vector<16xi32>,
      %parallel_loop3A_298 = arith.constant 160 : i32
      %parallel_loop3A_299 = arith.addi %parallel_loop3A_298, %parallel_loop3A_201 : i32
      %parallel_loop3A_300 = arith.index_cast %parallel_loop3A_299 : i32 to index
      %parallel_loop3A_301 = arith.constant 64 : index
      %parallel_loop3A_302 = tpu.vector_load %arg6[%parallel_loop3A_300, %parallel_loop3A_301] {strides = array<i32>} : memref<320x128xf32, #tpu.memory_space<vmem>>, vector<16xf32>,
      %parallel_loop3A_303 = vector.bitcast %parallel_loop3A_302 : vector<16xf32> to vector<16xi32>
      %parallel_loop3A_304 = arith.constant 240 : i32
      %parallel_loop3A_305 = arith.addi %parallel_loop3A_304, %parallel_loop3A_201 : i32
      %parallel_loop3A_306 = arith.index_cast %parallel_loop3A_305 : i32 to index
      %parallel_loop3A_307 = arith.constant 64 : index
      %parallel_loop3A_308 = tpu.vector_load %arg6[%parallel_loop3A_306, %parallel_loop3A_307] {strides = array<i32>} : memref<320x128xf32, #tpu.memory_space<vmem>>, vector<16xf32>,
      %parallel_loop3A_309 = vector.bitcast %parallel_loop3A_308 : vector<16xf32> to vector<16xi32>
      %parallel_loop3A_310 = arith.constant 16 : i32
      %parallel_loop3A_311 = vector.broadcast %parallel_loop3A_310 : i32 to vector<16xi32>
      %parallel_loop3A_312 = arith.shrui %parallel_loop3A_303, %parallel_loop3A_311 : vector<16xi32>
      %parallel_loop3A_313 = arith.constant -65536 : i32
      %parallel_loop3A_314 = vector.broadcast %parallel_loop3A_313 : i32 to vector<16xi32>
      %parallel_loop3A_315 = arith.andi %parallel_loop3A_309, %parallel_loop3A_314 : vector<16xi32>
      %parallel_loop3A_316 = arith.ori %parallel_loop3A_312, %parallel_loop3A_315 : vector<16xi32>
      %parallel_loop3A_317 = arith.constant 80 : i32
      %parallel_loop3A_318 = arith.addi %parallel_loop3A_317, %parallel_loop3A_201 : i32
      %parallel_loop3A_319 = arith.index_cast %parallel_loop3A_318 : i32 to index
      %parallel_loop3A_320 = arith.constant 64 : index
      %parallel_loop3A_321 = tpu.vector_load %arg7[%parallel_loop3A_319, %parallel_loop3A_320] {strides = array<i32>} : memref<160x128xi32, #tpu.memory_space<vmem>>, vector<16xi32>,
      tpu.vector_store %arg7[%parallel_loop3A_319, %parallel_loop3A_320], %parallel_loop3A_316 {strides = array<i32>} : memref<160x128xi32, #tpu.memory_space<vmem>>, vector<16xi32>,
      %parallel_loop3A_322 = arith.constant 160 : i32
      %parallel_loop3A_323 = arith.addi %parallel_loop3A_322, %parallel_loop3A_201 : i32
      %parallel_loop3A_324 = arith.index_cast %parallel_loop3A_323 : i32 to index
      %parallel_loop3A_325 = arith.constant 80 : index
      %parallel_loop3A_326 = tpu.vector_load %arg6[%parallel_loop3A_324, %parallel_loop3A_325] {strides = array<i32>} : memref<320x128xf32, #tpu.memory_space<vmem>>, vector<16xf32>,
      %parallel_loop3A_327 = vector.bitcast %parallel_loop3A_326 : vector<16xf32> to vector<16xi32>
      %parallel_loop3A_328 = arith.constant 240 : i32
      %parallel_loop3A_329 = arith.addi %parallel_loop3A_328, %parallel_loop3A_201 : i32
      %parallel_loop3A_330 = arith.index_cast %parallel_loop3A_329 : i32 to index
      %parallel_loop3A_331 = arith.constant 80 : index
      %parallel_loop3A_332 = tpu.vector_load %arg6[%parallel_loop3A_330, %parallel_loop3A_331] {strides = array<i32>} : memref<320x128xf32, #tpu.memory_space<vmem>>, vector<16xf32>,
      %parallel_loop3A_333 = vector.bitcast %parallel_loop3A_332 : vector<16xf32> to vector<16xi32>
      %parallel_loop3A_334 = arith.constant 16 : i32
      %parallel_loop3A_335 = vector.broadcast %parallel_loop3A_334 : i32 to vector<16xi32>
      %parallel_loop3A_336 = arith.shrui %parallel_loop3A_327, %parallel_loop3A_335 : vector<16xi32>
      %parallel_loop3A_337 = arith.constant -65536 : i32
      %parallel_loop3A_338 = vector.broadcast %parallel_loop3A_337 : i32 to vector<16xi32>
      %parallel_loop3A_339 = arith.andi %parallel_loop3A_333, %parallel_loop3A_338 : vector<16xi32>
      %parallel_loop3A_340 = arith.ori %parallel_loop3A_336, %parallel_loop3A_339 : vector<16xi32>
      %parallel_loop3A_341 = arith.constant 80 : i32
      %parallel_loop3A_342 = arith.addi %parallel_loop3A_341, %parallel_loop3A_201 : i32
      %parallel_loop3A_343 = arith.index_cast %parallel_loop3A_342 : i32 to index
      %parallel_loop3A_344 = arith.constant 80 : index
      %parallel_loop3A_345 = tpu.vector_load %arg7[%parallel_loop3A_343, %parallel_loop3A_344] {strides = array<i32>} : memref<160x128xi32, #tpu.memory_space<vmem>>, vector<16xi32>,
      tpu.vector_store %arg7[%parallel_loop3A_343, %parallel_loop3A_344], %parallel_loop3A_340 {strides = array<i32>} : memref<160x128xi32, #tpu.memory_space<vmem>>, vector<16xi32>,
      %parallel_loop3A_346 = arith.constant 160 : i32
      %parallel_loop3A_347 = arith.addi %parallel_loop3A_346, %parallel_loop3A_201 : i32
      %parallel_loop3A_348 = arith.index_cast %parallel_loop3A_347 : i32 to index
      %parallel_loop3A_349 = arith.constant 96 : index
      %parallel_loop3A_350 = tpu.vector_load %arg6[%parallel_loop3A_348, %parallel_loop3A_349] {strides = array<i32>} : memref<320x128xf32, #tpu.memory_space<vmem>>, vector<16xf32>,
      %parallel_loop3A_351 = vector.bitcast %parallel_loop3A_350 : vector<16xf32> to vector<16xi32>
      %parallel_loop3A_352 = arith.constant 240 : i32
      %parallel_loop3A_353 = arith.addi %parallel_loop3A_352, %parallel_loop3A_201 : i32
      %parallel_loop3A_354 = arith.index_cast %parallel_loop3A_353 : i32 to index
      %parallel_loop3A_355 = arith.constant 96 : index
      %parallel_loop3A_356 = tpu.vector_load %arg6[%parallel_loop3A_354, %parallel_loop3A_355] {strides = array<i32>} : memref<320x128xf32, #tpu.memory_space<vmem>>, vector<16xf32>,
      %parallel_loop3A_357 = vector.bitcast %parallel_loop3A_356 : vector<16xf32> to vector<16xi32>
      %parallel_loop3A_358 = arith.constant 16 : i32
      %parallel_loop3A_359 = vector.broadcast %parallel_loop3A_358 : i32 to vector<16xi32>
      %parallel_loop3A_360 = arith.shrui %parallel_loop3A_351, %parallel_loop3A_359 : vector<16xi32>
      %parallel_loop3A_361 = arith.constant -65536 : i32
      %parallel_loop3A_362 = vector.broadcast %parallel_loop3A_361 : i32 to vector<16xi32>
      %parallel_loop3A_363 = arith.andi %parallel_loop3A_357, %parallel_loop3A_362 : vector<16xi32>
      %parallel_loop3A_364 = arith.ori %parallel_loop3A_360, %parallel_loop3A_363 : vector<16xi32>
      %parallel_loop3A_365 = arith.constant 80 : i32
      %parallel_loop3A_366 = arith.addi %parallel_loop3A_365, %parallel_loop3A_201 : i32
      %parallel_loop3A_367 = arith.index_cast %parallel_loop3A_366 : i32 to index
      %parallel_loop3A_368 = arith.constant 96 : index
      %parallel_loop3A_369 = tpu.vector_load %arg7[%parallel_loop3A_367, %parallel_loop3A_368] {strides = array<i32>} : memref<160x128xi32, #tpu.memory_space<vmem>>, vector<16xi32>,
      tpu.vector_store %arg7[%parallel_loop3A_367, %parallel_loop3A_368], %parallel_loop3A_364 {strides = array<i32>} : memref<160x128xi32, #tpu.memory_space<vmem>>, vector<16xi32>,
      %parallel_loop3A_370 = arith.constant 160 : i32
      %parallel_loop3A_371 = arith.addi %parallel_loop3A_370, %parallel_loop3A_201 : i32
      %parallel_loop3A_372 = arith.index_cast %parallel_loop3A_371 : i32 to index
      %parallel_loop3A_373 = arith.constant 112 : index
      %parallel_loop3A_374 = tpu.vector_load %arg6[%parallel_loop3A_372, %parallel_loop3A_373] {strides = array<i32>} : memref<320x128xf32, #tpu.memory_space<vmem>>, vector<16xf32>,
      %parallel_loop3A_375 = vector.bitcast %parallel_loop3A_374 : vector<16xf32> to vector<16xi32>
      %parallel_loop3A_376 = arith.constant 240 : i32
      %parallel_loop3A_377 = arith.addi %parallel_loop3A_376, %parallel_loop3A_201 : i32
      %parallel_loop3A_378 = arith.index_cast %parallel_loop3A_377 : i32 to index
      %parallel_loop3A_379 = arith.constant 112 : index
      %parallel_loop3A_380 = tpu.vector_load %arg6[%parallel_loop3A_378, %parallel_loop3A_379] {strides = array<i32>} : memref<320x128xf32, #tpu.memory_space<vmem>>, vector<16xf32>,
      %parallel_loop3A_381 = vector.bitcast %parallel_loop3A_380 : vector<16xf32> to vector<16xi32>
      %parallel_loop3A_382 = arith.constant 16 : i32
      %parallel_loop3A_383 = vector.broadcast %parallel_loop3A_382 : i32 to vector<16xi32>
      %parallel_loop3A_384 = arith.shrui %parallel_loop3A_375, %parallel_loop3A_383 : vector<16xi32>
      %parallel_loop3A_385 = arith.constant -65536 : i32
      %parallel_loop3A_386 = vector.broadcast %parallel_loop3A_385 : i32 to vector<16xi32>
      %parallel_loop3A_387 = arith.andi %parallel_loop3A_381, %parallel_loop3A_386 : vector<16xi32>
      %parallel_loop3A_388 = arith.ori %parallel_loop3A_384, %parallel_loop3A_387 : vector<16xi32>
      %parallel_loop3A_389 = arith.constant 80 : i32
      %parallel_loop3A_390 = arith.addi %parallel_loop3A_389, %parallel_loop3A_201 : i32
      %parallel_loop3A_391 = arith.index_cast %parallel_loop3A_390 : i32 to index
      %parallel_loop3A_392 = arith.constant 112 : index
      %parallel_loop3A_393 = tpu.vector_load %arg7[%parallel_loop3A_391, %parallel_loop3A_392] {strides = array<i32>} : memref<160x128xi32, #tpu.memory_space<vmem>>, vector<16xi32>,
      tpu.vector_store %arg7[%parallel_loop3A_391, %parallel_loop3A_392], %parallel_loop3A_388 {strides = array<i32>} : memref<160x128xi32, #tpu.memory_space<vmem>>, vector<16xi32>,
    } {sc.loop_unroll_factor = 4 : i64, sc.parallel_access}
    %add3A_118 = arith.constant 80 : i32
    %add3A_119 = arith.addi %mul3A_2, %add3A_118 : i32
    %dma_start3A_120 = arith.constant 80 : i32
    %dma_start3A_121 = arith.constant 0 : i32
    %dma_start3A_122 = tpu.memref_slice %arg7[%dma_start3A_120, %dma_start3A_121] : memref<160x128xi32, #tpu.memory_space<vmem>> -> memref<80x128xi32, #tpu.memory_space<vmem>>
    %dma_start3A_123 = arith.constant 0 : i32
    %dma_start3A_124 = tpu.memref_slice %arg4[%add3A_119, %dma_start3A_123] : memref<51200x128xi32, #tpu.memory_space<hbm>> -> memref<80x128xi32, #tpu.memory_space<hbm>>
    %dma_start3A_125 = arith.constant 0 : i32
    %dma_start3A_126 = tpu.memref_slice %arg4[%add3A_119, %dma_start3A_125] : memref<51200x128xi32, #tpu.memory_space<hbm>> -> memref<80x128xi32, #tpu.memory_space<hbm>>
    %dma_start3A_127 = arith.constant 80 : i32
    %dma_start3A_128 = arith.constant 0 : i32
    %dma_start3A_129 = tpu.memref_slice %arg7[%dma_start3A_127, %dma_start3A_128] : memref<160x128xi32, #tpu.memory_space<vmem>> -> memref<80x128xi32, #tpu.memory_space<vmem>>
    tpu.enqueue_dma source(%dma_start3A_129 : memref<80x128xi32, #tpu.memory_space<vmem>>) target(%dma_start3A_126 : memref<80x128xi32, #tpu.memory_space<hbm>>) target_semaphore(%arg9 : memref<!tpu.dma_semaphore, #tpu.memory_space<semaphore_mem>>)
    %scan3A = arith.constant 0 : i32
    %scan3A_130 = arith.constant 2 : i32
    %scan3A_131 = arith.constant 17 : i32
    %scan3A_132 = arith.addi %scan3A_130, %scan3A_131 : i32
    %scan3A_133 = arith.constant 1 : i32
    %scan3A_134 = scf.for %scan3A_201 = %scan3A_130 to %scan3A_132 step %scan3A_133 iter_args(%scan3A_202 = %scan3A) -> (i32)  : i32 {
      %jit3A = arith.constant 2 : i32
      %eq3A = arith.constant 0 : i32
      %eq3A_203 = arith.cmpi eq, %jit3A, %eq3A : i32
      %jit3A_204 = arith.constant 1 : i32
      %select_n3A = arith.select %eq3A_203, %jit3A_204, %jit3A : i32
      %rem3A = arith.remsi %scan3A_201, %select_n3A : i32
      %ne3A = arith.constant 0 : i32
      %ne3A_205 = arith.cmpi ne, %rem3A, %ne3A : i32
      %lt3A = arith.constant 0 : i32
      %lt3A_206 = arith.cmpi slt, %rem3A, %lt3A : i32
      %lt3A_207 = arith.constant 0 : i32
      %lt3A_208 = arith.cmpi slt, %select_n3A, %lt3A_207 : i32
      %ne3A_209 = arith.xori %lt3A_206, %lt3A_208 : i1
      %and3A = arith.andi %ne3A_209, %ne3A_205 : i1
      %add3A_210 = arith.addi %rem3A, %select_n3A : i32
      %select_n3A_211 = arith.select %and3A, %add3A_210, %rem3A : i32
      %add3A_212 = arith.constant 1 : i32
      %add3A_213 = arith.addi %scan3A_201, %add3A_212 : i32
      %sub3A = arith.constant 1 : i32
      %sub3A_214 = arith.subi %sub3A, %select_n3A_211 : i32
      %mul3A_215 = arith.constant 2 : i32
      %mul3A_216 = arith.muli %add3A_213, %mul3A_215 : i32
      %add3A_217 = arith.constant 0 : i32
      %add3A_218 = arith.addi %mul3A_216, %add3A_217 : i32
      %mul3A_219 = arith.constant 160 : i32
      %mul3A_220 = arith.muli %sub3A_214, %mul3A_219 : i32
      %add3A_221 = arith.constant 0 : i32
      %add3A_222 = arith.addi %mul3A_220, %add3A_221 : i32
      %dma_start3A_223 = arith.constant 0 : i32
      %dma_start3A_224 = tpu.memref_slice %arg6[%add3A_222, %dma_start3A_223] : memref<320x128xf32, #tpu.memory_space<vmem>> -> memref<80x128xf32, #tpu.memory_space<vmem>>
      %dma_start3A_225 = arith.constant 0 : i32
      %dma_start3A_226 = tpu.memref_slice %arg5[%add3A_218, %dma_start3A_225] : memref<40x80xi32, #tpu.memory_space<vmem>> -> memref<1x80xi32, #tpu.memory_space<vmem>>
      %dma_start3A_227 = tpu.memref_squeeze %dma_start3A_226 : memref<1x80xi32, #tpu.memory_space<vmem>> -> memref<80xi32, #tpu.memory_space<vmem>>
      %dma_start3A_228 = arith.constant 0 : i32
      %dma_start3A_229 = arith.constant 0 : i32
      %dma_start3A_230 = tpu.memref_slice %arg2[%dma_start3A_228, %dma_start3A_229] : memref<100000x128xf32, #tpu.memory_space<hbm>> -> memref<100000x128xf32, #tpu.memory_space<hbm>>
      tpu.enqueue_indirect_dma source(%dma_start3A_230 : memref<100000x128xf32, #tpu.memory_space<hbm>>) target(%dma_start3A_224 : memref<80x128xf32, #tpu.memory_space<vmem>>) offsets(%dma_start3A_227 : memref<80xi32, #tpu.memory_space<vmem>>) semaphore(%arg8 : memref<!tpu.dma_semaphore, #tpu.memory_space<semaphore_mem>>)
      %mul3A_231 = arith.constant 2 : i32
      %mul3A_232 = arith.muli %add3A_213, %mul3A_231 : i32
      %add3A_233 = arith.constant 1 : i32
      %add3A_234 = arith.addi %mul3A_232, %add3A_233 : i32
      %mul3A_235 = arith.constant 160 : i32
      %mul3A_236 = arith.muli %sub3A_214, %mul3A_235 : i32
      %add3A_237 = arith.constant 80 : i32
      %add3A_238 = arith.addi %mul3A_236, %add3A_237 : i32
      %dma_start3A_239 = arith.constant 0 : i32
      %dma_start3A_240 = tpu.memref_slice %arg6[%add3A_238, %dma_start3A_239] : memref<320x128xf32, #tpu.memory_space<vmem>> -> memref<80x128xf32, #tpu.memory_space<vmem>>
      %dma_start3A_241 = arith.constant 0 : i32
      %dma_start3A_242 = tpu.memref_slice %arg5[%add3A_234, %dma_start3A_241] : memref<40x80xi32, #tpu.memory_space<vmem>> -> memref<1x80xi32, #tpu.memory_space<vmem>>
      %dma_start3A_243 = tpu.memref_squeeze %dma_start3A_242 : memref<1x80xi32, #tpu.memory_space<vmem>> -> memref<80xi32, #tpu.memory_space<vmem>>
      %dma_start3A_244 = arith.constant 0 : i32
      %dma_start3A_245 = arith.constant 0 : i32
      %dma_start3A_246 = tpu.memref_slice %arg2[%dma_start3A_244, %dma_start3A_245] : memref<100000x128xf32, #tpu.memory_space<hbm>> -> memref<100000x128xf32, #tpu.memory_space<hbm>>
      tpu.enqueue_indirect_dma source(%dma_start3A_246 : memref<100000x128xf32, #tpu.memory_space<hbm>>) target(%dma_start3A_240 : memref<80x128xf32, #tpu.memory_space<vmem>>) offsets(%dma_start3A_243 : memref<80xi32, #tpu.memory_space<vmem>>) semaphore(%arg8 : memref<!tpu.dma_semaphore, #tpu.memory_space<semaphore_mem>>)
      %dma_wait3A_247 = arith.constant 0 : i32
      %dma_wait3A_248 = arith.constant 0 : i32
      %dma_wait3A_249 = arith.constant 0 : i32
      %dma_wait3A_250 = tpu.memref_slice %arg6[%dma_wait3A_248, %dma_wait3A_249] : memref<320x128xf32, #tpu.memory_space<vmem>> -> memref<80x128xf32, #tpu.memory_space<vmem>>
      %dma_wait3A_251 = arith.constant 0 : i32
      %dma_wait3A_252 = tpu.memref_slice %arg5[%dma_wait3A_247, %dma_wait3A_251] : memref<40x80xi32, #tpu.memory_space<vmem>> -> memref<1x80xi32, #tpu.memory_space<vmem>>
      %dma_wait3A_253 = tpu.memref_squeeze %dma_wait3A_252 : memref<1x80xi32, #tpu.memory_space<vmem>> -> memref<80xi32, #tpu.memory_space<vmem>>
      %dma_wait3A_254 = arith.constant 0 : i32
      %dma_wait3A_255 = arith.constant 0 : i32
      %dma_wait3A_256 = tpu.memref_slice %arg2[%dma_wait3A_254, %dma_wait3A_255] : memref<100000x128xf32, #tpu.memory_space<hbm>> -> memref<100000x128xf32, #tpu.memory_space<hbm>>
      tpu.wait_indirect_dma semaphore(%arg8 : memref<!tpu.dma_semaphore, #tpu.memory_space<semaphore_mem>>) src(%dma_wait3A_256 : memref<100000x128xf32, #tpu.memory_space<hbm>>) dst(%dma_wait3A_250 : memref<80x128xf32, #tpu.memory_space<vmem>>)
      %dma_wait3A_257 = arith.constant 0 : i32
      %dma_wait3A_258 = arith.constant 0 : i32
      %dma_wait3A_259 = arith.constant 0 : i32
      %dma_wait3A_260 = tpu.memref_slice %arg6[%dma_wait3A_258, %dma_wait3A_259] : memref<320x128xf32, #tpu.memory_space<vmem>> -> memref<80x128xf32, #tpu.memory_space<vmem>>
      %dma_wait3A_261 = arith.constant 0 : i32
      %dma_wait3A_262 = tpu.memref_slice %arg5[%dma_wait3A_257, %dma_wait3A_261] : memref<40x80xi32, #tpu.memory_space<vmem>> -> memref<1x80xi32, #tpu.memory_space<vmem>>
      %dma_wait3A_263 = tpu.memref_squeeze %dma_wait3A_262 : memref<1x80xi32, #tpu.memory_space<vmem>> -> memref<80xi32, #tpu.memory_space<vmem>>
      %dma_wait3A_264 = arith.constant 0 : i32
      %dma_wait3A_265 = arith.constant 0 : i32
      %dma_wait3A_266 = tpu.memref_slice %arg2[%dma_wait3A_264, %dma_wait3A_265] : memref<100000x128xf32, #tpu.memory_space<hbm>> -> memref<100000x128xf32, #tpu.memory_space<hbm>>
      tpu.wait_indirect_dma semaphore(%arg8 : memref<!tpu.dma_semaphore, #tpu.memory_space<semaphore_mem>>) src(%dma_wait3A_266 : memref<100000x128xf32, #tpu.memory_space<hbm>>) dst(%dma_wait3A_260 : memref<80x128xf32, #tpu.memory_space<vmem>>)
      %dma_wait3A_267 = arith.constant 0 : i32
      %dma_wait3A_268 = arith.constant 0 : i32
      %dma_wait3A_269 = tpu.memref_slice %arg7[%dma_wait3A_267, %dma_wait3A_268] : memref<160x128xi32, #tpu.memory_space<vmem>> -> memref<80x128xi32, #tpu.memory_space<vmem>>
      %dma_wait3A_270 = arith.constant 0 : i32
      %dma_wait3A_271 = tpu.memref_slice %arg4[%mul3A_2, %dma_wait3A_270] : memref<51200x128xi32, #tpu.memory_space<hbm>> -> memref<80x128xi32, #tpu.memory_space<hbm>>
      %dma_wait3A_272 = arith.constant 0 : i32
      %dma_wait3A_273 = tpu.memref_slice %arg4[%mul3A_2, %dma_wait3A_272] : memref<51200x128xi32, #tpu.memory_space<hbm>> -> memref<80x128xi32, #tpu.memory_space<hbm>>
      %dma_wait3A_274 = arith.constant 0 : i32
      %dma_wait3A_275 = arith.constant 0 : i32
      %dma_wait3A_276 = tpu.memref_slice %arg7[%dma_wait3A_274, %dma_wait3A_275] : memref<160x128xi32, #tpu.memory_space<vmem>> -> memref<80x128xi32, #tpu.memory_space<vmem>>
      tpu.wait_dma2 semaphore(%arg9 : memref<!tpu.dma_semaphore, #tpu.memory_space<semaphore_mem>>) src(%dma_wait3A_276 : memref<80x128xi32, #tpu.memory_space<vmem>>) dst(%dma_wait3A_273 : memref<80x128xi32, #tpu.memory_space<hbm>>)
      %mul3A_277 = arith.constant 160 : i32
      %mul3A_278 = arith.muli %select_n3A_211, %mul3A_277 : i32
      %mul3A_279 = arith.constant 80 : i32
      %mul3A_280 = arith.muli %select_n3A_211, %mul3A_279 : i32
      %parallel_loop3A_281 = arith.constant 0 : i32
      %parallel_loop3A_282 = arith.constant 80 : i32
      %parallel_loop3A_283 = arith.constant 1 : i32
      scf.for %parallel_loop3A_298 = %parallel_loop3A_281 to %parallel_loop3A_282 step %parallel_loop3A_283  : i32 {
        %parallel_loop3A_299 = arith.addi %mul3A_278, %parallel_loop3A_298 : i32
        %parallel_loop3A_300 = arith.index_cast %parallel_loop3A_299 : i32 to index
        %parallel_loop3A_301 = arith.constant 0 : index
        %parallel_loop3A_302 = tpu.vector_load %arg6[%parallel_loop3A_300, %parallel_loop3A_301] {strides = array<i32>} : memref<320x128xf32, #tpu.memory_space<vmem>>, vector<16xf32>,
        %parallel_loop3A_303 = vector.bitcast %parallel_loop3A_302 : vector<16xf32> to vector<16xi32>
        %parallel_loop3A_304 = arith.constant 80 : i32
        %parallel_loop3A_305 = arith.addi %mul3A_278, %parallel_loop3A_304 : i32
        %parallel_loop3A_306 = arith.addi %parallel_loop3A_305, %parallel_loop3A_298 : i32
        %parallel_loop3A_307 = arith.index_cast %parallel_loop3A_306 : i32 to index
        %parallel_loop3A_308 = arith.constant 0 : index
        %parallel_loop3A_309 = tpu.vector_load %arg6[%parallel_loop3A_307, %parallel_loop3A_308] {strides = array<i32>} : memref<320x128xf32, #tpu.memory_space<vmem>>, vector<16xf32>,
        %parallel_loop3A_310 = vector.bitcast %parallel_loop3A_309 : vector<16xf32> to vector<16xi32>
        %parallel_loop3A_311 = arith.constant 16 : i32
        %parallel_loop3A_312 = vector.broadcast %parallel_loop3A_311 : i32 to vector<16xi32>
        %parallel_loop3A_313 = arith.shrui %parallel_loop3A_303, %parallel_loop3A_312 : vector<16xi32>
        %parallel_loop3A_314 = arith.constant -65536 : i32
        %parallel_loop3A_315 = vector.broadcast %parallel_loop3A_314 : i32 to vector<16xi32>
        %parallel_loop3A_316 = arith.andi %parallel_loop3A_310, %parallel_loop3A_315 : vector<16xi32>
        %parallel_loop3A_317 = arith.ori %parallel_loop3A_313, %parallel_loop3A_316 : vector<16xi32>
        %parallel_loop3A_318 = arith.addi %mul3A_280, %parallel_loop3A_298 : i32
        %parallel_loop3A_319 = arith.index_cast %parallel_loop3A_318 : i32 to index
        %parallel_loop3A_320 = arith.constant 0 : index
        %parallel_loop3A_321 = tpu.vector_load %arg7[%parallel_loop3A_319, %parallel_loop3A_320] {strides = array<i32>} : memref<160x128xi32, #tpu.memory_space<vmem>>, vector<16xi32>,
        tpu.vector_store %arg7[%parallel_loop3A_319, %parallel_loop3A_320], %parallel_loop3A_317 {strides = array<i32>} : memref<160x128xi32, #tpu.memory_space<vmem>>, vector<16xi32>,
        %parallel_loop3A_322 = arith.addi %mul3A_278, %parallel_loop3A_298 : i32
        %parallel_loop3A_323 = arith.index_cast %parallel_loop3A_322 : i32 to index
        %parallel_loop3A_324 = arith.constant 16 : index
        %parallel_loop3A_325 = tpu.vector_load %arg6[%parallel_loop3A_323, %parallel_loop3A_324] {strides = array<i32>} : memref<320x128xf32, #tpu.memory_space<vmem>>, vector<16xf32>,
        %parallel_loop3A_326 = vector.bitcast %parallel_loop3A_325 : vector<16xf32> to vector<16xi32>
        %parallel_loop3A_327 = arith.constant 80 : i32
        %parallel_loop3A_328 = arith.addi %mul3A_278, %parallel_loop3A_327 : i32
        %parallel_loop3A_329 = arith.addi %parallel_loop3A_328, %parallel_loop3A_298 : i32
        %parallel_loop3A_330 = arith.index_cast %parallel_loop3A_329 : i32 to index
        %parallel_loop3A_331 = arith.constant 16 : index
        %parallel_loop3A_332 = tpu.vector_load %arg6[%parallel_loop3A_330, %parallel_loop3A_331] {strides = array<i32>} : memref<320x128xf32, #tpu.memory_space<vmem>>, vector<16xf32>,
        %parallel_loop3A_333 = vector.bitcast %parallel_loop3A_332 : vector<16xf32> to vector<16xi32>
        %parallel_loop3A_334 = arith.constant 16 : i32
        %parallel_loop3A_335 = vector.broadcast %parallel_loop3A_334 : i32 to vector<16xi32>
        %parallel_loop3A_336 = arith.shrui %parallel_loop3A_326, %parallel_loop3A_335 : vector<16xi32>
        %parallel_loop3A_337 = arith.constant -65536 : i32
        %parallel_loop3A_338 = vector.broadcast %parallel_loop3A_337 : i32 to vector<16xi32>
        %parallel_loop3A_339 = arith.andi %parallel_loop3A_333, %parallel_loop3A_338 : vector<16xi32>
        %parallel_loop3A_340 = arith.ori %parallel_loop3A_336, %parallel_loop3A_339 : vector<16xi32>
        %parallel_loop3A_341 = arith.addi %mul3A_280, %parallel_loop3A_298 : i32
        %parallel_loop3A_342 = arith.index_cast %parallel_loop3A_341 : i32 to index
        %parallel_loop3A_343 = arith.constant 16 : index
        %parallel_loop3A_344 = tpu.vector_load %arg7[%parallel_loop3A_342, %parallel_loop3A_343] {strides = array<i32>} : memref<160x128xi32, #tpu.memory_space<vmem>>, vector<16xi32>,
        tpu.vector_store %arg7[%parallel_loop3A_342, %parallel_loop3A_343], %parallel_loop3A_340 {strides = array<i32>} : memref<160x128xi32, #tpu.memory_space<vmem>>, vector<16xi32>,
        %parallel_loop3A_345 = arith.addi %mul3A_278, %parallel_loop3A_298 : i32
        %parallel_loop3A_346 = arith.index_cast %parallel_loop3A_345 : i32 to index
        %parallel_loop3A_347 = arith.constant 32 : index
        %parallel_loop3A_348 = tpu.vector_load %arg6[%parallel_loop3A_346, %parallel_loop3A_347] {strides = array<i32>} : memref<320x128xf32, #tpu.memory_space<vmem>>, vector<16xf32>,
        %parallel_loop3A_349 = vector.bitcast %parallel_loop3A_348 : vector<16xf32> to vector<16xi32>
        %parallel_loop3A_350 = arith.constant 80 : i32
        %parallel_loop3A_351 = arith.addi %mul3A_278, %parallel_loop3A_350 : i32
        %parallel_loop3A_352 = arith.addi %parallel_loop3A_351, %parallel_loop3A_298 : i32
        %parallel_loop3A_353 = arith.index_cast %parallel_loop3A_352 : i32 to index
        %parallel_loop3A_354 = arith.constant 32 : index
        %parallel_loop3A_355 = tpu.vector_load %arg6[%parallel_loop3A_353, %parallel_loop3A_354] {strides = array<i32>} : memref<320x128xf32, #tpu.memory_space<vmem>>, vector<16xf32>,
        %parallel_loop3A_356 = vector.bitcast %parallel_loop3A_355 : vector<16xf32> to vector<16xi32>
        %parallel_loop3A_357 = arith.constant 16 : i32
        %parallel_loop3A_358 = vector.broadcast %parallel_loop3A_357 : i32 to vector<16xi32>
        %parallel_loop3A_359 = arith.shrui %parallel_loop3A_349, %parallel_loop3A_358 : vector<16xi32>
        %parallel_loop3A_360 = arith.constant -65536 : i32
        %parallel_loop3A_361 = vector.broadcast %parallel_loop3A_360 : i32 to vector<16xi32>
        %parallel_loop3A_362 = arith.andi %parallel_loop3A_356, %parallel_loop3A_361 : vector<16xi32>
        %parallel_loop3A_363 = arith.ori %parallel_loop3A_359, %parallel_loop3A_362 : vector<16xi32>
        %parallel_loop3A_364 = arith.addi %mul3A_280, %parallel_loop3A_298 : i32
        %parallel_loop3A_365 = arith.index_cast %parallel_loop3A_364 : i32 to index
        %parallel_loop3A_366 = arith.constant 32 : index
        %parallel_loop3A_367 = tpu.vector_load %arg7[%parallel_loop3A_365, %parallel_loop3A_366] {strides = array<i32>} : memref<160x128xi32, #tpu.memory_space<vmem>>, vector<16xi32>,
        tpu.vector_store %arg7[%parallel_loop3A_365, %parallel_loop3A_366], %parallel_loop3A_363 {strides = array<i32>} : memref<160x128xi32, #tpu.memory_space<vmem>>, vector<16xi32>,
        %parallel_loop3A_368 = arith.addi %mul3A_278, %parallel_loop3A_298 : i32
        %parallel_loop3A_369 = arith.index_cast %parallel_loop3A_368 : i32 to index
        %parallel_loop3A_370 = arith.constant 48 : index
        %parallel_loop3A_371 = tpu.vector_load %arg6[%parallel_loop3A_369, %parallel_loop3A_370] {strides = array<i32>} : memref<320x128xf32, #tpu.memory_space<vmem>>, vector<16xf32>,
        %parallel_loop3A_372 = vector.bitcast %parallel_loop3A_371 : vector<16xf32> to vector<16xi32>
        %parallel_loop3A_373 = arith.constant 80 : i32
        %parallel_loop3A_374 = arith.addi %mul3A_278, %parallel_loop3A_373 : i32
        %parallel_loop3A_375 = arith.addi %parallel_loop3A_374, %parallel_loop3A_298 : i32
        %parallel_loop3A_376 = arith.index_cast %parallel_loop3A_375 : i32 to index
        %parallel_loop3A_377 = arith.constant 48 : index
        %parallel_loop3A_378 = tpu.vector_load %arg6[%parallel_loop3A_376, %parallel_loop3A_377] {strides = array<i32>} : memref<320x128xf32, #tpu.memory_space<vmem>>, vector<16xf32>,
        %parallel_loop3A_379 = vector.bitcast %parallel_loop3A_378 : vector<16xf32> to vector<16xi32>
        %parallel_loop3A_380 = arith.constant 16 : i32
        %parallel_loop3A_381 = vector.broadcast %parallel_loop3A_380 : i32 to vector<16xi32>
        %parallel_loop3A_382 = arith.shrui %parallel_loop3A_372, %parallel_loop3A_381 : vector<16xi32>
        %parallel_loop3A_383 = arith.constant -65536 : i32
        %parallel_loop3A_384 = vector.broadcast %parallel_loop3A_383 : i32 to vector<16xi32>
        %parallel_loop3A_385 = arith.andi %parallel_loop3A_379, %parallel_loop3A_384 : vector<16xi32>
        %parallel_loop3A_386 = arith.ori %parallel_loop3A_382, %parallel_loop3A_385 : vector<16xi32>
        %parallel_loop3A_387 = arith.addi %mul3A_280, %parallel_loop3A_298 : i32
        %parallel_loop3A_388 = arith.index_cast %parallel_loop3A_387 : i32 to index
        %parallel_loop3A_389 = arith.constant 48 : index
        %parallel_loop3A_390 = tpu.vector_load %arg7[%parallel_loop3A_388, %parallel_loop3A_389] {strides = array<i32>} : memref<160x128xi32, #tpu.memory_space<vmem>>, vector<16xi32>,
        tpu.vector_store %arg7[%parallel_loop3A_388, %parallel_loop3A_389], %parallel_loop3A_386 {strides = array<i32>} : memref<160x128xi32, #tpu.memory_space<vmem>>, vector<16xi32>,
        %parallel_loop3A_391 = arith.addi %mul3A_278, %parallel_loop3A_298 : i32
        %parallel_loop3A_392 = arith.index_cast %parallel_loop3A_391 : i32 to index
        %parallel_loop3A_393 = arith.constant 64 : index
        %parallel_loop3A_394 = tpu.vector_load %arg6[%parallel_loop3A_392, %parallel_loop3A_393] {strides = array<i32>} : memref<320x128xf32, #tpu.memory_space<vmem>>, vector<16xf32>,
        %parallel_loop3A_395 = vector.bitcast %parallel_loop3A_394 : vector<16xf32> to vector<16xi32>
        %parallel_loop3A_396 = arith.constant 80 : i32
        %parallel_loop3A_397 = arith.addi %mul3A_278, %parallel_loop3A_396 : i32
        %parallel_loop3A_398 = arith.addi %parallel_loop3A_397, %parallel_loop3A_298 : i32
        %parallel_loop3A_399 = arith.index_cast %parallel_loop3A_398 : i32 to index
        %parallel_loop3A_400 = arith.constant 64 : index
        %parallel_loop3A_401 = tpu.vector_load %arg6[%parallel_loop3A_399, %parallel_loop3A_400] {strides = array<i32>} : memref<320x128xf32, #tpu.memory_space<vmem>>, vector<16xf32>,
        %parallel_loop3A_402 = vector.bitcast %parallel_loop3A_401 : vector<16xf32> to vector<16xi32>
        %parallel_loop3A_403 = arith.constant 16 : i32
        %parallel_loop3A_404 = vector.broadcast %parallel_loop3A_403 : i32 to vector<16xi32>
        %parallel_loop3A_405 = arith.shrui %parallel_loop3A_395, %parallel_loop3A_404 : vector<16xi32>
        %parallel_loop3A_406 = arith.constant -65536 : i32
        %parallel_loop3A_407 = vector.broadcast %parallel_loop3A_406 : i32 to vector<16xi32>
        %parallel_loop3A_408 = arith.andi %parallel_loop3A_402, %parallel_loop3A_407 : vector<16xi32>
        %parallel_loop3A_409 = arith.ori %parallel_loop3A_405, %parallel_loop3A_408 : vector<16xi32>
        %parallel_loop3A_410 = arith.addi %mul3A_280, %parallel_loop3A_298 : i32
        %parallel_loop3A_411 = arith.index_cast %parallel_loop3A_410 : i32 to index
        %parallel_loop3A_412 = arith.constant 64 : index
        %parallel_loop3A_413 = tpu.vector_load %arg7[%parallel_loop3A_411, %parallel_loop3A_412] {strides = array<i32>} : memref<160x128xi32, #tpu.memory_space<vmem>>, vector<16xi32>,
        tpu.vector_store %arg7[%parallel_loop3A_411, %parallel_loop3A_412], %parallel_loop3A_409 {strides = array<i32>} : memref<160x128xi32, #tpu.memory_space<vmem>>, vector<16xi32>,
        %parallel_loop3A_414 = arith.addi %mul3A_278, %parallel_loop3A_298 : i32
        %parallel_loop3A_415 = arith.index_cast %parallel_loop3A_414 : i32 to index
        %parallel_loop3A_416 = arith.constant 80 : index
        %parallel_loop3A_417 = tpu.vector_load %arg6[%parallel_loop3A_415, %parallel_loop3A_416] {strides = array<i32>} : memref<320x128xf32, #tpu.memory_space<vmem>>, vector<16xf32>,
        %parallel_loop3A_418 = vector.bitcast %parallel_loop3A_417 : vector<16xf32> to vector<16xi32>
        %parallel_loop3A_419 = arith.constant 80 : i32
        %parallel_loop3A_420 = arith.addi %mul3A_278, %parallel_loop3A_419 : i32
        %parallel_loop3A_421 = arith.addi %parallel_loop3A_420, %parallel_loop3A_298 : i32
        %parallel_loop3A_422 = arith.index_cast %parallel_loop3A_421 : i32 to index
        %parallel_loop3A_423 = arith.constant 80 : index
        %parallel_loop3A_424 = tpu.vector_load %arg6[%parallel_loop3A_422, %parallel_loop3A_423] {strides = array<i32>} : memref<320x128xf32, #tpu.memory_space<vmem>>, vector<16xf32>,
        %parallel_loop3A_425 = vector.bitcast %parallel_loop3A_424 : vector<16xf32> to vector<16xi32>
        %parallel_loop3A_426 = arith.constant 16 : i32
        %parallel_loop3A_427 = vector.broadcast %parallel_loop3A_426 : i32 to vector<16xi32>
        %parallel_loop3A_428 = arith.shrui %parallel_loop3A_418, %parallel_loop3A_427 : vector<16xi32>
        %parallel_loop3A_429 = arith.constant -65536 : i32
        %parallel_loop3A_430 = vector.broadcast %parallel_loop3A_429 : i32 to vector<16xi32>
        %parallel_loop3A_431 = arith.andi %parallel_loop3A_425, %parallel_loop3A_430 : vector<16xi32>
        %parallel_loop3A_432 = arith.ori %parallel_loop3A_428, %parallel_loop3A_431 : vector<16xi32>
        %parallel_loop3A_433 = arith.addi %mul3A_280, %parallel_loop3A_298 : i32
        %parallel_loop3A_434 = arith.index_cast %parallel_loop3A_433 : i32 to index
        %parallel_loop3A_435 = arith.constant 80 : index
        %parallel_loop3A_436 = tpu.vector_load %arg7[%parallel_loop3A_434, %parallel_loop3A_435] {strides = array<i32>} : memref<160x128xi32, #tpu.memory_space<vmem>>, vector<16xi32>,
        tpu.vector_store %arg7[%parallel_loop3A_434, %parallel_loop3A_435], %parallel_loop3A_432 {strides = array<i32>} : memref<160x128xi32, #tpu.memory_space<vmem>>, vector<16xi32>,
        %parallel_loop3A_437 = arith.addi %mul3A_278, %parallel_loop3A_298 : i32
        %parallel_loop3A_438 = arith.index_cast %parallel_loop3A_437 : i32 to index
        %parallel_loop3A_439 = arith.constant 96 : index
        %parallel_loop3A_440 = tpu.vector_load %arg6[%parallel_loop3A_438, %parallel_loop3A_439] {strides = array<i32>} : memref<320x128xf32, #tpu.memory_space<vmem>>, vector<16xf32>,
        %parallel_loop3A_441 = vector.bitcast %parallel_loop3A_440 : vector<16xf32> to vector<16xi32>
        %parallel_loop3A_442 = arith.constant 80 : i32
        %parallel_loop3A_443 = arith.addi %mul3A_278, %parallel_loop3A_442 : i32
        %parallel_loop3A_444 = arith.addi %parallel_loop3A_443, %parallel_loop3A_298 : i32
        %parallel_loop3A_445 = arith.index_cast %parallel_loop3A_444 : i32 to index
        %parallel_loop3A_446 = arith.constant 96 : index
        %parallel_loop3A_447 = tpu.vector_load %arg6[%parallel_loop3A_445, %parallel_loop3A_446] {strides = array<i32>} : memref<320x128xf32, #tpu.memory_space<vmem>>, vector<16xf32>,
        %parallel_loop3A_448 = vector.bitcast %parallel_loop3A_447 : vector<16xf32> to vector<16xi32>
        %parallel_loop3A_449 = arith.constant 16 : i32
        %parallel_loop3A_450 = vector.broadcast %parallel_loop3A_449 : i32 to vector<16xi32>
        %parallel_loop3A_451 = arith.shrui %parallel_loop3A_441, %parallel_loop3A_450 : vector<16xi32>
        %parallel_loop3A_452 = arith.constant -65536 : i32
        %parallel_loop3A_453 = vector.broadcast %parallel_loop3A_452 : i32 to vector<16xi32>
        %parallel_loop3A_454 = arith.andi %parallel_loop3A_448, %parallel_loop3A_453 : vector<16xi32>
        %parallel_loop3A_455 = arith.ori %parallel_loop3A_451, %parallel_loop3A_454 : vector<16xi32>
        %parallel_loop3A_456 = arith.addi %mul3A_280, %parallel_loop3A_298 : i32
        %parallel_loop3A_457 = arith.index_cast %parallel_loop3A_456 : i32 to index
        %parallel_loop3A_458 = arith.constant 96 : index
        %parallel_loop3A_459 = tpu.vector_load %arg7[%parallel_loop3A_457, %parallel_loop3A_458] {strides = array<i32>} : memref<160x128xi32, #tpu.memory_space<vmem>>, vector<16xi32>,
        tpu.vector_store %arg7[%parallel_loop3A_457, %parallel_loop3A_458], %parallel_loop3A_455 {strides = array<i32>} : memref<160x128xi32, #tpu.memory_space<vmem>>, vector<16xi32>,
        %parallel_loop3A_460 = arith.addi %mul3A_278, %parallel_loop3A_298 : i32
        %parallel_loop3A_461 = arith.index_cast %parallel_loop3A_460 : i32 to index
        %parallel_loop3A_462 = arith.constant 112 : index
        %parallel_loop3A_463 = tpu.vector_load %arg6[%parallel_loop3A_461, %parallel_loop3A_462] {strides = array<i32>} : memref<320x128xf32, #tpu.memory_space<vmem>>, vector<16xf32>,
        %parallel_loop3A_464 = vector.bitcast %parallel_loop3A_463 : vector<16xf32> to vector<16xi32>
        %parallel_loop3A_465 = arith.constant 80 : i32
        %parallel_loop3A_466 = arith.addi %mul3A_278, %parallel_loop3A_465 : i32
        %parallel_loop3A_467 = arith.addi %parallel_loop3A_466, %parallel_loop3A_298 : i32
        %parallel_loop3A_468 = arith.index_cast %parallel_loop3A_467 : i32 to index
        %parallel_loop3A_469 = arith.constant 112 : index
        %parallel_loop3A_470 = tpu.vector_load %arg6[%parallel_loop3A_468, %parallel_loop3A_469] {strides = array<i32>} : memref<320x128xf32, #tpu.memory_space<vmem>>, vector<16xf32>,
        %parallel_loop3A_471 = vector.bitcast %parallel_loop3A_470 : vector<16xf32> to vector<16xi32>
        %parallel_loop3A_472 = arith.constant 16 : i32
        %parallel_loop3A_473 = vector.broadcast %parallel_loop3A_472 : i32 to vector<16xi32>
        %parallel_loop3A_474 = arith.shrui %parallel_loop3A_464, %parallel_loop3A_473 : vector<16xi32>
        %parallel_loop3A_475 = arith.constant -65536 : i32
        %parallel_loop3A_476 = vector.broadcast %parallel_loop3A_475 : i32 to vector<16xi32>
        %parallel_loop3A_477 = arith.andi %parallel_loop3A_471, %parallel_loop3A_476 : vector<16xi32>
        %parallel_loop3A_478 = arith.ori %parallel_loop3A_474, %parallel_loop3A_477 : vector<16xi32>
        %parallel_loop3A_479 = arith.addi %mul3A_280, %parallel_loop3A_298 : i32
        %parallel_loop3A_480 = arith.index_cast %parallel_loop3A_479 : i32 to index
        %parallel_loop3A_481 = arith.constant 112 : index
        %parallel_loop3A_482 = tpu.vector_load %arg7[%parallel_loop3A_480, %parallel_loop3A_481] {strides = array<i32>} : memref<160x128xi32, #tpu.memory_space<vmem>>, vector<16xi32>,
        tpu.vector_store %arg7[%parallel_loop3A_480, %parallel_loop3A_481], %parallel_loop3A_478 {strides = array<i32>} : memref<160x128xi32, #tpu.memory_space<vmem>>, vector<16xi32>,
      } {sc.loop_unroll_factor = 4 : i64, sc.parallel_access}
      %mul3A_284 = arith.constant 80 : i32
      %mul3A_285 = arith.muli %select_n3A_211, %mul3A_284 : i32
      %mul3A_286 = arith.constant 80 : i32
      %mul3A_287 = arith.muli %scan3A_201, %mul3A_286 : i32
      %add3A_288 = arith.addi %mul3A_2, %mul3A_287 : i32
      %dma_start3A_289 = arith.constant 0 : i32
      %dma_start3A_290 = tpu.memref_slice %arg7[%mul3A_285, %dma_start3A_289] : memref<160x128xi32, #tpu.memory_space<vmem>> -> memref<80x128xi32, #tpu.memory_space<vmem>>
      %dma_start3A_291 = arith.constant 0 : i32
      %dma_start3A_292 = tpu.memref_slice %arg4[%add3A_288, %dma_start3A_291] : memref<51200x128xi32, #tpu.memory_space<hbm>> -> memref<80x128xi32, #tpu.memory_space<hbm>>
      %dma_start3A_293 = arith.constant 0 : i32
      %dma_start3A_294 = tpu.memref_slice %arg4[%add3A_288, %dma_start3A_293] : memref<51200x128xi32, #tpu.memory_space<hbm>> -> memref<80x128xi32, #tpu.memory_space<hbm>>
      %dma_start3A_295 = arith.constant 0 : i32
      %dma_start3A_296 = tpu.memref_slice %arg7[%mul3A_285, %dma_start3A_295] : memref<160x128xi32, #tpu.memory_space<vmem>> -> memref<80x128xi32, #tpu.memory_space<vmem>>
      tpu.enqueue_dma source(%dma_start3A_296 : memref<80x128xi32, #tpu.memory_space<vmem>>) target(%dma_start3A_294 : memref<80x128xi32, #tpu.memory_space<hbm>>) target_semaphore(%arg9 : memref<!tpu.dma_semaphore, #tpu.memory_space<semaphore_mem>>)
      %scan3A_297 = arith.constant 0 : i32
      scf.yield %scan3A_297 : i32
    }
    %scan3A_135 = arith.constant 17 : i32
    %dma_wait3A_136 = arith.constant 0 : i32
    %dma_wait3A_137 = arith.constant 0 : i32
    %dma_wait3A_138 = arith.constant 0 : i32
    %dma_wait3A_139 = tpu.memref_slice %arg6[%dma_wait3A_137, %dma_wait3A_138] : memref<320x128xf32, #tpu.memory_space<vmem>> -> memref<80x128xf32, #tpu.memory_space<vmem>>
    %dma_wait3A_140 = arith.constant 0 : i32
    %dma_wait3A_141 = tpu.memref_slice %arg5[%dma_wait3A_136, %dma_wait3A_140] : memref<40x80xi32, #tpu.memory_space<vmem>> -> memref<1x80xi32, #tpu.memory_space<vmem>>
    %dma_wait3A_142 = tpu.memref_squeeze %dma_wait3A_141 : memref<1x80xi32, #tpu.memory_space<vmem>> -> memref<80xi32, #tpu.memory_space<vmem>>
    %dma_wait3A_143 = arith.constant 0 : i32
    %dma_wait3A_144 = arith.constant 0 : i32
    %dma_wait3A_145 = tpu.memref_slice %arg2[%dma_wait3A_143, %dma_wait3A_144] : memref<100000x128xf32, #tpu.memory_space<hbm>> -> memref<100000x128xf32, #tpu.memory_space<hbm>>
    tpu.wait_indirect_dma semaphore(%arg8 : memref<!tpu.dma_semaphore, #tpu.memory_space<semaphore_mem>>) src(%dma_wait3A_145 : memref<100000x128xf32, #tpu.memory_space<hbm>>) dst(%dma_wait3A_139 : memref<80x128xf32, #tpu.memory_space<vmem>>)
    %dma_wait3A_146 = arith.constant 0 : i32
    %dma_wait3A_147 = arith.constant 0 : i32
    %dma_wait3A_148 = arith.constant 0 : i32
    %dma_wait3A_149 = tpu.memref_slice %arg6[%dma_wait3A_147, %dma_wait3A_148] : memref<320x128xf32, #tpu.memory_space<vmem>> -> memref<80x128xf32, #tpu.memory_space<vmem>>
    %dma_wait3A_150 = arith.constant 0 : i32
    %dma_wait3A_151 = tpu.memref_slice %arg5[%dma_wait3A_146, %dma_wait3A_150] : memref<40x80xi32, #tpu.memory_space<vmem>> -> memref<1x80xi32, #tpu.memory_space<vmem>>
    %dma_wait3A_152 = tpu.memref_squeeze %dma_wait3A_151 : memref<1x80xi32, #tpu.memory_space<vmem>> -> memref<80xi32, #tpu.memory_space<vmem>>
    %dma_wait3A_153 = arith.constant 0 : i32
    %dma_wait3A_154 = arith.constant 0 : i32
    %dma_wait3A_155 = tpu.memref_slice %arg2[%dma_wait3A_153, %dma_wait3A_154] : memref<100000x128xf32, #tpu.memory_space<hbm>> -> memref<100000x128xf32, #tpu.memory_space<hbm>>
    tpu.wait_indirect_dma semaphore(%arg8 : memref<!tpu.dma_semaphore, #tpu.memory_space<semaphore_mem>>) src(%dma_wait3A_155 : memref<100000x128xf32, #tpu.memory_space<hbm>>) dst(%dma_wait3A_149 : memref<80x128xf32, #tpu.memory_space<vmem>>)
    %dma_wait3A_156 = arith.constant 0 : i32
    %dma_wait3A_157 = arith.constant 0 : i32
    %dma_wait3A_158 = tpu.memref_slice %arg7[%dma_wait3A_156, %dma_wait3A_157] : memref<160x128xi32, #tpu.memory_space<vmem>> -> memref<80x128xi32, #tpu.memory_space<vmem>>
    %dma_wait3A_159 = arith.constant 0 : i32
    %dma_wait3A_160 = tpu.memref_slice %arg4[%mul3A_2, %dma_wait3A_159] : memref<51200x128xi32, #tpu.memory_space<hbm>> -> memref<80x128xi32, #tpu.memory_space<hbm>>
    %dma_wait3A_161 = arith.constant 0 : i32
    %dma_wait3A_162 = tpu.memref_slice %arg4[%mul3A_2, %dma_wait3A_161] : memref<51200x128xi32, #tpu.memory_space<hbm>> -> memref<80x128xi32, #tpu.memory_space<hbm>>
    %dma_wait3A_163 = arith.constant 0 : i32
    %dma_wait3A_164 = arith.constant 0 : i32
    %dma_wait3A_165 = tpu.memref_slice %arg7[%dma_wait3A_163, %dma_wait3A_164] : memref<160x128xi32, #tpu.memory_space<vmem>> -> memref<80x128xi32, #tpu.memory_space<vmem>>
    tpu.wait_dma2 semaphore(%arg9 : memref<!tpu.dma_semaphore, #tpu.memory_space<semaphore_mem>>) src(%dma_wait3A_165 : memref<80x128xi32, #tpu.memory_space<vmem>>) dst(%dma_wait3A_162 : memref<80x128xi32, #tpu.memory_space<hbm>>)
    %parallel_loop3A_166 = arith.constant 0 : i32
    %parallel_loop3A_167 = arith.constant 80 : i32
    %parallel_loop3A_168 = arith.constant 1 : i32
    scf.for %parallel_loop3A_201 = %parallel_loop3A_166 to %parallel_loop3A_167 step %parallel_loop3A_168  : i32 {
      %parallel_loop3A_202 = arith.constant 160 : i32
      %parallel_loop3A_203 = arith.addi %parallel_loop3A_202, %parallel_loop3A_201 : i32
      %parallel_loop3A_204 = arith.index_cast %parallel_loop3A_203 : i32 to index
      %parallel_loop3A_205 = arith.constant 0 : index
      %parallel_loop3A_206 = tpu.vector_load %arg6[%parallel_loop3A_204, %parallel_loop3A_205] {strides = array<i32>} : memref<320x128xf32, #tpu.memory_space<vmem>>, vector<16xf32>,
      %parallel_loop3A_207 = vector.bitcast %parallel_loop3A_206 : vector<16xf32> to vector<16xi32>
      %parallel_loop3A_208 = arith.constant 240 : i32
      %parallel_loop3A_209 = arith.addi %parallel_loop3A_208, %parallel_loop3A_201 : i32
      %parallel_loop3A_210 = arith.index_cast %parallel_loop3A_209 : i32 to index
      %parallel_loop3A_211 = arith.constant 0 : index
      %parallel_loop3A_212 = tpu.vector_load %arg6[%parallel_loop3A_210, %parallel_loop3A_211] {strides = array<i32>} : memref<320x128xf32, #tpu.memory_space<vmem>>, vector<16xf32>,
      %parallel_loop3A_213 = vector.bitcast %parallel_loop3A_212 : vector<16xf32> to vector<16xi32>
      %parallel_loop3A_214 = arith.constant 16 : i32
      %parallel_loop3A_215 = vector.broadcast %parallel_loop3A_214 : i32 to vector<16xi32>
      %parallel_loop3A_216 = arith.shrui %parallel_loop3A_207, %parallel_loop3A_215 : vector<16xi32>
      %parallel_loop3A_217 = arith.constant -65536 : i32
      %parallel_loop3A_218 = vector.broadcast %parallel_loop3A_217 : i32 to vector<16xi32>
      %parallel_loop3A_219 = arith.andi %parallel_loop3A_213, %parallel_loop3A_218 : vector<16xi32>
      %parallel_loop3A_220 = arith.ori %parallel_loop3A_216, %parallel_loop3A_219 : vector<16xi32>
      %parallel_loop3A_221 = arith.constant 80 : i32
      %parallel_loop3A_222 = arith.addi %parallel_loop3A_221, %parallel_loop3A_201 : i32
      %parallel_loop3A_223 = arith.index_cast %parallel_loop3A_222 : i32 to index
      %parallel_loop3A_224 = arith.constant 0 : index
      %parallel_loop3A_225 = tpu.vector_load %arg7[%parallel_loop3A_223, %parallel_loop3A_224] {strides = array<i32>} : memref<160x128xi32, #tpu.memory_space<vmem>>, vector<16xi32>,
      tpu.vector_store %arg7[%parallel_loop3A_223, %parallel_loop3A_224], %parallel_loop3A_220 {strides = array<i32>} : memref<160x128xi32, #tpu.memory_space<vmem>>, vector<16xi32>,
      %parallel_loop3A_226 = arith.constant 160 : i32
      %parallel_loop3A_227 = arith.addi %parallel_loop3A_226, %parallel_loop3A_201 : i32
      %parallel_loop3A_228 = arith.index_cast %parallel_loop3A_227 : i32 to index
      %parallel_loop3A_229 = arith.constant 16 : index
      %parallel_loop3A_230 = tpu.vector_load %arg6[%parallel_loop3A_228, %parallel_loop3A_229] {strides = array<i32>} : memref<320x128xf32, #tpu.memory_space<vmem>>, vector<16xf32>,
      %parallel_loop3A_231 = vector.bitcast %parallel_loop3A_230 : vector<16xf32> to vector<16xi32>
      %parallel_loop3A_232 = arith.constant 240 : i32
      %parallel_loop3A_233 = arith.addi %parallel_loop3A_232, %parallel_loop3A_201 : i32
      %parallel_loop3A_234 = arith.index_cast %parallel_loop3A_233 : i32 to index
      %parallel_loop3A_235 = arith.constant 16 : index
      %parallel_loop3A_236 = tpu.vector_load %arg6[%parallel_loop3A_234, %parallel_loop3A_235] {strides = array<i32>} : memref<320x128xf32, #tpu.memory_space<vmem>>, vector<16xf32>,
      %parallel_loop3A_237 = vector.bitcast %parallel_loop3A_236 : vector<16xf32> to vector<16xi32>
      %parallel_loop3A_238 = arith.constant 16 : i32
      %parallel_loop3A_239 = vector.broadcast %parallel_loop3A_238 : i32 to vector<16xi32>
      %parallel_loop3A_240 = arith.shrui %parallel_loop3A_231, %parallel_loop3A_239 : vector<16xi32>
      %parallel_loop3A_241 = arith.constant -65536 : i32
      %parallel_loop3A_242 = vector.broadcast %parallel_loop3A_241 : i32 to vector<16xi32>
      %parallel_loop3A_243 = arith.andi %parallel_loop3A_237, %parallel_loop3A_242 : vector<16xi32>
      %parallel_loop3A_244 = arith.ori %parallel_loop3A_240, %parallel_loop3A_243 : vector<16xi32>
      %parallel_loop3A_245 = arith.constant 80 : i32
      %parallel_loop3A_246 = arith.addi %parallel_loop3A_245, %parallel_loop3A_201 : i32
      %parallel_loop3A_247 = arith.index_cast %parallel_loop3A_246 : i32 to index
      %parallel_loop3A_248 = arith.constant 16 : index
      %parallel_loop3A_249 = tpu.vector_load %arg7[%parallel_loop3A_247, %parallel_loop3A_248] {strides = array<i32>} : memref<160x128xi32, #tpu.memory_space<vmem>>, vector<16xi32>,
      tpu.vector_store %arg7[%parallel_loop3A_247, %parallel_loop3A_248], %parallel_loop3A_244 {strides = array<i32>} : memref<160x128xi32, #tpu.memory_space<vmem>>, vector<16xi32>,
      %parallel_loop3A_250 = arith.constant 160 : i32
      %parallel_loop3A_251 = arith.addi %parallel_loop3A_250, %parallel_loop3A_201 : i32
      %parallel_loop3A_252 = arith.index_cast %parallel_loop3A_251 : i32 to index
      %parallel_loop3A_253 = arith.constant 32 : index
      %parallel_loop3A_254 = tpu.vector_load %arg6[%parallel_loop3A_252, %parallel_loop3A_253] {strides = array<i32>} : memref<320x128xf32, #tpu.memory_space<vmem>>, vector<16xf32>,
      %parallel_loop3A_255 = vector.bitcast %parallel_loop3A_254 : vector<16xf32> to vector<16xi32>
      %parallel_loop3A_256 = arith.constant 240 : i32
      %parallel_loop3A_257 = arith.addi %parallel_loop3A_256, %parallel_loop3A_201 : i32
      %parallel_loop3A_258 = arith.index_cast %parallel_loop3A_257 : i32 to index
      %parallel_loop3A_259 = arith.constant 32 : index
      %parallel_loop3A_260 = tpu.vector_load %arg6[%parallel_loop3A_258, %parallel_loop3A_259] {strides = array<i32>} : memref<320x128xf32, #tpu.memory_space<vmem>>, vector<16xf32>,
      %parallel_loop3A_261 = vector.bitcast %parallel_loop3A_260 : vector<16xf32> to vector<16xi32>
      %parallel_loop3A_262 = arith.constant 16 : i32
      %parallel_loop3A_263 = vector.broadcast %parallel_loop3A_262 : i32 to vector<16xi32>
      %parallel_loop3A_264 = arith.shrui %parallel_loop3A_255, %parallel_loop3A_263 : vector<16xi32>
      %parallel_loop3A_265 = arith.constant -65536 : i32
      %parallel_loop3A_266 = vector.broadcast %parallel_loop3A_265 : i32 to vector<16xi32>
      %parallel_loop3A_267 = arith.andi %parallel_loop3A_261, %parallel_loop3A_266 : vector<16xi32>
      %parallel_loop3A_268 = arith.ori %parallel_loop3A_264, %parallel_loop3A_267 : vector<16xi32>
      %parallel_loop3A_269 = arith.constant 80 : i32
      %parallel_loop3A_270 = arith.addi %parallel_loop3A_269, %parallel_loop3A_201 : i32
      %parallel_loop3A_271 = arith.index_cast %parallel_loop3A_270 : i32 to index
      %parallel_loop3A_272 = arith.constant 32 : index
      %parallel_loop3A_273 = tpu.vector_load %arg7[%parallel_loop3A_271, %parallel_loop3A_272] {strides = array<i32>} : memref<160x128xi32, #tpu.memory_space<vmem>>, vector<16xi32>,
      tpu.vector_store %arg7[%parallel_loop3A_271, %parallel_loop3A_272], %parallel_loop3A_268 {strides = array<i32>} : memref<160x128xi32, #tpu.memory_space<vmem>>, vector<16xi32>,
      %parallel_loop3A_274 = arith.constant 160 : i32
      %parallel_loop3A_275 = arith.addi %parallel_loop3A_274, %parallel_loop3A_201 : i32
      %parallel_loop3A_276 = arith.index_cast %parallel_loop3A_275 : i32 to index
      %parallel_loop3A_277 = arith.constant 48 : index
      %parallel_loop3A_278 = tpu.vector_load %arg6[%parallel_loop3A_276, %parallel_loop3A_277] {strides = array<i32>} : memref<320x128xf32, #tpu.memory_space<vmem>>, vector<16xf32>,
      %parallel_loop3A_279 = vector.bitcast %parallel_loop3A_278 : vector<16xf32> to vector<16xi32>
      %parallel_loop3A_280 = arith.constant 240 : i32
      %parallel_loop3A_281 = arith.addi %parallel_loop3A_280, %parallel_loop3A_201 : i32
      %parallel_loop3A_282 = arith.index_cast %parallel_loop3A_281 : i32 to index
      %parallel_loop3A_283 = arith.constant 48 : index
      %parallel_loop3A_284 = tpu.vector_load %arg6[%parallel_loop3A_282, %parallel_loop3A_283] {strides = array<i32>} : memref<320x128xf32, #tpu.memory_space<vmem>>, vector<16xf32>,
      %parallel_loop3A_285 = vector.bitcast %parallel_loop3A_284 : vector<16xf32> to vector<16xi32>
      %parallel_loop3A_286 = arith.constant 16 : i32
      %parallel_loop3A_287 = vector.broadcast %parallel_loop3A_286 : i32 to vector<16xi32>
      %parallel_loop3A_288 = arith.shrui %parallel_loop3A_279, %parallel_loop3A_287 : vector<16xi32>
      %parallel_loop3A_289 = arith.constant -65536 : i32
      %parallel_loop3A_290 = vector.broadcast %parallel_loop3A_289 : i32 to vector<16xi32>
      %parallel_loop3A_291 = arith.andi %parallel_loop3A_285, %parallel_loop3A_290 : vector<16xi32>
      %parallel_loop3A_292 = arith.ori %parallel_loop3A_288, %parallel_loop3A_291 : vector<16xi32>
      %parallel_loop3A_293 = arith.constant 80 : i32
      %parallel_loop3A_294 = arith.addi %parallel_loop3A_293, %parallel_loop3A_201 : i32
      %parallel_loop3A_295 = arith.index_cast %parallel_loop3A_294 : i32 to index
      %parallel_loop3A_296 = arith.constant 48 : index
      %parallel_loop3A_297 = tpu.vector_load %arg7[%parallel_loop3A_295, %parallel_loop3A_296] {strides = array<i32>} : memref<160x128xi32, #tpu.memory_space<vmem>>, vector<16xi32>,
      tpu.vector_store %arg7[%parallel_loop3A_295, %parallel_loop3A_296], %parallel_loop3A_292 {strides = array<i32>} : memref<160x128xi32, #tpu.memory_space<vmem>>, vector<16xi32>,
      %parallel_loop3A_298 = arith.constant 160 : i32
      %parallel_loop3A_299 = arith.addi %parallel_loop3A_298, %parallel_loop3A_201 : i32
      %parallel_loop3A_300 = arith.index_cast %parallel_loop3A_299 : i32 to index
      %parallel_loop3A_301 = arith.constant 64 : index
      %parallel_loop3A_302 = tpu.vector_load %arg6[%parallel_loop3A_300, %parallel_loop3A_301] {strides = array<i32>} : memref<320x128xf32, #tpu.memory_space<vmem>>, vector<16xf32>,
      %parallel_loop3A_303 = vector.bitcast %parallel_loop3A_302 : vector<16xf32> to vector<16xi32>
      %parallel_loop3A_304 = arith.constant 240 : i32
      %parallel_loop3A_305 = arith.addi %parallel_loop3A_304, %parallel_loop3A_201 : i32
      %parallel_loop3A_306 = arith.index_cast %parallel_loop3A_305 : i32 to index
      %parallel_loop3A_307 = arith.constant 64 : index
      %parallel_loop3A_308 = tpu.vector_load %arg6[%parallel_loop3A_306, %parallel_loop3A_307] {strides = array<i32>} : memref<320x128xf32, #tpu.memory_space<vmem>>, vector<16xf32>,
      %parallel_loop3A_309 = vector.bitcast %parallel_loop3A_308 : vector<16xf32> to vector<16xi32>
      %parallel_loop3A_310 = arith.constant 16 : i32
      %parallel_loop3A_311 = vector.broadcast %parallel_loop3A_310 : i32 to vector<16xi32>
      %parallel_loop3A_312 = arith.shrui %parallel_loop3A_303, %parallel_loop3A_311 : vector<16xi32>
      %parallel_loop3A_313 = arith.constant -65536 : i32
      %parallel_loop3A_314 = vector.broadcast %parallel_loop3A_313 : i32 to vector<16xi32>
      %parallel_loop3A_315 = arith.andi %parallel_loop3A_309, %parallel_loop3A_314 : vector<16xi32>
      %parallel_loop3A_316 = arith.ori %parallel_loop3A_312, %parallel_loop3A_315 : vector<16xi32>
      %parallel_loop3A_317 = arith.constant 80 : i32
      %parallel_loop3A_318 = arith.addi %parallel_loop3A_317, %parallel_loop3A_201 : i32
      %parallel_loop3A_319 = arith.index_cast %parallel_loop3A_318 : i32 to index
      %parallel_loop3A_320 = arith.constant 64 : index
      %parallel_loop3A_321 = tpu.vector_load %arg7[%parallel_loop3A_319, %parallel_loop3A_320] {strides = array<i32>} : memref<160x128xi32, #tpu.memory_space<vmem>>, vector<16xi32>,
      tpu.vector_store %arg7[%parallel_loop3A_319, %parallel_loop3A_320], %parallel_loop3A_316 {strides = array<i32>} : memref<160x128xi32, #tpu.memory_space<vmem>>, vector<16xi32>,
      %parallel_loop3A_322 = arith.constant 160 : i32
      %parallel_loop3A_323 = arith.addi %parallel_loop3A_322, %parallel_loop3A_201 : i32
      %parallel_loop3A_324 = arith.index_cast %parallel_loop3A_323 : i32 to index
      %parallel_loop3A_325 = arith.constant 80 : index
      %parallel_loop3A_326 = tpu.vector_load %arg6[%parallel_loop3A_324, %parallel_loop3A_325] {strides = array<i32>} : memref<320x128xf32, #tpu.memory_space<vmem>>, vector<16xf32>,
      %parallel_loop3A_327 = vector.bitcast %parallel_loop3A_326 : vector<16xf32> to vector<16xi32>
      %parallel_loop3A_328 = arith.constant 240 : i32
      %parallel_loop3A_329 = arith.addi %parallel_loop3A_328, %parallel_loop3A_201 : i32
      %parallel_loop3A_330 = arith.index_cast %parallel_loop3A_329 : i32 to index
      %parallel_loop3A_331 = arith.constant 80 : index
      %parallel_loop3A_332 = tpu.vector_load %arg6[%parallel_loop3A_330, %parallel_loop3A_331] {strides = array<i32>} : memref<320x128xf32, #tpu.memory_space<vmem>>, vector<16xf32>,
      %parallel_loop3A_333 = vector.bitcast %parallel_loop3A_332 : vector<16xf32> to vector<16xi32>
      %parallel_loop3A_334 = arith.constant 16 : i32
      %parallel_loop3A_335 = vector.broadcast %parallel_loop3A_334 : i32 to vector<16xi32>
      %parallel_loop3A_336 = arith.shrui %parallel_loop3A_327, %parallel_loop3A_335 : vector<16xi32>
      %parallel_loop3A_337 = arith.constant -65536 : i32
      %parallel_loop3A_338 = vector.broadcast %parallel_loop3A_337 : i32 to vector<16xi32>
      %parallel_loop3A_339 = arith.andi %parallel_loop3A_333, %parallel_loop3A_338 : vector<16xi32>
      %parallel_loop3A_340 = arith.ori %parallel_loop3A_336, %parallel_loop3A_339 : vector<16xi32>
      %parallel_loop3A_341 = arith.constant 80 : i32
      %parallel_loop3A_342 = arith.addi %parallel_loop3A_341, %parallel_loop3A_201 : i32
      %parallel_loop3A_343 = arith.index_cast %parallel_loop3A_342 : i32 to index
      %parallel_loop3A_344 = arith.constant 80 : index
      %parallel_loop3A_345 = tpu.vector_load %arg7[%parallel_loop3A_343, %parallel_loop3A_344] {strides = array<i32>} : memref<160x128xi32, #tpu.memory_space<vmem>>, vector<16xi32>,
      tpu.vector_store %arg7[%parallel_loop3A_343, %parallel_loop3A_344], %parallel_loop3A_340 {strides = array<i32>} : memref<160x128xi32, #tpu.memory_space<vmem>>, vector<16xi32>,
      %parallel_loop3A_346 = arith.constant 160 : i32
      %parallel_loop3A_347 = arith.addi %parallel_loop3A_346, %parallel_loop3A_201 : i32
      %parallel_loop3A_348 = arith.index_cast %parallel_loop3A_347 : i32 to index
      %parallel_loop3A_349 = arith.constant 96 : index
      %parallel_loop3A_350 = tpu.vector_load %arg6[%parallel_loop3A_348, %parallel_loop3A_349] {strides = array<i32>} : memref<320x128xf32, #tpu.memory_space<vmem>>, vector<16xf32>,
      %parallel_loop3A_351 = vector.bitcast %parallel_loop3A_350 : vector<16xf32> to vector<16xi32>
      %parallel_loop3A_352 = arith.constant 240 : i32
      %parallel_loop3A_353 = arith.addi %parallel_loop3A_352, %parallel_loop3A_201 : i32
      %parallel_loop3A_354 = arith.index_cast %parallel_loop3A_353 : i32 to index
      %parallel_loop3A_355 = arith.constant 96 : index
      %parallel_loop3A_356 = tpu.vector_load %arg6[%parallel_loop3A_354, %parallel_loop3A_355] {strides = array<i32>} : memref<320x128xf32, #tpu.memory_space<vmem>>, vector<16xf32>,
      %parallel_loop3A_357 = vector.bitcast %parallel_loop3A_356 : vector<16xf32> to vector<16xi32>
      %parallel_loop3A_358 = arith.constant 16 : i32
      %parallel_loop3A_359 = vector.broadcast %parallel_loop3A_358 : i32 to vector<16xi32>
      %parallel_loop3A_360 = arith.shrui %parallel_loop3A_351, %parallel_loop3A_359 : vector<16xi32>
      %parallel_loop3A_361 = arith.constant -65536 : i32
      %parallel_loop3A_362 = vector.broadcast %parallel_loop3A_361 : i32 to vector<16xi32>
      %parallel_loop3A_363 = arith.andi %parallel_loop3A_357, %parallel_loop3A_362 : vector<16xi32>
      %parallel_loop3A_364 = arith.ori %parallel_loop3A_360, %parallel_loop3A_363 : vector<16xi32>
      %parallel_loop3A_365 = arith.constant 80 : i32
      %parallel_loop3A_366 = arith.addi %parallel_loop3A_365, %parallel_loop3A_201 : i32
      %parallel_loop3A_367 = arith.index_cast %parallel_loop3A_366 : i32 to index
      %parallel_loop3A_368 = arith.constant 96 : index
      %parallel_loop3A_369 = tpu.vector_load %arg7[%parallel_loop3A_367, %parallel_loop3A_368] {strides = array<i32>} : memref<160x128xi32, #tpu.memory_space<vmem>>, vector<16xi32>,
      tpu.vector_store %arg7[%parallel_loop3A_367, %parallel_loop3A_368], %parallel_loop3A_364 {strides = array<i32>} : memref<160x128xi32, #tpu.memory_space<vmem>>, vector<16xi32>,
      %parallel_loop3A_370 = arith.constant 160 : i32
      %parallel_loop3A_371 = arith.addi %parallel_loop3A_370, %parallel_loop3A_201 : i32
      %parallel_loop3A_372 = arith.index_cast %parallel_loop3A_371 : i32 to index
      %parallel_loop3A_373 = arith.constant 112 : index
      %parallel_loop3A_374 = tpu.vector_load %arg6[%parallel_loop3A_372, %parallel_loop3A_373] {strides = array<i32>} : memref<320x128xf32, #tpu.memory_space<vmem>>, vector<16xf32>,
      %parallel_loop3A_375 = vector.bitcast %parallel_loop3A_374 : vector<16xf32> to vector<16xi32>
      %parallel_loop3A_376 = arith.constant 240 : i32
      %parallel_loop3A_377 = arith.addi %parallel_loop3A_376, %parallel_loop3A_201 : i32
      %parallel_loop3A_378 = arith.index_cast %parallel_loop3A_377 : i32 to index
      %parallel_loop3A_379 = arith.constant 112 : index
      %parallel_loop3A_380 = tpu.vector_load %arg6[%parallel_loop3A_378, %parallel_loop3A_379] {strides = array<i32>} : memref<320x128xf32, #tpu.memory_space<vmem>>, vector<16xf32>,
      %parallel_loop3A_381 = vector.bitcast %parallel_loop3A_380 : vector<16xf32> to vector<16xi32>
      %parallel_loop3A_382 = arith.constant 16 : i32
      %parallel_loop3A_383 = vector.broadcast %parallel_loop3A_382 : i32 to vector<16xi32>
      %parallel_loop3A_384 = arith.shrui %parallel_loop3A_375, %parallel_loop3A_383 : vector<16xi32>
      %parallel_loop3A_385 = arith.constant -65536 : i32
      %parallel_loop3A_386 = vector.broadcast %parallel_loop3A_385 : i32 to vector<16xi32>
      %parallel_loop3A_387 = arith.andi %parallel_loop3A_381, %parallel_loop3A_386 : vector<16xi32>
      %parallel_loop3A_388 = arith.ori %parallel_loop3A_384, %parallel_loop3A_387 : vector<16xi32>
      %parallel_loop3A_389 = arith.constant 80 : i32
      %parallel_loop3A_390 = arith.addi %parallel_loop3A_389, %parallel_loop3A_201 : i32
      %parallel_loop3A_391 = arith.index_cast %parallel_loop3A_390 : i32 to index
      %parallel_loop3A_392 = arith.constant 112 : index
      %parallel_loop3A_393 = tpu.vector_load %arg7[%parallel_loop3A_391, %parallel_loop3A_392] {strides = array<i32>} : memref<160x128xi32, #tpu.memory_space<vmem>>, vector<16xi32>,
      tpu.vector_store %arg7[%parallel_loop3A_391, %parallel_loop3A_392], %parallel_loop3A_388 {strides = array<i32>} : memref<160x128xi32, #tpu.memory_space<vmem>>, vector<16xi32>,
    } {sc.loop_unroll_factor = 4 : i64, sc.parallel_access}
    %add3A_169 = arith.constant 1520 : i32
    %add3A_170 = arith.addi %mul3A_2, %add3A_169 : i32
    %dma_start3A_171 = arith.constant 80 : i32
    %dma_start3A_172 = arith.constant 0 : i32
    %dma_start3A_173 = tpu.memref_slice %arg7[%dma_start3A_171, %dma_start3A_172] : memref<160x128xi32, #tpu.memory_space<vmem>> -> memref<80x128xi32, #tpu.memory_space<vmem>>
    %dma_start3A_174 = arith.constant 0 : i32
    %dma_start3A_175 = tpu.memref_slice %arg4[%add3A_170, %dma_start3A_174] : memref<51200x128xi32, #tpu.memory_space<hbm>> -> memref<80x128xi32, #tpu.memory_space<hbm>>
    %dma_start3A_176 = arith.constant 0 : i32
    %dma_start3A_177 = tpu.memref_slice %arg4[%add3A_170, %dma_start3A_176] : memref<51200x128xi32, #tpu.memory_space<hbm>> -> memref<80x128xi32, #tpu.memory_space<hbm>>
    %dma_start3A_178 = arith.constant 80 : i32
    %dma_start3A_179 = arith.constant 0 : i32
    %dma_start3A_180 = tpu.memref_slice %arg7[%dma_start3A_178, %dma_start3A_179] : memref<160x128xi32, #tpu.memory_space<vmem>> -> memref<80x128xi32, #tpu.memory_space<vmem>>
    tpu.enqueue_dma source(%dma_start3A_180 : memref<80x128xi32, #tpu.memory_space<vmem>>) target(%dma_start3A_177 : memref<80x128xi32, #tpu.memory_space<hbm>>) target_semaphore(%arg9 : memref<!tpu.dma_semaphore, #tpu.memory_space<semaphore_mem>>)
    %dma_wait3A_181 = arith.constant 0 : i32
    %dma_wait3A_182 = arith.constant 0 : i32
    %dma_wait3A_183 = tpu.memref_slice %arg7[%dma_wait3A_181, %dma_wait3A_182] : memref<160x128xi32, #tpu.memory_space<vmem>> -> memref<80x128xi32, #tpu.memory_space<vmem>>
    %dma_wait3A_184 = arith.constant 0 : i32
    %dma_wait3A_185 = tpu.memref_slice %arg4[%mul3A_2, %dma_wait3A_184] : memref<51200x128xi32, #tpu.memory_space<hbm>> -> memref<80x128xi32, #tpu.memory_space<hbm>>
    %dma_wait3A_186 = arith.constant 0 : i32
    %dma_wait3A_187 = tpu.memref_slice %arg4[%mul3A_2, %dma_wait3A_186] : memref<51200x128xi32, #tpu.memory_space<hbm>> -> memref<80x128xi32, #tpu.memory_space<hbm>>
    %dma_wait3A_188 = arith.constant 0 : i32
    %dma_wait3A_189 = arith.constant 0 : i32
    %dma_wait3A_190 = tpu.memref_slice %arg7[%dma_wait3A_188, %dma_wait3A_189] : memref<160x128xi32, #tpu.memory_space<vmem>> -> memref<80x128xi32, #tpu.memory_space<vmem>>
    tpu.wait_dma2 semaphore(%arg9 : memref<!tpu.dma_semaphore, #tpu.memory_space<semaphore_mem>>) src(%dma_wait3A_190 : memref<80x128xi32, #tpu.memory_space<vmem>>) dst(%dma_wait3A_187 : memref<80x128xi32, #tpu.memory_space<hbm>>)
    %dma_wait3A_191 = arith.constant 0 : i32
    %dma_wait3A_192 = arith.constant 0 : i32
    %dma_wait3A_193 = tpu.memref_slice %arg7[%dma_wait3A_191, %dma_wait3A_192] : memref<160x128xi32, #tpu.memory_space<vmem>> -> memref<80x128xi32, #tpu.memory_space<vmem>>
    %dma_wait3A_194 = arith.constant 0 : i32
    %dma_wait3A_195 = tpu.memref_slice %arg4[%mul3A_2, %dma_wait3A_194] : memref<51200x128xi32, #tpu.memory_space<hbm>> -> memref<80x128xi32, #tpu.memory_space<hbm>>
    %dma_wait3A_196 = arith.constant 0 : i32
    %dma_wait3A_197 = tpu.memref_slice %arg4[%mul3A_2, %dma_wait3A_196] : memref<51200x128xi32, #tpu.memory_space<hbm>> -> memref<80x128xi32, #tpu.memory_space<hbm>>
    %dma_wait3A_198 = arith.constant 0 : i32
    %dma_wait3A_199 = arith.constant 0 : i32
    %dma_wait3A_200 = tpu.memref_slice %arg7[%dma_wait3A_198, %dma_wait3A_199] : memref<160x128xi32, #tpu.memory_space<vmem>> -> memref<80x128xi32, #tpu.memory_space<vmem>>
    tpu.wait_dma2 semaphore(%arg9 : memref<!tpu.dma_semaphore, #tpu.memory_space<semaphore_mem>>) src(%dma_wait3A_200 : memref<80x128xi32, #tpu.memory_space<vmem>>) dst(%dma_wait3A_197 : memref<80x128xi32, #tpu.memory_space<hbm>>)
    return
  }
}

module attributes {stable_mosaic.version = 14 : i64} {
  func.func @body(%arg0: i32, %arg1: memref<64x200xi32, #tpu.memory_space<vmem>>, %arg2: memref<6400x128xi32, #tpu.memory_space<vmem>>, %arg3: memref<200x128xf32, #tpu.memory_space<vmem>>, %arg4: memref<1x128xf32, #tpu.memory_space<vmem>>, %arg5: memref<1x128xf32, #tpu.memory_space<vmem>>, %arg6: memref<1x128xf32, #tpu.memory_space<vmem>>, %arg7: memref<64x200x128xf32, #tpu.memory_space<vmem>>) attributes {dimension_semantics = [#tpu.dimension_semantics<arbitrary>], iteration_bounds = array<i64: 8>, scalar_prefetch = 0 : i64, scratch_operands = 0 : i64, tpu.core_type = #tpu.core_type<tc>, window_params = [{transform_indices = @transform_0, window_bounds = array<i64: 64, 200>}, {transform_indices = @transform_1, window_bounds = array<i64: 6400, 128>}, {pipeline_mode = #tpu.pipeline_mode<synchronous>, transform_indices = @transform_2, window_bounds = array<i64: 200, 128>}, {pipeline_mode = #tpu.pipeline_mode<synchronous>, transform_indices = @transform_3, window_bounds = array<i64: 1, 128>}, {pipeline_mode = #tpu.pipeline_mode<synchronous>, transform_indices = @transform_4, window_bounds = array<i64: 1, 128>}, {pipeline_mode = #tpu.pipeline_mode<synchronous>, transform_indices = @transform_5, window_bounds = array<i64: 1, 128>}, {transform_indices = @transform_6, window_bounds = array<i64: 64, 200, 128>}]} {
    %get3A = arith.constant 0 : index
    %get3A_0 = arith.constant 0 : index
    %get3A_1 = vector.load %arg2[%get3A, %get3A_0] : memref<6400x128xi32, #tpu.memory_space<vmem>>, vector<6400x128xi32>
    %shift_left3A = arith.constant 16 : i32
    %shift_left3A_2 = vector.broadcast %shift_left3A : i32 to vector<6400x128xi32>
    %shift_left3A_3 = arith.shli %get3A_1, %shift_left3A_2 : vector<6400x128xi32>
    %bitcast_convert_type3A = tpu.bitcast %shift_left3A_3 : vector<6400x128xi32> -> vector<6400x128xf32>
    %and3A = arith.constant -65536 : i32
    %and3A_4 = vector.broadcast %and3A : i32 to vector<6400x128xi32>
    %and3A_5 = arith.andi %get3A_1, %and3A_4 : vector<6400x128xi32>
    %bitcast_convert_type3A_6 = tpu.bitcast %and3A_5 : vector<6400x128xi32> -> vector<6400x128xf32>
    %reshape3A = vector.shape_cast %bitcast_convert_type3A : vector<6400x128xf32> to vector<80x80x128xf32>
    %reshape3A_7 = vector.shape_cast %bitcast_convert_type3A_6 : vector<6400x128xf32> to vector<80x80x128xf32>
    %stack3A = vector.shape_cast %reshape3A : vector<80x80x128xf32> to vector<80x1x80x128xf32>
    %stack3A_8 = vector.shape_cast %reshape3A_7 : vector<80x80x128xf32> to vector<80x1x80x128xf32>
    %stack3A_9 = tpu.concatenate %stack3A, %stack3A_8 in 1 : vector<80x1x80x128xf32>, vector<80x1x80x128xf32> -> vector<80x2x80x128xf32>
    %reshape3A_10 = vector.shape_cast %stack3A_9 : vector<80x2x80x128xf32> to vector<64x200x128xf32>
    %get3A_11 = arith.constant 0 : index
    %get3A_12 = arith.constant 0 : index
    %get3A_13 = vector.load %arg1[%get3A_11, %get3A_12] : memref<64x200xi32, #tpu.memory_space<vmem>>, vector<64x200xi32>
    %convert_element_type3A = arith.sitofp %get3A_13 : vector<64x200xi32> to vector<64x200xf32>
    %broadcast_in_dim3A = vector.shape_cast %convert_element_type3A : vector<64x200xf32> to vector<64x200x1xf32>
    %get3A_14 = arith.constant 0 : index
    %get3A_15 = arith.constant 0 : index
    %get3A_16 = vector.load %arg3[%get3A_14, %get3A_15] : memref<200x128xf32, #tpu.memory_space<vmem>>, vector<200x128xf32>
    %broadcast_in_dim3A_17 = vector.shape_cast %get3A_16 : vector<200x128xf32> to vector<1x200x128xf32>
    %add3A = vector.broadcast %broadcast_in_dim3A_17 : vector<1x200x128xf32> to vector<64x200x128xf32>
    %add3A_18 = arith.addf %reshape3A_10, %add3A : vector<64x200x128xf32>
    %get3A_19 = arith.constant 0 : index
    %get3A_20 = arith.constant 0 : index
    %get3A_21 = vector.load %arg4[%get3A_19, %get3A_20] : memref<1x128xf32, #tpu.memory_space<vmem>>, vector<1x128xf32>
    %broadcast_in_dim3A_22 = vector.shape_cast %get3A_21 : vector<1x128xf32> to vector<1x1x128xf32>
    %mul3A = vector.broadcast %broadcast_in_dim3A : vector<64x200x1xf32> to vector<64x200x128xf32>
    %mul3A_23 = vector.broadcast %broadcast_in_dim3A_22 : vector<1x1x128xf32> to vector<64x200x128xf32>
    %mul3A_24 = arith.mulf %mul3A, %mul3A_23 : vector<64x200x128xf32>
    %add3A_25 = arith.addf %add3A_18, %mul3A_24 : vector<64x200x128xf32>
    %reshape3A_26 = vector.shape_cast %add3A_25 : vector<64x200x128xf32> to vector<12800x128xf32>
    %broadcast_in_dim3A_27 = arith.constant 7.812500e-03 : bf16
    %broadcast_in_dim3A_28 = vector.broadcast %broadcast_in_dim3A_27 : bf16 to vector<128x128xbf16>
    %convert_element_type3A_29 = arith.truncf %reshape3A_26 : vector<12800x128xf32> to vector<12800x128xbf16>
    %dot_general3A = arith.constant dense<0.000000e+00> : vector<12800x128xf32>
    %dot_general3A_30 = tpu.matmul %convert_element_type3A_29, %broadcast_in_dim3A_28, %dot_general3A {dimension_numbers = #tpu.dot_dimension_numbers<[1], [0], [0], [1], [0, 0, 1, 1], [], []>, transpose_lhs_hint = false} : vector<12800x128xbf16>, vector<128x128xbf16>, vector<12800x128xf32> -> vector<12800x128xf32>
    %mul3A_31 = arith.mulf %convert_element_type3A_29, %convert_element_type3A_29 : vector<12800x128xbf16>
    %dot_general3A_32 = arith.constant dense<0.000000e+00> : vector<12800x128xf32>
    %dot_general3A_33 = tpu.matmul %mul3A_31, %broadcast_in_dim3A_28, %dot_general3A_32 {dimension_numbers = #tpu.dot_dimension_numbers<[1], [0], [0], [1], [0, 0, 1, 1], [], []>, transpose_lhs_hint = false} : vector<12800x128xbf16>, vector<128x128xbf16>, vector<12800x128xf32> -> vector<12800x128xf32>
    %mul3A_34 = arith.mulf %dot_general3A_30, %dot_general3A_30 : vector<12800x128xf32>
    %sub3A = arith.subf %dot_general3A_33, %mul3A_34 : vector<12800x128xf32>
    %add3A_35 = arith.constant 9.99999996E-13 : f32
    %add3A_36 = vector.broadcast %add3A_35 : f32 to vector<12800x128xf32>
    %add3A_37 = arith.addf %sub3A, %add3A_36 : vector<12800x128xf32>
    %rsqrt3A = math.rsqrt %add3A_37 : vector<12800x128xf32>
    %get3A_38 = arith.constant 0 : index
    %get3A_39 = arith.constant 0 : index
    %get3A_40 = vector.load %arg5[%get3A_38, %get3A_39] : memref<1x128xf32, #tpu.memory_space<vmem>>, vector<1x128xf32>
    %mul3A_41 = vector.broadcast %get3A_40 : vector<1x128xf32> to vector<12800x128xf32>
    %mul3A_42 = arith.mulf %rsqrt3A, %mul3A_41 : vector<12800x128xf32>
    %sub3A_43 = arith.subf %reshape3A_26, %dot_general3A_30 : vector<12800x128xf32>
    %mul3A_44 = arith.mulf %sub3A_43, %mul3A_42 : vector<12800x128xf32>
    %reshape3A_45 = vector.shape_cast %mul3A_44 : vector<12800x128xf32> to vector<64x200x128xf32>
    %get3A_46 = arith.constant 0 : index
    %get3A_47 = arith.constant 0 : index
    %get3A_48 = vector.load %arg6[%get3A_46, %get3A_47] : memref<1x128xf32, #tpu.memory_space<vmem>>, vector<1x128xf32>
    %broadcast_in_dim3A_49 = vector.shape_cast %get3A_48 : vector<1x128xf32> to vector<1x1x128xf32>
    %add3A_50 = vector.broadcast %broadcast_in_dim3A_49 : vector<1x1x128xf32> to vector<64x200x128xf32>
    %add3A_51 = arith.addf %reshape3A_45, %add3A_50 : vector<64x200x128xf32>
    %swap3A = arith.constant 0 : index
    %swap3A_52 = arith.constant 0 : index
    %swap3A_53 = arith.constant 0 : index
    %swap3A_54 = vector.load %arg7[%swap3A, %swap3A_52, %swap3A_53] : memref<64x200x128xf32, #tpu.memory_space<vmem>>, vector<64x200x128xf32>
    tpu.vector_store %arg7[%swap3A, %swap3A_52, %swap3A_53], %add3A_51 {strides = array<i32>} : memref<64x200x128xf32, #tpu.memory_space<vmem>>, vector<64x200x128xf32>,
    return
  }
  func.func @transform_0(%arg0: i32) -> (i32, i32) {
    %add3A = arith.constant 0 : i32
    %add3A_0 = arith.addi %arg0, %add3A : i32
    %c0_i32 = arith.constant 0 : i32
    %c0_i32_1 = arith.constant 0 : i32
    return %add3A_0, %c0_i32 : i32, i32
  }
  func.func @transform_1(%arg0: i32) -> (i32, i32) {
    %c0_i32 = arith.constant 0 : i32
    %c0_i32_0 = arith.constant 0 : i32
    return %arg0, %c0_i32 : i32, i32
  }
  func.func @transform_2(%arg0: i32) -> (i32, i32) {
    %c0_i32 = arith.constant 0 : i32
    %c0_i32_0 = arith.constant 0 : i32
    %c0_i32_1 = arith.constant 0 : i32
    return %c0_i32, %c0_i32_0 : i32, i32
  }
  func.func @transform_3(%arg0: i32) -> (i32, i32) {
    %c0_i32 = arith.constant 0 : i32
    %c0_i32_0 = arith.constant 0 : i32
    %c0_i32_1 = arith.constant 0 : i32
    return %c0_i32, %c0_i32_0 : i32, i32
  }
  func.func @transform_4(%arg0: i32) -> (i32, i32) {
    %c0_i32 = arith.constant 0 : i32
    %c0_i32_0 = arith.constant 0 : i32
    %c0_i32_1 = arith.constant 0 : i32
    return %c0_i32, %c0_i32_0 : i32, i32
  }
  func.func @transform_5(%arg0: i32) -> (i32, i32) {
    %c0_i32 = arith.constant 0 : i32
    %c0_i32_0 = arith.constant 0 : i32
    %c0_i32_1 = arith.constant 0 : i32
    return %c0_i32, %c0_i32_0 : i32, i32
  }
  func.func @transform_6(%arg0: i32) -> (i32, i32, i32) {
    %add3A = arith.constant 0 : i32
    %add3A_0 = arith.addi %arg0, %add3A : i32
    %c0_i32 = arith.constant 0 : i32
    %c0_i32_1 = arith.constant 0 : i32
    %c0_i32_2 = arith.constant 0 : i32
    return %add3A_0, %c0_i32, %c0_i32_1 : i32, i32, i32
  }
}

module attributes {stable_mosaic.version = 14 : i64} {
  func.func @body(%arg0: i32, %arg1: memref<64x200xi32, #tpu.memory_space<vmem>>, %arg2: memref<6400x128xi32, #tpu.memory_space<vmem>>, %arg3: memref<200x128xf32, #tpu.memory_space<vmem>>, %arg4: memref<1x128xf32, #tpu.memory_space<vmem>>, %arg5: memref<1x128xf32, #tpu.memory_space<vmem>>, %arg6: memref<1x128xf32, #tpu.memory_space<vmem>>, %arg7: memref<1024x200x128xf32, #tpu.memory_space<any>>, %arg8: memref<64x200x128xf32, #tpu.memory_space<vmem>>) attributes {dimension_semantics = [#tpu.dimension_semantics<arbitrary>], iteration_bounds = array<i64: 8>, scalar_prefetch = 0 : i64, scratch_operands = 0 : i64, tpu.core_type = #tpu.core_type<tc>, window_params = [{transform_indices = @transform_0, window_bounds = array<i64: 64, 200>}, {transform_indices = @transform_1, window_bounds = array<i64: 6400, 128>}, {pipeline_mode = #tpu.pipeline_mode<synchronous>, transform_indices = @transform_2, window_bounds = array<i64: 200, 128>}, {pipeline_mode = #tpu.pipeline_mode<synchronous>, transform_indices = @transform_3, window_bounds = array<i64: 1, 128>}, {pipeline_mode = #tpu.pipeline_mode<synchronous>, transform_indices = @transform_4, window_bounds = array<i64: 1, 128>}, {pipeline_mode = #tpu.pipeline_mode<synchronous>, transform_indices = @transform_5, window_bounds = array<i64: 1, 128>}, {}, {transform_indices = @transform_7, window_bounds = array<i64: 64, 200, 128>}]} {
    %get3A = arith.constant 0 : index
    %get3A_0 = arith.constant 0 : index
    %get3A_1 = vector.load %arg2[%get3A, %get3A_0] : memref<6400x128xi32, #tpu.memory_space<vmem>>, vector<6400x128xi32>
    %shift_left3A = arith.constant 16 : i32
    %shift_left3A_2 = vector.broadcast %shift_left3A : i32 to vector<6400x128xi32>
    %shift_left3A_3 = arith.shli %get3A_1, %shift_left3A_2 : vector<6400x128xi32>
    %bitcast_convert_type3A = tpu.bitcast %shift_left3A_3 : vector<6400x128xi32> -> vector<6400x128xf32>
    %and3A = arith.constant -65536 : i32
    %and3A_4 = vector.broadcast %and3A : i32 to vector<6400x128xi32>
    %and3A_5 = arith.andi %get3A_1, %and3A_4 : vector<6400x128xi32>
    %bitcast_convert_type3A_6 = tpu.bitcast %and3A_5 : vector<6400x128xi32> -> vector<6400x128xf32>
    %reshape3A = vector.shape_cast %bitcast_convert_type3A : vector<6400x128xf32> to vector<80x80x128xf32>
    %reshape3A_7 = vector.shape_cast %bitcast_convert_type3A_6 : vector<6400x128xf32> to vector<80x80x128xf32>
    %stack3A = vector.shape_cast %reshape3A : vector<80x80x128xf32> to vector<80x1x80x128xf32>
    %stack3A_8 = vector.shape_cast %reshape3A_7 : vector<80x80x128xf32> to vector<80x1x80x128xf32>
    %stack3A_9 = tpu.concatenate %stack3A, %stack3A_8 in 1 : vector<80x1x80x128xf32>, vector<80x1x80x128xf32> -> vector<80x2x80x128xf32>
    %reshape3A_10 = vector.shape_cast %stack3A_9 : vector<80x2x80x128xf32> to vector<64x200x128xf32>
    %get3A_11 = arith.constant 0 : index
    %get3A_12 = arith.constant 0 : index
    %get3A_13 = vector.load %arg1[%get3A_11, %get3A_12] : memref<64x200xi32, #tpu.memory_space<vmem>>, vector<64x200xi32>
    %convert_element_type3A = arith.sitofp %get3A_13 : vector<64x200xi32> to vector<64x200xf32>
    %broadcast_in_dim3A = vector.shape_cast %convert_element_type3A : vector<64x200xf32> to vector<64x200x1xf32>
    %get3A_14 = arith.constant 0 : index
    %get3A_15 = arith.constant 0 : index
    %get3A_16 = vector.load %arg3[%get3A_14, %get3A_15] : memref<200x128xf32, #tpu.memory_space<vmem>>, vector<200x128xf32>
    %broadcast_in_dim3A_17 = vector.shape_cast %get3A_16 : vector<200x128xf32> to vector<1x200x128xf32>
    %add3A = vector.broadcast %broadcast_in_dim3A_17 : vector<1x200x128xf32> to vector<64x200x128xf32>
    %add3A_18 = arith.addf %reshape3A_10, %add3A : vector<64x200x128xf32>
    %get3A_19 = arith.constant 0 : index
    %get3A_20 = arith.constant 0 : index
    %get3A_21 = vector.load %arg4[%get3A_19, %get3A_20] : memref<1x128xf32, #tpu.memory_space<vmem>>, vector<1x128xf32>
    %broadcast_in_dim3A_22 = vector.shape_cast %get3A_21 : vector<1x128xf32> to vector<1x1x128xf32>
    %mul3A = vector.broadcast %broadcast_in_dim3A : vector<64x200x1xf32> to vector<64x200x128xf32>
    %mul3A_23 = vector.broadcast %broadcast_in_dim3A_22 : vector<1x1x128xf32> to vector<64x200x128xf32>
    %mul3A_24 = arith.mulf %mul3A, %mul3A_23 : vector<64x200x128xf32>
    %add3A_25 = arith.addf %add3A_18, %mul3A_24 : vector<64x200x128xf32>
    %reshape3A_26 = vector.shape_cast %add3A_25 : vector<64x200x128xf32> to vector<12800x128xf32>
    %broadcast_in_dim3A_27 = arith.constant 7.812500e-03 : bf16
    %broadcast_in_dim3A_28 = vector.broadcast %broadcast_in_dim3A_27 : bf16 to vector<128x128xbf16>
    %convert_element_type3A_29 = arith.truncf %reshape3A_26 : vector<12800x128xf32> to vector<12800x128xbf16>
    %dot_general3A = arith.constant dense<0.000000e+00> : vector<12800x128xf32>
    %dot_general3A_30 = tpu.matmul %convert_element_type3A_29, %broadcast_in_dim3A_28, %dot_general3A {dimension_numbers = #tpu.dot_dimension_numbers<[1], [0], [0], [1], [0, 0, 1, 1], [], []>, transpose_lhs_hint = false} : vector<12800x128xbf16>, vector<128x128xbf16>, vector<12800x128xf32> -> vector<12800x128xf32>
    %mul3A_31 = arith.mulf %convert_element_type3A_29, %convert_element_type3A_29 : vector<12800x128xbf16>
    %dot_general3A_32 = arith.constant dense<0.000000e+00> : vector<12800x128xf32>
    %dot_general3A_33 = tpu.matmul %mul3A_31, %broadcast_in_dim3A_28, %dot_general3A_32 {dimension_numbers = #tpu.dot_dimension_numbers<[1], [0], [0], [1], [0, 0, 1, 1], [], []>, transpose_lhs_hint = false} : vector<12800x128xbf16>, vector<128x128xbf16>, vector<12800x128xf32> -> vector<12800x128xf32>
    %mul3A_34 = arith.mulf %dot_general3A_30, %dot_general3A_30 : vector<12800x128xf32>
    %sub3A = arith.subf %dot_general3A_33, %mul3A_34 : vector<12800x128xf32>
    %add3A_35 = arith.constant 9.99999996E-13 : f32
    %add3A_36 = vector.broadcast %add3A_35 : f32 to vector<12800x128xf32>
    %add3A_37 = arith.addf %sub3A, %add3A_36 : vector<12800x128xf32>
    %rsqrt3A = math.rsqrt %add3A_37 : vector<12800x128xf32>
    %get3A_38 = arith.constant 0 : index
    %get3A_39 = arith.constant 0 : index
    %get3A_40 = vector.load %arg5[%get3A_38, %get3A_39] : memref<1x128xf32, #tpu.memory_space<vmem>>, vector<1x128xf32>
    %mul3A_41 = vector.broadcast %get3A_40 : vector<1x128xf32> to vector<12800x128xf32>
    %mul3A_42 = arith.mulf %rsqrt3A, %mul3A_41 : vector<12800x128xf32>
    %sub3A_43 = arith.subf %reshape3A_26, %dot_general3A_30 : vector<12800x128xf32>
    %mul3A_44 = arith.mulf %sub3A_43, %mul3A_42 : vector<12800x128xf32>
    %reshape3A_45 = vector.shape_cast %mul3A_44 : vector<12800x128xf32> to vector<64x200x128xf32>
    %get3A_46 = arith.constant 0 : index
    %get3A_47 = arith.constant 0 : index
    %get3A_48 = vector.load %arg6[%get3A_46, %get3A_47] : memref<1x128xf32, #tpu.memory_space<vmem>>, vector<1x128xf32>
    %broadcast_in_dim3A_49 = vector.shape_cast %get3A_48 : vector<1x128xf32> to vector<1x1x128xf32>
    %add3A_50 = vector.broadcast %broadcast_in_dim3A_49 : vector<1x1x128xf32> to vector<64x200x128xf32>
    %add3A_51 = arith.addf %reshape3A_45, %add3A_50 : vector<64x200x128xf32>
    %swap3A = arith.constant 0 : index
    %swap3A_52 = arith.constant 0 : index
    %swap3A_53 = arith.constant 0 : index
    %swap3A_54 = vector.load %arg8[%swap3A, %swap3A_52, %swap3A_53] : memref<64x200x128xf32, #tpu.memory_space<vmem>>, vector<64x200x128xf32>
    tpu.vector_store %arg8[%swap3A, %swap3A_52, %swap3A_53], %add3A_51 {strides = array<i32>} : memref<64x200x128xf32, #tpu.memory_space<vmem>>, vector<64x200x128xf32>,
    return
  }
  func.func @transform_0(%arg0: i32) -> (i32, i32) {
    %add3A = arith.constant 8 : i32
    %add3A_0 = arith.addi %arg0, %add3A : i32
    %c0_i32 = arith.constant 0 : i32
    %c0_i32_1 = arith.constant 0 : i32
    return %add3A_0, %c0_i32 : i32, i32
  }
  func.func @transform_1(%arg0: i32) -> (i32, i32) {
    %c0_i32 = arith.constant 0 : i32
    %c0_i32_0 = arith.constant 0 : i32
    return %arg0, %c0_i32 : i32, i32
  }
  func.func @transform_2(%arg0: i32) -> (i32, i32) {
    %c0_i32 = arith.constant 0 : i32
    %c0_i32_0 = arith.constant 0 : i32
    %c0_i32_1 = arith.constant 0 : i32
    return %c0_i32, %c0_i32_0 : i32, i32
  }
  func.func @transform_3(%arg0: i32) -> (i32, i32) {
    %c0_i32 = arith.constant 0 : i32
    %c0_i32_0 = arith.constant 0 : i32
    %c0_i32_1 = arith.constant 0 : i32
    return %c0_i32, %c0_i32_0 : i32, i32
  }
  func.func @transform_4(%arg0: i32) -> (i32, i32) {
    %c0_i32 = arith.constant 0 : i32
    %c0_i32_0 = arith.constant 0 : i32
    %c0_i32_1 = arith.constant 0 : i32
    return %c0_i32, %c0_i32_0 : i32, i32
  }
  func.func @transform_5(%arg0: i32) -> (i32, i32) {
    %c0_i32 = arith.constant 0 : i32
    %c0_i32_0 = arith.constant 0 : i32
    %c0_i32_1 = arith.constant 0 : i32
    return %c0_i32, %c0_i32_0 : i32, i32
  }
  func.func @transform_7(%arg0: i32) -> (i32, i32, i32) {
    %add3A = arith.constant 8 : i32
    %add3A_0 = arith.addi %arg0, %add3A : i32
    %c0_i32 = arith.constant 0 : i32
    %c0_i32_1 = arith.constant 0 : i32
    %c0_i32_2 = arith.constant 0 : i32
    return %add3A_0, %c0_i32, %c0_i32_1 : i32, i32, i32
  }
}

</mosaic_0001>

<sc_bundles>
// kernel: kernel.6.cloned.1.call-start
scs
__scs_entry_jumppad:
0x0: {  	(pc) =	sbr.rel $0x88, $3  }
0x1: {  	(tag) =	ssettag $0x0;
	lr =	simm.s32 $0x1  }
0x2: {  	[smem:$0x3F9A] =	sst lr;
	_ =	strace $0xD0000000  }
0x3: {  	_ = 	snop  }
0x4: {  	_ = 	snop  }
0x5: {  	_ = 	snop  }
0x6: {  	_ = 	snop  }
0x7: {  	_ = 	snop  }
__scs_overlays_trampoline_lowered:
0x8: {  	[smem:$0x3FA9] =	sst s0  }
0x9: {  	[smem:$0x3FAA] =	sst s1  }
0xa: {  	[smem:$0x3FAB] =	sst s2  }
0xb: {  	[smem:$0x3FAC] =	sst s3  }
0xc: {  	[smem:$0x3FAD] =	sst s4  }
0xd: {  	[smem:$0x3FAE] =	sst s5  }
0xe: {  	[smem:$0x3FAF] =	sst s6  }
0xf: {  	[smem:$0x3FB0] =	sst s7  }
0x10: {  	[smem:$0x3FB1] =	sst s8  }
0x11: {  	[smem:$0x3FB2] =	sst s9;
	s0 =	simm.s32 @!p0 $0x0  }
0x12: {  	s1 =	sld [smem:$0x3F98];
	s0 =	simm.s32 @p0 $0x1  }
0x13: {  	[smem:$0x3FB3] =	sst s0;
	s0 =	simm.s32 @!p1 $0x0  }
0x14: {  	s2 =	sld [smem:$0x3F97];
	s0 =	simm.s32 @p1 $0x1  }
0x15: {  	[smem:$0x3FB4] =	sst s0;
	s0 =	simm.s32 @!p2 $0x0  }
0x16: {  	s3 =	sld [smem:$0x3FDB];
	s0 =	simm.s32 @p2 $0x1  }
0x17: {  	s4 =	simm.s32 $0x1BF5;
	[smem:$0x3FB6] =	sst s0  }
0x18: {  	s0 =	sld [smem:$0x3F99];
	_ =	swait.ge [sflag:s4], $0x0  }
0x19: {  	s7 =	sld [smem:$0x3F9A]  }
0x1a: {  	s8 =	sadd.s32 $0xFFFFE003, lr  }
0x1b: {  	s9 =	sadd.s32 $0xFFFFFEF7, lr;
	s5 =	simm.s32 $0xFFFFFFFF;
	p2 =	slt.u32 s8, $0xFFFFF086  }
0x1c: {  	p1 =	slt.u32 s9, $0xF7A;
	s5 =	simm.s32 @!p2 $0x0  }
0x1d: {  	s5 =	simm.s32 @p1 $0x1;
	p0 =	seq.s32 s7, s2  }
0x1e: {  	s7 =	smul.u32 @!p0 $0xF7A, s2;
	p2 =	seq.s32 @!p0 s5, $0x0  }
0x1f: {  	s9 =	smul.u32 $0xF7A, s1;
	s8 =	simm.s32 @!p0 $0x1BF5;
	p2 =	por !p2, p0  }
0x20: {  	[sflag:s8] =	ssyncset.s32 @!p0 $0xFFFFF086;
	s6 =	sadd.s32 @!p0 s3, s7;
	s7 =	simm.s32 @!p0 $0x108  }
0x21: {  	s3 =	sadd.s32 s3, s9;
	s6 =	sadd.s32 @!p0 $0x88, s6;
	s7 =	simm.s32 @p2 $0x1082  }
0x22: {  	[simem:s7], [sflag:s8] =	dma.local @!p0 [hbm:s6], $0xF7A  }
0x23: {  	s9 =	sor.u32 $0xD0000000, s2;
	s6 =	simm.s32 $0x108;
	_ =	swait.ge @!p0 [sflag:s8], $0x0  }
0x24: {  	s3 =	sadd.s32 $0x88, s3;
	s6 =	simm.s32 @!p1 $0x1082;
	[sflag:s4] =	ssyncset.s32 $0xFFFFF086  }
0x25: {  	[simem:s6], [sflag:s4] =	dma.local [hbm:s3], $0xF7A  }
0x26: {  	[smem:$0x3F9A] =	sst s1;
	(tag) =	ssettag s2;
	_ =	strace s9  }
0x27: {  	s1 =	sld [smem:$0x3FAA]  }
0x28: {  	s2 =	sld [smem:$0x3FAB]  }
0x29: {  	s4 =	sld [smem:$0x3FAD]  }
0x2a: {  	p0 =	seq.s32 s5, $0x0;
	s5 =	sld [smem:$0x3FAE]  }
0x2b: {  	s6 =	sld [smem:$0x3FAF]  }
0x2c: {  	s7 =	sld [smem:$0x3FB0]  }
0x2d: {  	s3 =	simm.s32 $0x108;
	s8 =	sld [smem:$0x3FB1]  }
0x2e: {  	s3 =	simm.s32 @!p0 $0x1082;
	s9 =	sld [smem:$0x3FB2]  }
0x2f: {  	lr =	sadd.s32 s0, s3;
	s0 =	sld [smem:$0x3FA9]  }
0x30: {  	s3 =	sld [smem:$0x3FAC]  }
0x31: {  	[smem:$0x3FB5] =	sst s10  }
0x32: {  	s10 =	sld [smem:$0x3FB3];
	_ =	sdelay $0x3  }
0x33: {  	p0 =	seq.s32 s10, $0x1;
	s10 =	sld [smem:$0x3FB5];
	_ =	sdelay $0x3  }
0x34: {  	[smem:$0x3FB5] =	sst s10  }
0x35: {  	s10 =	sld [smem:$0x3FB4];
	_ =	sdelay $0x3  }
0x36: {  	p1 =	seq.s32 s10, $0x1;
	s10 =	sld [smem:$0x3FB5];
	_ =	sdelay $0x3  }
0x37: {  	[smem:$0x3FB5] =	sst s10  }
0x38: {  	s10 =	sld [smem:$0x3FB6]  }
0x39: {  	_ = 	snop;
	(pc) =	sbr.ind lr, $3  }
0x3a: {  	_ = 	snop  }
0x3b: {  	_ = 	snop  }
0x3c: {  	p2 =	seq.s32 s10, $0x1;
	s10 =	sld [smem:$0x3FB5]  }
0x3d: {  	_ =	shalt  }
0x3e: {  	_ =	shalt  }
0x3f: {  	_ =	shalt  }
0x40: {  	_ =	shalt  }
0x41: {  	_ =	shalt  }
0x42: {  	_ =	shalt  }
0x43: {  	_ =	shalt  }
0x44: {  	_ =	shalt  }
0x45: {  	_ =	shalt  }
0x46: {  	_ =	shalt  }
0x47: {  	_ =	shalt  }
0x48: {  	_ =	shalt  }
0x49: {  	_ =	shalt  }
0x4a: {  	_ =	shalt  }
0x4b: {  	_ =	shalt  }
0x4c: {  	_ =	shalt  }
0x4d: {  	_ =	shalt  }
0x4e: {  	_ =	shalt  }
0x4f: {  	_ =	shalt  }
0x50: {  	_ =	shalt  }
0x51: {  	_ =	shalt  }
0x52: {  	_ =	shalt  }
0x53: {  	_ =	shalt  }
0x54: {  	_ =	shalt  }
0x55: {  	_ =	shalt  }
0x56: {  	_ =	shalt  }
0x57: {  	_ =	shalt  }
0x58: {  	_ =	shalt  }
0x59: {  	_ =	shalt  }
0x5a: {  	_ =	shalt  }
0x5b: {  	_ =	shalt  }
0x5c: {  	_ =	shalt  }
0x5d: {  	_ =	shalt  }
0x5e: {  	_ =	shalt  }
0x5f: {  	_ =	shalt  }
0x60: {  	_ =	shalt  }
0x61: {  	_ =	shalt  }
0x62: {  	_ =	shalt  }
0x63: {  	_ =	shalt  }
0x64: {  	_ =	shalt  }
0x65: {  	_ =	shalt  }
0x66: {  	_ =	shalt  }
0x67: {  	_ =	shalt  }
0x68: {  	_ =	shalt  }
0x69: {  	_ =	shalt  }
0x6a: {  	_ =	shalt  }
0x6b: {  	_ =	shalt  }
0x6c: {  	_ =	shalt  }
0x6d: {  	_ =	shalt  }
0x6e: {  	_ =	shalt  }
0x6f: {  	_ =	shalt  }
0x70: {  	_ =	shalt  }
0x71: {  	_ =	shalt  }
0x72: {  	_ =	shalt  }
0x73: {  	_ =	shalt  }
0x74: {  	_ =	shalt  }
0x75: {  	_ =	shalt  }
0x76: {  	_ =	shalt  }
0x77: {  	_ =	shalt  }
0x78: {  	_ =	shalt  }
0x79: {  	_ =	shalt  }
0x7a: {  	_ =	shalt  }
0x7b: {  	_ =	shalt  }
0x7c: {  	_ =	shalt  }
0x7d: {  	_ =	shalt  }
0x7e: {  	_ =	shalt  }
0x7f: {  	_ =	shalt  }
0x80: {  	_ =	shalt  }
0x81: {  	_ =	shalt  }
0x82: {  	_ =	shalt  }
0x83: {  	_ =	shalt  }
0x84: {  	_ =	shalt  }
0x85: {  	_ =	shalt  }
0x86: {  	_ =	shalt  }
0x87: {  	_ =	shalt  }
.Lfunc_end0:
.L_simem_size_0:
called_computation_lowered:
.L_overlay_start_0:
0x88: {  	s2 =	sld [smem:$0x3FD9]  }
0x89: {  	s3 =	sld [smem:$0x3FFE];
	_ =	sdelay $0x1  }
0x8a: {  	s1 =	srdreg.scid  }
0x8b: {  	s0 =	sand.u32 $0x1, s1  }
0x8c: {  	s17 =	sshll.u32 s0, $0xA;
	s2 =	sadd.s32 s3, s2  }
0x8d: {  	s2 =	sadd.s32 s2, s17  }
0x8e: {  	[smem:$0x3FC1] =	sst s2  }
0x8f: {  	_ = 	snop  }
0x90: {  	s2 =	sld [smem:$0x3FC7]  }
0x91: {  	s18 =	sld [smem:$0x3FD0];
	(tm) =	ssettm $0x1  }
0x92: {  	s4 =	sld [smem:$0x3FFB];
	_ =	sdelay $0x3  }
0x93: {  	_ =	strace s4  }
0x94: {  	s4 =	sld [smem:$0x3FFC];
	_ =	sdelay $0x3  }
0x95: {  	_ =	strace s4  }
0x96: {  	s4 =	sld [smem:$0x3FFD];
	_ =	sdelay $0x3  }
0x97: {  	_ =	strace s4  }
0x98: {  	_ =	strace $0x8FFFFFFF  }
0x99: {  	s19 =	sld [smem:$0x3FDB];
	_ =	sdelay $0x1  }
0x9a: {  	s5 =	simm.s32 $_scs_section_size  }
0x9b: {  	s6 =	simm.s32 $_size__tile_overlayer_lowered;
	s7 =	simm.s32 $_tile_overlayer_lowered  }
0x9c: {  	s22 =	simm.s32 $0x1BFF;
	s21 =	sshll.u32 s7, $0x1;
	s4 =	sadd.s32 s5, s19  }
0x9d: {  	s8 =	simm.s32 $0x0;
	s20 =	sshll.u32 s6, $0x1;
	s6 =	sadd.s32 s21, s4  }
0x9e: {  	[timem:s8], [sflag:s22] =	dma.local [hbm:s6], s20  }
0x9f: {  	_ =	swait.ge [sflag:s22], s20  }
0xa0: {  	s5 =	ssub.s32 $0x0, s20;
	[sflag:s22] =	ssyncset.done $0x0  }
0xa1: {  	[sflag:s22] =	ssyncadd.s32 s5;
	_ =	sdelay $0x1  }
0xa2: {  	s23 =	simm.s32 $0x1B8B  }
0xa3: {  	_ =	swait.ge [sflag:s23], $0x1  }
0xa4: {  	[sflag:s23] =	ssyncset.done $0x0  }
0xa5: {  	s25 =	simm.s32 $0x1B8E;
	s24 =	sld [smem:$0x3FFE];
	[sflag:s23] =	ssyncadd.s32 $0xFFFFFFFF  }
0xa6: {  	s26 =	simm.s32 $execute0_lowered;
	[smem:$0x3FD2] =	sst s25  }
0xa7: {  	s6 =	sshll.u32 s26, $0x1;
	_ =	strace $0x80000046;
	[dreg:$0x1] =	wrdreg $0xFFFFFFFF  }
0xa8: {  	s28 =	simm.s32 $_size_execute0_lowered;
	s4 =	sadd.s32 s4, s6;
	[dreg:$0x0] =	wrdreg $0x0  }
0xa9: {  	s6 =	sshll.u32 s28, $0x1;
	[dreg:$0x2] =	wrdreg s4  }
0xaa: {  	[dreg:$0x3] =	wrdreg s6  }
0xab: {  	[dreg:$0x4] =	wrdreg $0xC0  }
0xac: {  	_ =	task [dreg:s8], $0x5FFFF  }
0xad: {  	[dreg:$0x1] =	wrdreg $0xFFFFFFFF  }
0xae: {  	[dreg:$0x0] =	wrdreg $0x60  }
0xaf: {  	[dreg:$0x2] =	wrdreg s2  }
0xb0: {  	[dreg:$0x3] =	wrdreg s18  }
0xb1: {  	[dreg:$0x4] =	wrdreg s24  }
0xb2: {  	[dreg:$0x5] =	wrdreg $0x9  }
0xb3: {  	_ =	task.clear_ibuf [dreg:s8], $0x6FFFF;
	_ =	strace $0x90000046  }
0xb4: {  	s29 =	simm.s32 $0x9;
	_ =	strace $0x80000048  }
0xb5: {  	_ =	swait.ge [sflag:s29], $0x1  }
0xb6: {  	[sflag:s29] =	ssyncadd.s32 $0xFFFFFFFF  }
0xb7: {  	_ =	strace $0x90000048  }
0xb8: {  	_ =	sfence  }
0xb9: {  	s30 =	sld [smem:$0x0];
	_ =	sdelay $0x2  }
0xba: {  	s31 =	sshll.u32 s1, $0xD;
	s1 =	sshrl.u32 s1, $0x2  }
0xbb: {  	s3 =	sand.u32 $0x4000, s31;
	s1 =	sadd.s32 s1, s30  }
0xbc: {  	s0 =	sor.u32 s3, s0;
	s1 =	sshll.u32 s1, $0x11  }
0xbd: {  	s0 =	sor.u32 s1, s0  }
0xbe: {  	s0 =	sadd.s32 $0x8F2B, s0  }
0xbf: {  	[sflag:s0] =	ssyncadd.remote.s32 $0x1  }
0xc0: {  	_ =	sfence.sel $0xFFFF  }
0xc1: {  	[dreg:$0x0] =	wrdreg $0xFFFFFFFF;
	(pc) =	sbr.abs _section_cstart, $3  }
0xc2: {  	[dreg:$0x1] =	wrdreg $0xFFFFFFFF  }
0xc3: {  	_ =	task.clear_ibuf [dreg:s8], $0x2FFFF;
	_ =	strace $0x9FFFFFFF  }
0xc4: {  	(tm) =	ssettm $0x7FFFFFFF  }
0xc5: {  	_ =	shalt  }
tec
execute0_lowered:
.L_overlay_start_1:
0x0: {  	(tag) =	ssettag $0x1  }
0x1: {  	s1 =	rddreg [dreg:$0x0]  }
0x2: {  	s0 =	rddreg [dreg:$0x1]  }
0x3: {  	s2 =	rddreg [dreg:$0x2];
	s4 =	srdreg.scid  }
0x4: {  	s6 =	stileid.u32;
	s3 =	simm.s32 $0x0;
	s11 =	simm.s32 $0x3  }
0x5: {  	s12 =	simm.s32 $0x50;
	s13 =	simm.s32 $0x1400;
	s15 =	simm.s32 $0x3C00  }
0x6: {  	s17 =	simm.s32 $0x6400;
	s18 =	simm.s32 $0x180;
	s19 =	simm.s32 $0x8C00  }
0x7: {  	s20 =	simm.s32 $0x1;
	s21 =	simm.s32 $0xB400;
	s22 =	simm.s32 $0x200  }
0x8: {  	s23 =	simm.s32 $0x280;
	s5 =	sand.u32 $0x1, s4;
	s30 =	sshll.u32 s6, $0x1  }
0x9: {  	s24 =	simm.s32 $0xDC00;
	s25 =	simm.s32 $0x2;
	s6 =	sor.u32 s5, s30  }
0xa: {  	s26 =	simm.s32 $0x0;
	[smem:$0x7FF] =	sst s3;
	s7 =	smul.u32 $0x32000, s6  }
0xb: {  	s4 =	sadd.s32 $0x1400, s2;
	s31 =	ssub.s32 $0x2, s5;
	s8 =	smul.u32 $0x280, s6  }
0xc: {  	_ =	strace $0x80000047;
	s5 =	sshrl.u32 s31, $0x1;
	s9 =	smul.u32 $0x6400, s6  }
0xd: {  	s2 =	ssub.s32 s31, s5;
	s5 =	smul.u32 $0x640, s6;
	s7 =	sshrl.u32 s7, $0x3  }
0xe: {  	s6 =	sadd.s32 s0, s8;
	s10 =	sadd.s32 s4, s7;
	s7 =	sadd.s32 s4, s9  }
0xf: {  	s8 =	sadd.s32 $0x500, s10;
	s9 =	sadd.s32 $0x5F00, s10;
	s10 =	smax.u32 s2, $0x1  }
.LBB2_1:
0x10: {  	[tilespmem:s3], [sflag:$0x3] =	stream.linear.gather [hbm4b:s6+s3], $0x1400, $0x38;
	[tilespmem:$0x10400] =	vst v63  }
0x11: {  	_ =	swait.ge [sflag:s11], $0x1400  }
0x12: {  	[sflag:s11] =	ssyncset.done $0x0  }
0x13: {  	[sflag:s11] =	ssyncadd.s32 $0xFFFFEC00  }
0x14: {  	[tilespmem:s13], [sflag:$0x1] =	stream.indirect.gather [hbm4b:s1+s12], $0x80, s3, s12, $0xb8;
	[tilespmem:$0x10400] =	vst v63  }
0x15: {  	s0 =	simm.s32 $0x80  }
0x16: {  	[tilespmem:s15], [sflag:$0x1] =	stream.indirect.gather [hbm4b:s1+s12], $0x80, s0, s12, $0xb8;
	[tilespmem:$0x10400] =	vst v63  }
0x17: {  	s31 =	simm.s32 $0x100  }
0x18: {  	[tilespmem:s17], [sflag:$0x1] =	stream.indirect.gather [hbm4b:s1+s12], $0x80, s31, s12, $0xb8;
	[tilespmem:$0x10400] =	vst v63  }
0x19: {  	_ = 	snop  }
0x1a: {  	[tilespmem:s19], [sflag:$0x1] =	stream.indirect.gather [hbm4b:s1+s12], $0x80, s18, s12, $0xb8;
	[tilespmem:$0x10400] =	vst v63  }
0x1b: {  	_ =	swait.ge [sflag:s20], $0x2800  }
0x1c: {  	[sflag:s20] =	ssyncset.done $0x0  }
0x1d: {  	[sflag:s20] =	ssyncadd.s32 $0xFFFFD800  }
0x1e: {  	_ =	swait.ge [sflag:s20], $0x2800  }
0x1f: {  	[sflag:s20] =	ssyncset.done $0x0  }
0x20: {  	s28 =	simm.s32 $0x3DF0;
	[sflag:s20] =	ssyncadd.s32 $0xFFFFD800  }
0x21: {  	v0 =	vld [tilespmem:s28+$0xFFFFD790]  }
0x22: {  	v1 =	vld [tilespmem:s28+$0xFFFFFF90];
	_ =	sdelay $0x2  }
0x23: {  	v2 =	vld [tilespmem:s28+$0xFFFFD690]  }
0x24: {  	v3 =	vld [tilespmem:s28+$0xFFFFFE90]  }
0x25: {  	v4 =	vld [tilespmem:s28+$0xFFFFFE10];
	v0 =	vshrl.u32 v0, $0x10;
	v1 =	vand.u32 $0xFFFF0000, v1  }
0x26: {  	s29 =	simm.s32 $0xB500;
	v5 =	vld [tilespmem:s28+$0xFFFFD610];
	v0 =	vor.u32 v0, v1  }
0x27: {  	[tilespmem:s29+$0x80] =	vst v0  }
0x28: {  	v0 =	vld [tilespmem:s28+$0xFFFFD7A0]  }
0x29: {  	v1 =	vshrl.u32 v2, $0x10;
	v2 =	vand.u32 $0xFFFF0000, v3;
	v3 =	vld [tilespmem:s28+$0xFFFFFFA0]  }
0x2a: {  	v6 =	vld [tilespmem:s28+$0xFFFFD710];
	v1 =	vor.u32 v1, v2  }
0x2b: {  	v4 =	vand.u32 $0xFFFF0000, v4;
	v2 =	vld [tilespmem:s28+$0xFFFFFF10];
	[tilespmem:s29+$0xFFFFFF80] =	vst v1;
	v1 =	vshrl.u32 v5, $0x10  }
0x2c: {  	v5 =	vld [tilespmem:s28+$0xFFFFD6A0];
	v1 =	vor.u32 v1, v4  }
0x2d: {  	v4 =	vld [tilespmem:s28+$0xFFFFFEA0];
	[tilespmem:s29+$0xFFFFFF00] =	vst v1  }
0x2e: {  	v1 =	vld [tilespmem:s28+$0xFFFFD620];
	v0 =	vshrl.u32 v0, $0x10;
	v3 =	vand.u32 $0xFFFF0000, v3  }
0x2f: {  	v7 =	vld [tilespmem:s28+$0xFFFFFE20];
	v0 =	vor.u32 v0, v3  }
0x30: {  	v2 =	vand.u32 $0xFFFF0000, v2;
	v3 =	vshrl.u32 v6, $0x10;
	[tilespmem:s29+$0x90] =	vst v0  }
0x31: {  	v0 =	vor.u32 v3, v2;
	v2 =	vld [tilespmem:s28+$0xFFFFD7B0]  }
0x32: {  	v3 =	vand.u32 $0xFFFF0000, v4;
	[tilespmem:s29+$0x0] =	vst v0;
	v0 =	vshrl.u32 v5, $0x10;
	v4 =	vld [tilespmem:s28+$0xFFFFFFB0]  }
0x33: {  	v5 =	vld [tilespmem:s28+$0xFFFFD720];
	v0 =	vor.u32 v0, v3  }
0x34: {  	v1 =	vshrl.u32 v1, $0x10;
	v3 =	vld [tilespmem:s28+$0xFFFFFF20];
	[tilespmem:s29+$0xFFFFFF90] =	vst v0;
	v0 =	vand.u32 $0xFFFF0000, v7  }
0x35: {  	v6 =	vld [tilespmem:s28+$0xFFFFD6B0];
	v0 =	vor.u32 v1, v0  }
0x36: {  	v1 =	vld [tilespmem:s28+$0xFFFFFEB0];
	[tilespmem:s29+$0xFFFFFF10] =	vst v0  }
0x37: {  	v0 =	vld [tilespmem:s28+$0xFFFFD630];
	v2 =	vshrl.u32 v2, $0x10;
	v4 =	vand.u32 $0xFFFF0000, v4  }
0x38: {  	v7 =	vld [tilespmem:s28+$0xFFFFFE30];
	v2 =	vor.u32 v2, v4  }
0x39: {  	v4 =	vshrl.u32 v5, $0x10;
	v3 =	vand.u32 $0xFFFF0000, v3;
	[tilespmem:s29+$0xA0] =	vst v2  }
0x3a: {  	v2 =	vor.u32 v4, v3;
	v3 =	vld [tilespmem:s28+$0xFFFFD7C0]  }
0x3b: {  	[tilespmem:s29+$0x10] =	vst v2;
	v2 =	vshrl.u32 v6, $0x10;
	v1 =	vand.u32 $0xFFFF0000, v1;
	v4 =	vld [tilespmem:s28+$0xFFFFFFC0]  }
0x3c: {  	v5 =	vld [tilespmem:s28+$0xFFFFD730];
	v1 =	vor.u32 v2, v1  }
0x3d: {  	v0 =	vshrl.u32 v0, $0x10;
	[tilespmem:s29+$0xFFFFFFA0] =	vst v1;
	v1 =	vld [tilespmem:s28+$0xFFFFFF30];
	v2 =	vand.u32 $0xFFFF0000, v7  }
0x3e: {  	v6 =	vld [tilespmem:s28+$0xFFFFD6C0];
	v0 =	vor.u32 v0, v2  }
0x3f: {  	v2 =	vld [tilespmem:s28+$0xFFFFFEC0];
	[tilespmem:s29+$0xFFFFFF20] =	vst v0  }
0x40: {  	v0 =	vld [tilespmem:s28+$0xFFFFD640];
	v3 =	vshrl.u32 v3, $0x10;
	v4 =	vand.u32 $0xFFFF0000, v4  }
0x41: {  	v7 =	vld [tilespmem:s28+$0xFFFFFE40];
	v3 =	vor.u32 v3, v4  }
0x42: {  	v4 =	vshrl.u32 v5, $0x10;
	v1 =	vand.u32 $0xFFFF0000, v1;
	[tilespmem:s29+$0xB0] =	vst v3  }
0x43: {  	v1 =	vor.u32 v4, v1;
	v3 =	vld [tilespmem:s28+$0xFFFFD7D0]  }
0x44: {  	v4 =	vshrl.u32 v6, $0x10;
	v2 =	vand.u32 $0xFFFF0000, v2;
	[tilespmem:s29+$0x20] =	vst v1;
	v1 =	vld [tilespmem:s28+$0xFFFFFFD0]  }
0x45: {  	v2 =	vor.u32 v4, v2;
	v4 =	vld [tilespmem:s28+$0xFFFFD740]  }
0x46: {  	v0 =	vshrl.u32 v0, $0x10;
	[tilespmem:s29+$0xFFFFFFB0] =	vst v2;
	v2 =	vand.u32 $0xFFFF0000, v7;
	v5 =	vld [tilespmem:s28+$0xFFFFFF40]  }
0x47: {  	v0 =	vor.u32 v0, v2;
	v2 =	vld [tilespmem:s28+$0xFFFFD6D0]  }
0x48: {  	[tilespmem:s29+$0xFFFFFF30] =	vst v0;
	v0 =	vld [tilespmem:s28+$0xFFFFFED0]  }
0x49: {  	v6 =	vld [tilespmem:s28+$0xFFFFD650];
	v3 =	vshrl.u32 v3, $0x10;
	v1 =	vand.u32 $0xFFFF0000, v1  }
0x4a: {  	v7 =	vld [tilespmem:s28+$0xFFFFFE50];
	v1 =	vor.u32 v3, v1  }
0x4b: {  	v3 =	vshrl.u32 v4, $0x10;
	v4 =	vand.u32 $0xFFFF0000, v5;
	[tilespmem:s29+$0xC0] =	vst v1  }
0x4c: {  	v1 =	vor.u32 v3, v4;
	v3 =	vld [tilespmem:s28+$0xFFFFD7E0]  }
0x4d: {  	v2 =	vshrl.u32 v2, $0x10;
	v0 =	vand.u32 $0xFFFF0000, v0;
	[tilespmem:s29+$0x30] =	vst v1;
	v1 =	vld [tilespmem:s28+$0xFFFFFFE0]  }
0x4e: {  	v0 =	vor.u32 v2, v0;
	v2 =	vld [tilespmem:s28+$0xFFFFD750]  }
0x4f: {  	v4 =	vshrl.u32 v6, $0x10;
	v5 =	vand.u32 $0xFFFF0000, v7;
	[tilespmem:s29+$0xFFFFFFC0] =	vst v0;
	v0 =	vld [tilespmem:s28+$0xFFFFFF50]  }
0x50: {  	v4 =	vor.u32 v4, v5;
	v5 =	vld [tilespmem:s28+$0xFFFFD6E0]  }
0x51: {  	[tilespmem:s29+$0xFFFFFF40] =	vst v4;
	v4 =	vld [tilespmem:s28+$0xFFFFFEE0]  }
0x52: {  	v6 =	vld [tilespmem:s28+$0xFFFFD660];
	v3 =	vshrl.u32 v3, $0x10;
	v1 =	vand.u32 $0xFFFF0000, v1  }
0x53: {  	v7 =	vld [tilespmem:s28+$0xFFFFFE60];
	v1 =	vor.u32 v3, v1  }
0x54: {  	v2 =	vshrl.u32 v2, $0x10;
	v0 =	vand.u32 $0xFFFF0000, v0;
	[tilespmem:s29+$0xD0] =	vst v1  }
0x55: {  	v0 =	vor.u32 v2, v0;
	v8 =	vld [tilespmem:s28+$0xFFFFD7F0]  }
0x56: {  	v1 =	vshrl.u32 v5, $0x10;
	v2 =	vand.u32 $0xFFFF0000, v4;
	v4 =	vld [tilespmem:s28+$0xFFFFFFF0];
	[tilespmem:s29+$0x40] =	vst v0  }
0x57: {  	v0 =	vor.u32 v1, v2;
	v5 =	vld [tilespmem:s28+$0xFFFFD760]  }
0x58: {  	v1 =	vshrl.u32 v6, $0x10;
	v2 =	vand.u32 $0xFFFF0000, v7;
	[tilespmem:s29+$0xFFFFFFD0] =	vst v0;
	v3 =	vld [tilespmem:s28+$0xFFFFFF60]  }
0x59: {  	v1 =	vor.u32 v1, v2;
	v0 =	vld [tilespmem:s28+$0xFFFFD6F0]  }
0x5a: {  	[tilespmem:s29+$0xFFFFFF50] =	vst v1;
	v1 =	vld [tilespmem:s28+$0xFFFFFEF0]  }
0x5b: {  	v2 =	vld [tilespmem:s28+$0xFFFFD670];
	v6 =	vshrl.u32 v8, $0x10;
	v7 =	vand.u32 $0xFFFF0000, v4  }
0x5c: {  	s2 =	simm.s32 $0x0;
	s14 =	simm.s32 $0x3FF0;
	s0 =	simm.s32 $0xB500;
	v4 =	vld [tilespmem:s28+$0xFFFFFE70];
	v6 =	vor.u32 v6, v7;
	v5 =	vshrl.u32 v5, $0x10  }
.LBB2_2:
0x5d: {  	v7 =	vld [tilespmem:s14+$0xFFFFD790];
	v3 =	vand.u32 $0xFFFF0000, v3;
	[tilespmem:s29+$0xE0] =	vst v6  }
0x5e: {  	v0 =	vshrl.u32 v0, $0x10;
	v3 =	vor.u32 v5, v3;
	v5 =	vld [tilespmem:s28+$0xFFFFD800]  }
0x5f: {  	v1 =	vand.u32 $0xFFFF0000, v1;
	[tilespmem:s29+$0x50] =	vst v3;
	v3 =	vld [tilespmem:s28+$0x0]  }
0x60: {  	v6 =	vld [tilespmem:s14+$0xFFFFFF90];
	v2 =	vshrl.u32 v2, $0x10;
	v0 =	vor.u32 v0, v1  }
0x61: {  	v1 =	vld [tilespmem:s14+$0xFFFFFE10];
	v4 =	vand.u32 $0xFFFF0000, v4;
	[tilespmem:s29+$0xFFFFFFE0] =	vst v0  }
0x62: {  	v0 =	vld [tilespmem:s14+$0xFFFFD690];
	v2 =	vor.u32 v2, v4  }
0x63: {  	v4 =	vld [tilespmem:s14+$0xFFFFFE90];
	[tilespmem:s29+$0xFFFFFF60] =	vst v2  }
0x64: {  	v5 =	vshrl.u32 v5, $0x10;
	v2 =	vld [tilespmem:s14+$0xFFFFD710];
	v3 =	vand.u32 $0xFFFF0000, v3  }
0x65: {  	v7 =	vshrl.u32 v7, $0x10;
	v8 =	vld [tilespmem:s14+$0xFFFFFF10];
	v6 =	vand.u32 $0xFFFF0000, v6;
	v3 =	vor.u32 v5, v3  }
0x66: {  	s29 =	sadd.s32 $0x200, s29;
	v5 =	vld [tilespmem:s14+$0xFFFFD610];
	v1 =	vand.u32 $0xFFFF0000, v1;
	v6 =	vor.u32 v7, v6;
	[tilespmem:s0+$0xF0] =	vst v3  }
0x67: {  	s2 =	sadd.s32 $0x4, s2;
	v0 =	vshrl.u32 v0, $0x10;
	[tilespmem:s29+$0x80] =	vst v6;
	v3 =	vld [tilespmem:s28+$0xFFFFD770]  }
0x68: {  	p0 =	slt.u32 s2, $0x4C;
	v4 =	vand.u32 $0xFFFF0000, v4;
	v6 =	vld [tilespmem:s14+$0xFFFFD7A0]  }
0x69: {  	v0 =	vor.u32 v0, v4;
	v2 =	vshrl.u32 v2, $0x10;
	v4 =	vld [tilespmem:s14+$0xFFFFFFA0]  }
0x6a: {  	[tilespmem:s29+$0xFFFFFF80] =	vst v0;
	v0 =	vand.u32 $0xFFFF0000, v8;
	v7 =	vld [tilespmem:s28+$0xFFFFFF70]  }
0x6b: {  	v5 =	vshrl.u32 v5, $0x10;
	v8 =	vld [tilespmem:s14+$0xFFFFD6A0];
	v0 =	vor.u32 v2, v0  }
0x6c: {  	v1 =	vor.u32 v5, v1;
	v2 =	vld [tilespmem:s14+$0xFFFFFEA0];
	[tilespmem:s29+$0x0] =	vst v0;
	v0 =	vshrl.u32 v3, $0x10  }
0x6d: {  	[tilespmem:s29+$0xFFFFFF00] =	vst v1;
	v1 =	vld [tilespmem:s14+$0xFFFFD720]  }
0x6e: {  	v5 =	vshrl.u32 v6, $0x10;
	v3 =	vld [tilespmem:s14+$0xFFFFD620];
	v4 =	vand.u32 $0xFFFF0000, v4  }
0x6f: {  	v6 =	vld [tilespmem:s14+$0xFFFFFE20];
	v4 =	vor.u32 v5, v4;
	v5 =	vand.u32 $0xFFFF0000, v7  }
0x70: {  	v7 =	vshrl.u32 v8, $0x10;
	v8 =	vld [tilespmem:s14+$0xFFFFFF20];
	[tilespmem:s29+$0x90] =	vst v4;
	v0 =	vor.u32 v0, v5  }
0x71: {  	v2 =	vand.u32 $0xFFFF0000, v2;
	v4 =	vld [tilespmem:s14+$0xFFFFD7B0];
	[tilespmem:s0+$0x60] =	vst v0  }
0x72: {  	v0 =	vor.u32 v7, v2;
	v1 =	vshrl.u32 v1, $0x10;
	v2 =	vld [tilespmem:s14+$0xFFFFFFB0]  }
0x73: {  	v3 =	vshrl.u32 v3, $0x10;
	[tilespmem:s29+$0xFFFFFF90] =	vst v0;
	v0 =	vld [tilespmem:s28+$0xFFFFD680]  }
0x74: {  	v5 =	vand.u32 $0xFFFF0000, v6;
	v6 =	vld [tilespmem:s14+$0xFFFFD6B0]  }
0x75: {  	v3 =	vor.u32 v3, v5;
	v5 =	vld [tilespmem:s14+$0xFFFFFEB0];
	v7 =	vand.u32 $0xFFFF0000, v8  }
0x76: {  	[tilespmem:s29+$0xFFFFFF10] =	vst v3;
	v1 =	vor.u32 v1, v7;
	v3 =	vld [tilespmem:s28+$0xFFFFFE80]  }
0x77: {  	v7 =	vld [tilespmem:s14+$0xFFFFD630];
	[tilespmem:s29+$0x10] =	vst v1;
	v1 =	vshrl.u32 v4, $0x10;
	v2 =	vand.u32 $0xFFFF0000, v2  }
0x78: {  	v4 =	vld [tilespmem:s14+$0xFFFFFE30];
	v1 =	vor.u32 v1, v2;
	v0 =	vshrl.u32 v0, $0x10  }
0x79: {  	v2 =	vshrl.u32 v6, $0x10;
	v6 =	vld [tilespmem:s14+$0xFFFFD730];
	[tilespmem:s29+$0xA0] =	vst v1  }
0x7a: {  	v1 =	vand.u32 $0xFFFF0000, v5;
	v5 =	vld [tilespmem:s14+$0xFFFFD7C0]  }
0x7b: {  	v1 =	vor.u32 v2, v1;
	v2 =	vld [tilespmem:s14+$0xFFFFFFC0];
	v3 =	vand.u32 $0xFFFF0000, v3  }
0x7c: {  	v7 =	vshrl.u32 v7, $0x10;
	[tilespmem:s29+$0xFFFFFFA0] =	vst v1;
	v1 =	vld [tilespmem:s14+$0xFFFFFF30];
	v0 =	vor.u32 v0, v3  }
0x7d: {  	v3 =	vand.u32 $0xFFFF0000, v4;
	v4 =	vld [tilespmem:s14+$0xFFFFD6C0];
	[tilespmem:s0+$0xFFFFFF70] =	vst v0  }
0x7e: {  	v0 =	vor.u32 v7, v3;
	v3 =	vld [tilespmem:s14+$0xFFFFFEC0];
	v6 =	vshrl.u32 v6, $0x10  }
0x7f: {  	[tilespmem:s29+$0xFFFFFF20] =	vst v0;
	v0 =	vld [tilespmem:s28+$0xFFFFD700]  }
0x80: {  	v5 =	vshrl.u32 v5, $0x10;
	v7 =	vld [tilespmem:s14+$0xFFFFD640];
	v2 =	vand.u32 $0xFFFF0000, v2  }
0x81: {  	v8 =	vld [tilespmem:s14+$0xFFFFFE40];
	v1 =	vand.u32 $0xFFFF0000, v1;
	v2 =	vor.u32 v5, v2  }
0x82: {  	v4 =	vshrl.u32 v4, $0x10;
	v1 =	vor.u32 v6, v1;
	[tilespmem:s29+$0xB0] =	vst v2;
	v2 =	vld [tilespmem:s28+$0xFFFFFF00]  }
0x83: {  	v3 =	vand.u32 $0xFFFF0000, v3;
	[tilespmem:s29+$0x20] =	vst v1;
	v1 =	vld [tilespmem:s14+$0xFFFFD7D0]  }
0x84: {  	v3 =	vor.u32 v4, v3;
	v4 =	vld [tilespmem:s14+$0xFFFFFFD0];
	v0 =	vshrl.u32 v0, $0x10  }
0x85: {  	v5 =	vshrl.u32 v7, $0x10;
	[tilespmem:s29+$0xFFFFFFB0] =	vst v3;
	v3 =	vld [tilespmem:s14+$0xFFFFD740]  }
0x86: {  	v6 =	vand.u32 $0xFFFF0000, v8;
	v7 =	vld [tilespmem:s14+$0xFFFFFF40]  }
0x87: {  	v5 =	vor.u32 v5, v6;
	v6 =	vld [tilespmem:s14+$0xFFFFD6D0];
	v2 =	vand.u32 $0xFFFF0000, v2  }
0x88: {  	[tilespmem:s29+$0xFFFFFF30] =	vst v5;
	v5 =	vld [tilespmem:s14+$0xFFFFFED0];
	v0 =	vor.u32 v0, v2  }
0x89: {  	v1 =	vshrl.u32 v1, $0x10;
	v2 =	vld [tilespmem:s14+$0xFFFFD650];
	v4 =	vand.u32 $0xFFFF0000, v4;
	[tilespmem:s0+$0xFFFFFFF0] =	vst v0  }
0x8a: {  	v0 =	vld [tilespmem:s14+$0xFFFFFE50];
	v3 =	vshrl.u32 v3, $0x10;
	v1 =	vor.u32 v1, v4  }
0x8b: {  	v4 =	vand.u32 $0xFFFF0000, v7;
	[tilespmem:s29+$0xC0] =	vst v1;
	v1 =	vld [tilespmem:s28+$0xFFFFD780]  }
0x8c: {  	v6 =	vshrl.u32 v6, $0x10;
	v3 =	vor.u32 v3, v4;
	v4 =	vld [tilespmem:s14+$0xFFFFD7E0]  }
0x8d: {  	v5 =	vand.u32 $0xFFFF0000, v5;
	[tilespmem:s29+$0x30] =	vst v3;
	v3 =	vld [tilespmem:s14+$0xFFFFFFE0]  }
0x8e: {  	v2 =	vshrl.u32 v2, $0x10;
	v5 =	vor.u32 v6, v5;
	v6 =	vld [tilespmem:s14+$0xFFFFD750]  }
0x8f: {  	v0 =	vand.u32 $0xFFFF0000, v0;
	[tilespmem:s29+$0xFFFFFFC0] =	vst v5;
	v5 =	vld [tilespmem:s14+$0xFFFFFF50]  }
0x90: {  	v0 =	vor.u32 v2, v0;
	v2 =	vld [tilespmem:s14+$0xFFFFD6E0];
	v7 =	vshrl.u32 v1, $0x10  }
0x91: {  	[tilespmem:s29+$0xFFFFFF40] =	vst v0;
	v0 =	vld [tilespmem:s14+$0xFFFFFEE0]  }
0x92: {  	v4 =	vshrl.u32 v4, $0x10;
	v1 =	vld [tilespmem:s14+$0xFFFFD660];
	v3 =	vand.u32 $0xFFFF0000, v3  }
0x93: {  	v8 =	vld [tilespmem:s14+$0xFFFFFE60];
	v6 =	vshrl.u32 v6, $0x10;
	v3 =	vor.u32 v4, v3  }
0x94: {  	v4 =	vand.u32 $0xFFFF0000, v5;
	[tilespmem:s29+$0xD0] =	vst v3;
	v5 =	vld [tilespmem:s28+$0xFFFFFF80];
	s28 =	smov.u32 s14  }
0x95: {  	v2 =	vshrl.u32 v2, $0x10;
	v3 =	vor.u32 v6, v4;
	v4 =	vld [tilespmem:s14+$0xFFFFD7F0]  }
0x96: {  	v0 =	vand.u32 $0xFFFF0000, v0;
	[tilespmem:s29+$0x40] =	vst v3;
	v6 =	vld [tilespmem:s14+$0xFFFFFFF0]  }
0x97: {  	v1 =	vshrl.u32 v1, $0x10;
	v0 =	vor.u32 v2, v0;
	v9 =	vld [tilespmem:s14+$0xFFFFD760]  }
.Ltmp0:
0x98: {  	v2 =	vand.u32 $0xFFFF0000, v8;
	[tilespmem:s29+$0xFFFFFFD0] =	vst v0;
	v3 =	vld [tilespmem:s14+$0xFFFFFF60];
	(pc) =	sbr.rel @p0 .LBB2_2-.Ltmp0, $4  }
0x99: {  	v1 =	vor.u32 v1, v2;
	v0 =	vld [tilespmem:s14+$0xFFFFD6F0];
	v2 =	vand.u32 $0xFFFF0000, v5  }
0x9a: {  	[tilespmem:s29+$0xFFFFFF50] =	vst v1;
	v1 =	vld [tilespmem:s14+$0xFFFFFEF0];
	v5 =	vor.u32 v7, v2  }
0x9b: {  	v7 =	vshrl.u32 v4, $0x10;
	v2 =	vld [tilespmem:s14+$0xFFFFD670];
	v6 =	vand.u32 $0xFFFF0000, v6;
	[tilespmem:s0+$0x70] =	vst v5;
	s0 =	smov.u32 s29  }
0x9c: {  	s14 =	sadd.s32 $0x200, s14;
	v4 =	vld [tilespmem:s28+$0xFFFFFE70];
	v5 =	vshrl.u32 v9, $0x10;
	v6 =	vor.u32 v7, v6  }
0x9d: {  	v3 =	vand.u32 $0xFFFF0000, v3  }
0x9e: {  	v3 =	vor.u32 v5, v3  }
0x9f: {  	[tilespmem:s29+$0x50] =	vst v3  }
0xa0: {  	v3 =	vld [tilespmem:s28+$0xFFFFD770]  }
0xa1: {  	v5 =	vld [tilespmem:s28+$0xFFFFFF70]  }
0xa2: {  	[tilespmem:s29+$0xE0] =	vst v6;
	v2 =	vshrl.u32 v2, $0x10;
	v4 =	vand.u32 $0xFFFF0000, v4  }
0xa3: {  	v6 =	vld [tilespmem:s28+$0xFFFFD800];
	v2 =	vor.u32 v2, v4  }
0xa4: {  	v0 =	vshrl.u32 v0, $0x10;
	v1 =	vand.u32 $0xFFFF0000, v1;
	v4 =	vld [tilespmem:s28+$0x0];
	[tilespmem:s29+$0xFFFFFF60] =	vst v2  }
0xa5: {  	v0 =	vor.u32 v0, v1;
	v1 =	vld [tilespmem:s28+$0xFFFFD680]  }
0xa6: {  	[tilespmem:s29+$0xFFFFFFE0] =	vst v0;
	v0 =	vshrl.u32 v3, $0x10;
	v2 =	vand.u32 $0xFFFF0000, v5;
	v3 =	vld [tilespmem:s28+$0xFFFFFE80]  }
0xa7: {  	v0 =	vor.u32 v0, v2;
	v2 =	vld [tilespmem:s28+$0xFFFFD700]  }
0xa8: {  	[tilespmem:s0+$0x60] =	vst v0;
	v0 =	vld [tilespmem:s28+$0xFFFFFF00]  }
0xa9: {  	v5 =	vld [tilespmem:s28+$0xFFFFD780]  }
0xaa: {  	v7 =	vld [tilespmem:s28+$0xFFFFFF80];
	_ =	sdelay $0x1  }
0xab: {  	v6 =	vshrl.u32 v6, $0x10;
	v4 =	vand.u32 $0xFFFF0000, v4  }
0xac: {  	v4 =	vor.u32 v6, v4;
	v1 =	vshrl.u32 v1, $0x10;
	v3 =	vand.u32 $0xFFFF0000, v3  }
0xad: {  	[tilespmem:s0+$0xF0] =	vst v4;
	v1 =	vor.u32 v1, v3;
	v2 =	vshrl.u32 v2, $0x10;
	v0 =	vand.u32 $0xFFFF0000, v0  }
0xae: {  	[tilespmem:s0+$0xFFFFFF70] =	vst v1;
	v0 =	vor.u32 v2, v0;
	v1 =	vshrl.u32 v5, $0x10;
	v2 =	vand.u32 $0xFFFF0000, v7  }
0xaf: {  	[tilespmem:s0+$0xFFFFFFF0] =	vst v0;
	v0 =	vor.u32 v1, v2  }
0xb0: {  	s31 =	simm.s32 $0x0;
	[tilespmem:s0+$0x70] =	vst v0  }
0xb1: {  	[hbm4b:s7+s31] =	stream.linear.scatter [tilespmem:s21], [sflag:$0x2], $0x2800, $0x38;
	[tilespmem:$0x10400] =	vst v63  }
0xb2: {  	_ = 	snop  }
0xb3: {  	[tilespmem:s13], [sflag:$0x1] =	stream.indirect.gather [hbm4b:s1+s12], $0x80, s22, s12, $0xb8;
	[tilespmem:$0x10400] =	vst v63  }
0xb4: {  	_ = 	snop  }
0xb5: {  	[tilespmem:s15], [sflag:$0x1] =	stream.indirect.gather [hbm4b:s1+s12], $0x80, s23, s12, $0xb8;
	[tilespmem:$0x10400] =	vst v63  }
0xb6: {  	_ =	swait.ge [sflag:s20], $0x2800  }
0xb7: {  	[sflag:s20] =	ssyncset.done $0x0  }
0xb8: {  	[sflag:s20] =	ssyncadd.s32 $0xFFFFD800  }
0xb9: {  	_ =	swait.ge [sflag:s20], $0x2800  }
0xba: {  	[sflag:s20] =	ssyncset.done $0x0  }
0xbb: {  	s28 =	simm.s32 $0x0;
	[sflag:s20] =	ssyncadd.s32 $0xFFFFD800  }
0xbc: {  	v0 =	vld [tilespmem:s28+$0x6400]  }
0xbd: {  	v1 =	vld [tilespmem:s28+$0x8C00]  }
0xbe: {  	v2 =	vld [tilespmem:s28+$0x6410]  }
0xbf: {  	v3 =	vld [tilespmem:s28+$0x8C10]  }
0xc0: {  	v4 =	vld [tilespmem:s28+$0x6420]  }
0xc1: {  	v5 =	vld [tilespmem:s28+$0x8C20]  }
0xc2: {  	v6 =	vld [tilespmem:s28+$0x6430]  }
0xc3: {  	v7 =	vld [tilespmem:s28+$0x65F0]  }
0xc4: {  	v8 =	vld [tilespmem:s28+$0x8DF0]  }
0xc5: {  	v9 =	vld [tilespmem:s28+$0x8C60]  }
0xc6: {  	v10 =	vld [tilespmem:s28+$0x6480]  }
0xc7: {  	v11 =	vld [tilespmem:s28+$0x8C80]  }
0xc8: {  	v12 =	vld [tilespmem:s28+$0x6490]  }
0xc9: {  	v13 =	vld [tilespmem:s28+$0x8C90]  }
0xca: {  	v14 =	vld [tilespmem:s28+$0x64A0]  }
0xcb: {  	v15 =	vld [tilespmem:s28+$0x8CA0]  }
0xcc: {  	v37 =	vld [tilespmem:s28+$0x64B0]  }
0xcd: {  	v38 =	vld [tilespmem:s28+$0x6470]  }
0xce: {  	v40 =	vld [tilespmem:s28+$0x64C0]  }
0xcf: {  	v41 =	vld [tilespmem:s28+$0x8CC0]  }
0xd0: {  	v16 =	vld [tilespmem:s28+$0x8C70]  }
0xd1: {  	v17 =	vld [tilespmem:s28+$0x8CD0]  }
0xd2: {  	v18 =	vld [tilespmem:s28+$0x6500]  }
0xd3: {  	v19 =	vld [tilespmem:s28+$0x8D00]  }
0xd4: {  	v20 =	vld [tilespmem:s28+$0x6510]  }
0xd5: {  	v21 =	vld [tilespmem:s28+$0x8D10]  }
0xd6: {  	v22 =	vld [tilespmem:s28+$0x6520]  }
0xd7: {  	v23 =	vld [tilespmem:s28+$0x8D20]  }
0xd8: {  	v44 =	vld [tilespmem:s28+$0x6530]  }
0xd9: {  	v46 =	vld [tilespmem:s28+$0x8D30]  }
0xda: {  	v47 =	vld [tilespmem:s28+$0x64E0]  }
0xdb: {  	v50 =	vld [tilespmem:s28+$0x6540];
	v0 =	vshrl.u32 v0, $0x10;
	v1 =	vand.u32 $0xFFFF0000, v1  }
0xdc: {  	v0 =	vor.u32 v0, v1;
	v1 =	vld [tilespmem:s28+$0x8C30]  }
0xdd: {  	v51 =	vld [tilespmem:s28+$0x8D40];
	v6 =	vshrl.u32 v6, $0x10;
	v14 =	vshrl.u32 v14, $0x10  }
0xde: {  	v52 =	vld [tilespmem:s28+$0x8CE0];
	v15 =	vand.u32 $0xFFFF0000, v15;
	v42 =	vshrl.u32 v18, $0x10;
	v43 =	vand.u32 $0xFFFF0000, v19  }
0xdf: {  	v55 =	vld [tilespmem:s28+$0x6550];
	v7 =	vshrl.u32 v7, $0x10;
	v8 =	vand.u32 $0xFFFF0000, v8;
	v14 =	vor.u32 v14, v15;
	[tilespmem:s28+$0xDC00] =	vst v0  }
0xe0: {  	v45 =	vor.u32 v42, v43;
	v0 =	vshrl.u32 v2, $0x10;
	v2 =	vand.u32 $0xFFFF0000, v3;
	v3 =	vld [tilespmem:s28+$0x6440];
	[tilespmem:s28+$0xDCA0] =	vst v14  }
0xe1: {  	v7 =	vor.u32 v7, v8;
	[tilespmem:s28+$0xDD00] =	vst v45;
	v0 =	vor.u32 v0, v2;
	v2 =	vld [tilespmem:s28+$0x8C40];
	v1 =	vand.u32 $0xFFFF0000, v1  }
0xe2: {  	v56 =	vld [tilespmem:s28+$0x8D50];
	v36 =	vand.u32 $0xFFFF0000, v11;
	[tilespmem:s28+$0xDDF0] =	vst v7;
	v1 =	vor.u32 v6, v1;
	v6 =	vshrl.u32 v10, $0x10  }
0xe3: {  	v48 =	vshrl.u32 v20, $0x10;
	v49 =	vand.u32 $0xFFFF0000, v21;
	[tilespmem:s28+$0xDC30] =	vst v1;
	v1 =	vor.u32 v6, v36;
	v6 =	vld [tilespmem:s28+$0x8CB0]  }
0xe4: {  	v14 =	vor.u32 v48, v49;
	[tilespmem:s28+$0xDC10] =	vst v0;
	v0 =	vshrl.u32 v4, $0x10;
	v4 =	vand.u32 $0xFFFF0000, v5;
	v5 =	vld [tilespmem:s28+$0x6450]  }
0xe5: {  	[tilespmem:s28+$0xDD10] =	vst v14;
	v0 =	vor.u32 v0, v4;
	v4 =	vld [tilespmem:s28+$0x8C50]  }
0xe6: {  	v57 =	vld [tilespmem:s28+$0x64F0];
	[tilespmem:s28+$0xDC20] =	vst v0;
	v3 =	vshrl.u32 v3, $0x10;
	v2 =	vand.u32 $0xFFFF0000, v2  }
0xe7: {  	v39 =	vand.u32 $0xFFFF0000, v13;
	v0 =	vld [tilespmem:s28+$0x6460];
	[tilespmem:s28+$0xDC80] =	vst v1;
	v1 =	vshrl.u32 v12, $0x10;
	v2 =	vor.u32 v3, v2  }
0xe8: {  	v58 =	vld [tilespmem:s28+$0x6560];
	v11 =	vshrl.u32 v37, $0x10;
	v1 =	vor.u32 v1, v39;
	[tilespmem:s28+$0xDC40] =	vst v2;
	v6 =	vand.u32 $0xFFFF0000, v6  }
0xe9: {  	v59 =	vld [tilespmem:s28+$0x8D60];
	v53 =	vshrl.u32 v22, $0x10;
	v54 =	vand.u32 $0xFFFF0000, v23;
	[tilespmem:s28+$0xDC90] =	vst v1;
	v6 =	vor.u32 v11, v6  }
0xea: {  	v3 =	vshrl.u32 v5, $0x10;
	v4 =	vand.u32 $0xFFFF0000, v4;
	v1 =	vld [tilespmem:s28+$0x64D0];
	[tilespmem:s28+$0xDCB0] =	vst v6;
	v6 =	vor.u32 v53, v54  }
0xeb: {  	v15 =	vand.u32 $0xFFFF0000, v46;
	v5 =	vld [tilespmem:s28+$0x6580];
	v2 =	vor.u32 v3, v4;
	[tilespmem:s28+$0xDD20] =	vst v6;
	v6 =	vshrl.u32 v44, $0x10  }
0xec: {  	v0 =	vshrl.u32 v0, $0x10;
	v3 =	vand.u32 $0xFFFF0000, v9;
	v4 =	vld [tilespmem:s28+$0x8D80];
	[tilespmem:s28+$0xDC50] =	vst v2;
	v6 =	vor.u32 v6, v15  }
0xed: {  	v0 =	vor.u32 v0, v3;
	v2 =	vshrl.u32 v38, $0x10;
	v3 =	vand.u32 $0xFFFF0000, v16;
	[tilespmem:s28+$0xDD30] =	vst v6;
	v6 =	vld [tilespmem:s28+$0x8CF0]  }
0xee: {  	v60 =	vld [tilespmem:s28+$0x8D90];
	[tilespmem:s28+$0xDC60] =	vst v0;
	v0 =	vor.u32 v2, v3;
	v2 =	vshrl.u32 v40, $0x10;
	v3 =	vand.u32 $0xFFFF0000, v41  }
0xef: {  	v8 =	vld [tilespmem:s28+$0x6590];
	[tilespmem:s28+$0xDC70] =	vst v0;
	v0 =	vor.u32 v2, v3;
	v2 =	vand.u32 $0xFFFF0000, v17;
	v1 =	vshrl.u32 v1, $0x10  }
0xf0: {  	v61 =	vld [tilespmem:s28+$0x8DA0];
	[tilespmem:s28+$0xDCC0] =	vst v0;
	v0 =	vor.u32 v1, v2;
	v1 =	vshrl.u32 v47, $0x10;
	v2 =	vand.u32 $0xFFFF0000, v52  }
0xf1: {  	v62 =	vld [tilespmem:s28+$0x8D70];
	[tilespmem:s28+$0xDCD0] =	vst v0;
	v0 =	vor.u32 v1, v2;
	v1 =	vshrl.u32 v5, $0x10;
	v2 =	vand.u32 $0xFFFF0000, v4  }
0xf2: {  	v3 =	vld [tilespmem:s28+$0x65A0];
	[tilespmem:s28+$0xDCE0] =	vst v0;
	v0 =	vshrl.u32 v57, $0x10;
	v1 =	vor.u32 v1, v2;
	v5 =	vand.u32 $0xFFFF0000, v6  }
0xf3: {  	v7 =	vld [tilespmem:s28+$0x6570];
	v2 =	vshrl.u32 v50, $0x10;
	[tilespmem:s28+$0xDD80] =	vst v1;
	v0 =	vor.u32 v0, v5;
	v5 =	vand.u32 $0xFFFF0000, v51  }
0xf4: {  	v4 =	vld [tilespmem:s28+$0x65B0];
	[tilespmem:s28+$0xDCF0] =	vst v0;
	v1 =	vor.u32 v2, v5;
	v2 =	vshrl.u32 v8, $0x10;
	v5 =	vand.u32 $0xFFFF0000, v60  }
0xf5: {  	v63 =	vand.u32 $0xFFFF0000, v56;
	v6 =	vld [tilespmem:s28+$0x8DB0];
	v8 =	vshrl.u32 v55, $0x10;
	[tilespmem:s28+$0xDD40] =	vst v1;
	v2 =	vor.u32 v2, v5  }
0xf6: {  	v0 =	vld [tilespmem:s28+$0x65C0];
	v5 =	vor.u32 v8, v63;
	v8 =	vand.u32 $0xFFFF0000, v59;
	[tilespmem:s28+$0xDD90] =	vst v2;
	v2 =	vshrl.u32 v58, $0x10  }
0xf7: {  	v3 =	vshrl.u32 v3, $0x10;
	v1 =	vld [tilespmem:s28+$0x8DC0];
	[tilespmem:s28+$0xDD50] =	vst v5;
	v5 =	vor.u32 v2, v8;
	v8 =	vand.u32 $0xFFFF0000, v61  }
0xf8: {  	v2 =	vld [tilespmem:s28+$0x65D0];
	[tilespmem:s28+$0xDD60] =	vst v5;
	v5 =	vshrl.u32 v7, $0x10;
	v7 =	vand.u32 $0xFFFF0000, v62;
	v8 =	vor.u32 v3, v8  }
0xf9: {  	v3 =	vld [tilespmem:s28+$0x8DD0];
	v5 =	vor.u32 v5, v7;
	[tilespmem:s28+$0xDDA0] =	vst v8  }
0xfa: {  	s2 =	simm.s32 $0x800;
	s0 =	simm.s32 $0x0;
	v6 =	vand.u32 $0xFFFF0000, v6;
	[tilespmem:s28+$0xDD70] =	vst v5;
	v5 =	vshrl.u32 v4, $0x10;
	v4 =	vld [tilespmem:s28+$0x65E0]  }
.LBB2_4:
0xfb: {  	s14 =	sshra.s32 s2, $0x2;
	v5 =	vor.u32 v5, v6;
	v0 =	vshrl.u32 v0, $0x10;
	v6 =	vld [tilespmem:s28+$0x8DE0]  }
0xfc: {  	s0 =	sadd.s32 $0x4, s0;
	v7 =	vld [tilespmem:s14+$0x65F0];
	[tilespmem:s28+$0xDDB0] =	vst v5;
	v1 =	vand.u32 $0xFFFF0000, v1  }
0xfd: {  	p0 =	slt.u32 s0, $0x4C;
	v5 =	vld [tilespmem:s14+$0x8DF0];
	v0 =	vor.u32 v0, v1;
	v1 =	vshrl.u32 v2, $0x10  }
0xfe: {  	v2 =	vld [tilespmem:s14+$0x6400];
	[tilespmem:s28+$0xDDC0] =	vst v0;
	v0 =	vand.u32 $0xFFFF0000, v3  }
0xff: {  	v3 =	vld [tilespmem:s14+$0x8C00];
	v0 =	vor.u32 v1, v0;
	v1 =	vshrl.u32 v4, $0x10  }
0x100: {  	v4 =	vld [tilespmem:s14+$0x6410];
	[tilespmem:s28+$0xDDD0] =	vst v0;
	v0 =	vand.u32 $0xFFFF0000, v6  }
0x101: {  	v6 =	vld [tilespmem:s14+$0x8C10];
	v0 =	vor.u32 v1, v0  }
0x102: {  	v7 =	vshrl.u32 v7, $0x10;
	v1 =	vld [tilespmem:s14+$0x6420];
	v5 =	vand.u32 $0xFFFF0000, v5;
	[tilespmem:s28+$0xDDE0] =	vst v0;
	s28 =	smov.u32 s14  }
0x103: {  	v0 =	vshrl.u32 v2, $0x10;
	v2 =	vld [tilespmem:s28+$0x8C20];
	v5 =	vor.u32 v7, v5  }
0x104: {  	v3 =	vand.u32 $0xFFFF0000, v3;
	v7 =	vld [tilespmem:s28+$0x6430];
	[tilespmem:s28+$0xDDF0] =	vst v5  }
0x105: {  	v0 =	vor.u32 v0, v3;
	v3 =	vshrl.u32 v4, $0x10;
	v4 =	vld [tilespmem:s28+$0x8C30]  }
0x106: {  	[tilespmem:s28+$0xDC00] =	vst v0;
	v0 =	vand.u32 $0xFFFF0000, v6;
	v5 =	vld [tilespmem:s28+$0x6440]  }
0x107: {  	v0 =	vor.u32 v3, v0;
	v1 =	vshrl.u32 v1, $0x10;
	v3 =	vld [tilespmem:s28+$0x8C40]  }
0x108: {  	[tilespmem:s28+$0xDC10] =	vst v0;
	v0 =	vand.u32 $0xFFFF0000, v2;
	v2 =	vld [tilespmem:s28+$0x6450]  }
0x109: {  	v0 =	vor.u32 v1, v0;
	v1 =	vshrl.u32 v7, $0x10;
	v6 =	vld [tilespmem:s28+$0x8C50]  }
0x10a: {  	[tilespmem:s28+$0xDC20] =	vst v0;
	v0 =	vand.u32 $0xFFFF0000, v4;
	v4 =	vld [tilespmem:s28+$0x6460]  }
0x10b: {  	v0 =	vor.u32 v1, v0;
	v1 =	vshrl.u32 v5, $0x10;
	v5 =	vld [tilespmem:s28+$0x8C60]  }
0x10c: {  	[tilespmem:s28+$0xDC30] =	vst v0;
	v0 =	vand.u32 $0xFFFF0000, v3;
	v3 =	vld [tilespmem:s28+$0x6470]  }
0x10d: {  	v0 =	vor.u32 v1, v0;
	v1 =	vshrl.u32 v2, $0x10;
	v2 =	vld [tilespmem:s28+$0x8C70]  }
0x10e: {  	[tilespmem:s28+$0xDC40] =	vst v0;
	v0 =	vand.u32 $0xFFFF0000, v6;
	v6 =	vld [tilespmem:s28+$0x6480]  }
0x10f: {  	v0 =	vor.u32 v1, v0;
	v1 =	vshrl.u32 v4, $0x10;
	v4 =	vld [tilespmem:s28+$0x8C80]  }
0x110: {  	[tilespmem:s28+$0xDC50] =	vst v0;
	v0 =	vand.u32 $0xFFFF0000, v5;
	v5 =	vld [tilespmem:s28+$0x6490]  }
0x111: {  	v0 =	vor.u32 v1, v0;
	v1 =	vshrl.u32 v3, $0x10;
	v3 =	vld [tilespmem:s28+$0x8C90]  }
0x112: {  	[tilespmem:s28+$0xDC60] =	vst v0;
	v0 =	vand.u32 $0xFFFF0000, v2;
	v2 =	vld [tilespmem:s28+$0x64A0]  }
0x113: {  	v0 =	vor.u32 v1, v0;
	v1 =	vshrl.u32 v6, $0x10;
	v6 =	vld [tilespmem:s28+$0x8CA0]  }
0x114: {  	[tilespmem:s28+$0xDC70] =	vst v0;
	v0 =	vand.u32 $0xFFFF0000, v4;
	v4 =	vld [tilespmem:s28+$0x64B0]  }
0x115: {  	v0 =	vor.u32 v1, v0;
	v1 =	vshrl.u32 v5, $0x10;
	v5 =	vld [tilespmem:s28+$0x8CB0]  }
0x116: {  	[tilespmem:s28+$0xDC80] =	vst v0;
	v0 =	vand.u32 $0xFFFF0000, v3;
	v3 =	vld [tilespmem:s28+$0x64C0]  }
0x117: {  	v0 =	vor.u32 v1, v0;
	v1 =	vshrl.u32 v2, $0x10;
	v2 =	vld [tilespmem:s28+$0x8CC0]  }
0x118: {  	[tilespmem:s28+$0xDC90] =	vst v0;
	v0 =	vand.u32 $0xFFFF0000, v6;
	v6 =	vld [tilespmem:s28+$0x64D0]  }
0x119: {  	v0 =	vor.u32 v1, v0;
	v1 =	vshrl.u32 v4, $0x10;
	v4 =	vld [tilespmem:s28+$0x8CD0]  }
0x11a: {  	[tilespmem:s28+$0xDCA0] =	vst v0;
	v0 =	vand.u32 $0xFFFF0000, v5;
	v5 =	vld [tilespmem:s28+$0x64E0]  }
0x11b: {  	v0 =	vor.u32 v1, v0;
	v1 =	vshrl.u32 v3, $0x10;
	v3 =	vld [tilespmem:s28+$0x8CE0]  }
0x11c: {  	[tilespmem:s28+$0xDCB0] =	vst v0;
	v0 =	vand.u32 $0xFFFF0000, v2;
	v2 =	vld [tilespmem:s28+$0x64F0]  }
0x11d: {  	v0 =	vor.u32 v1, v0;
	v1 =	vshrl.u32 v6, $0x10;
	v6 =	vld [tilespmem:s28+$0x8CF0]  }
0x11e: {  	[tilespmem:s28+$0xDCC0] =	vst v0;
	v0 =	vand.u32 $0xFFFF0000, v4;
	v4 =	vld [tilespmem:s28+$0x6500]  }
0x11f: {  	v0 =	vor.u32 v1, v0;
	v1 =	vshrl.u32 v5, $0x10;
	v5 =	vld [tilespmem:s28+$0x8D00]  }
0x120: {  	[tilespmem:s28+$0xDCD0] =	vst v0;
	v0 =	vand.u32 $0xFFFF0000, v3;
	v3 =	vld [tilespmem:s28+$0x6510]  }
0x121: {  	v0 =	vor.u32 v1, v0;
	v1 =	vshrl.u32 v2, $0x10;
	v2 =	vld [tilespmem:s28+$0x8D10]  }
0x122: {  	[tilespmem:s28+$0xDCE0] =	vst v0;
	v0 =	vand.u32 $0xFFFF0000, v6;
	v6 =	vld [tilespmem:s28+$0x6520]  }
0x123: {  	v0 =	vor.u32 v1, v0;
	v1 =	vshrl.u32 v4, $0x10;
	v4 =	vld [tilespmem:s28+$0x8D20]  }
0x124: {  	[tilespmem:s28+$0xDCF0] =	vst v0;
	v0 =	vand.u32 $0xFFFF0000, v5;
	v5 =	vld [tilespmem:s28+$0x6530]  }
0x125: {  	v0 =	vor.u32 v1, v0;
	v1 =	vshrl.u32 v3, $0x10;
	v3 =	vld [tilespmem:s28+$0x8D30]  }
0x126: {  	[tilespmem:s28+$0xDD00] =	vst v0;
	v0 =	vand.u32 $0xFFFF0000, v2;
	v2 =	vld [tilespmem:s28+$0x6540]  }
0x127: {  	v0 =	vor.u32 v1, v0;
	v1 =	vshrl.u32 v6, $0x10;
	v6 =	vld [tilespmem:s28+$0x8D40]  }
0x128: {  	[tilespmem:s28+$0xDD10] =	vst v0;
	v0 =	vand.u32 $0xFFFF0000, v4;
	v4 =	vld [tilespmem:s28+$0x6550]  }
0x129: {  	v0 =	vor.u32 v1, v0;
	v1 =	vshrl.u32 v5, $0x10;
	v5 =	vld [tilespmem:s28+$0x8D50]  }
0x12a: {  	[tilespmem:s28+$0xDD20] =	vst v0;
	v0 =	vand.u32 $0xFFFF0000, v3;
	v3 =	vld [tilespmem:s28+$0x6560]  }
0x12b: {  	v0 =	vor.u32 v1, v0;
	v1 =	vshrl.u32 v2, $0x10;
	v2 =	vld [tilespmem:s28+$0x8D60]  }
0x12c: {  	[tilespmem:s28+$0xDD30] =	vst v0;
	v0 =	vand.u32 $0xFFFF0000, v6;
	v6 =	vld [tilespmem:s28+$0x6570]  }
0x12d: {  	v0 =	vor.u32 v1, v0;
	v1 =	vshrl.u32 v4, $0x10;
	v4 =	vld [tilespmem:s28+$0x8D70]  }
0x12e: {  	[tilespmem:s28+$0xDD40] =	vst v0;
	v0 =	vand.u32 $0xFFFF0000, v5;
	v5 =	vld [tilespmem:s28+$0x6580]  }
0x12f: {  	v0 =	vor.u32 v1, v0;
	v1 =	vshrl.u32 v3, $0x10;
	v3 =	vld [tilespmem:s28+$0x8D80]  }
0x130: {  	[tilespmem:s28+$0xDD50] =	vst v0;
	v0 =	vand.u32 $0xFFFF0000, v2;
	v2 =	vld [tilespmem:s28+$0x6590]  }
0x131: {  	v0 =	vor.u32 v1, v0;
	v1 =	vshrl.u32 v6, $0x10;
	v6 =	vld [tilespmem:s28+$0x8D90]  }
0x132: {  	[tilespmem:s28+$0xDD60] =	vst v0;
	v0 =	vand.u32 $0xFFFF0000, v4;
	v4 =	vld [tilespmem:s28+$0x65A0]  }
0x133: {  	v0 =	vor.u32 v1, v0;
	v1 =	vshrl.u32 v5, $0x10;
	v5 =	vld [tilespmem:s28+$0x8DA0]  }
0x134: {  	[tilespmem:s28+$0xDD70] =	vst v0;
	v0 =	vand.u32 $0xFFFF0000, v3;
	v3 =	vld [tilespmem:s28+$0x65B0]  }
0x135: {  	v0 =	vor.u32 v1, v0;
	v1 =	vshrl.u32 v2, $0x10;
	v7 =	vld [tilespmem:s28+$0x8DB0]  }
.Ltmp1:
0x136: {  	[tilespmem:s28+$0xDD80] =	vst v0;
	v2 =	vand.u32 $0xFFFF0000, v6;
	v0 =	vld [tilespmem:s28+$0x65C0];
	(pc) =	sbr.rel @p0 .LBB2_4-.Ltmp1, $4  }
0x137: {  	v2 =	vor.u32 v1, v2;
	v4 =	vshrl.u32 v4, $0x10;
	v1 =	vld [tilespmem:s28+$0x8DC0]  }
0x138: {  	[tilespmem:s28+$0xDD90] =	vst v2;
	v5 =	vand.u32 $0xFFFF0000, v5;
	v2 =	vld [tilespmem:s28+$0x65D0]  }
0x139: {  	v4 =	vor.u32 v4, v5;
	v5 =	vshrl.u32 v3, $0x10;
	v3 =	vld [tilespmem:s28+$0x8DD0]  }
0x13a: {  	s2 =	sadd.s32 $0x800, s2;
	[tilespmem:s28+$0xDDA0] =	vst v4;
	v6 =	vand.u32 $0xFFFF0000, v7;
	v4 =	vld [tilespmem:s28+$0x65E0]  }
0x13b: {  	v7 =	vld [tilespmem:s28+$0x8DE0];
	_ =	sdelay $0x2  }
0x13c: {  	v5 =	vor.u32 v5, v6;
	v0 =	vshrl.u32 v0, $0x10;
	v1 =	vand.u32 $0xFFFF0000, v1  }
0x13d: {  	[tilespmem:s28+$0xDDB0] =	vst v5;
	v0 =	vor.u32 v0, v1;
	v58 =	vshrl.u32 v2, $0x10;
	v59 =	vand.u32 $0xFFFF0000, v3  }
0x13e: {  	[tilespmem:s28+$0xDDC0] =	vst v0;
	v60 =	vor.u32 v58, v59;
	v61 =	vshrl.u32 v4, $0x10;
	v62 =	vand.u32 $0xFFFF0000, v7  }
0x13f: {  	[tilespmem:s28+$0xDDD0] =	vst v60;
	v63 =	vor.u32 v61, v62  }
0x140: {  	s29 =	simm.s32 $0x2;
	p0 =	por $0x0, $0x0;
	[tilespmem:s28+$0xDDE0] =	vst v63  }
0x141: {  	[hbm4b:s8+s3] =	stream.linear.scatter [tilespmem:s24], [sflag:$0x2], $0x2800, $0x38;
	[tilespmem:$0x10400] =	vst v63  }
.LBB2_6:
0x142: {  	s30 =	sand.u32 $0x1, s29  }
0x143: {  	s0 =	sxor.u32 $0x1, s30  }
0x144: {  	s0 =	smul.u32 $0x14000, s0  }
0x145: {  	s28 =	sadd.s32 $0x1, s29  }
0x146: {  	s2 =	sshll.u32 s28, $0x8;
	s0 =	sshrl.u32 s0, $0x2  }
0x147: {  	s2 =	sand.u32 $0x3FFFFF00, s2;
	s14 =	sadd.s32 $0x1400, s0  }
0x148: {  	[tilespmem:s14], [sflag:$0x1] =	stream.indirect.gather [hbm4b:s1+s12], $0x80, s2, s12, $0xb8;
	[tilespmem:$0x10400] =	vst v63  }
0x149: {  	s0 =	sadd.s32 $0x3C00, s0;
	s2 =	sor.u32 $0x80, s2  }
0x14a: {  	[tilespmem:s0], [sflag:$0x1] =	stream.indirect.gather [hbm4b:s1+s12], $0x80, s2, s12, $0xb8;
	[tilespmem:$0x10400] =	vst v63  }
0x14b: {  	_ =	swait.ge [sflag:s20], $0x2800  }
0x14c: {  	[sflag:s20] =	ssyncset.done $0x0  }
0x14d: {  	[sflag:s20] =	ssyncadd.s32 $0xFFFFD800  }
0x14e: {  	s0 =	simm.s32 $0x1;
	_ =	swait.ge [sflag:s20], $0x2800  }
0x14f: {  	s0 =	simm.s32 @!p0 $0x0;
	[sflag:s20] =	ssyncset.done $0x0  }
0x150: {  	s16 =	smul.u32 $0x14000, s0;
	[sflag:s20] =	ssyncadd.s32 $0xFFFFD800  }
0x151: {  	_ =	swait.ge [sflag:s25], $0x2800  }
0x152: {  	s2 =	sshrl.u32 s16, $0x2;
	[sflag:s25] =	ssyncset.done $0x0  }
0x153: {  	s31 =	sadd.s32 $0x3DF0, s2;
	[sflag:s25] =	ssyncadd.s32 $0xFFFFD800  }
0x154: {  	v0 =	vld [tilespmem:s31+$0xFFFFD790]  }
0x155: {  	v1 =	vld [tilespmem:s31+$0xFFFFFF90];
	_ =	sdelay $0x2  }
0x156: {  	s0 =	smul.u32 $0xA000, s0;
	v2 =	vld [tilespmem:s31+$0xFFFFD690]  }
0x157: {  	v3 =	vld [tilespmem:s31+$0xFFFFFE90]  }
0x158: {  	s0 =	sshrl.u32 s0, $0x2;
	v4 =	vld [tilespmem:s31+$0xFFFFFE10];
	v0 =	vshrl.u32 v0, $0x10;
	v1 =	vand.u32 $0xFFFF0000, v1  }
0x159: {  	s0 =	sadd.s32 $0xB500, s0;
	v5 =	vld [tilespmem:s31+$0xFFFFD610];
	v0 =	vor.u32 v0, v1  }
0x15a: {  	[tilespmem:s0+$0x80] =	vst v0  }
0x15b: {  	v0 =	vld [tilespmem:s31+$0xFFFFD7A0]  }
0x15c: {  	v1 =	vshrl.u32 v2, $0x10;
	v2 =	vand.u32 $0xFFFF0000, v3;
	v3 =	vld [tilespmem:s31+$0xFFFFFFA0]  }
0x15d: {  	v6 =	vld [tilespmem:s31+$0xFFFFD710];
	v1 =	vor.u32 v1, v2  }
0x15e: {  	v4 =	vand.u32 $0xFFFF0000, v4;
	v2 =	vld [tilespmem:s31+$0xFFFFFF10];
	[tilespmem:s0+$0xFFFFFF80] =	vst v1;
	v1 =	vshrl.u32 v5, $0x10  }
0x15f: {  	v5 =	vld [tilespmem:s31+$0xFFFFD6A0];
	v1 =	vor.u32 v1, v4  }
0x160: {  	v4 =	vld [tilespmem:s31+$0xFFFFFEA0];
	[tilespmem:s0+$0xFFFFFF00] =	vst v1  }
0x161: {  	v1 =	vld [tilespmem:s31+$0xFFFFD620];
	v0 =	vshrl.u32 v0, $0x10;
	v3 =	vand.u32 $0xFFFF0000, v3  }
0x162: {  	v7 =	vld [tilespmem:s31+$0xFFFFFE20];
	v0 =	vor.u32 v0, v3  }
0x163: {  	v2 =	vand.u32 $0xFFFF0000, v2;
	v3 =	vshrl.u32 v6, $0x10;
	[tilespmem:s0+$0x90] =	vst v0  }
0x164: {  	v0 =	vor.u32 v3, v2;
	v2 =	vld [tilespmem:s31+$0xFFFFD7B0]  }
0x165: {  	v3 =	vand.u32 $0xFFFF0000, v4;
	[tilespmem:s0+$0x0] =	vst v0;
	v0 =	vshrl.u32 v5, $0x10;
	v4 =	vld [tilespmem:s31+$0xFFFFFFB0]  }
0x166: {  	v5 =	vld [tilespmem:s31+$0xFFFFD720];
	v0 =	vor.u32 v0, v3  }
0x167: {  	v1 =	vshrl.u32 v1, $0x10;
	v3 =	vld [tilespmem:s31+$0xFFFFFF20];
	[tilespmem:s0+$0xFFFFFF90] =	vst v0;
	v0 =	vand.u32 $0xFFFF0000, v7  }
0x168: {  	v6 =	vld [tilespmem:s31+$0xFFFFD6B0];
	v0 =	vor.u32 v1, v0  }
0x169: {  	v1 =	vld [tilespmem:s31+$0xFFFFFEB0];
	[tilespmem:s0+$0xFFFFFF10] =	vst v0  }
0x16a: {  	v0 =	vld [tilespmem:s31+$0xFFFFD630];
	v2 =	vshrl.u32 v2, $0x10;
	v4 =	vand.u32 $0xFFFF0000, v4  }
0x16b: {  	v7 =	vld [tilespmem:s31+$0xFFFFFE30];
	v2 =	vor.u32 v2, v4  }
0x16c: {  	v4 =	vshrl.u32 v5, $0x10;
	v3 =	vand.u32 $0xFFFF0000, v3;
	[tilespmem:s0+$0xA0] =	vst v2  }
0x16d: {  	v2 =	vor.u32 v4, v3;
	v3 =	vld [tilespmem:s31+$0xFFFFD7C0]  }
0x16e: {  	[tilespmem:s0+$0x10] =	vst v2;
	v2 =	vshrl.u32 v6, $0x10;
	v1 =	vand.u32 $0xFFFF0000, v1;
	v4 =	vld [tilespmem:s31+$0xFFFFFFC0]  }
0x16f: {  	v5 =	vld [tilespmem:s31+$0xFFFFD730];
	v1 =	vor.u32 v2, v1  }
0x170: {  	v0 =	vshrl.u32 v0, $0x10;
	[tilespmem:s0+$0xFFFFFFA0] =	vst v1;
	v1 =	vld [tilespmem:s31+$0xFFFFFF30];
	v2 =	vand.u32 $0xFFFF0000, v7  }
0x171: {  	v6 =	vld [tilespmem:s31+$0xFFFFD6C0];
	v0 =	vor.u32 v0, v2  }
0x172: {  	v2 =	vld [tilespmem:s31+$0xFFFFFEC0];
	[tilespmem:s0+$0xFFFFFF20] =	vst v0  }
0x173: {  	v0 =	vld [tilespmem:s31+$0xFFFFD640];
	v3 =	vshrl.u32 v3, $0x10;
	v4 =	vand.u32 $0xFFFF0000, v4  }
0x174: {  	v7 =	vld [tilespmem:s31+$0xFFFFFE40];
	v3 =	vor.u32 v3, v4  }
0x175: {  	v4 =	vshrl.u32 v5, $0x10;
	v1 =	vand.u32 $0xFFFF0000, v1;
	[tilespmem:s0+$0xB0] =	vst v3  }
0x176: {  	v1 =	vor.u32 v4, v1;
	v3 =	vld [tilespmem:s31+$0xFFFFD7D0]  }
0x177: {  	v4 =	vshrl.u32 v6, $0x10;
	v2 =	vand.u32 $0xFFFF0000, v2;
	[tilespmem:s0+$0x20] =	vst v1;
	v1 =	vld [tilespmem:s31+$0xFFFFFFD0]  }
0x178: {  	v2 =	vor.u32 v4, v2;
	v4 =	vld [tilespmem:s31+$0xFFFFD740]  }
0x179: {  	v0 =	vshrl.u32 v0, $0x10;
	[tilespmem:s0+$0xFFFFFFB0] =	vst v2;
	v2 =	vand.u32 $0xFFFF0000, v7;
	v5 =	vld [tilespmem:s31+$0xFFFFFF40]  }
0x17a: {  	v0 =	vor.u32 v0, v2;
	v2 =	vld [tilespmem:s31+$0xFFFFD6D0]  }
0x17b: {  	[tilespmem:s0+$0xFFFFFF30] =	vst v0;
	v0 =	vld [tilespmem:s31+$0xFFFFFED0]  }
0x17c: {  	v6 =	vld [tilespmem:s31+$0xFFFFD650];
	v3 =	vshrl.u32 v3, $0x10;
	v1 =	vand.u32 $0xFFFF0000, v1  }
0x17d: {  	v7 =	vld [tilespmem:s31+$0xFFFFFE50];
	v1 =	vor.u32 v3, v1  }
0x17e: {  	v3 =	vshrl.u32 v4, $0x10;
	v4 =	vand.u32 $0xFFFF0000, v5;
	[tilespmem:s0+$0xC0] =	vst v1  }
0x17f: {  	v1 =	vor.u32 v3, v4;
	v3 =	vld [tilespmem:s31+$0xFFFFD7E0]  }
0x180: {  	v2 =	vshrl.u32 v2, $0x10;
	v0 =	vand.u32 $0xFFFF0000, v0;
	[tilespmem:s0+$0x30] =	vst v1;
	v1 =	vld [tilespmem:s31+$0xFFFFFFE0]  }
0x181: {  	v0 =	vor.u32 v2, v0;
	v2 =	vld [tilespmem:s31+$0xFFFFD750]  }
0x182: {  	v4 =	vshrl.u32 v6, $0x10;
	v5 =	vand.u32 $0xFFFF0000, v7;
	[tilespmem:s0+$0xFFFFFFC0] =	vst v0;
	v0 =	vld [tilespmem:s31+$0xFFFFFF50]  }
0x183: {  	v4 =	vor.u32 v4, v5;
	v5 =	vld [tilespmem:s31+$0xFFFFD6E0]  }
0x184: {  	[tilespmem:s0+$0xFFFFFF40] =	vst v4;
	v4 =	vld [tilespmem:s31+$0xFFFFFEE0]  }
0x185: {  	v6 =	vld [tilespmem:s31+$0xFFFFD660];
	v3 =	vshrl.u32 v3, $0x10;
	v1 =	vand.u32 $0xFFFF0000, v1  }
0x186: {  	v7 =	vld [tilespmem:s31+$0xFFFFFE60];
	v1 =	vor.u32 v3, v1  }
0x187: {  	v2 =	vshrl.u32 v2, $0x10;
	v0 =	vand.u32 $0xFFFF0000, v0;
	[tilespmem:s0+$0xD0] =	vst v1  }
0x188: {  	v0 =	vor.u32 v2, v0;
	v8 =	vld [tilespmem:s31+$0xFFFFD7F0]  }
0x189: {  	v1 =	vshrl.u32 v5, $0x10;
	v2 =	vand.u32 $0xFFFF0000, v4;
	v4 =	vld [tilespmem:s31+$0xFFFFFFF0];
	[tilespmem:s0+$0x40] =	vst v0  }
0x18a: {  	v0 =	vor.u32 v1, v2;
	v5 =	vld [tilespmem:s31+$0xFFFFD760]  }
0x18b: {  	v1 =	vshrl.u32 v6, $0x10;
	v2 =	vand.u32 $0xFFFF0000, v7;
	[tilespmem:s0+$0xFFFFFFD0] =	vst v0;
	v3 =	vld [tilespmem:s31+$0xFFFFFF60]  }
0x18c: {  	v1 =	vor.u32 v1, v2;
	v0 =	vld [tilespmem:s31+$0xFFFFD6F0]  }
0x18d: {  	[tilespmem:s0+$0xFFFFFF50] =	vst v1;
	v1 =	vld [tilespmem:s31+$0xFFFFFEF0]  }
0x18e: {  	v2 =	vld [tilespmem:s31+$0xFFFFD670];
	v6 =	vshrl.u32 v8, $0x10;
	v7 =	vand.u32 $0xFFFF0000, v4  }
0x18f: {  	s14 =	simm.s32 $0x0;
	s16 =	sadd.s32 $0x200, s31;
	s2 =	smov.u32 s0;
	v4 =	vld [tilespmem:s31+$0xFFFFFE70];
	v6 =	vor.u32 v6, v7;
	v5 =	vshrl.u32 v5, $0x10  }
.LBB2_7:
0x190: {  	v7 =	vld [tilespmem:s16+$0xFFFFD790];
	v3 =	vand.u32 $0xFFFF0000, v3;
	[tilespmem:s0+$0xE0] =	vst v6  }
0x191: {  	v0 =	vshrl.u32 v0, $0x10;
	v3 =	vor.u32 v5, v3;
	v5 =	vld [tilespmem:s31+$0xFFFFD800]  }
0x192: {  	v1 =	vand.u32 $0xFFFF0000, v1;
	[tilespmem:s0+$0x50] =	vst v3;
	v3 =	vld [tilespmem:s31+$0x0]  }
0x193: {  	v6 =	vld [tilespmem:s16+$0xFFFFFF90];
	v2 =	vshrl.u32 v2, $0x10;
	v0 =	vor.u32 v0, v1  }
0x194: {  	v1 =	vld [tilespmem:s16+$0xFFFFFE10];
	v4 =	vand.u32 $0xFFFF0000, v4;
	[tilespmem:s0+$0xFFFFFFE0] =	vst v0  }
0x195: {  	v0 =	vld [tilespmem:s16+$0xFFFFD690];
	v2 =	vor.u32 v2, v4  }
0x196: {  	v4 =	vld [tilespmem:s16+$0xFFFFFE90];
	[tilespmem:s0+$0xFFFFFF60] =	vst v2  }
0x197: {  	v5 =	vshrl.u32 v5, $0x10;
	v2 =	vld [tilespmem:s16+$0xFFFFD710];
	v3 =	vand.u32 $0xFFFF0000, v3  }
0x198: {  	v7 =	vshrl.u32 v7, $0x10;
	v8 =	vld [tilespmem:s16+$0xFFFFFF10];
	v6 =	vand.u32 $0xFFFF0000, v6;
	v3 =	vor.u32 v5, v3  }
0x199: {  	s0 =	sadd.s32 $0x200, s0;
	v5 =	vld [tilespmem:s16+$0xFFFFD610];
	v1 =	vand.u32 $0xFFFF0000, v1;
	v6 =	vor.u32 v7, v6;
	[tilespmem:s2+$0xF0] =	vst v3  }
0x19a: {  	s14 =	sadd.s32 $0x4, s14;
	v0 =	vshrl.u32 v0, $0x10;
	[tilespmem:s0+$0x80] =	vst v6;
	v3 =	vld [tilespmem:s31+$0xFFFFD770]  }
0x19b: {  	p1 =	slt.u32 s14, $0x4C;
	v4 =	vand.u32 $0xFFFF0000, v4;
	v6 =	vld [tilespmem:s16+$0xFFFFD7A0]  }
0x19c: {  	v0 =	vor.u32 v0, v4;
	v2 =	vshrl.u32 v2, $0x10;
	v4 =	vld [tilespmem:s16+$0xFFFFFFA0]  }
0x19d: {  	[tilespmem:s0+$0xFFFFFF80] =	vst v0;
	v0 =	vand.u32 $0xFFFF0000, v8;
	v7 =	vld [tilespmem:s31+$0xFFFFFF70]  }
0x19e: {  	v5 =	vshrl.u32 v5, $0x10;
	v8 =	vld [tilespmem:s16+$0xFFFFD6A0];
	v0 =	vor.u32 v2, v0  }
0x19f: {  	v1 =	vor.u32 v5, v1;
	v2 =	vld [tilespmem:s16+$0xFFFFFEA0];
	[tilespmem:s0+$0x0] =	vst v0;
	v0 =	vshrl.u32 v3, $0x10  }
0x1a0: {  	[tilespmem:s0+$0xFFFFFF00] =	vst v1;
	v1 =	vld [tilespmem:s16+$0xFFFFD720]  }
0x1a1: {  	v5 =	vshrl.u32 v6, $0x10;
	v3 =	vld [tilespmem:s16+$0xFFFFD620];
	v4 =	vand.u32 $0xFFFF0000, v4  }
0x1a2: {  	v6 =	vld [tilespmem:s16+$0xFFFFFE20];
	v4 =	vor.u32 v5, v4;
	v5 =	vand.u32 $0xFFFF0000, v7  }
0x1a3: {  	v7 =	vshrl.u32 v8, $0x10;
	v8 =	vld [tilespmem:s16+$0xFFFFFF20];
	[tilespmem:s0+$0x90] =	vst v4;
	v0 =	vor.u32 v0, v5  }
0x1a4: {  	v2 =	vand.u32 $0xFFFF0000, v2;
	v4 =	vld [tilespmem:s16+$0xFFFFD7B0];
	[tilespmem:s2+$0x60] =	vst v0  }
0x1a5: {  	v0 =	vor.u32 v7, v2;
	v1 =	vshrl.u32 v1, $0x10;
	v2 =	vld [tilespmem:s16+$0xFFFFFFB0]  }
0x1a6: {  	v3 =	vshrl.u32 v3, $0x10;
	[tilespmem:s0+$0xFFFFFF90] =	vst v0;
	v0 =	vld [tilespmem:s31+$0xFFFFD680]  }
0x1a7: {  	v5 =	vand.u32 $0xFFFF0000, v6;
	v6 =	vld [tilespmem:s16+$0xFFFFD6B0]  }
0x1a8: {  	v3 =	vor.u32 v3, v5;
	v5 =	vld [tilespmem:s16+$0xFFFFFEB0];
	v7 =	vand.u32 $0xFFFF0000, v8  }
0x1a9: {  	[tilespmem:s0+$0xFFFFFF10] =	vst v3;
	v1 =	vor.u32 v1, v7;
	v3 =	vld [tilespmem:s31+$0xFFFFFE80]  }
0x1aa: {  	v7 =	vld [tilespmem:s16+$0xFFFFD630];
	[tilespmem:s0+$0x10] =	vst v1;
	v1 =	vshrl.u32 v4, $0x10;
	v2 =	vand.u32 $0xFFFF0000, v2  }
0x1ab: {  	v4 =	vld [tilespmem:s16+$0xFFFFFE30];
	v1 =	vor.u32 v1, v2;
	v0 =	vshrl.u32 v0, $0x10  }
0x1ac: {  	v2 =	vshrl.u32 v6, $0x10;
	v6 =	vld [tilespmem:s16+$0xFFFFD730];
	[tilespmem:s0+$0xA0] =	vst v1  }
0x1ad: {  	v1 =	vand.u32 $0xFFFF0000, v5;
	v5 =	vld [tilespmem:s16+$0xFFFFD7C0]  }
0x1ae: {  	v1 =	vor.u32 v2, v1;
	v2 =	vld [tilespmem:s16+$0xFFFFFFC0];
	v3 =	vand.u32 $0xFFFF0000, v3  }
0x1af: {  	v7 =	vshrl.u32 v7, $0x10;
	[tilespmem:s0+$0xFFFFFFA0] =	vst v1;
	v1 =	vld [tilespmem:s16+$0xFFFFFF30];
	v0 =	vor.u32 v0, v3  }
0x1b0: {  	v3 =	vand.u32 $0xFFFF0000, v4;
	v4 =	vld [tilespmem:s16+$0xFFFFD6C0];
	[tilespmem:s2+$0xFFFFFF70] =	vst v0  }
0x1b1: {  	v0 =	vor.u32 v7, v3;
	v3 =	vld [tilespmem:s16+$0xFFFFFEC0];
	v6 =	vshrl.u32 v6, $0x10  }
0x1b2: {  	[tilespmem:s0+$0xFFFFFF20] =	vst v0;
	v0 =	vld [tilespmem:s31+$0xFFFFD700]  }
0x1b3: {  	v5 =	vshrl.u32 v5, $0x10;
	v7 =	vld [tilespmem:s16+$0xFFFFD640];
	v2 =	vand.u32 $0xFFFF0000, v2  }
0x1b4: {  	v8 =	vld [tilespmem:s16+$0xFFFFFE40];
	v1 =	vand.u32 $0xFFFF0000, v1;
	v2 =	vor.u32 v5, v2  }
0x1b5: {  	v4 =	vshrl.u32 v4, $0x10;
	v1 =	vor.u32 v6, v1;
	[tilespmem:s0+$0xB0] =	vst v2;
	v2 =	vld [tilespmem:s31+$0xFFFFFF00]  }
0x1b6: {  	v3 =	vand.u32 $0xFFFF0000, v3;
	[tilespmem:s0+$0x20] =	vst v1;
	v1 =	vld [tilespmem:s16+$0xFFFFD7D0]  }
0x1b7: {  	v3 =	vor.u32 v4, v3;
	v4 =	vld [tilespmem:s16+$0xFFFFFFD0];
	v0 =	vshrl.u32 v0, $0x10  }
0x1b8: {  	v5 =	vshrl.u32 v7, $0x10;
	[tilespmem:s0+$0xFFFFFFB0] =	vst v3;
	v3 =	vld [tilespmem:s16+$0xFFFFD740]  }
0x1b9: {  	v6 =	vand.u32 $0xFFFF0000, v8;
	v7 =	vld [tilespmem:s16+$0xFFFFFF40]  }
0x1ba: {  	v5 =	vor.u32 v5, v6;
	v6 =	vld [tilespmem:s16+$0xFFFFD6D0];
	v2 =	vand.u32 $0xFFFF0000, v2  }
0x1bb: {  	[tilespmem:s0+$0xFFFFFF30] =	vst v5;
	v5 =	vld [tilespmem:s16+$0xFFFFFED0];
	v0 =	vor.u32 v0, v2  }
0x1bc: {  	v1 =	vshrl.u32 v1, $0x10;
	v2 =	vld [tilespmem:s16+$0xFFFFD650];
	v4 =	vand.u32 $0xFFFF0000, v4;
	[tilespmem:s2+$0xFFFFFFF0] =	vst v0  }
0x1bd: {  	v0 =	vld [tilespmem:s16+$0xFFFFFE50];
	v3 =	vshrl.u32 v3, $0x10;
	v1 =	vor.u32 v1, v4  }
0x1be: {  	v4 =	vand.u32 $0xFFFF0000, v7;
	[tilespmem:s0+$0xC0] =	vst v1;
	v1 =	vld [tilespmem:s31+$0xFFFFD780]  }
0x1bf: {  	v6 =	vshrl.u32 v6, $0x10;
	v3 =	vor.u32 v3, v4;
	v4 =	vld [tilespmem:s16+$0xFFFFD7E0]  }
0x1c0: {  	v5 =	vand.u32 $0xFFFF0000, v5;
	[tilespmem:s0+$0x30] =	vst v3;
	v3 =	vld [tilespmem:s16+$0xFFFFFFE0]  }
0x1c1: {  	v2 =	vshrl.u32 v2, $0x10;
	v5 =	vor.u32 v6, v5;
	v6 =	vld [tilespmem:s16+$0xFFFFD750]  }
0x1c2: {  	v0 =	vand.u32 $0xFFFF0000, v0;
	[tilespmem:s0+$0xFFFFFFC0] =	vst v5;
	v5 =	vld [tilespmem:s16+$0xFFFFFF50]  }
0x1c3: {  	v0 =	vor.u32 v2, v0;
	v2 =	vld [tilespmem:s16+$0xFFFFD6E0];
	v7 =	vshrl.u32 v1, $0x10  }
0x1c4: {  	[tilespmem:s0+$0xFFFFFF40] =	vst v0;
	v0 =	vld [tilespmem:s16+$0xFFFFFEE0]  }
0x1c5: {  	v4 =	vshrl.u32 v4, $0x10;
	v1 =	vld [tilespmem:s16+$0xFFFFD660];
	v3 =	vand.u32 $0xFFFF0000, v3  }
0x1c6: {  	v8 =	vld [tilespmem:s16+$0xFFFFFE60];
	v6 =	vshrl.u32 v6, $0x10;
	v3 =	vor.u32 v4, v3  }
0x1c7: {  	v4 =	vand.u32 $0xFFFF0000, v5;
	[tilespmem:s0+$0xD0] =	vst v3;
	v5 =	vld [tilespmem:s31+$0xFFFFFF80];
	s31 =	smov.u32 s16  }
0x1c8: {  	v2 =	vshrl.u32 v2, $0x10;
	v3 =	vor.u32 v6, v4;
	v4 =	vld [tilespmem:s16+$0xFFFFD7F0]  }
0x1c9: {  	v0 =	vand.u32 $0xFFFF0000, v0;
	[tilespmem:s0+$0x40] =	vst v3;
	v6 =	vld [tilespmem:s16+$0xFFFFFFF0]  }
0x1ca: {  	v1 =	vshrl.u32 v1, $0x10;
	v0 =	vor.u32 v2, v0;
	v9 =	vld [tilespmem:s16+$0xFFFFD760]  }
.Ltmp2:
0x1cb: {  	v2 =	vand.u32 $0xFFFF0000, v8;
	[tilespmem:s0+$0xFFFFFFD0] =	vst v0;
	v3 =	vld [tilespmem:s16+$0xFFFFFF60];
	(pc) =	sbr.rel @p1 .LBB2_7-.Ltmp2, $4  }
0x1cc: {  	v1 =	vor.u32 v1, v2;
	v0 =	vld [tilespmem:s16+$0xFFFFD6F0];
	v2 =	vand.u32 $0xFFFF0000, v5  }
0x1cd: {  	[tilespmem:s0+$0xFFFFFF50] =	vst v1;
	v1 =	vld [tilespmem:s16+$0xFFFFFEF0];
	v5 =	vor.u32 v7, v2  }
0x1ce: {  	v7 =	vshrl.u32 v4, $0x10;
	v2 =	vld [tilespmem:s16+$0xFFFFD670];
	v6 =	vand.u32 $0xFFFF0000, v6;
	[tilespmem:s2+$0x70] =	vst v5;
	s2 =	smov.u32 s0  }
0x1cf: {  	s16 =	sadd.s32 $0x200, s16;
	v4 =	vld [tilespmem:s31+$0xFFFFFE70];
	v5 =	vshrl.u32 v9, $0x10;
	v6 =	vor.u32 v7, v6  }
0x1d0: {  	v3 =	vand.u32 $0xFFFF0000, v3  }
0x1d1: {  	v3 =	vor.u32 v5, v3  }
0x1d2: {  	[tilespmem:s0+$0x50] =	vst v3  }
0x1d3: {  	v3 =	vld [tilespmem:s31+$0xFFFFD770]  }
0x1d4: {  	v52 =	vld [tilespmem:s31+$0xFFFFFF70]  }
0x1d5: {  	[tilespmem:s0+$0xE0] =	vst v6;
	v0 =	vshrl.u32 v0, $0x10;
	v1 =	vand.u32 $0xFFFF0000, v1  }
0x1d6: {  	v6 =	vld [tilespmem:s31+$0xFFFFD800];
	v0 =	vor.u32 v0, v1  }
0x1d7: {  	v53 =	vld [tilespmem:s31+$0x0];
	v2 =	vshrl.u32 v2, $0x10;
	v4 =	vand.u32 $0xFFFF0000, v4;
	[tilespmem:s0+$0xFFFFFFE0] =	vst v0  }
0x1d8: {  	v2 =	vor.u32 v2, v4;
	v58 =	vld [tilespmem:s31+$0xFFFFD700]  }
0x1d9: {  	v59 =	vld [tilespmem:s31+$0xFFFFFF00];
	[tilespmem:s0+$0xFFFFFF60] =	vst v2;
	v55 =	vshrl.u32 v3, $0x10;
	v56 =	vand.u32 $0xFFFF0000, v52  }
0x1da: {  	v54 =	vld [tilespmem:s31+$0xFFFFD680];
	v0 =	vor.u32 v55, v56  }
0x1db: {  	v57 =	vld [tilespmem:s31+$0xFFFFFE80];
	[tilespmem:s2+$0x60] =	vst v0  }
0x1dc: {  	v60 =	vld [tilespmem:s31+$0xFFFFD780]  }
0x1dd: {  	v7 =	vld [tilespmem:s31+$0xFFFFFF80];
	_ =	sdelay $0x1  }
0x1de: {  	s16 =	smul.u32 $0x50, s29;
	v6 =	vshrl.u32 v6, $0x10;
	v4 =	vand.u32 $0xFFFF0000, v53  }
0x1df: {  	s14 =	smul.u32 $0xA000, s30;
	p1 =	sne.s32 s28, $0x13;
	v4 =	vor.u32 v6, v4;
	v2 =	vshrl.u32 v58, $0x10;
	v0 =	vand.u32 $0xFFFF0000, v59  }
.Ltmp3:
0x1e0: {  	[tilespmem:s2+$0xF0] =	vst v4;
	v0 =	vor.u32 v2, v0;
	v1 =	vshrl.u32 v54, $0x10;
	v3 =	vand.u32 $0xFFFF0000, v57;
	(pc) =	sbr.rel @p1 .LBB2_6-.Ltmp3, $4  }
0x1e1: {  	s0 =	sadd.s32 s5, s16;
	[tilespmem:s2+$0xFFFFFFF0] =	vst v0;
	v1 =	vor.u32 v1, v3;
	v61 =	vshrl.u32 v60, $0x10;
	v62 =	vand.u32 $0xFFFF0000, v7  }
0x1e2: {  	p0 =	por !p0, !p0;
	s14 =	sshrl.u32 s14, $0x2;
	s0 =	sshll.u32 s0, $0x4;
	[tilespmem:s2+$0xFFFFFF70] =	vst v1;
	v63 =	vor.u32 v61, v62  }
0x1e3: {  	s29 =	smov.u32 s28;
	s0 =	sadd.s32 s4, s0;
	s31 =	sadd.s32 $0xB400, s14;
	[tilespmem:s2+$0x70] =	vst v63  }
0x1e4: {  	[hbm4b:s0+s3] =	stream.linear.scatter [tilespmem:s31], [sflag:$0x2], $0x2800, $0x38;
	[tilespmem:$0x10400] =	vst v63  }
0x1e5: {  	_ =	swait.ge [sflag:s20], $0x2800  }
0x1e6: {  	[sflag:s20] =	ssyncset.done $0x0  }
0x1e7: {  	[sflag:s20] =	ssyncadd.s32 $0xFFFFD800  }
0x1e8: {  	_ =	swait.ge [sflag:s20], $0x2800  }
0x1e9: {  	[sflag:s20] =	ssyncset.done $0x0  }
0x1ea: {  	[sflag:s20] =	ssyncadd.s32 $0xFFFFD800  }
0x1eb: {  	_ =	swait.ge [sflag:s25], $0x2800  }
0x1ec: {  	[sflag:s25] =	ssyncset.done $0x0  }
0x1ed: {  	s28 =	simm.s32 $0x0;
	[sflag:s25] =	ssyncadd.s32 $0xFFFFD800  }
0x1ee: {  	v0 =	vld [tilespmem:s28+$0x6400]  }
0x1ef: {  	v1 =	vld [tilespmem:s28+$0x8C00]  }
0x1f0: {  	v2 =	vld [tilespmem:s28+$0x6410]  }
0x1f1: {  	v3 =	vld [tilespmem:s28+$0x8C10]  }
0x1f2: {  	v4 =	vld [tilespmem:s28+$0x6420]  }
0x1f3: {  	v5 =	vld [tilespmem:s28+$0x8C20]  }
0x1f4: {  	v6 =	vld [tilespmem:s28+$0x6430]  }
0x1f5: {  	v7 =	vld [tilespmem:s28+$0x65F0]  }
0x1f6: {  	v8 =	vld [tilespmem:s28+$0x8DF0]  }
0x1f7: {  	v9 =	vld [tilespmem:s28+$0x8C60]  }
0x1f8: {  	v10 =	vld [tilespmem:s28+$0x6480]  }
0x1f9: {  	v11 =	vld [tilespmem:s28+$0x8C80]  }
0x1fa: {  	v12 =	vld [tilespmem:s28+$0x6490]  }
0x1fb: {  	v13 =	vld [tilespmem:s28+$0x8C90]  }
0x1fc: {  	v14 =	vld [tilespmem:s28+$0x64A0]  }
0x1fd: {  	v15 =	vld [tilespmem:s28+$0x8CA0]  }
0x1fe: {  	v37 =	vld [tilespmem:s28+$0x64B0]  }
0x1ff: {  	v38 =	vld [tilespmem:s28+$0x6470]  }
0x200: {  	v40 =	vld [tilespmem:s28+$0x64C0]  }
0x201: {  	v41 =	vld [tilespmem:s28+$0x8CC0]  }
0x202: {  	v16 =	vld [tilespmem:s28+$0x8C70]  }
0x203: {  	v17 =	vld [tilespmem:s28+$0x8CD0]  }
0x204: {  	v18 =	vld [tilespmem:s28+$0x6500]  }
0x205: {  	v19 =	vld [tilespmem:s28+$0x8D00]  }
0x206: {  	v20 =	vld [tilespmem:s28+$0x6510]  }
0x207: {  	v21 =	vld [tilespmem:s28+$0x8D10]  }
0x208: {  	v22 =	vld [tilespmem:s28+$0x6520]  }
0x209: {  	v23 =	vld [tilespmem:s28+$0x8D20]  }
0x20a: {  	v44 =	vld [tilespmem:s28+$0x6530]  }
0x20b: {  	v46 =	vld [tilespmem:s28+$0x8D30]  }
0x20c: {  	v47 =	vld [tilespmem:s28+$0x64E0]  }
0x20d: {  	v50 =	vld [tilespmem:s28+$0x6540];
	v0 =	vshrl.u32 v0, $0x10;
	v1 =	vand.u32 $0xFFFF0000, v1  }
0x20e: {  	v0 =	vor.u32 v0, v1;
	v1 =	vld [tilespmem:s28+$0x8C30]  }
0x20f: {  	v51 =	vld [tilespmem:s28+$0x8D40];
	v6 =	vshrl.u32 v6, $0x10;
	v14 =	vshrl.u32 v14, $0x10  }
0x210: {  	v52 =	vld [tilespmem:s28+$0x8CE0];
	v15 =	vand.u32 $0xFFFF0000, v15;
	v42 =	vshrl.u32 v18, $0x10;
	v43 =	vand.u32 $0xFFFF0000, v19  }
0x211: {  	v55 =	vld [tilespmem:s28+$0x6550];
	v7 =	vshrl.u32 v7, $0x10;
	v8 =	vand.u32 $0xFFFF0000, v8;
	v14 =	vor.u32 v14, v15;
	[tilespmem:s28+$0xDC00] =	vst v0  }
0x212: {  	v45 =	vor.u32 v42, v43;
	v0 =	vshrl.u32 v2, $0x10;
	v2 =	vand.u32 $0xFFFF0000, v3;
	v3 =	vld [tilespmem:s28+$0x6440];
	[tilespmem:s28+$0xDCA0] =	vst v14  }
0x213: {  	v7 =	vor.u32 v7, v8;
	[tilespmem:s28+$0xDD00] =	vst v45;
	v0 =	vor.u32 v0, v2;
	v2 =	vld [tilespmem:s28+$0x8C40];
	v1 =	vand.u32 $0xFFFF0000, v1  }
0x214: {  	v56 =	vld [tilespmem:s28+$0x8D50];
	v36 =	vand.u32 $0xFFFF0000, v11;
	[tilespmem:s28+$0xDDF0] =	vst v7;
	v1 =	vor.u32 v6, v1;
	v6 =	vshrl.u32 v10, $0x10  }
0x215: {  	v48 =	vshrl.u32 v20, $0x10;
	v49 =	vand.u32 $0xFFFF0000, v21;
	[tilespmem:s28+$0xDC30] =	vst v1;
	v1 =	vor.u32 v6, v36;
	v6 =	vld [tilespmem:s28+$0x8CB0]  }
0x216: {  	v14 =	vor.u32 v48, v49;
	[tilespmem:s28+$0xDC10] =	vst v0;
	v0 =	vshrl.u32 v4, $0x10;
	v4 =	vand.u32 $0xFFFF0000, v5;
	v5 =	vld [tilespmem:s28+$0x6450]  }
0x217: {  	[tilespmem:s28+$0xDD10] =	vst v14;
	v0 =	vor.u32 v0, v4;
	v4 =	vld [tilespmem:s28+$0x8C50]  }
0x218: {  	v57 =	vld [tilespmem:s28+$0x64F0];
	[tilespmem:s28+$0xDC20] =	vst v0;
	v3 =	vshrl.u32 v3, $0x10;
	v2 =	vand.u32 $0xFFFF0000, v2  }
0x219: {  	v39 =	vand.u32 $0xFFFF0000, v13;
	v0 =	vld [tilespmem:s28+$0x6460];
	[tilespmem:s28+$0xDC80] =	vst v1;
	v1 =	vshrl.u32 v12, $0x10;
	v2 =	vor.u32 v3, v2  }
0x21a: {  	v58 =	vld [tilespmem:s28+$0x6560];
	v11 =	vshrl.u32 v37, $0x10;
	v1 =	vor.u32 v1, v39;
	[tilespmem:s28+$0xDC40] =	vst v2;
	v6 =	vand.u32 $0xFFFF0000, v6  }
0x21b: {  	v59 =	vld [tilespmem:s28+$0x8D60];
	v53 =	vshrl.u32 v22, $0x10;
	v54 =	vand.u32 $0xFFFF0000, v23;
	[tilespmem:s28+$0xDC90] =	vst v1;
	v6 =	vor.u32 v11, v6  }
0x21c: {  	v3 =	vshrl.u32 v5, $0x10;
	v4 =	vand.u32 $0xFFFF0000, v4;
	v1 =	vld [tilespmem:s28+$0x64D0];
	[tilespmem:s28+$0xDCB0] =	vst v6;
	v6 =	vor.u32 v53, v54  }
0x21d: {  	v15 =	vand.u32 $0xFFFF0000, v46;
	v5 =	vld [tilespmem:s28+$0x6580];
	v2 =	vor.u32 v3, v4;
	[tilespmem:s28+$0xDD20] =	vst v6;
	v6 =	vshrl.u32 v44, $0x10  }
0x21e: {  	v0 =	vshrl.u32 v0, $0x10;
	v3 =	vand.u32 $0xFFFF0000, v9;
	v4 =	vld [tilespmem:s28+$0x8D80];
	[tilespmem:s28+$0xDC50] =	vst v2;
	v6 =	vor.u32 v6, v15  }
0x21f: {  	v0 =	vor.u32 v0, v3;
	v2 =	vshrl.u32 v38, $0x10;
	v3 =	vand.u32 $0xFFFF0000, v16;
	[tilespmem:s28+$0xDD30] =	vst v6;
	v6 =	vld [tilespmem:s28+$0x8CF0]  }
0x220: {  	v60 =	vld [tilespmem:s28+$0x8D90];
	[tilespmem:s28+$0xDC60] =	vst v0;
	v0 =	vor.u32 v2, v3;
	v2 =	vshrl.u32 v40, $0x10;
	v3 =	vand.u32 $0xFFFF0000, v41  }
0x221: {  	v8 =	vld [tilespmem:s28+$0x6590];
	[tilespmem:s28+$0xDC70] =	vst v0;
	v0 =	vor.u32 v2, v3;
	v2 =	vand.u32 $0xFFFF0000, v17;
	v1 =	vshrl.u32 v1, $0x10  }
0x222: {  	v61 =	vld [tilespmem:s28+$0x8DA0];
	[tilespmem:s28+$0xDCC0] =	vst v0;
	v0 =	vor.u32 v1, v2;
	v1 =	vshrl.u32 v47, $0x10;
	v2 =	vand.u32 $0xFFFF0000, v52  }
0x223: {  	v62 =	vld [tilespmem:s28+$0x8D70];
	[tilespmem:s28+$0xDCD0] =	vst v0;
	v0 =	vor.u32 v1, v2;
	v1 =	vshrl.u32 v5, $0x10;
	v2 =	vand.u32 $0xFFFF0000, v4  }
0x224: {  	v3 =	vld [tilespmem:s28+$0x65A0];
	[tilespmem:s28+$0xDCE0] =	vst v0;
	v0 =	vshrl.u32 v57, $0x10;
	v1 =	vor.u32 v1, v2;
	v5 =	vand.u32 $0xFFFF0000, v6  }
0x225: {  	v7 =	vld [tilespmem:s28+$0x6570];
	v2 =	vshrl.u32 v50, $0x10;
	[tilespmem:s28+$0xDD80] =	vst v1;
	v0 =	vor.u32 v0, v5;
	v5 =	vand.u32 $0xFFFF0000, v51  }
0x226: {  	v4 =	vld [tilespmem:s28+$0x65B0];
	[tilespmem:s28+$0xDCF0] =	vst v0;
	v1 =	vor.u32 v2, v5;
	v2 =	vshrl.u32 v8, $0x10;
	v5 =	vand.u32 $0xFFFF0000, v60  }
0x227: {  	v63 =	vand.u32 $0xFFFF0000, v56;
	v6 =	vld [tilespmem:s28+$0x8DB0];
	v8 =	vshrl.u32 v55, $0x10;
	[tilespmem:s28+$0xDD40] =	vst v1;
	v2 =	vor.u32 v2, v5  }
0x228: {  	v0 =	vld [tilespmem:s28+$0x65C0];
	v5 =	vor.u32 v8, v63;
	v8 =	vand.u32 $0xFFFF0000, v59;
	[tilespmem:s28+$0xDD90] =	vst v2;
	v2 =	vshrl.u32 v58, $0x10  }
0x229: {  	v3 =	vshrl.u32 v3, $0x10;
	v1 =	vld [tilespmem:s28+$0x8DC0];
	[tilespmem:s28+$0xDD50] =	vst v5;
	v5 =	vor.u32 v2, v8;
	v8 =	vand.u32 $0xFFFF0000, v61  }
0x22a: {  	v2 =	vld [tilespmem:s28+$0x65D0];
	[tilespmem:s28+$0xDD60] =	vst v5;
	v5 =	vshrl.u32 v7, $0x10;
	v7 =	vand.u32 $0xFFFF0000, v62;
	v8 =	vor.u32 v3, v8  }
0x22b: {  	v3 =	vld [tilespmem:s28+$0x8DD0];
	v5 =	vor.u32 v5, v7;
	[tilespmem:s28+$0xDDA0] =	vst v8  }
0x22c: {  	s0 =	simm.s32 $0x0;
	s2 =	simm.s32 $0x800;
	v6 =	vand.u32 $0xFFFF0000, v6;
	[tilespmem:s28+$0xDD70] =	vst v5;
	v5 =	vshrl.u32 v4, $0x10;
	v4 =	vld [tilespmem:s28+$0x65E0]  }
.LBB2_10:
0x22d: {  	s14 =	sshra.s32 s2, $0x2;
	v5 =	vor.u32 v5, v6;
	v0 =	vshrl.u32 v0, $0x10;
	v6 =	vld [tilespmem:s28+$0x8DE0]  }
0x22e: {  	s0 =	sadd.s32 $0x4, s0;
	v7 =	vld [tilespmem:s14+$0x65F0];
	[tilespmem:s28+$0xDDB0] =	vst v5;
	v1 =	vand.u32 $0xFFFF0000, v1  }
0x22f: {  	p0 =	slt.u32 s0, $0x4C;
	v5 =	vld [tilespmem:s14+$0x8DF0];
	v0 =	vor.u32 v0, v1;
	v1 =	vshrl.u32 v2, $0x10  }
0x230: {  	v2 =	vld [tilespmem:s14+$0x6400];
	[tilespmem:s28+$0xDDC0] =	vst v0;
	v0 =	vand.u32 $0xFFFF0000, v3  }
0x231: {  	v3 =	vld [tilespmem:s14+$0x8C00];
	v0 =	vor.u32 v1, v0;
	v1 =	vshrl.u32 v4, $0x10  }
0x232: {  	v4 =	vld [tilespmem:s14+$0x6410];
	[tilespmem:s28+$0xDDD0] =	vst v0;
	v0 =	vand.u32 $0xFFFF0000, v6  }
0x233: {  	v6 =	vld [tilespmem:s14+$0x8C10];
	v0 =	vor.u32 v1, v0  }
0x234: {  	v7 =	vshrl.u32 v7, $0x10;
	v1 =	vld [tilespmem:s14+$0x6420];
	v5 =	vand.u32 $0xFFFF0000, v5;
	[tilespmem:s28+$0xDDE0] =	vst v0;
	s28 =	smov.u32 s14  }
0x235: {  	v0 =	vshrl.u32 v2, $0x10;
	v2 =	vld [tilespmem:s28+$0x8C20];
	v5 =	vor.u32 v7, v5  }
0x236: {  	v3 =	vand.u32 $0xFFFF0000, v3;
	v7 =	vld [tilespmem:s28+$0x6430];
	[tilespmem:s28+$0xDDF0] =	vst v5  }
0x237: {  	v0 =	vor.u32 v0, v3;
	v3 =	vshrl.u32 v4, $0x10;
	v4 =	vld [tilespmem:s28+$0x8C30]  }
0x238: {  	[tilespmem:s28+$0xDC00] =	vst v0;
	v0 =	vand.u32 $0xFFFF0000, v6;
	v5 =	vld [tilespmem:s28+$0x6440]  }
0x239: {  	v0 =	vor.u32 v3, v0;
	v1 =	vshrl.u32 v1, $0x10;
	v3 =	vld [tilespmem:s28+$0x8C40]  }
0x23a: {  	[tilespmem:s28+$0xDC10] =	vst v0;
	v0 =	vand.u32 $0xFFFF0000, v2;
	v2 =	vld [tilespmem:s28+$0x6450]  }
0x23b: {  	v0 =	vor.u32 v1, v0;
	v1 =	vshrl.u32 v7, $0x10;
	v6 =	vld [tilespmem:s28+$0x8C50]  }
0x23c: {  	[tilespmem:s28+$0xDC20] =	vst v0;
	v0 =	vand.u32 $0xFFFF0000, v4;
	v4 =	vld [tilespmem:s28+$0x6460]  }
0x23d: {  	v0 =	vor.u32 v1, v0;
	v1 =	vshrl.u32 v5, $0x10;
	v5 =	vld [tilespmem:s28+$0x8C60]  }
0x23e: {  	[tilespmem:s28+$0xDC30] =	vst v0;
	v0 =	vand.u32 $0xFFFF0000, v3;
	v3 =	vld [tilespmem:s28+$0x6470]  }
0x23f: {  	v0 =	vor.u32 v1, v0;
	v1 =	vshrl.u32 v2, $0x10;
	v2 =	vld [tilespmem:s28+$0x8C70]  }
0x240: {  	[tilespmem:s28+$0xDC40] =	vst v0;
	v0 =	vand.u32 $0xFFFF0000, v6;
	v6 =	vld [tilespmem:s28+$0x6480]  }
0x241: {  	v0 =	vor.u32 v1, v0;
	v1 =	vshrl.u32 v4, $0x10;
	v4 =	vld [tilespmem:s28+$0x8C80]  }
0x242: {  	[tilespmem:s28+$0xDC50] =	vst v0;
	v0 =	vand.u32 $0xFFFF0000, v5;
	v5 =	vld [tilespmem:s28+$0x6490]  }
0x243: {  	v0 =	vor.u32 v1, v0;
	v1 =	vshrl.u32 v3, $0x10;
	v3 =	vld [tilespmem:s28+$0x8C90]  }
0x244: {  	[tilespmem:s28+$0xDC60] =	vst v0;
	v0 =	vand.u32 $0xFFFF0000, v2;
	v2 =	vld [tilespmem:s28+$0x64A0]  }
0x245: {  	v0 =	vor.u32 v1, v0;
	v1 =	vshrl.u32 v6, $0x10;
	v6 =	vld [tilespmem:s28+$0x8CA0]  }
0x246: {  	[tilespmem:s28+$0xDC70] =	vst v0;
	v0 =	vand.u32 $0xFFFF0000, v4;
	v4 =	vld [tilespmem:s28+$0x64B0]  }
0x247: {  	v0 =	vor.u32 v1, v0;
	v1 =	vshrl.u32 v5, $0x10;
	v5 =	vld [tilespmem:s28+$0x8CB0]  }
0x248: {  	[tilespmem:s28+$0xDC80] =	vst v0;
	v0 =	vand.u32 $0xFFFF0000, v3;
	v3 =	vld [tilespmem:s28+$0x64C0]  }
0x249: {  	v0 =	vor.u32 v1, v0;
	v1 =	vshrl.u32 v2, $0x10;
	v2 =	vld [tilespmem:s28+$0x8CC0]  }
0x24a: {  	[tilespmem:s28+$0xDC90] =	vst v0;
	v0 =	vand.u32 $0xFFFF0000, v6;
	v6 =	vld [tilespmem:s28+$0x64D0]  }
0x24b: {  	v0 =	vor.u32 v1, v0;
	v1 =	vshrl.u32 v4, $0x10;
	v4 =	vld [tilespmem:s28+$0x8CD0]  }
0x24c: {  	[tilespmem:s28+$0xDCA0] =	vst v0;
	v0 =	vand.u32 $0xFFFF0000, v5;
	v5 =	vld [tilespmem:s28+$0x64E0]  }
0x24d: {  	v0 =	vor.u32 v1, v0;
	v1 =	vshrl.u32 v3, $0x10;
	v3 =	vld [tilespmem:s28+$0x8CE0]  }
0x24e: {  	[tilespmem:s28+$0xDCB0] =	vst v0;
	v0 =	vand.u32 $0xFFFF0000, v2;
	v2 =	vld [tilespmem:s28+$0x64F0]  }
0x24f: {  	v0 =	vor.u32 v1, v0;
	v1 =	vshrl.u32 v6, $0x10;
	v6 =	vld [tilespmem:s28+$0x8CF0]  }
0x250: {  	[tilespmem:s28+$0xDCC0] =	vst v0;
	v0 =	vand.u32 $0xFFFF0000, v4;
	v4 =	vld [tilespmem:s28+$0x6500]  }
0x251: {  	v0 =	vor.u32 v1, v0;
	v1 =	vshrl.u32 v5, $0x10;
	v5 =	vld [tilespmem:s28+$0x8D00]  }
0x252: {  	[tilespmem:s28+$0xDCD0] =	vst v0;
	v0 =	vand.u32 $0xFFFF0000, v3;
	v3 =	vld [tilespmem:s28+$0x6510]  }
0x253: {  	v0 =	vor.u32 v1, v0;
	v1 =	vshrl.u32 v2, $0x10;
	v2 =	vld [tilespmem:s28+$0x8D10]  }
0x254: {  	[tilespmem:s28+$0xDCE0] =	vst v0;
	v0 =	vand.u32 $0xFFFF0000, v6;
	v6 =	vld [tilespmem:s28+$0x6520]  }
0x255: {  	v0 =	vor.u32 v1, v0;
	v1 =	vshrl.u32 v4, $0x10;
	v4 =	vld [tilespmem:s28+$0x8D20]  }
0x256: {  	[tilespmem:s28+$0xDCF0] =	vst v0;
	v0 =	vand.u32 $0xFFFF0000, v5;
	v5 =	vld [tilespmem:s28+$0x6530]  }
0x257: {  	v0 =	vor.u32 v1, v0;
	v1 =	vshrl.u32 v3, $0x10;
	v3 =	vld [tilespmem:s28+$0x8D30]  }
0x258: {  	[tilespmem:s28+$0xDD00] =	vst v0;
	v0 =	vand.u32 $0xFFFF0000, v2;
	v2 =	vld [tilespmem:s28+$0x6540]  }
0x259: {  	v0 =	vor.u32 v1, v0;
	v1 =	vshrl.u32 v6, $0x10;
	v6 =	vld [tilespmem:s28+$0x8D40]  }
0x25a: {  	[tilespmem:s28+$0xDD10] =	vst v0;
	v0 =	vand.u32 $0xFFFF0000, v4;
	v4 =	vld [tilespmem:s28+$0x6550]  }
0x25b: {  	v0 =	vor.u32 v1, v0;
	v1 =	vshrl.u32 v5, $0x10;
	v5 =	vld [tilespmem:s28+$0x8D50]  }
0x25c: {  	[tilespmem:s28+$0xDD20] =	vst v0;
	v0 =	vand.u32 $0xFFFF0000, v3;
	v3 =	vld [tilespmem:s28+$0x6560]  }
0x25d: {  	v0 =	vor.u32 v1, v0;
	v1 =	vshrl.u32 v2, $0x10;
	v2 =	vld [tilespmem:s28+$0x8D60]  }
0x25e: {  	[tilespmem:s28+$0xDD30] =	vst v0;
	v0 =	vand.u32 $0xFFFF0000, v6;
	v6 =	vld [tilespmem:s28+$0x6570]  }
0x25f: {  	v0 =	vor.u32 v1, v0;
	v1 =	vshrl.u32 v4, $0x10;
	v4 =	vld [tilespmem:s28+$0x8D70]  }
0x260: {  	[tilespmem:s28+$0xDD40] =	vst v0;
	v0 =	vand.u32 $0xFFFF0000, v5;
	v5 =	vld [tilespmem:s28+$0x6580]  }
0x261: {  	v0 =	vor.u32 v1, v0;
	v1 =	vshrl.u32 v3, $0x10;
	v3 =	vld [tilespmem:s28+$0x8D80]  }
0x262: {  	[tilespmem:s28+$0xDD50] =	vst v0;
	v0 =	vand.u32 $0xFFFF0000, v2;
	v2 =	vld [tilespmem:s28+$0x6590]  }
0x263: {  	v0 =	vor.u32 v1, v0;
	v1 =	vshrl.u32 v6, $0x10;
	v6 =	vld [tilespmem:s28+$0x8D90]  }
0x264: {  	[tilespmem:s28+$0xDD60] =	vst v0;
	v0 =	vand.u32 $0xFFFF0000, v4;
	v4 =	vld [tilespmem:s28+$0x65A0]  }
0x265: {  	v0 =	vor.u32 v1, v0;
	v1 =	vshrl.u32 v5, $0x10;
	v5 =	vld [tilespmem:s28+$0x8DA0]  }
0x266: {  	[tilespmem:s28+$0xDD70] =	vst v0;
	v0 =	vand.u32 $0xFFFF0000, v3;
	v3 =	vld [tilespmem:s28+$0x65B0]  }
0x267: {  	v0 =	vor.u32 v1, v0;
	v1 =	vshrl.u32 v2, $0x10;
	v7 =	vld [tilespmem:s28+$0x8DB0]  }
.Ltmp4:
0x268: {  	[tilespmem:s28+$0xDD80] =	vst v0;
	v2 =	vand.u32 $0xFFFF0000, v6;
	v0 =	vld [tilespmem:s28+$0x65C0];
	(pc) =	sbr.rel @p0 .LBB2_10-.Ltmp4, $4  }
0x269: {  	v2 =	vor.u32 v1, v2;
	v4 =	vshrl.u32 v4, $0x10;
	v1 =	vld [tilespmem:s28+$0x8DC0]  }
0x26a: {  	[tilespmem:s28+$0xDD90] =	vst v2;
	v5 =	vand.u32 $0xFFFF0000, v5;
	v2 =	vld [tilespmem:s28+$0x65D0]  }
0x26b: {  	v4 =	vor.u32 v4, v5;
	v5 =	vshrl.u32 v3, $0x10;
	v3 =	vld [tilespmem:s28+$0x8DD0]  }
0x26c: {  	s2 =	sadd.s32 $0x800, s2;
	[tilespmem:s28+$0xDDA0] =	vst v4;
	v6 =	vand.u32 $0xFFFF0000, v7;
	v4 =	vld [tilespmem:s28+$0x65E0]  }
0x26d: {  	v7 =	vld [tilespmem:s28+$0x8DE0];
	_ =	sdelay $0x2  }
0x26e: {  	v5 =	vor.u32 v5, v6;
	v0 =	vshrl.u32 v0, $0x10;
	v1 =	vand.u32 $0xFFFF0000, v1  }
0x26f: {  	[tilespmem:s28+$0xDDB0] =	vst v5;
	v0 =	vor.u32 v0, v1;
	v58 =	vshrl.u32 v2, $0x10;
	v59 =	vand.u32 $0xFFFF0000, v3  }
0x270: {  	[tilespmem:s28+$0xDDC0] =	vst v0;
	v60 =	vor.u32 v58, v59;
	v61 =	vshrl.u32 v4, $0x10;
	v62 =	vand.u32 $0xFFFF0000, v7  }
0x271: {  	[tilespmem:s28+$0xDDD0] =	vst v60;
	v63 =	vor.u32 v61, v62  }
0x272: {  	s26 =	sadd.s32 $0x1, s26;
	[tilespmem:s28+$0xDDE0] =	vst v63  }
0x273: {  	[hbm4b:s9+s3] =	stream.linear.scatter [tilespmem:s24], [sflag:$0x2], $0x2800, $0x38;
	[tilespmem:$0x10400] =	vst v63  }
0x274: {  	p0 =	sne.s32 s26, s10;
	_ =	swait.ge [sflag:s25], $0x2800  }
.Ltmp5:
0x275: {  	[sflag:s25] =	ssyncset.done $0x0;
	(pc) =	sbr.rel @p0 .LBB2_1-.Ltmp5, $4  }
0x276: {  	[sflag:s25] =	ssyncadd.s32 $0xFFFFD800  }
0x277: {  	_ =	swait.ge [sflag:s25], $0x2800  }
0x278: {  	[sflag:s25] =	ssyncset.done $0x0  }
0x279: {  	[sflag:s25] =	ssyncadd.s32 $0xFFFFD800  }
0x27a: {  	_ =	sfence.sel $0x180000  }
0x27b: {  	[bflag:$0x0] =	sbarrier.arrive $0xFFFF  }
0x27c: {  	_ =	strace $0x90000047  }
0x27d: {  	s0 =	stileid.u32;
	[bflag:$0x2] =	sbarrier.arrive $0xFFFF  }
0x27e: {  	p0 =	sne.s32 s0, $0x0;
	s0 =	rddreg [dreg:$0x3]  }
0x27f: {  	s0 =	sadd.s32 @!p0 $0x100000, s0  }
0x280: {  	[sflag:s0] =	ssyncadd.tile.s32 @!p0 $0x1;
	_ =	shalt  }
.Lfunc_end2:
_tile_overlayer_lowered:
.L_overlay_start_2:
0x281: {  	(tag) =	ssettag $0x2  }
0x282: {  	s0 =	rddreg [dreg:$0x0];
	s2 =	stileid.u32  }
0x283: {  	s1 =	rddreg [dreg:$0x1];
	p0 =	sne.s32 s2, $0x0  }
0x284: {  	s3 =	rddreg [dreg:$0x2];
	[bflag:$0x3] =	sbarrier.arrive $0xFFFF;
	s2 =	simm.s32 @!p0 $0x1C03  }
0x285: {  	[timem:s3], [sflag:s2] =	dma.local @!p0 [hbm:s0], s1  }
0x286: {  	s0 =	simm.s32 @!p0 $0x3  }
0x287: {  	_ =	swait.ge @!p0 [sflag:s0], s1  }
0x288: {  	s1 =	ssub.s32 @!p0 $0x0, s1;
	[sflag:s0] =	ssyncset.done @!p0 $0x0  }
0x289: {  	[sflag:s0] =	ssyncadd.s32 @!p0 s1  }
0x28a: {  	[bflag:$0x3] =	sbarrier.arrive $0xFFFF  }
0x28b: {  	_ =	shalt  }

// kernel: kernel.9.cloned.1.call-start
scs
__scs_entry_jumppad:
0x0: {  	(pc) =	sbr.rel $0x88, $3  }
0x1: {  	(tag) =	ssettag $0x0;
	lr =	simm.s32 $0x1  }
0x2: {  	[smem:$0x3F9A] =	sst lr;
	_ =	strace $0xD0000000  }
0x3: {  	_ = 	snop  }
0x4: {  	_ = 	snop  }
0x5: {  	_ = 	snop  }
0x6: {  	_ = 	snop  }
0x7: {  	_ = 	snop  }
__scs_overlays_trampoline_lowered:
0x8: {  	[smem:$0x3FA9] =	sst s0  }
0x9: {  	[smem:$0x3FAA] =	sst s1  }
0xa: {  	[smem:$0x3FAB] =	sst s2  }
0xb: {  	[smem:$0x3FAC] =	sst s3  }
0xc: {  	[smem:$0x3FAD] =	sst s4  }
0xd: {  	[smem:$0x3FAE] =	sst s5  }
0xe: {  	[smem:$0x3FAF] =	sst s6  }
0xf: {  	[smem:$0x3FB0] =	sst s7  }
0x10: {  	[smem:$0x3FB1] =	sst s8  }
0x11: {  	[smem:$0x3FB2] =	sst s9;
	s0 =	simm.s32 @!p0 $0x0  }
0x12: {  	s1 =	sld [smem:$0x3F98];
	s0 =	simm.s32 @p0 $0x1  }
0x13: {  	[smem:$0x3FB3] =	sst s0;
	s0 =	simm.s32 @!p1 $0x0  }
0x14: {  	s2 =	sld [smem:$0x3F97];
	s0 =	simm.s32 @p1 $0x1  }
0x15: {  	[smem:$0x3FB4] =	sst s0;
	s0 =	simm.s32 @!p2 $0x0  }
0x16: {  	s3 =	sld [smem:$0x3FDB];
	s0 =	simm.s32 @p2 $0x1  }
0x17: {  	s4 =	simm.s32 $0x1BF5;
	[smem:$0x3FB6] =	sst s0  }
0x18: {  	s0 =	sld [smem:$0x3F99];
	_ =	swait.ge [sflag:s4], $0x0  }
0x19: {  	s7 =	sld [smem:$0x3F9A]  }
0x1a: {  	s8 =	sadd.s32 $0xFFFFE003, lr  }
0x1b: {  	s9 =	sadd.s32 $0xFFFFFEF7, lr;
	s5 =	simm.s32 $0xFFFFFFFF;
	p2 =	slt.u32 s8, $0xFFFFF086  }
0x1c: {  	p1 =	slt.u32 s9, $0xF7A;
	s5 =	simm.s32 @!p2 $0x0  }
0x1d: {  	s5 =	simm.s32 @p1 $0x1;
	p0 =	seq.s32 s7, s2  }
0x1e: {  	s7 =	smul.u32 @!p0 $0xF7A, s2;
	p2 =	seq.s32 @!p0 s5, $0x0  }
0x1f: {  	s9 =	smul.u32 $0xF7A, s1;
	s8 =	simm.s32 @!p0 $0x1BF5;
	p2 =	por !p2, p0  }
0x20: {  	[sflag:s8] =	ssyncset.s32 @!p0 $0xFFFFF086;
	s6 =	sadd.s32 @!p0 s3, s7;
	s7 =	simm.s32 @!p0 $0x108  }
0x21: {  	s3 =	sadd.s32 s3, s9;
	s6 =	sadd.s32 @!p0 $0x88, s6;
	s7 =	simm.s32 @p2 $0x1082  }
0x22: {  	[simem:s7], [sflag:s8] =	dma.local @!p0 [hbm:s6], $0xF7A  }
0x23: {  	s9 =	sor.u32 $0xD0000000, s2;
	s6 =	simm.s32 $0x108;
	_ =	swait.ge @!p0 [sflag:s8], $0x0  }
0x24: {  	s3 =	sadd.s32 $0x88, s3;
	s6 =	simm.s32 @!p1 $0x1082;
	[sflag:s4] =	ssyncset.s32 $0xFFFFF086  }
0x25: {  	[simem:s6], [sflag:s4] =	dma.local [hbm:s3], $0xF7A  }
0x26: {  	[smem:$0x3F9A] =	sst s1;
	(tag) =	ssettag s2;
	_ =	strace s9  }
0x27: {  	s1 =	sld [smem:$0x3FAA]  }
0x28: {  	s2 =	sld [smem:$0x3FAB]  }
0x29: {  	s4 =	sld [smem:$0x3FAD]  }
0x2a: {  	p0 =	seq.s32 s5, $0x0;
	s5 =	sld [smem:$0x3FAE]  }
0x2b: {  	s6 =	sld [smem:$0x3FAF]  }
0x2c: {  	s7 =	sld [smem:$0x3FB0]  }
0x2d: {  	s3 =	simm.s32 $0x108;
	s8 =	sld [smem:$0x3FB1]  }
0x2e: {  	s3 =	simm.s32 @!p0 $0x1082;
	s9 =	sld [smem:$0x3FB2]  }
0x2f: {  	lr =	sadd.s32 s0, s3;
	s0 =	sld [smem:$0x3FA9]  }
0x30: {  	s3 =	sld [smem:$0x3FAC]  }
0x31: {  	[smem:$0x3FB5] =	sst s10  }
0x32: {  	s10 =	sld [smem:$0x3FB3];
	_ =	sdelay $0x3  }
0x33: {  	p0 =	seq.s32 s10, $0x1;
	s10 =	sld [smem:$0x3FB5];
	_ =	sdelay $0x3  }
0x34: {  	[smem:$0x3FB5] =	sst s10  }
0x35: {  	s10 =	sld [smem:$0x3FB4];
	_ =	sdelay $0x3  }
0x36: {  	p1 =	seq.s32 s10, $0x1;
	s10 =	sld [smem:$0x3FB5];
	_ =	sdelay $0x3  }
0x37: {  	[smem:$0x3FB5] =	sst s10  }
0x38: {  	s10 =	sld [smem:$0x3FB6]  }
0x39: {  	_ = 	snop;
	(pc) =	sbr.ind lr, $3  }
0x3a: {  	_ = 	snop  }
0x3b: {  	_ = 	snop  }
0x3c: {  	p2 =	seq.s32 s10, $0x1;
	s10 =	sld [smem:$0x3FB5]  }
0x3d: {  	_ =	shalt  }
0x3e: {  	_ =	shalt  }
0x3f: {  	_ =	shalt  }
0x40: {  	_ =	shalt  }
0x41: {  	_ =	shalt  }
0x42: {  	_ =	shalt  }
0x43: {  	_ =	shalt  }
0x44: {  	_ =	shalt  }
0x45: {  	_ =	shalt  }
0x46: {  	_ =	shalt  }
0x47: {  	_ =	shalt  }
0x48: {  	_ =	shalt  }
0x49: {  	_ =	shalt  }
0x4a: {  	_ =	shalt  }
0x4b: {  	_ =	shalt  }
0x4c: {  	_ =	shalt  }
0x4d: {  	_ =	shalt  }
0x4e: {  	_ =	shalt  }
0x4f: {  	_ =	shalt  }
0x50: {  	_ =	shalt  }
0x51: {  	_ =	shalt  }
0x52: {  	_ =	shalt  }
0x53: {  	_ =	shalt  }
0x54: {  	_ =	shalt  }
0x55: {  	_ =	shalt  }
0x56: {  	_ =	shalt  }
0x57: {  	_ =	shalt  }
0x58: {  	_ =	shalt  }
0x59: {  	_ =	shalt  }
0x5a: {  	_ =	shalt  }
0x5b: {  	_ =	shalt  }
0x5c: {  	_ =	shalt  }
0x5d: {  	_ =	shalt  }
0x5e: {  	_ =	shalt  }
0x5f: {  	_ =	shalt  }
0x60: {  	_ =	shalt  }
0x61: {  	_ =	shalt  }
0x62: {  	_ =	shalt  }
0x63: {  	_ =	shalt  }
0x64: {  	_ =	shalt  }
0x65: {  	_ =	shalt  }
0x66: {  	_ =	shalt  }
0x67: {  	_ =	shalt  }
0x68: {  	_ =	shalt  }
0x69: {  	_ =	shalt  }
0x6a: {  	_ =	shalt  }
0x6b: {  	_ =	shalt  }
0x6c: {  	_ =	shalt  }
0x6d: {  	_ =	shalt  }
0x6e: {  	_ =	shalt  }
0x6f: {  	_ =	shalt  }
0x70: {  	_ =	shalt  }
0x71: {  	_ =	shalt  }
0x72: {  	_ =	shalt  }
0x73: {  	_ =	shalt  }
0x74: {  	_ =	shalt  }
0x75: {  	_ =	shalt  }
0x76: {  	_ =	shalt  }
0x77: {  	_ =	shalt  }
0x78: {  	_ =	shalt  }
0x79: {  	_ =	shalt  }
0x7a: {  	_ =	shalt  }
0x7b: {  	_ =	shalt  }
0x7c: {  	_ =	shalt  }
0x7d: {  	_ =	shalt  }
0x7e: {  	_ =	shalt  }
0x7f: {  	_ =	shalt  }
0x80: {  	_ =	shalt  }
0x81: {  	_ =	shalt  }
0x82: {  	_ =	shalt  }
0x83: {  	_ =	shalt  }
0x84: {  	_ =	shalt  }
0x85: {  	_ =	shalt  }
0x86: {  	_ =	shalt  }
0x87: {  	_ =	shalt  }
.Lfunc_end0:
.L_simem_size_0:
called_computation.1_lowered:
.L_overlay_start_0:
0x88: {  	s2 =	sld [smem:$0x3FD9]  }
0x89: {  	s3 =	sld [smem:$0x3FFE];
	_ =	sdelay $0x1  }
0x8a: {  	s1 =	srdreg.scid  }
0x8b: {  	s0 =	sand.u32 $0x1, s1  }
0x8c: {  	s17 =	sshll.u32 s0, $0xA;
	s2 =	sadd.s32 s3, s2  }
0x8d: {  	s2 =	sadd.s32 s2, s17  }
0x8e: {  	[smem:$0x3FC1] =	sst s2  }
0x8f: {  	_ = 	snop  }
0x90: {  	s18 =	sld [smem:$0x3FC7];
	(tm) =	ssettm $0x1  }
0x91: {  	s19 =	sld [smem:$0x3FFB];
	_ =	sdelay $0x3  }
0x92: {  	_ =	strace s19  }
0x93: {  	s2 =	sld [smem:$0x3FFC];
	_ =	sdelay $0x3  }
0x94: {  	_ =	strace s2  }
0x95: {  	s2 =	sld [smem:$0x3FFD];
	_ =	sdelay $0x3  }
0x96: {  	_ =	strace s2  }
0x97: {  	_ =	strace $0x8FFFFFFF  }
0x98: {  	s20 =	sld [smem:$0x3FDB];
	_ =	sdelay $0x1  }
0x99: {  	s4 =	simm.s32 $_scs_section_size  }
0x9a: {  	s5 =	simm.s32 $_size__tile_overlayer_lowered;
	s6 =	simm.s32 $_tile_overlayer_lowered  }
0x9b: {  	s7 =	simm.s32 $0x1BFF;
	s21 =	sshll.u32 s6, $0x1;
	s4 =	sadd.s32 s4, s20  }
0x9c: {  	s22 =	simm.s32 $0x0;
	s5 =	sshll.u32 s5, $0x1;
	s6 =	sadd.s32 s21, s4  }
0x9d: {  	[timem:s22], [sflag:s7] =	dma.local [hbm:s6], s5  }
0x9e: {  	_ =	swait.ge [sflag:s7], s5  }
0x9f: {  	s5 =	ssub.s32 $0x0, s5;
	[sflag:s7] =	ssyncset.done $0x0  }
0xa0: {  	[sflag:s7] =	ssyncadd.s32 s5;
	_ =	sdelay $0x1  }
0xa1: {  	s23 =	simm.s32 $0x1B8B  }
0xa2: {  	_ =	swait.ge [sflag:s23], $0x1  }
0xa3: {  	[sflag:s23] =	ssyncset.done $0x0  }
0xa4: {  	[sflag:s23] =	ssyncadd.s32 $0xFFFFFFFF  }
0xa5: {  	s5 =	sld [smem:$0x0]  }
0xa6: {  	s6 =	sand.u32 $0xFFFFFFFE, s1  }
0xa7: {  	p0 =	sne.s32 s1, s6  }
0xa8: {  	s6 =	sshll.u32 @p0 s6, $0xE  }
0xa9: {  	s6 =	sadd.s32 @p0 $0x11B8D, s6;
	s7 =	sshll.u32 @p0 s5, $0x11  }
0xaa: {  	s6 =	sor.u32 @p0 s7, s6  }
0xab: {  	[sflag:s6] =	ssyncadd.remote.s32 @p0 $0x1;
	_ =	sdelay $0x1  }
0xac: {  	s6 =	simm.s32 @p0 $0x1B8D  }
0xad: {  	_ =	swait.eq @p0 [sflag:s6], $0x1  }
0xae: {  	[sflag:s6] =	ssyncadd.s32 @p0 $0xFFFFFFFF  }
0xaf: {  	s7 =	sshll.u32 @!p0 s1, $0xE  }
0xb0: {  	s7 =	sor.u32 @!p0 $0x4000, s7;
	s6 =	simm.s32 @!p0 $0x1B8D  }
0xb1: {  	s5 =	sshll.u32 @!p0 s5, $0x11;
	s7 =	sadd.s32 @!p0 $0x11B8D, s7;
	_ =	swait.eq @!p0 [sflag:s6], $0x1  }
0xb2: {  	s5 =	sor.u32 @!p0 s5, s7;
	[sflag:s6] =	ssyncadd.s32 @!p0 $0xFFFFFFFF  }
0xb3: {  	s25 =	simm.s32 $0x1B8E;
	s24 =	sld [smem:$0x3FFE];
	[sflag:s5] =	ssyncadd.remote.s32 @!p0 $0x1  }
0xb4: {  	s26 =	simm.s32 $execute0_lowered;
	[smem:$0x3FD2] =	sst s25  }
0xb5: {  	s6 =	sshll.u32 s26, $0x1;
	_ =	strace $0x80000049;
	[dreg:$0x1] =	wrdreg $0xFFFFFFFF  }
0xb6: {  	s28 =	simm.s32 $_size_execute0_lowered;
	s4 =	sadd.s32 s4, s6;
	[dreg:$0x0] =	wrdreg $0x0  }
0xb7: {  	s6 =	sshll.u32 s28, $0x1;
	[dreg:$0x2] =	wrdreg s4  }
0xb8: {  	[dreg:$0x3] =	wrdreg s6  }
0xb9: {  	[dreg:$0x4] =	wrdreg $0xC0  }
0xba: {  	_ =	task [dreg:s22], $0x5FFFF  }
0xbb: {  	[dreg:$0x1] =	wrdreg $0xFFFFFFFF  }
0xbc: {  	[dreg:$0x0] =	wrdreg $0x60  }
0xbd: {  	[dreg:$0x2] =	wrdreg s18  }
0xbe: {  	[dreg:$0x3] =	wrdreg s24  }
0xbf: {  	[dreg:$0x4] =	wrdreg $0xA  }
0xc0: {  	_ =	task.clear_ibuf [dreg:s22], $0x5FFFF;
	_ =	strace $0x90000049  }
0xc1: {  	s29 =	simm.s32 $0xA;
	_ =	strace $0x8000004B  }
0xc2: {  	_ =	swait.ge [sflag:s29], $0x1  }
0xc3: {  	[sflag:s29] =	ssyncadd.s32 $0xFFFFFFFF  }
0xc4: {  	_ =	strace $0x9000004B  }
0xc5: {  	_ =	sfence  }
0xc6: {  	s30 =	sld [smem:$0x0];
	_ =	sdelay $0x2  }
0xc7: {  	s31 =	sshll.u32 s1, $0xD;
	s1 =	sshrl.u32 s1, $0x2  }
0xc8: {  	s4 =	sand.u32 $0x4000, s31;
	s1 =	sadd.s32 s1, s30  }
0xc9: {  	s0 =	sor.u32 s4, s0;
	s1 =	sshll.u32 s1, $0x11  }
0xca: {  	s0 =	sor.u32 s1, s0  }
0xcb: {  	s0 =	sadd.s32 $0x8F2B, s0  }
0xcc: {  	[sflag:s0] =	ssyncadd.remote.s32 $0x1  }
0xcd: {  	_ =	sfence.sel $0xFFFF  }
0xce: {  	[dreg:$0x0] =	wrdreg $0xFFFFFFFF;
	(pc) =	sbr.abs _section_cstart, $3  }
0xcf: {  	[dreg:$0x1] =	wrdreg $0xFFFFFFFF  }
0xd0: {  	_ =	task.clear_ibuf [dreg:s22], $0x2FFFF;
	_ =	strace $0x9FFFFFFF  }
0xd1: {  	(tm) =	ssettm $0x7FFFFFFF  }
tec
execute0_lowered:
.L_overlay_start_1:
0x0: {  	(tag) =	ssettag $0x1  }
0x1: {  	s2 =	rddreg [dreg:$0x0];
	s0 =	srdreg.scid  }
0x2: {  	s3 =	stileid.u32;
	s1 =	rddreg [dreg:$0x1]  }
0x3: {  	s11 =	simm.s32 $0x3;
	s12 =	simm.s32 $0x50;
	s13 =	simm.s32 $0x1400  }
0x4: {  	s15 =	simm.s32 $0x3C00;
	s17 =	simm.s32 $0x6400;
	s18 =	simm.s32 $0x180  }
0x5: {  	s19 =	simm.s32 $0x8C00;
	s20 =	simm.s32 $0x1;
	s21 =	simm.s32 $0xB400  }
0x6: {  	s22 =	simm.s32 $0x200;
	s0 =	sand.u32 $0x1, s0;
	s4 =	sshll.u32 s3, $0x1  }
0x7: {  	s23 =	simm.s32 $0x280;
	s24 =	simm.s32 $0xDC00;
	s5 =	sor.u32 s0, s4  }
0x8: {  	s25 =	simm.s32 $0x2;
	s26 =	simm.s32 $0x0;
	s4 =	smul.u32 $0x280, s5  }
0x9: {  	s3 =	simm.s32 $0x0;
	s0 =	ssub.s32 $0x2, s0;
	s6 =	smul.u32 $0x32000, s5  }
0xa: {  	[smem:$0x7FF] =	sst s3;
	s30 =	sshrl.u32 s0, $0x1;
	s8 =	smul.u32 $0x6400, s5  }
0xb: {  	_ =	strace $0x8000004A;
	s5 =	smul.u32 $0x640, s5;
	s0 =	ssub.s32 s0, s30  }
0xc: {  	s7 =	sadd.s32 s4, s1;
	s4 =	sadd.s32 $0xCE400, s1;
	s6 =	sshrl.u32 s6, $0x3  }
0xd: {  	s10 =	smax.u32 s0, $0x1;
	s31 =	sadd.s32 s4, s6;
	s6 =	sadd.s32 $0xC9400, s7  }
0xe: {  	s7 =	sadd.s32 s4, s8;
	s8 =	sadd.s32 $0x500, s31;
	s9 =	sadd.s32 $0x5F00, s31  }
.LBB2_1:
0xf: {  	[tilespmem:s3], [sflag:$0x3] =	stream.linear.gather [hbm4b:s6+s3], $0x1400, $0x38;
	[tilespmem:$0x10400] =	vst v63  }
0x10: {  	_ =	swait.ge [sflag:s11], $0x1400  }
0x11: {  	[sflag:s11] =	ssyncset.done $0x0  }
0x12: {  	[sflag:s11] =	ssyncadd.s32 $0xFFFFEC00  }
0x13: {  	[tilespmem:s13], [sflag:$0x1] =	stream.indirect.gather [hbm4b:s2+s12], $0x80, s3, s12, $0xb8;
	[tilespmem:$0x10400] =	vst v63  }
0x14: {  	s0 =	simm.s32 $0x80  }
0x15: {  	[tilespmem:s15], [sflag:$0x1] =	stream.indirect.gather [hbm4b:s2+s12], $0x80, s0, s12, $0xb8;
	[tilespmem:$0x10400] =	vst v63  }
0x16: {  	s31 =	simm.s32 $0x100  }
0x17: {  	[tilespmem:s17], [sflag:$0x1] =	stream.indirect.gather [hbm4b:s2+s12], $0x80, s31, s12, $0xb8;
	[tilespmem:$0x10400] =	vst v63  }
0x18: {  	_ = 	snop  }
0x19: {  	[tilespmem:s19], [sflag:$0x1] =	stream.indirect.gather [hbm4b:s2+s12], $0x80, s18, s12, $0xb8;
	[tilespmem:$0x10400] =	vst v63  }
0x1a: {  	_ =	swait.ge [sflag:s20], $0x2800  }
0x1b: {  	[sflag:s20] =	ssyncset.done $0x0  }
0x1c: {  	[sflag:s20] =	ssyncadd.s32 $0xFFFFD800  }
0x1d: {  	_ =	swait.ge [sflag:s20], $0x2800  }
0x1e: {  	[sflag:s20] =	ssyncset.done $0x0  }
0x1f: {  	s28 =	simm.s32 $0x3DF0;
	[sflag:s20] =	ssyncadd.s32 $0xFFFFD800  }
0x20: {  	v0 =	vld [tilespmem:s28+$0xFFFFD790]  }
0x21: {  	v1 =	vld [tilespmem:s28+$0xFFFFFF90];
	_ =	sdelay $0x2  }
0x22: {  	v2 =	vld [tilespmem:s28+$0xFFFFD690]  }
0x23: {  	v3 =	vld [tilespmem:s28+$0xFFFFFE90]  }
0x24: {  	v4 =	vld [tilespmem:s28+$0xFFFFFE10];
	v0 =	vshrl.u32 v0, $0x10;
	v1 =	vand.u32 $0xFFFF0000, v1  }
0x25: {  	s29 =	simm.s32 $0xB500;
	v5 =	vld [tilespmem:s28+$0xFFFFD610];
	v0 =	vor.u32 v0, v1  }
0x26: {  	[tilespmem:s29+$0x80] =	vst v0  }
0x27: {  	v0 =	vld [tilespmem:s28+$0xFFFFD7A0]  }
0x28: {  	v1 =	vshrl.u32 v2, $0x10;
	v2 =	vand.u32 $0xFFFF0000, v3;
	v3 =	vld [tilespmem:s28+$0xFFFFFFA0]  }
0x29: {  	v6 =	vld [tilespmem:s28+$0xFFFFD710];
	v1 =	vor.u32 v1, v2  }
0x2a: {  	v4 =	vand.u32 $0xFFFF0000, v4;
	v2 =	vld [tilespmem:s28+$0xFFFFFF10];
	[tilespmem:s29+$0xFFFFFF80] =	vst v1;
	v1 =	vshrl.u32 v5, $0x10  }
0x2b: {  	v5 =	vld [tilespmem:s28+$0xFFFFD6A0];
	v1 =	vor.u32 v1, v4  }
0x2c: {  	v4 =	vld [tilespmem:s28+$0xFFFFFEA0];
	[tilespmem:s29+$0xFFFFFF00] =	vst v1  }
0x2d: {  	v1 =	vld [tilespmem:s28+$0xFFFFD620];
	v0 =	vshrl.u32 v0, $0x10;
	v3 =	vand.u32 $0xFFFF0000, v3  }
0x2e: {  	v7 =	vld [tilespmem:s28+$0xFFFFFE20];
	v0 =	vor.u32 v0, v3  }
0x2f: {  	v2 =	vand.u32 $0xFFFF0000, v2;
	v3 =	vshrl.u32 v6, $0x10;
	[tilespmem:s29+$0x90] =	vst v0  }
0x30: {  	v0 =	vor.u32 v3, v2;
	v2 =	vld [tilespmem:s28+$0xFFFFD7B0]  }
0x31: {  	v3 =	vand.u32 $0xFFFF0000, v4;
	[tilespmem:s29+$0x0] =	vst v0;
	v0 =	vshrl.u32 v5, $0x10;
	v4 =	vld [tilespmem:s28+$0xFFFFFFB0]  }
0x32: {  	v5 =	vld [tilespmem:s28+$0xFFFFD720];
	v0 =	vor.u32 v0, v3  }
0x33: {  	v1 =	vshrl.u32 v1, $0x10;
	v3 =	vld [tilespmem:s28+$0xFFFFFF20];
	[tilespmem:s29+$0xFFFFFF90] =	vst v0;
	v0 =	vand.u32 $0xFFFF0000, v7  }
0x34: {  	v6 =	vld [tilespmem:s28+$0xFFFFD6B0];
	v0 =	vor.u32 v1, v0  }
0x35: {  	v1 =	vld [tilespmem:s28+$0xFFFFFEB0];
	[tilespmem:s29+$0xFFFFFF10] =	vst v0  }
0x36: {  	v0 =	vld [tilespmem:s28+$0xFFFFD630];
	v2 =	vshrl.u32 v2, $0x10;
	v4 =	vand.u32 $0xFFFF0000, v4  }
0x37: {  	v7 =	vld [tilespmem:s28+$0xFFFFFE30];
	v2 =	vor.u32 v2, v4  }
0x38: {  	v4 =	vshrl.u32 v5, $0x10;
	v3 =	vand.u32 $0xFFFF0000, v3;
	[tilespmem:s29+$0xA0] =	vst v2  }
0x39: {  	v2 =	vor.u32 v4, v3;
	v3 =	vld [tilespmem:s28+$0xFFFFD7C0]  }
0x3a: {  	[tilespmem:s29+$0x10] =	vst v2;
	v2 =	vshrl.u32 v6, $0x10;
	v1 =	vand.u32 $0xFFFF0000, v1;
	v4 =	vld [tilespmem:s28+$0xFFFFFFC0]  }
0x3b: {  	v5 =	vld [tilespmem:s28+$0xFFFFD730];
	v1 =	vor.u32 v2, v1  }
0x3c: {  	v0 =	vshrl.u32 v0, $0x10;
	[tilespmem:s29+$0xFFFFFFA0] =	vst v1;
	v1 =	vld [tilespmem:s28+$0xFFFFFF30];
	v2 =	vand.u32 $0xFFFF0000, v7  }
0x3d: {  	v6 =	vld [tilespmem:s28+$0xFFFFD6C0];
	v0 =	vor.u32 v0, v2  }
0x3e: {  	v2 =	vld [tilespmem:s28+$0xFFFFFEC0];
	[tilespmem:s29+$0xFFFFFF20] =	vst v0  }
0x3f: {  	v0 =	vld [tilespmem:s28+$0xFFFFD640];
	v3 =	vshrl.u32 v3, $0x10;
	v4 =	vand.u32 $0xFFFF0000, v4  }
0x40: {  	v7 =	vld [tilespmem:s28+$0xFFFFFE40];
	v3 =	vor.u32 v3, v4  }
0x41: {  	v4 =	vshrl.u32 v5, $0x10;
	v1 =	vand.u32 $0xFFFF0000, v1;
	[tilespmem:s29+$0xB0] =	vst v3  }
0x42: {  	v1 =	vor.u32 v4, v1;
	v3 =	vld [tilespmem:s28+$0xFFFFD7D0]  }
0x43: {  	v4 =	vshrl.u32 v6, $0x10;
	v2 =	vand.u32 $0xFFFF0000, v2;
	[tilespmem:s29+$0x20] =	vst v1;
	v1 =	vld [tilespmem:s28+$0xFFFFFFD0]  }
0x44: {  	v2 =	vor.u32 v4, v2;
	v4 =	vld [tilespmem:s28+$0xFFFFD740]  }
0x45: {  	v0 =	vshrl.u32 v0, $0x10;
	[tilespmem:s29+$0xFFFFFFB0] =	vst v2;
	v2 =	vand.u32 $0xFFFF0000, v7;
	v5 =	vld [tilespmem:s28+$0xFFFFFF40]  }
0x46: {  	v0 =	vor.u32 v0, v2;
	v2 =	vld [tilespmem:s28+$0xFFFFD6D0]  }
0x47: {  	[tilespmem:s29+$0xFFFFFF30] =	vst v0;
	v0 =	vld [tilespmem:s28+$0xFFFFFED0]  }
0x48: {  	v6 =	vld [tilespmem:s28+$0xFFFFD650];
	v3 =	vshrl.u32 v3, $0x10;
	v1 =	vand.u32 $0xFFFF0000, v1  }
0x49: {  	v7 =	vld [tilespmem:s28+$0xFFFFFE50];
	v1 =	vor.u32 v3, v1  }
0x4a: {  	v3 =	vshrl.u32 v4, $0x10;
	v4 =	vand.u32 $0xFFFF0000, v5;
	[tilespmem:s29+$0xC0] =	vst v1  }
0x4b: {  	v1 =	vor.u32 v3, v4;
	v3 =	vld [tilespmem:s28+$0xFFFFD7E0]  }
0x4c: {  	v2 =	vshrl.u32 v2, $0x10;
	v0 =	vand.u32 $0xFFFF0000, v0;
	[tilespmem:s29+$0x30] =	vst v1;
	v1 =	vld [tilespmem:s28+$0xFFFFFFE0]  }
0x4d: {  	v0 =	vor.u32 v2, v0;
	v2 =	vld [tilespmem:s28+$0xFFFFD750]  }
0x4e: {  	v4 =	vshrl.u32 v6, $0x10;
	v5 =	vand.u32 $0xFFFF0000, v7;
	[tilespmem:s29+$0xFFFFFFC0] =	vst v0;
	v0 =	vld [tilespmem:s28+$0xFFFFFF50]  }
0x4f: {  	v4 =	vor.u32 v4, v5;
	v5 =	vld [tilespmem:s28+$0xFFFFD6E0]  }
0x50: {  	[tilespmem:s29+$0xFFFFFF40] =	vst v4;
	v4 =	vld [tilespmem:s28+$0xFFFFFEE0]  }
0x51: {  	v6 =	vld [tilespmem:s28+$0xFFFFD660];
	v3 =	vshrl.u32 v3, $0x10;
	v1 =	vand.u32 $0xFFFF0000, v1  }
0x52: {  	v7 =	vld [tilespmem:s28+$0xFFFFFE60];
	v1 =	vor.u32 v3, v1  }
0x53: {  	v2 =	vshrl.u32 v2, $0x10;
	v0 =	vand.u32 $0xFFFF0000, v0;
	[tilespmem:s29+$0xD0] =	vst v1  }
0x54: {  	v0 =	vor.u32 v2, v0;
	v8 =	vld [tilespmem:s28+$0xFFFFD7F0]  }
0x55: {  	v1 =	vshrl.u32 v5, $0x10;
	v2 =	vand.u32 $0xFFFF0000, v4;
	v4 =	vld [tilespmem:s28+$0xFFFFFFF0];
	[tilespmem:s29+$0x40] =	vst v0  }
0x56: {  	v0 =	vor.u32 v1, v2;
	v5 =	vld [tilespmem:s28+$0xFFFFD760]  }
0x57: {  	v1 =	vshrl.u32 v6, $0x10;
	v2 =	vand.u32 $0xFFFF0000, v7;
	[tilespmem:s29+$0xFFFFFFD0] =	vst v0;
	v3 =	vld [tilespmem:s28+$0xFFFFFF60]  }
0x58: {  	v1 =	vor.u32 v1, v2;
	v0 =	vld [tilespmem:s28+$0xFFFFD6F0]  }
0x59: {  	[tilespmem:s29+$0xFFFFFF50] =	vst v1;
	v1 =	vld [tilespmem:s28+$0xFFFFFEF0]  }
0x5a: {  	v2 =	vld [tilespmem:s28+$0xFFFFD670];
	v6 =	vshrl.u32 v8, $0x10;
	v7 =	vand.u32 $0xFFFF0000, v4  }
0x5b: {  	s1 =	simm.s32 $0x0;
	s14 =	simm.s32 $0x3FF0;
	s0 =	simm.s32 $0xB500;
	v4 =	vld [tilespmem:s28+$0xFFFFFE70];
	v6 =	vor.u32 v6, v7;
	v5 =	vshrl.u32 v5, $0x10  }
.LBB2_2:
0x5c: {  	v7 =	vld [tilespmem:s14+$0xFFFFD790];
	v3 =	vand.u32 $0xFFFF0000, v3;
	[tilespmem:s29+$0xE0] =	vst v6  }
0x5d: {  	v0 =	vshrl.u32 v0, $0x10;
	v3 =	vor.u32 v5, v3;
	v5 =	vld [tilespmem:s28+$0xFFFFD800]  }
0x5e: {  	v1 =	vand.u32 $0xFFFF0000, v1;
	[tilespmem:s29+$0x50] =	vst v3;
	v3 =	vld [tilespmem:s28+$0x0]  }
0x5f: {  	v6 =	vld [tilespmem:s14+$0xFFFFFF90];
	v2 =	vshrl.u32 v2, $0x10;
	v0 =	vor.u32 v0, v1  }
0x60: {  	v1 =	vld [tilespmem:s14+$0xFFFFFE10];
	v4 =	vand.u32 $0xFFFF0000, v4;
	[tilespmem:s29+$0xFFFFFFE0] =	vst v0  }
0x61: {  	v0 =	vld [tilespmem:s14+$0xFFFFD690];
	v2 =	vor.u32 v2, v4  }
0x62: {  	v4 =	vld [tilespmem:s14+$0xFFFFFE90];
	[tilespmem:s29+$0xFFFFFF60] =	vst v2  }
0x63: {  	v5 =	vshrl.u32 v5, $0x10;
	v2 =	vld [tilespmem:s14+$0xFFFFD710];
	v3 =	vand.u32 $0xFFFF0000, v3  }
0x64: {  	v7 =	vshrl.u32 v7, $0x10;
	v8 =	vld [tilespmem:s14+$0xFFFFFF10];
	v6 =	vand.u32 $0xFFFF0000, v6;
	v3 =	vor.u32 v5, v3  }
0x65: {  	s29 =	sadd.s32 $0x200, s29;
	v5 =	vld [tilespmem:s14+$0xFFFFD610];
	v1 =	vand.u32 $0xFFFF0000, v1;
	v6 =	vor.u32 v7, v6;
	[tilespmem:s0+$0xF0] =	vst v3  }
0x66: {  	s1 =	sadd.s32 $0x4, s1;
	v0 =	vshrl.u32 v0, $0x10;
	[tilespmem:s29+$0x80] =	vst v6;
	v3 =	vld [tilespmem:s28+$0xFFFFD770]  }
0x67: {  	p0 =	slt.u32 s1, $0x4C;
	v4 =	vand.u32 $0xFFFF0000, v4;
	v6 =	vld [tilespmem:s14+$0xFFFFD7A0]  }
0x68: {  	v0 =	vor.u32 v0, v4;
	v2 =	vshrl.u32 v2, $0x10;
	v4 =	vld [tilespmem:s14+$0xFFFFFFA0]  }
0x69: {  	[tilespmem:s29+$0xFFFFFF80] =	vst v0;
	v0 =	vand.u32 $0xFFFF0000, v8;
	v7 =	vld [tilespmem:s28+$0xFFFFFF70]  }
0x6a: {  	v5 =	vshrl.u32 v5, $0x10;
	v8 =	vld [tilespmem:s14+$0xFFFFD6A0];
	v0 =	vor.u32 v2, v0  }
0x6b: {  	v1 =	vor.u32 v5, v1;
	v2 =	vld [tilespmem:s14+$0xFFFFFEA0];
	[tilespmem:s29+$0x0] =	vst v0;
	v0 =	vshrl.u32 v3, $0x10  }
0x6c: {  	[tilespmem:s29+$0xFFFFFF00] =	vst v1;
	v1 =	vld [tilespmem:s14+$0xFFFFD720]  }
0x6d: {  	v5 =	vshrl.u32 v6, $0x10;
	v3 =	vld [tilespmem:s14+$0xFFFFD620];
	v4 =	vand.u32 $0xFFFF0000, v4  }
0x6e: {  	v6 =	vld [tilespmem:s14+$0xFFFFFE20];
	v4 =	vor.u32 v5, v4;
	v5 =	vand.u32 $0xFFFF0000, v7  }
0x6f: {  	v7 =	vshrl.u32 v8, $0x10;
	v8 =	vld [tilespmem:s14+$0xFFFFFF20];
	[tilespmem:s29+$0x90] =	vst v4;
	v0 =	vor.u32 v0, v5  }
0x70: {  	v2 =	vand.u32 $0xFFFF0000, v2;
	v4 =	vld [tilespmem:s14+$0xFFFFD7B0];
	[tilespmem:s0+$0x60] =	vst v0  }
0x71: {  	v0 =	vor.u32 v7, v2;
	v1 =	vshrl.u32 v1, $0x10;
	v2 =	vld [tilespmem:s14+$0xFFFFFFB0]  }
0x72: {  	v3 =	vshrl.u32 v3, $0x10;
	[tilespmem:s29+$0xFFFFFF90] =	vst v0;
	v0 =	vld [tilespmem:s28+$0xFFFFD680]  }
0x73: {  	v5 =	vand.u32 $0xFFFF0000, v6;
	v6 =	vld [tilespmem:s14+$0xFFFFD6B0]  }
0x74: {  	v3 =	vor.u32 v3, v5;
	v5 =	vld [tilespmem:s14+$0xFFFFFEB0];
	v7 =	vand.u32 $0xFFFF0000, v8  }
0x75: {  	[tilespmem:s29+$0xFFFFFF10] =	vst v3;
	v1 =	vor.u32 v1, v7;
	v3 =	vld [tilespmem:s28+$0xFFFFFE80]  }
0x76: {  	v7 =	vld [tilespmem:s14+$0xFFFFD630];
	[tilespmem:s29+$0x10] =	vst v1;
	v1 =	vshrl.u32 v4, $0x10;
	v2 =	vand.u32 $0xFFFF0000, v2  }
0x77: {  	v4 =	vld [tilespmem:s14+$0xFFFFFE30];
	v1 =	vor.u32 v1, v2;
	v0 =	vshrl.u32 v0, $0x10  }
0x78: {  	v2 =	vshrl.u32 v6, $0x10;
	v6 =	vld [tilespmem:s14+$0xFFFFD730];
	[tilespmem:s29+$0xA0] =	vst v1  }
0x79: {  	v1 =	vand.u32 $0xFFFF0000, v5;
	v5 =	vld [tilespmem:s14+$0xFFFFD7C0]  }
0x7a: {  	v1 =	vor.u32 v2, v1;
	v2 =	vld [tilespmem:s14+$0xFFFFFFC0];
	v3 =	vand.u32 $0xFFFF0000, v3  }
0x7b: {  	v7 =	vshrl.u32 v7, $0x10;
	[tilespmem:s29+$0xFFFFFFA0] =	vst v1;
	v1 =	vld [tilespmem:s14+$0xFFFFFF30];
	v0 =	vor.u32 v0, v3  }
0x7c: {  	v3 =	vand.u32 $0xFFFF0000, v4;
	v4 =	vld [tilespmem:s14+$0xFFFFD6C0];
	[tilespmem:s0+$0xFFFFFF70] =	vst v0  }
0x7d: {  	v0 =	vor.u32 v7, v3;
	v3 =	vld [tilespmem:s14+$0xFFFFFEC0];
	v6 =	vshrl.u32 v6, $0x10  }
0x7e: {  	[tilespmem:s29+$0xFFFFFF20] =	vst v0;
	v0 =	vld [tilespmem:s28+$0xFFFFD700]  }
0x7f: {  	v5 =	vshrl.u32 v5, $0x10;
	v7 =	vld [tilespmem:s14+$0xFFFFD640];
	v2 =	vand.u32 $0xFFFF0000, v2  }
0x80: {  	v8 =	vld [tilespmem:s14+$0xFFFFFE40];
	v1 =	vand.u32 $0xFFFF0000, v1;
	v2 =	vor.u32 v5, v2  }
0x81: {  	v4 =	vshrl.u32 v4, $0x10;
	v1 =	vor.u32 v6, v1;
	[tilespmem:s29+$0xB0] =	vst v2;
	v2 =	vld [tilespmem:s28+$0xFFFFFF00]  }
0x82: {  	v3 =	vand.u32 $0xFFFF0000, v3;
	[tilespmem:s29+$0x20] =	vst v1;
	v1 =	vld [tilespmem:s14+$0xFFFFD7D0]  }
0x83: {  	v3 =	vor.u32 v4, v3;
	v4 =	vld [tilespmem:s14+$0xFFFFFFD0];
	v0 =	vshrl.u32 v0, $0x10  }
0x84: {  	v5 =	vshrl.u32 v7, $0x10;
	[tilespmem:s29+$0xFFFFFFB0] =	vst v3;
	v3 =	vld [tilespmem:s14+$0xFFFFD740]  }
0x85: {  	v6 =	vand.u32 $0xFFFF0000, v8;
	v7 =	vld [tilespmem:s14+$0xFFFFFF40]  }
0x86: {  	v5 =	vor.u32 v5, v6;
	v6 =	vld [tilespmem:s14+$0xFFFFD6D0];
	v2 =	vand.u32 $0xFFFF0000, v2  }
0x87: {  	[tilespmem:s29+$0xFFFFFF30] =	vst v5;
	v5 =	vld [tilespmem:s14+$0xFFFFFED0];
	v0 =	vor.u32 v0, v2  }
0x88: {  	v1 =	vshrl.u32 v1, $0x10;
	v2 =	vld [tilespmem:s14+$0xFFFFD650];
	v4 =	vand.u32 $0xFFFF0000, v4;
	[tilespmem:s0+$0xFFFFFFF0] =	vst v0  }
0x89: {  	v0 =	vld [tilespmem:s14+$0xFFFFFE50];
	v3 =	vshrl.u32 v3, $0x10;
	v1 =	vor.u32 v1, v4  }
0x8a: {  	v4 =	vand.u32 $0xFFFF0000, v7;
	[tilespmem:s29+$0xC0] =	vst v1;
	v1 =	vld [tilespmem:s28+$0xFFFFD780]  }
0x8b: {  	v6 =	vshrl.u32 v6, $0x10;
	v3 =	vor.u32 v3, v4;
	v4 =	vld [tilespmem:s14+$0xFFFFD7E0]  }
0x8c: {  	v5 =	vand.u32 $0xFFFF0000, v5;
	[tilespmem:s29+$0x30] =	vst v3;
	v3 =	vld [tilespmem:s14+$0xFFFFFFE0]  }
0x8d: {  	v2 =	vshrl.u32 v2, $0x10;
	v5 =	vor.u32 v6, v5;
	v6 =	vld [tilespmem:s14+$0xFFFFD750]  }
0x8e: {  	v0 =	vand.u32 $0xFFFF0000, v0;
	[tilespmem:s29+$0xFFFFFFC0] =	vst v5;
	v5 =	vld [tilespmem:s14+$0xFFFFFF50]  }
0x8f: {  	v0 =	vor.u32 v2, v0;
	v2 =	vld [tilespmem:s14+$0xFFFFD6E0];
	v7 =	vshrl.u32 v1, $0x10  }
0x90: {  	[tilespmem:s29+$0xFFFFFF40] =	vst v0;
	v0 =	vld [tilespmem:s14+$0xFFFFFEE0]  }
0x91: {  	v4 =	vshrl.u32 v4, $0x10;
	v1 =	vld [tilespmem:s14+$0xFFFFD660];
	v3 =	vand.u32 $0xFFFF0000, v3  }
0x92: {  	v8 =	vld [tilespmem:s14+$0xFFFFFE60];
	v6 =	vshrl.u32 v6, $0x10;
	v3 =	vor.u32 v4, v3  }
0x93: {  	v4 =	vand.u32 $0xFFFF0000, v5;
	[tilespmem:s29+$0xD0] =	vst v3;
	v5 =	vld [tilespmem:s28+$0xFFFFFF80];
	s28 =	smov.u32 s14  }
0x94: {  	v2 =	vshrl.u32 v2, $0x10;
	v3 =	vor.u32 v6, v4;
	v4 =	vld [tilespmem:s14+$0xFFFFD7F0]  }
0x95: {  	v0 =	vand.u32 $0xFFFF0000, v0;
	[tilespmem:s29+$0x40] =	vst v3;
	v6 =	vld [tilespmem:s14+$0xFFFFFFF0]  }
0x96: {  	v1 =	vshrl.u32 v1, $0x10;
	v0 =	vor.u32 v2, v0;
	v9 =	vld [tilespmem:s14+$0xFFFFD760]  }
.Ltmp0:
0x97: {  	v2 =	vand.u32 $0xFFFF0000, v8;
	[tilespmem:s29+$0xFFFFFFD0] =	vst v0;
	v3 =	vld [tilespmem:s14+$0xFFFFFF60];
	(pc) =	sbr.rel @p0 .LBB2_2-.Ltmp0, $4  }
0x98: {  	v1 =	vor.u32 v1, v2;
	v0 =	vld [tilespmem:s14+$0xFFFFD6F0];
	v2 =	vand.u32 $0xFFFF0000, v5  }
0x99: {  	[tilespmem:s29+$0xFFFFFF50] =	vst v1;
	v1 =	vld [tilespmem:s14+$0xFFFFFEF0];
	v5 =	vor.u32 v7, v2  }
0x9a: {  	v7 =	vshrl.u32 v4, $0x10;
	v2 =	vld [tilespmem:s14+$0xFFFFD670];
	v6 =	vand.u32 $0xFFFF0000, v6;
	[tilespmem:s0+$0x70] =	vst v5;
	s0 =	smov.u32 s29  }
0x9b: {  	s14 =	sadd.s32 $0x200, s14;
	v4 =	vld [tilespmem:s28+$0xFFFFFE70];
	v5 =	vshrl.u32 v9, $0x10;
	v6 =	vor.u32 v7, v6  }
0x9c: {  	v3 =	vand.u32 $0xFFFF0000, v3  }
0x9d: {  	v3 =	vor.u32 v5, v3  }
0x9e: {  	[tilespmem:s29+$0x50] =	vst v3  }
0x9f: {  	v3 =	vld [tilespmem:s28+$0xFFFFD770]  }
0xa0: {  	v5 =	vld [tilespmem:s28+$0xFFFFFF70]  }
0xa1: {  	[tilespmem:s29+$0xE0] =	vst v6;
	v2 =	vshrl.u32 v2, $0x10;
	v4 =	vand.u32 $0xFFFF0000, v4  }
0xa2: {  	v6 =	vld [tilespmem:s28+$0xFFFFD800];
	v2 =	vor.u32 v2, v4  }
0xa3: {  	v0 =	vshrl.u32 v0, $0x10;
	v1 =	vand.u32 $0xFFFF0000, v1;
	v4 =	vld [tilespmem:s28+$0x0];
	[tilespmem:s29+$0xFFFFFF60] =	vst v2  }
0xa4: {  	v0 =	vor.u32 v0, v1;
	v1 =	vld [tilespmem:s28+$0xFFFFD680]  }
0xa5: {  	[tilespmem:s29+$0xFFFFFFE0] =	vst v0;
	v0 =	vshrl.u32 v3, $0x10;
	v2 =	vand.u32 $0xFFFF0000, v5;
	v3 =	vld [tilespmem:s28+$0xFFFFFE80]  }
0xa6: {  	v0 =	vor.u32 v0, v2;
	v2 =	vld [tilespmem:s28+$0xFFFFD700]  }
0xa7: {  	[tilespmem:s0+$0x60] =	vst v0;
	v0 =	vld [tilespmem:s28+$0xFFFFFF00]  }
0xa8: {  	v5 =	vld [tilespmem:s28+$0xFFFFD780]  }
0xa9: {  	v7 =	vld [tilespmem:s28+$0xFFFFFF80];
	_ =	sdelay $0x1  }
0xaa: {  	v6 =	vshrl.u32 v6, $0x10;
	v4 =	vand.u32 $0xFFFF0000, v4  }
0xab: {  	v4 =	vor.u32 v6, v4;
	v1 =	vshrl.u32 v1, $0x10;
	v3 =	vand.u32 $0xFFFF0000, v3  }
0xac: {  	[tilespmem:s0+$0xF0] =	vst v4;
	v1 =	vor.u32 v1, v3;
	v2 =	vshrl.u32 v2, $0x10;
	v0 =	vand.u32 $0xFFFF0000, v0  }
0xad: {  	[tilespmem:s0+$0xFFFFFF70] =	vst v1;
	v0 =	vor.u32 v2, v0;
	v1 =	vshrl.u32 v5, $0x10;
	v2 =	vand.u32 $0xFFFF0000, v7  }
0xae: {  	[tilespmem:s0+$0xFFFFFFF0] =	vst v0;
	v0 =	vor.u32 v1, v2  }
0xaf: {  	s31 =	simm.s32 $0x0;
	[tilespmem:s0+$0x70] =	vst v0  }
0xb0: {  	[hbm4b:s7+s31] =	stream.linear.scatter [tilespmem:s21], [sflag:$0x2], $0x2800, $0x38;
	[tilespmem:$0x10400] =	vst v63  }
0xb1: {  	_ = 	snop  }
0xb2: {  	[tilespmem:s13], [sflag:$0x1] =	stream.indirect.gather [hbm4b:s2+s12], $0x80, s22, s12, $0xb8;
	[tilespmem:$0x10400] =	vst v63  }
0xb3: {  	_ = 	snop  }
0xb4: {  	[tilespmem:s15], [sflag:$0x1] =	stream.indirect.gather [hbm4b:s2+s12], $0x80, s23, s12, $0xb8;
	[tilespmem:$0x10400] =	vst v63  }
0xb5: {  	_ =	swait.ge [sflag:s20], $0x2800  }
0xb6: {  	[sflag:s20] =	ssyncset.done $0x0  }
0xb7: {  	[sflag:s20] =	ssyncadd.s32 $0xFFFFD800  }
0xb8: {  	_ =	swait.ge [sflag:s20], $0x2800  }
0xb9: {  	[sflag:s20] =	ssyncset.done $0x0  }
0xba: {  	s28 =	simm.s32 $0x0;
	[sflag:s20] =	ssyncadd.s32 $0xFFFFD800  }
0xbb: {  	v0 =	vld [tilespmem:s28+$0x6400]  }
0xbc: {  	v1 =	vld [tilespmem:s28+$0x8C00]  }
0xbd: {  	v2 =	vld [tilespmem:s28+$0x6410]  }
0xbe: {  	v3 =	vld [tilespmem:s28+$0x8C10]  }
0xbf: {  	v4 =	vld [tilespmem:s28+$0x6420]  }
0xc0: {  	v5 =	vld [tilespmem:s28+$0x8C20]  }
0xc1: {  	v6 =	vld [tilespmem:s28+$0x6430]  }
0xc2: {  	v7 =	vld [tilespmem:s28+$0x65F0]  }
0xc3: {  	v8 =	vld [tilespmem:s28+$0x8DF0]  }
0xc4: {  	v9 =	vld [tilespmem:s28+$0x8C60]  }
0xc5: {  	v10 =	vld [tilespmem:s28+$0x6480]  }
0xc6: {  	v11 =	vld [tilespmem:s28+$0x8C80]  }
0xc7: {  	v12 =	vld [tilespmem:s28+$0x6490]  }
0xc8: {  	v13 =	vld [tilespmem:s28+$0x8C90]  }
0xc9: {  	v14 =	vld [tilespmem:s28+$0x64A0]  }
0xca: {  	v15 =	vld [tilespmem:s28+$0x8CA0]  }
0xcb: {  	v37 =	vld [tilespmem:s28+$0x64B0]  }
0xcc: {  	v38 =	vld [tilespmem:s28+$0x6470]  }
0xcd: {  	v40 =	vld [tilespmem:s28+$0x64C0]  }
0xce: {  	v41 =	vld [tilespmem:s28+$0x8CC0]  }
0xcf: {  	v16 =	vld [tilespmem:s28+$0x8C70]  }
0xd0: {  	v17 =	vld [tilespmem:s28+$0x8CD0]  }
0xd1: {  	v18 =	vld [tilespmem:s28+$0x6500]  }
0xd2: {  	v19 =	vld [tilespmem:s28+$0x8D00]  }
0xd3: {  	v20 =	vld [tilespmem:s28+$0x6510]  }
0xd4: {  	v21 =	vld [tilespmem:s28+$0x8D10]  }
0xd5: {  	v22 =	vld [tilespmem:s28+$0x6520]  }
0xd6: {  	v23 =	vld [tilespmem:s28+$0x8D20]  }
0xd7: {  	v44 =	vld [tilespmem:s28+$0x6530]  }
0xd8: {  	v46 =	vld [tilespmem:s28+$0x8D30]  }
0xd9: {  	v47 =	vld [tilespmem:s28+$0x64E0]  }
0xda: {  	v50 =	vld [tilespmem:s28+$0x6540];
	v0 =	vshrl.u32 v0, $0x10;
	v1 =	vand.u32 $0xFFFF0000, v1  }
0xdb: {  	v0 =	vor.u32 v0, v1;
	v1 =	vld [tilespmem:s28+$0x8C30]  }
0xdc: {  	v51 =	vld [tilespmem:s28+$0x8D40];
	v6 =	vshrl.u32 v6, $0x10;
	v14 =	vshrl.u32 v14, $0x10  }
0xdd: {  	v52 =	vld [tilespmem:s28+$0x8CE0];
	v15 =	vand.u32 $0xFFFF0000, v15;
	v42 =	vshrl.u32 v18, $0x10;
	v43 =	vand.u32 $0xFFFF0000, v19  }
0xde: {  	v55 =	vld [tilespmem:s28+$0x6550];
	v7 =	vshrl.u32 v7, $0x10;
	v8 =	vand.u32 $0xFFFF0000, v8;
	v14 =	vor.u32 v14, v15;
	[tilespmem:s28+$0xDC00] =	vst v0  }
0xdf: {  	v45 =	vor.u32 v42, v43;
	v0 =	vshrl.u32 v2, $0x10;
	v2 =	vand.u32 $0xFFFF0000, v3;
	v3 =	vld [tilespmem:s28+$0x6440];
	[tilespmem:s28+$0xDCA0] =	vst v14  }
0xe0: {  	v7 =	vor.u32 v7, v8;
	[tilespmem:s28+$0xDD00] =	vst v45;
	v0 =	vor.u32 v0, v2;
	v2 =	vld [tilespmem:s28+$0x8C40];
	v1 =	vand.u32 $0xFFFF0000, v1  }
0xe1: {  	v56 =	vld [tilespmem:s28+$0x8D50];
	v36 =	vand.u32 $0xFFFF0000, v11;
	[tilespmem:s28+$0xDDF0] =	vst v7;
	v1 =	vor.u32 v6, v1;
	v6 =	vshrl.u32 v10, $0x10  }
0xe2: {  	v48 =	vshrl.u32 v20, $0x10;
	v49 =	vand.u32 $0xFFFF0000, v21;
	[tilespmem:s28+$0xDC30] =	vst v1;
	v1 =	vor.u32 v6, v36;
	v6 =	vld [tilespmem:s28+$0x8CB0]  }
0xe3: {  	v14 =	vor.u32 v48, v49;
	[tilespmem:s28+$0xDC10] =	vst v0;
	v0 =	vshrl.u32 v4, $0x10;
	v4 =	vand.u32 $0xFFFF0000, v5;
	v5 =	vld [tilespmem:s28+$0x6450]  }
0xe4: {  	[tilespmem:s28+$0xDD10] =	vst v14;
	v0 =	vor.u32 v0, v4;
	v4 =	vld [tilespmem:s28+$0x8C50]  }
0xe5: {  	v57 =	vld [tilespmem:s28+$0x64F0];
	[tilespmem:s28+$0xDC20] =	vst v0;
	v3 =	vshrl.u32 v3, $0x10;
	v2 =	vand.u32 $0xFFFF0000, v2  }
0xe6: {  	v39 =	vand.u32 $0xFFFF0000, v13;
	v0 =	vld [tilespmem:s28+$0x6460];
	[tilespmem:s28+$0xDC80] =	vst v1;
	v1 =	vshrl.u32 v12, $0x10;
	v2 =	vor.u32 v3, v2  }
0xe7: {  	v58 =	vld [tilespmem:s28+$0x6560];
	v11 =	vshrl.u32 v37, $0x10;
	v1 =	vor.u32 v1, v39;
	[tilespmem:s28+$0xDC40] =	vst v2;
	v6 =	vand.u32 $0xFFFF0000, v6  }
0xe8: {  	v59 =	vld [tilespmem:s28+$0x8D60];
	v53 =	vshrl.u32 v22, $0x10;
	v54 =	vand.u32 $0xFFFF0000, v23;
	[tilespmem:s28+$0xDC90] =	vst v1;
	v6 =	vor.u32 v11, v6  }
0xe9: {  	v3 =	vshrl.u32 v5, $0x10;
	v4 =	vand.u32 $0xFFFF0000, v4;
	v1 =	vld [tilespmem:s28+$0x64D0];
	[tilespmem:s28+$0xDCB0] =	vst v6;
	v6 =	vor.u32 v53, v54  }
0xea: {  	v15 =	vand.u32 $0xFFFF0000, v46;
	v5 =	vld [tilespmem:s28+$0x6580];
	v2 =	vor.u32 v3, v4;
	[tilespmem:s28+$0xDD20] =	vst v6;
	v6 =	vshrl.u32 v44, $0x10  }
0xeb: {  	v0 =	vshrl.u32 v0, $0x10;
	v3 =	vand.u32 $0xFFFF0000, v9;
	v4 =	vld [tilespmem:s28+$0x8D80];
	[tilespmem:s28+$0xDC50] =	vst v2;
	v6 =	vor.u32 v6, v15  }
0xec: {  	v0 =	vor.u32 v0, v3;
	v2 =	vshrl.u32 v38, $0x10;
	v3 =	vand.u32 $0xFFFF0000, v16;
	[tilespmem:s28+$0xDD30] =	vst v6;
	v6 =	vld [tilespmem:s28+$0x8CF0]  }
0xed: {  	v60 =	vld [tilespmem:s28+$0x8D90];
	[tilespmem:s28+$0xDC60] =	vst v0;
	v0 =	vor.u32 v2, v3;
	v2 =	vshrl.u32 v40, $0x10;
	v3 =	vand.u32 $0xFFFF0000, v41  }
0xee: {  	v8 =	vld [tilespmem:s28+$0x6590];
	[tilespmem:s28+$0xDC70] =	vst v0;
	v0 =	vor.u32 v2, v3;
	v2 =	vand.u32 $0xFFFF0000, v17;
	v1 =	vshrl.u32 v1, $0x10  }
0xef: {  	v61 =	vld [tilespmem:s28+$0x8DA0];
	[tilespmem:s28+$0xDCC0] =	vst v0;
	v0 =	vor.u32 v1, v2;
	v1 =	vshrl.u32 v47, $0x10;
	v2 =	vand.u32 $0xFFFF0000, v52  }
0xf0: {  	v62 =	vld [tilespmem:s28+$0x8D70];
	[tilespmem:s28+$0xDCD0] =	vst v0;
	v0 =	vor.u32 v1, v2;
	v1 =	vshrl.u32 v5, $0x10;
	v2 =	vand.u32 $0xFFFF0000, v4  }
0xf1: {  	v3 =	vld [tilespmem:s28+$0x65A0];
	[tilespmem:s28+$0xDCE0] =	vst v0;
	v0 =	vshrl.u32 v57, $0x10;
	v1 =	vor.u32 v1, v2;
	v5 =	vand.u32 $0xFFFF0000, v6  }
0xf2: {  	v7 =	vld [tilespmem:s28+$0x6570];
	v2 =	vshrl.u32 v50, $0x10;
	[tilespmem:s28+$0xDD80] =	vst v1;
	v0 =	vor.u32 v0, v5;
	v5 =	vand.u32 $0xFFFF0000, v51  }
0xf3: {  	v4 =	vld [tilespmem:s28+$0x65B0];
	[tilespmem:s28+$0xDCF0] =	vst v0;
	v1 =	vor.u32 v2, v5;
	v2 =	vshrl.u32 v8, $0x10;
	v5 =	vand.u32 $0xFFFF0000, v60  }
0xf4: {  	v63 =	vand.u32 $0xFFFF0000, v56;
	v6 =	vld [tilespmem:s28+$0x8DB0];
	v8 =	vshrl.u32 v55, $0x10;
	[tilespmem:s28+$0xDD40] =	vst v1;
	v2 =	vor.u32 v2, v5  }
0xf5: {  	v0 =	vld [tilespmem:s28+$0x65C0];
	v5 =	vor.u32 v8, v63;
	v8 =	vand.u32 $0xFFFF0000, v59;
	[tilespmem:s28+$0xDD90] =	vst v2;
	v2 =	vshrl.u32 v58, $0x10  }
0xf6: {  	v3 =	vshrl.u32 v3, $0x10;
	v1 =	vld [tilespmem:s28+$0x8DC0];
	[tilespmem:s28+$0xDD50] =	vst v5;
	v5 =	vor.u32 v2, v8;
	v8 =	vand.u32 $0xFFFF0000, v61  }
0xf7: {  	v2 =	vld [tilespmem:s28+$0x65D0];
	[tilespmem:s28+$0xDD60] =	vst v5;
	v5 =	vshrl.u32 v7, $0x10;
	v7 =	vand.u32 $0xFFFF0000, v62;
	v8 =	vor.u32 v3, v8  }
0xf8: {  	v3 =	vld [tilespmem:s28+$0x8DD0];
	v5 =	vor.u32 v5, v7;
	[tilespmem:s28+$0xDDA0] =	vst v8  }
0xf9: {  	s1 =	simm.s32 $0x800;
	s0 =	simm.s32 $0x0;
	v6 =	vand.u32 $0xFFFF0000, v6;
	[tilespmem:s28+$0xDD70] =	vst v5;
	v5 =	vshrl.u32 v4, $0x10;
	v4 =	vld [tilespmem:s28+$0x65E0]  }
.LBB2_4:
0xfa: {  	s14 =	sshra.s32 s1, $0x2;
	v5 =	vor.u32 v5, v6;
	v0 =	vshrl.u32 v0, $0x10;
	v6 =	vld [tilespmem:s28+$0x8DE0]  }
0xfb: {  	s0 =	sadd.s32 $0x4, s0;
	v7 =	vld [tilespmem:s14+$0x65F0];
	[tilespmem:s28+$0xDDB0] =	vst v5;
	v1 =	vand.u32 $0xFFFF0000, v1  }
0xfc: {  	p0 =	slt.u32 s0, $0x4C;
	v5 =	vld [tilespmem:s14+$0x8DF0];
	v0 =	vor.u32 v0, v1;
	v1 =	vshrl.u32 v2, $0x10  }
0xfd: {  	v2 =	vld [tilespmem:s14+$0x6400];
	[tilespmem:s28+$0xDDC0] =	vst v0;
	v0 =	vand.u32 $0xFFFF0000, v3  }
0xfe: {  	v3 =	vld [tilespmem:s14+$0x8C00];
	v0 =	vor.u32 v1, v0;
	v1 =	vshrl.u32 v4, $0x10  }
0xff: {  	v4 =	vld [tilespmem:s14+$0x6410];
	[tilespmem:s28+$0xDDD0] =	vst v0;
	v0 =	vand.u32 $0xFFFF0000, v6  }
0x100: {  	v6 =	vld [tilespmem:s14+$0x8C10];
	v0 =	vor.u32 v1, v0  }
0x101: {  	v7 =	vshrl.u32 v7, $0x10;
	v1 =	vld [tilespmem:s14+$0x6420];
	v5 =	vand.u32 $0xFFFF0000, v5;
	[tilespmem:s28+$0xDDE0] =	vst v0;
	s28 =	smov.u32 s14  }
0x102: {  	v0 =	vshrl.u32 v2, $0x10;
	v2 =	vld [tilespmem:s28+$0x8C20];
	v5 =	vor.u32 v7, v5  }
0x103: {  	v3 =	vand.u32 $0xFFFF0000, v3;
	v7 =	vld [tilespmem:s28+$0x6430];
	[tilespmem:s28+$0xDDF0] =	vst v5  }
0x104: {  	v0 =	vor.u32 v0, v3;
	v3 =	vshrl.u32 v4, $0x10;
	v4 =	vld [tilespmem:s28+$0x8C30]  }
0x105: {  	[tilespmem:s28+$0xDC00] =	vst v0;
	v0 =	vand.u32 $0xFFFF0000, v6;
	v5 =	vld [tilespmem:s28+$0x6440]  }
0x106: {  	v0 =	vor.u32 v3, v0;
	v1 =	vshrl.u32 v1, $0x10;
	v3 =	vld [tilespmem:s28+$0x8C40]  }
0x107: {  	[tilespmem:s28+$0xDC10] =	vst v0;
	v0 =	vand.u32 $0xFFFF0000, v2;
	v2 =	vld [tilespmem:s28+$0x6450]  }
0x108: {  	v0 =	vor.u32 v1, v0;
	v1 =	vshrl.u32 v7, $0x10;
	v6 =	vld [tilespmem:s28+$0x8C50]  }
0x109: {  	[tilespmem:s28+$0xDC20] =	vst v0;
	v0 =	vand.u32 $0xFFFF0000, v4;
	v4 =	vld [tilespmem:s28+$0x6460]  }
0x10a: {  	v0 =	vor.u32 v1, v0;
	v1 =	vshrl.u32 v5, $0x10;
	v5 =	vld [tilespmem:s28+$0x8C60]  }
0x10b: {  	[tilespmem:s28+$0xDC30] =	vst v0;
	v0 =	vand.u32 $0xFFFF0000, v3;
	v3 =	vld [tilespmem:s28+$0x6470]  }
0x10c: {  	v0 =	vor.u32 v1, v0;
	v1 =	vshrl.u32 v2, $0x10;
	v2 =	vld [tilespmem:s28+$0x8C70]  }
0x10d: {  	[tilespmem:s28+$0xDC40] =	vst v0;
	v0 =	vand.u32 $0xFFFF0000, v6;
	v6 =	vld [tilespmem:s28+$0x6480]  }
0x10e: {  	v0 =	vor.u32 v1, v0;
	v1 =	vshrl.u32 v4, $0x10;
	v4 =	vld [tilespmem:s28+$0x8C80]  }
0x10f: {  	[tilespmem:s28+$0xDC50] =	vst v0;
	v0 =	vand.u32 $0xFFFF0000, v5;
	v5 =	vld [tilespmem:s28+$0x6490]  }
0x110: {  	v0 =	vor.u32 v1, v0;
	v1 =	vshrl.u32 v3, $0x10;
	v3 =	vld [tilespmem:s28+$0x8C90]  }
0x111: {  	[tilespmem:s28+$0xDC60] =	vst v0;
	v0 =	vand.u32 $0xFFFF0000, v2;
	v2 =	vld [tilespmem:s28+$0x64A0]  }
0x112: {  	v0 =	vor.u32 v1, v0;
	v1 =	vshrl.u32 v6, $0x10;
	v6 =	vld [tilespmem:s28+$0x8CA0]  }
0x113: {  	[tilespmem:s28+$0xDC70] =	vst v0;
	v0 =	vand.u32 $0xFFFF0000, v4;
	v4 =	vld [tilespmem:s28+$0x64B0]  }
0x114: {  	v0 =	vor.u32 v1, v0;
	v1 =	vshrl.u32 v5, $0x10;
	v5 =	vld [tilespmem:s28+$0x8CB0]  }
0x115: {  	[tilespmem:s28+$0xDC80] =	vst v0;
	v0 =	vand.u32 $0xFFFF0000, v3;
	v3 =	vld [tilespmem:s28+$0x64C0]  }
0x116: {  	v0 =	vor.u32 v1, v0;
	v1 =	vshrl.u32 v2, $0x10;
	v2 =	vld [tilespmem:s28+$0x8CC0]  }
0x117: {  	[tilespmem:s28+$0xDC90] =	vst v0;
	v0 =	vand.u32 $0xFFFF0000, v6;
	v6 =	vld [tilespmem:s28+$0x64D0]  }
0x118: {  	v0 =	vor.u32 v1, v0;
	v1 =	vshrl.u32 v4, $0x10;
	v4 =	vld [tilespmem:s28+$0x8CD0]  }
0x119: {  	[tilespmem:s28+$0xDCA0] =	vst v0;
	v0 =	vand.u32 $0xFFFF0000, v5;
	v5 =	vld [tilespmem:s28+$0x64E0]  }
0x11a: {  	v0 =	vor.u32 v1, v0;
	v1 =	vshrl.u32 v3, $0x10;
	v3 =	vld [tilespmem:s28+$0x8CE0]  }
0x11b: {  	[tilespmem:s28+$0xDCB0] =	vst v0;
	v0 =	vand.u32 $0xFFFF0000, v2;
	v2 =	vld [tilespmem:s28+$0x64F0]  }
0x11c: {  	v0 =	vor.u32 v1, v0;
	v1 =	vshrl.u32 v6, $0x10;
	v6 =	vld [tilespmem:s28+$0x8CF0]  }
0x11d: {  	[tilespmem:s28+$0xDCC0] =	vst v0;
	v0 =	vand.u32 $0xFFFF0000, v4;
	v4 =	vld [tilespmem:s28+$0x6500]  }
0x11e: {  	v0 =	vor.u32 v1, v0;
	v1 =	vshrl.u32 v5, $0x10;
	v5 =	vld [tilespmem:s28+$0x8D00]  }
0x11f: {  	[tilespmem:s28+$0xDCD0] =	vst v0;
	v0 =	vand.u32 $0xFFFF0000, v3;
	v3 =	vld [tilespmem:s28+$0x6510]  }
0x120: {  	v0 =	vor.u32 v1, v0;
	v1 =	vshrl.u32 v2, $0x10;
	v2 =	vld [tilespmem:s28+$0x8D10]  }
0x121: {  	[tilespmem:s28+$0xDCE0] =	vst v0;
	v0 =	vand.u32 $0xFFFF0000, v6;
	v6 =	vld [tilespmem:s28+$0x6520]  }
0x122: {  	v0 =	vor.u32 v1, v0;
	v1 =	vshrl.u32 v4, $0x10;
	v4 =	vld [tilespmem:s28+$0x8D20]  }
0x123: {  	[tilespmem:s28+$0xDCF0] =	vst v0;
	v0 =	vand.u32 $0xFFFF0000, v5;
	v5 =	vld [tilespmem:s28+$0x6530]  }
0x124: {  	v0 =	vor.u32 v1, v0;
	v1 =	vshrl.u32 v3, $0x10;
	v3 =	vld [tilespmem:s28+$0x8D30]  }
0x125: {  	[tilespmem:s28+$0xDD00] =	vst v0;
	v0 =	vand.u32 $0xFFFF0000, v2;
	v2 =	vld [tilespmem:s28+$0x6540]  }
0x126: {  	v0 =	vor.u32 v1, v0;
	v1 =	vshrl.u32 v6, $0x10;
	v6 =	vld [tilespmem:s28+$0x8D40]  }
0x127: {  	[tilespmem:s28+$0xDD10] =	vst v0;
	v0 =	vand.u32 $0xFFFF0000, v4;
	v4 =	vld [tilespmem:s28+$0x6550]  }
0x128: {  	v0 =	vor.u32 v1, v0;
	v1 =	vshrl.u32 v5, $0x10;
	v5 =	vld [tilespmem:s28+$0x8D50]  }
0x129: {  	[tilespmem:s28+$0xDD20] =	vst v0;
	v0 =	vand.u32 $0xFFFF0000, v3;
	v3 =	vld [tilespmem:s28+$0x6560]  }
0x12a: {  	v0 =	vor.u32 v1, v0;
	v1 =	vshrl.u32 v2, $0x10;
	v2 =	vld [tilespmem:s28+$0x8D60]  }
0x12b: {  	[tilespmem:s28+$0xDD30] =	vst v0;
	v0 =	vand.u32 $0xFFFF0000, v6;
	v6 =	vld [tilespmem:s28+$0x6570]  }
0x12c: {  	v0 =	vor.u32 v1, v0;
	v1 =	vshrl.u32 v4, $0x10;
	v4 =	vld [tilespmem:s28+$0x8D70]  }
0x12d: {  	[tilespmem:s28+$0xDD40] =	vst v0;
	v0 =	vand.u32 $0xFFFF0000, v5;
	v5 =	vld [tilespmem:s28+$0x6580]  }
0x12e: {  	v0 =	vor.u32 v1, v0;
	v1 =	vshrl.u32 v3, $0x10;
	v3 =	vld [tilespmem:s28+$0x8D80]  }
0x12f: {  	[tilespmem:s28+$0xDD50] =	vst v0;
	v0 =	vand.u32 $0xFFFF0000, v2;
	v2 =	vld [tilespmem:s28+$0x6590]  }
0x130: {  	v0 =	vor.u32 v1, v0;
	v1 =	vshrl.u32 v6, $0x10;
	v6 =	vld [tilespmem:s28+$0x8D90]  }
0x131: {  	[tilespmem:s28+$0xDD60] =	vst v0;
	v0 =	vand.u32 $0xFFFF0000, v4;
	v4 =	vld [tilespmem:s28+$0x65A0]  }
0x132: {  	v0 =	vor.u32 v1, v0;
	v1 =	vshrl.u32 v5, $0x10;
	v5 =	vld [tilespmem:s28+$0x8DA0]  }
0x133: {  	[tilespmem:s28+$0xDD70] =	vst v0;
	v0 =	vand.u32 $0xFFFF0000, v3;
	v3 =	vld [tilespmem:s28+$0x65B0]  }
0x134: {  	v0 =	vor.u32 v1, v0;
	v1 =	vshrl.u32 v2, $0x10;
	v7 =	vld [tilespmem:s28+$0x8DB0]  }
.Ltmp1:
0x135: {  	[tilespmem:s28+$0xDD80] =	vst v0;
	v2 =	vand.u32 $0xFFFF0000, v6;
	v0 =	vld [tilespmem:s28+$0x65C0];
	(pc) =	sbr.rel @p0 .LBB2_4-.Ltmp1, $4  }
0x136: {  	v2 =	vor.u32 v1, v2;
	v4 =	vshrl.u32 v4, $0x10;
	v1 =	vld [tilespmem:s28+$0x8DC0]  }
0x137: {  	[tilespmem:s28+$0xDD90] =	vst v2;
	v5 =	vand.u32 $0xFFFF0000, v5;
	v2 =	vld [tilespmem:s28+$0x65D0]  }
0x138: {  	v4 =	vor.u32 v4, v5;
	v5 =	vshrl.u32 v3, $0x10;
	v3 =	vld [tilespmem:s28+$0x8DD0]  }
0x139: {  	s1 =	sadd.s32 $0x800, s1;
	[tilespmem:s28+$0xDDA0] =	vst v4;
	v6 =	vand.u32 $0xFFFF0000, v7;
	v4 =	vld [tilespmem:s28+$0x65E0]  }
0x13a: {  	v7 =	vld [tilespmem:s28+$0x8DE0];
	_ =	sdelay $0x2  }
0x13b: {  	v5 =	vor.u32 v5, v6;
	v0 =	vshrl.u32 v0, $0x10;
	v1 =	vand.u32 $0xFFFF0000, v1  }
0x13c: {  	[tilespmem:s28+$0xDDB0] =	vst v5;
	v0 =	vor.u32 v0, v1;
	v58 =	vshrl.u32 v2, $0x10;
	v59 =	vand.u32 $0xFFFF0000, v3  }
0x13d: {  	[tilespmem:s28+$0xDDC0] =	vst v0;
	v60 =	vor.u32 v58, v59;
	v61 =	vshrl.u32 v4, $0x10;
	v62 =	vand.u32 $0xFFFF0000, v7  }
0x13e: {  	[tilespmem:s28+$0xDDD0] =	vst v60;
	v63 =	vor.u32 v61, v62  }
0x13f: {  	s29 =	simm.s32 $0x2;
	p0 =	por $0x0, $0x0;
	[tilespmem:s28+$0xDDE0] =	vst v63  }
0x140: {  	[hbm4b:s8+s3] =	stream.linear.scatter [tilespmem:s24], [sflag:$0x2], $0x2800, $0x38;
	[tilespmem:$0x10400] =	vst v63  }
.LBB2_6:
0x141: {  	s30 =	sand.u32 $0x1, s29  }
0x142: {  	s0 =	sxor.u32 $0x1, s30  }
0x143: {  	s0 =	smul.u32 $0x14000, s0  }
0x144: {  	s28 =	sadd.s32 $0x1, s29  }
0x145: {  	s1 =	sshll.u32 s28, $0x8;
	s0 =	sshrl.u32 s0, $0x2  }
0x146: {  	s1 =	sand.u32 $0x3FFFFF00, s1;
	s14 =	sadd.s32 $0x1400, s0  }
0x147: {  	[tilespmem:s14], [sflag:$0x1] =	stream.indirect.gather [hbm4b:s2+s12], $0x80, s1, s12, $0xb8;
	[tilespmem:$0x10400] =	vst v63  }
0x148: {  	s0 =	sadd.s32 $0x3C00, s0;
	s1 =	sor.u32 $0x80, s1  }
0x149: {  	[tilespmem:s0], [sflag:$0x1] =	stream.indirect.gather [hbm4b:s2+s12], $0x80, s1, s12, $0xb8;
	[tilespmem:$0x10400] =	vst v63  }
0x14a: {  	_ =	swait.ge [sflag:s20], $0x2800  }
0x14b: {  	[sflag:s20] =	ssyncset.done $0x0  }
0x14c: {  	[sflag:s20] =	ssyncadd.s32 $0xFFFFD800  }
0x14d: {  	s0 =	simm.s32 $0x1;
	_ =	swait.ge [sflag:s20], $0x2800  }
0x14e: {  	s0 =	simm.s32 @!p0 $0x0;
	[sflag:s20] =	ssyncset.done $0x0  }
0x14f: {  	s16 =	smul.u32 $0x14000, s0;
	[sflag:s20] =	ssyncadd.s32 $0xFFFFD800  }
0x150: {  	_ =	swait.ge [sflag:s25], $0x2800  }
0x151: {  	s1 =	sshrl.u32 s16, $0x2;
	[sflag:s25] =	ssyncset.done $0x0  }
0x152: {  	s31 =	sadd.s32 $0x3DF0, s1;
	[sflag:s25] =	ssyncadd.s32 $0xFFFFD800  }
0x153: {  	v0 =	vld [tilespmem:s31+$0xFFFFD790]  }
0x154: {  	v1 =	vld [tilespmem:s31+$0xFFFFFF90];
	_ =	sdelay $0x2  }
0x155: {  	s0 =	smul.u32 $0xA000, s0;
	v2 =	vld [tilespmem:s31+$0xFFFFD690]  }
0x156: {  	v3 =	vld [tilespmem:s31+$0xFFFFFE90]  }
0x157: {  	s0 =	sshrl.u32 s0, $0x2;
	v4 =	vld [tilespmem:s31+$0xFFFFFE10];
	v0 =	vshrl.u32 v0, $0x10;
	v1 =	vand.u32 $0xFFFF0000, v1  }
0x158: {  	s1 =	sadd.s32 $0xB500, s0;
	v5 =	vld [tilespmem:s31+$0xFFFFD610];
	v0 =	vor.u32 v0, v1  }
0x159: {  	[tilespmem:s1+$0x80] =	vst v0  }
0x15a: {  	v0 =	vld [tilespmem:s31+$0xFFFFD7A0]  }
0x15b: {  	v1 =	vshrl.u32 v2, $0x10;
	v2 =	vand.u32 $0xFFFF0000, v3;
	v3 =	vld [tilespmem:s31+$0xFFFFFFA0]  }
0x15c: {  	v6 =	vld [tilespmem:s31+$0xFFFFD710];
	v1 =	vor.u32 v1, v2  }
0x15d: {  	v4 =	vand.u32 $0xFFFF0000, v4;
	v2 =	vld [tilespmem:s31+$0xFFFFFF10];
	[tilespmem:s1+$0xFFFFFF80] =	vst v1;
	v1 =	vshrl.u32 v5, $0x10  }
0x15e: {  	v5 =	vld [tilespmem:s31+$0xFFFFD6A0];
	v1 =	vor.u32 v1, v4  }
0x15f: {  	v4 =	vld [tilespmem:s31+$0xFFFFFEA0];
	[tilespmem:s1+$0xFFFFFF00] =	vst v1  }
0x160: {  	v1 =	vld [tilespmem:s31+$0xFFFFD620];
	v0 =	vshrl.u32 v0, $0x10;
	v3 =	vand.u32 $0xFFFF0000, v3  }
0x161: {  	v7 =	vld [tilespmem:s31+$0xFFFFFE20];
	v0 =	vor.u32 v0, v3  }
0x162: {  	v2 =	vand.u32 $0xFFFF0000, v2;
	v3 =	vshrl.u32 v6, $0x10;
	[tilespmem:s1+$0x90] =	vst v0  }
0x163: {  	v0 =	vor.u32 v3, v2;
	v2 =	vld [tilespmem:s31+$0xFFFFD7B0]  }
0x164: {  	v3 =	vand.u32 $0xFFFF0000, v4;
	[tilespmem:s1+$0x0] =	vst v0;
	v0 =	vshrl.u32 v5, $0x10;
	v4 =	vld [tilespmem:s31+$0xFFFFFFB0]  }
0x165: {  	v5 =	vld [tilespmem:s31+$0xFFFFD720];
	v0 =	vor.u32 v0, v3  }
0x166: {  	v1 =	vshrl.u32 v1, $0x10;
	v3 =	vld [tilespmem:s31+$0xFFFFFF20];
	[tilespmem:s1+$0xFFFFFF90] =	vst v0;
	v0 =	vand.u32 $0xFFFF0000, v7  }
0x167: {  	v6 =	vld [tilespmem:s31+$0xFFFFD6B0];
	v0 =	vor.u32 v1, v0  }
0x168: {  	v1 =	vld [tilespmem:s31+$0xFFFFFEB0];
	[tilespmem:s1+$0xFFFFFF10] =	vst v0  }
0x169: {  	v0 =	vld [tilespmem:s31+$0xFFFFD630];
	v2 =	vshrl.u32 v2, $0x10;
	v4 =	vand.u32 $0xFFFF0000, v4  }
0x16a: {  	v7 =	vld [tilespmem:s31+$0xFFFFFE30];
	v2 =	vor.u32 v2, v4  }
0x16b: {  	v4 =	vshrl.u32 v5, $0x10;
	v3 =	vand.u32 $0xFFFF0000, v3;
	[tilespmem:s1+$0xA0] =	vst v2  }
0x16c: {  	v2 =	vor.u32 v4, v3;
	v3 =	vld [tilespmem:s31+$0xFFFFD7C0]  }
0x16d: {  	[tilespmem:s1+$0x10] =	vst v2;
	v2 =	vshrl.u32 v6, $0x10;
	v1 =	vand.u32 $0xFFFF0000, v1;
	v4 =	vld [tilespmem:s31+$0xFFFFFFC0]  }
0x16e: {  	v5 =	vld [tilespmem:s31+$0xFFFFD730];
	v1 =	vor.u32 v2, v1  }
0x16f: {  	v0 =	vshrl.u32 v0, $0x10;
	[tilespmem:s1+$0xFFFFFFA0] =	vst v1;
	v1 =	vld [tilespmem:s31+$0xFFFFFF30];
	v2 =	vand.u32 $0xFFFF0000, v7  }
0x170: {  	v6 =	vld [tilespmem:s31+$0xFFFFD6C0];
	v0 =	vor.u32 v0, v2  }
0x171: {  	v2 =	vld [tilespmem:s31+$0xFFFFFEC0];
	[tilespmem:s1+$0xFFFFFF20] =	vst v0  }
0x172: {  	v0 =	vld [tilespmem:s31+$0xFFFFD640];
	v3 =	vshrl.u32 v3, $0x10;
	v4 =	vand.u32 $0xFFFF0000, v4  }
0x173: {  	v7 =	vld [tilespmem:s31+$0xFFFFFE40];
	v3 =	vor.u32 v3, v4  }
0x174: {  	v4 =	vshrl.u32 v5, $0x10;
	v1 =	vand.u32 $0xFFFF0000, v1;
	[tilespmem:s1+$0xB0] =	vst v3  }
0x175: {  	v1 =	vor.u32 v4, v1;
	v3 =	vld [tilespmem:s31+$0xFFFFD7D0]  }
0x176: {  	v4 =	vshrl.u32 v6, $0x10;
	v2 =	vand.u32 $0xFFFF0000, v2;
	[tilespmem:s1+$0x20] =	vst v1;
	v1 =	vld [tilespmem:s31+$0xFFFFFFD0]  }
0x177: {  	v2 =	vor.u32 v4, v2;
	v4 =	vld [tilespmem:s31+$0xFFFFD740]  }
0x178: {  	v0 =	vshrl.u32 v0, $0x10;
	[tilespmem:s1+$0xFFFFFFB0] =	vst v2;
	v2 =	vand.u32 $0xFFFF0000, v7;
	v5 =	vld [tilespmem:s31+$0xFFFFFF40]  }
0x179: {  	v0 =	vor.u32 v0, v2;
	v2 =	vld [tilespmem:s31+$0xFFFFD6D0]  }
0x17a: {  	[tilespmem:s1+$0xFFFFFF30] =	vst v0;
	v0 =	vld [tilespmem:s31+$0xFFFFFED0]  }
0x17b: {  	v6 =	vld [tilespmem:s31+$0xFFFFD650];
	v3 =	vshrl.u32 v3, $0x10;
	v1 =	vand.u32 $0xFFFF0000, v1  }
0x17c: {  	v7 =	vld [tilespmem:s31+$0xFFFFFE50];
	v1 =	vor.u32 v3, v1  }
0x17d: {  	v3 =	vshrl.u32 v4, $0x10;
	v4 =	vand.u32 $0xFFFF0000, v5;
	[tilespmem:s1+$0xC0] =	vst v1  }
0x17e: {  	v1 =	vor.u32 v3, v4;
	v3 =	vld [tilespmem:s31+$0xFFFFD7E0]  }
0x17f: {  	v2 =	vshrl.u32 v2, $0x10;
	v0 =	vand.u32 $0xFFFF0000, v0;
	[tilespmem:s1+$0x30] =	vst v1;
	v1 =	vld [tilespmem:s31+$0xFFFFFFE0]  }
0x180: {  	v0 =	vor.u32 v2, v0;
	v2 =	vld [tilespmem:s31+$0xFFFFD750]  }
0x181: {  	v4 =	vshrl.u32 v6, $0x10;
	v5 =	vand.u32 $0xFFFF0000, v7;
	[tilespmem:s1+$0xFFFFFFC0] =	vst v0;
	v0 =	vld [tilespmem:s31+$0xFFFFFF50]  }
0x182: {  	v4 =	vor.u32 v4, v5;
	v5 =	vld [tilespmem:s31+$0xFFFFD6E0]  }
0x183: {  	[tilespmem:s1+$0xFFFFFF40] =	vst v4;
	v4 =	vld [tilespmem:s31+$0xFFFFFEE0]  }
0x184: {  	v6 =	vld [tilespmem:s31+$0xFFFFD660];
	v3 =	vshrl.u32 v3, $0x10;
	v1 =	vand.u32 $0xFFFF0000, v1  }
0x185: {  	v7 =	vld [tilespmem:s31+$0xFFFFFE60];
	v1 =	vor.u32 v3, v1  }
0x186: {  	v2 =	vshrl.u32 v2, $0x10;
	v0 =	vand.u32 $0xFFFF0000, v0;
	[tilespmem:s1+$0xD0] =	vst v1  }
0x187: {  	v0 =	vor.u32 v2, v0;
	v8 =	vld [tilespmem:s31+$0xFFFFD7F0]  }
0x188: {  	v1 =	vshrl.u32 v5, $0x10;
	v2 =	vand.u32 $0xFFFF0000, v4;
	v4 =	vld [tilespmem:s31+$0xFFFFFFF0];
	[tilespmem:s1+$0x40] =	vst v0  }
0x189: {  	v0 =	vor.u32 v1, v2;
	v5 =	vld [tilespmem:s31+$0xFFFFD760]  }
0x18a: {  	v1 =	vshrl.u32 v6, $0x10;
	v2 =	vand.u32 $0xFFFF0000, v7;
	[tilespmem:s1+$0xFFFFFFD0] =	vst v0;
	v3 =	vld [tilespmem:s31+$0xFFFFFF60]  }
0x18b: {  	v1 =	vor.u32 v1, v2;
	v0 =	vld [tilespmem:s31+$0xFFFFD6F0]  }
0x18c: {  	[tilespmem:s1+$0xFFFFFF50] =	vst v1;
	v1 =	vld [tilespmem:s31+$0xFFFFFEF0]  }
0x18d: {  	v2 =	vld [tilespmem:s31+$0xFFFFD670];
	v6 =	vshrl.u32 v8, $0x10;
	v7 =	vand.u32 $0xFFFF0000, v4  }
0x18e: {  	s14 =	simm.s32 $0x0;
	s16 =	sadd.s32 $0x200, s31;
	s0 =	smov.u32 s1;
	v4 =	vld [tilespmem:s31+$0xFFFFFE70];
	v6 =	vor.u32 v6, v7;
	v5 =	vshrl.u32 v5, $0x10  }
.LBB2_7:
0x18f: {  	v7 =	vld [tilespmem:s16+$0xFFFFD790];
	v3 =	vand.u32 $0xFFFF0000, v3;
	[tilespmem:s1+$0xE0] =	vst v6  }
0x190: {  	v0 =	vshrl.u32 v0, $0x10;
	v3 =	vor.u32 v5, v3;
	v5 =	vld [tilespmem:s31+$0xFFFFD800]  }
0x191: {  	v1 =	vand.u32 $0xFFFF0000, v1;
	[tilespmem:s1+$0x50] =	vst v3;
	v3 =	vld [tilespmem:s31+$0x0]  }
0x192: {  	v6 =	vld [tilespmem:s16+$0xFFFFFF90];
	v2 =	vshrl.u32 v2, $0x10;
	v0 =	vor.u32 v0, v1  }
0x193: {  	v1 =	vld [tilespmem:s16+$0xFFFFFE10];
	v4 =	vand.u32 $0xFFFF0000, v4;
	[tilespmem:s1+$0xFFFFFFE0] =	vst v0  }
0x194: {  	v0 =	vld [tilespmem:s16+$0xFFFFD690];
	v2 =	vor.u32 v2, v4  }
0x195: {  	v4 =	vld [tilespmem:s16+$0xFFFFFE90];
	[tilespmem:s1+$0xFFFFFF60] =	vst v2  }
0x196: {  	v5 =	vshrl.u32 v5, $0x10;
	v2 =	vld [tilespmem:s16+$0xFFFFD710];
	v3 =	vand.u32 $0xFFFF0000, v3  }
0x197: {  	v7 =	vshrl.u32 v7, $0x10;
	v8 =	vld [tilespmem:s16+$0xFFFFFF10];
	v6 =	vand.u32 $0xFFFF0000, v6;
	v3 =	vor.u32 v5, v3  }
0x198: {  	s1 =	sadd.s32 $0x200, s1;
	v5 =	vld [tilespmem:s16+$0xFFFFD610];
	v1 =	vand.u32 $0xFFFF0000, v1;
	v6 =	vor.u32 v7, v6;
	[tilespmem:s0+$0xF0] =	vst v3  }
0x199: {  	s14 =	sadd.s32 $0x4, s14;
	v0 =	vshrl.u32 v0, $0x10;
	[tilespmem:s1+$0x80] =	vst v6;
	v3 =	vld [tilespmem:s31+$0xFFFFD770]  }
0x19a: {  	p1 =	slt.u32 s14, $0x4C;
	v4 =	vand.u32 $0xFFFF0000, v4;
	v6 =	vld [tilespmem:s16+$0xFFFFD7A0]  }
0x19b: {  	v0 =	vor.u32 v0, v4;
	v2 =	vshrl.u32 v2, $0x10;
	v4 =	vld [tilespmem:s16+$0xFFFFFFA0]  }
0x19c: {  	[tilespmem:s1+$0xFFFFFF80] =	vst v0;
	v0 =	vand.u32 $0xFFFF0000, v8;
	v7 =	vld [tilespmem:s31+$0xFFFFFF70]  }
0x19d: {  	v5 =	vshrl.u32 v5, $0x10;
	v8 =	vld [tilespmem:s16+$0xFFFFD6A0];
	v0 =	vor.u32 v2, v0  }
0x19e: {  	v1 =	vor.u32 v5, v1;
	v2 =	vld [tilespmem:s16+$0xFFFFFEA0];
	[tilespmem:s1+$0x0] =	vst v0;
	v0 =	vshrl.u32 v3, $0x10  }
0x19f: {  	[tilespmem:s1+$0xFFFFFF00] =	vst v1;
	v1 =	vld [tilespmem:s16+$0xFFFFD720]  }
0x1a0: {  	v5 =	vshrl.u32 v6, $0x10;
	v3 =	vld [tilespmem:s16+$0xFFFFD620];
	v4 =	vand.u32 $0xFFFF0000, v4  }
0x1a1: {  	v6 =	vld [tilespmem:s16+$0xFFFFFE20];
	v4 =	vor.u32 v5, v4;
	v5 =	vand.u32 $0xFFFF0000, v7  }
0x1a2: {  	v7 =	vshrl.u32 v8, $0x10;
	v8 =	vld [tilespmem:s16+$0xFFFFFF20];
	[tilespmem:s1+$0x90] =	vst v4;
	v0 =	vor.u32 v0, v5  }
0x1a3: {  	v2 =	vand.u32 $0xFFFF0000, v2;
	v4 =	vld [tilespmem:s16+$0xFFFFD7B0];
	[tilespmem:s0+$0x60] =	vst v0  }
0x1a4: {  	v0 =	vor.u32 v7, v2;
	v1 =	vshrl.u32 v1, $0x10;
	v2 =	vld [tilespmem:s16+$0xFFFFFFB0]  }
0x1a5: {  	v3 =	vshrl.u32 v3, $0x10;
	[tilespmem:s1+$0xFFFFFF90] =	vst v0;
	v0 =	vld [tilespmem:s31+$0xFFFFD680]  }
0x1a6: {  	v5 =	vand.u32 $0xFFFF0000, v6;
	v6 =	vld [tilespmem:s16+$0xFFFFD6B0]  }
0x1a7: {  	v3 =	vor.u32 v3, v5;
	v5 =	vld [tilespmem:s16+$0xFFFFFEB0];
	v7 =	vand.u32 $0xFFFF0000, v8  }
0x1a8: {  	[tilespmem:s1+$0xFFFFFF10] =	vst v3;
	v1 =	vor.u32 v1, v7;
	v3 =	vld [tilespmem:s31+$0xFFFFFE80]  }
0x1a9: {  	v7 =	vld [tilespmem:s16+$0xFFFFD630];
	[tilespmem:s1+$0x10] =	vst v1;
	v1 =	vshrl.u32 v4, $0x10;
	v2 =	vand.u32 $0xFFFF0000, v2  }
0x1aa: {  	v4 =	vld [tilespmem:s16+$0xFFFFFE30];
	v1 =	vor.u32 v1, v2;
	v0 =	vshrl.u32 v0, $0x10  }
0x1ab: {  	v2 =	vshrl.u32 v6, $0x10;
	v6 =	vld [tilespmem:s16+$0xFFFFD730];
	[tilespmem:s1+$0xA0] =	vst v1  }
0x1ac: {  	v1 =	vand.u32 $0xFFFF0000, v5;
	v5 =	vld [tilespmem:s16+$0xFFFFD7C0]  }
0x1ad: {  	v1 =	vor.u32 v2, v1;
	v2 =	vld [tilespmem:s16+$0xFFFFFFC0];
	v3 =	vand.u32 $0xFFFF0000, v3  }
0x1ae: {  	v7 =	vshrl.u32 v7, $0x10;
	[tilespmem:s1+$0xFFFFFFA0] =	vst v1;
	v1 =	vld [tilespmem:s16+$0xFFFFFF30];
	v0 =	vor.u32 v0, v3  }
0x1af: {  	v3 =	vand.u32 $0xFFFF0000, v4;
	v4 =	vld [tilespmem:s16+$0xFFFFD6C0];
	[tilespmem:s0+$0xFFFFFF70] =	vst v0  }
0x1b0: {  	v0 =	vor.u32 v7, v3;
	v3 =	vld [tilespmem:s16+$0xFFFFFEC0];
	v6 =	vshrl.u32 v6, $0x10  }
0x1b1: {  	[tilespmem:s1+$0xFFFFFF20] =	vst v0;
	v0 =	vld [tilespmem:s31+$0xFFFFD700]  }
0x1b2: {  	v5 =	vshrl.u32 v5, $0x10;
	v7 =	vld [tilespmem:s16+$0xFFFFD640];
	v2 =	vand.u32 $0xFFFF0000, v2  }
0x1b3: {  	v8 =	vld [tilespmem:s16+$0xFFFFFE40];
	v1 =	vand.u32 $0xFFFF0000, v1;
	v2 =	vor.u32 v5, v2  }
0x1b4: {  	v4 =	vshrl.u32 v4, $0x10;
	v1 =	vor.u32 v6, v1;
	[tilespmem:s1+$0xB0] =	vst v2;
	v2 =	vld [tilespmem:s31+$0xFFFFFF00]  }
0x1b5: {  	v3 =	vand.u32 $0xFFFF0000, v3;
	[tilespmem:s1+$0x20] =	vst v1;
	v1 =	vld [tilespmem:s16+$0xFFFFD7D0]  }
0x1b6: {  	v3 =	vor.u32 v4, v3;
	v4 =	vld [tilespmem:s16+$0xFFFFFFD0];
	v0 =	vshrl.u32 v0, $0x10  }
0x1b7: {  	v5 =	vshrl.u32 v7, $0x10;
	[tilespmem:s1+$0xFFFFFFB0] =	vst v3;
	v3 =	vld [tilespmem:s16+$0xFFFFD740]  }
0x1b8: {  	v6 =	vand.u32 $0xFFFF0000, v8;
	v7 =	vld [tilespmem:s16+$0xFFFFFF40]  }
0x1b9: {  	v5 =	vor.u32 v5, v6;
	v6 =	vld [tilespmem:s16+$0xFFFFD6D0];
	v2 =	vand.u32 $0xFFFF0000, v2  }
0x1ba: {  	[tilespmem:s1+$0xFFFFFF30] =	vst v5;
	v5 =	vld [tilespmem:s16+$0xFFFFFED0];
	v0 =	vor.u32 v0, v2  }
0x1bb: {  	v1 =	vshrl.u32 v1, $0x10;
	v2 =	vld [tilespmem:s16+$0xFFFFD650];
	v4 =	vand.u32 $0xFFFF0000, v4;
	[tilespmem:s0+$0xFFFFFFF0] =	vst v0  }
0x1bc: {  	v0 =	vld [tilespmem:s16+$0xFFFFFE50];
	v3 =	vshrl.u32 v3, $0x10;
	v1 =	vor.u32 v1, v4  }
0x1bd: {  	v4 =	vand.u32 $0xFFFF0000, v7;
	[tilespmem:s1+$0xC0] =	vst v1;
	v1 =	vld [tilespmem:s31+$0xFFFFD780]  }
0x1be: {  	v6 =	vshrl.u32 v6, $0x10;
	v3 =	vor.u32 v3, v4;
	v4 =	vld [tilespmem:s16+$0xFFFFD7E0]  }
0x1bf: {  	v5 =	vand.u32 $0xFFFF0000, v5;
	[tilespmem:s1+$0x30] =	vst v3;
	v3 =	vld [tilespmem:s16+$0xFFFFFFE0]  }
0x1c0: {  	v2 =	vshrl.u32 v2, $0x10;
	v5 =	vor.u32 v6, v5;
	v6 =	vld [tilespmem:s16+$0xFFFFD750]  }
0x1c1: {  	v0 =	vand.u32 $0xFFFF0000, v0;
	[tilespmem:s1+$0xFFFFFFC0] =	vst v5;
	v5 =	vld [tilespmem:s16+$0xFFFFFF50]  }
0x1c2: {  	v0 =	vor.u32 v2, v0;
	v2 =	vld [tilespmem:s16+$0xFFFFD6E0];
	v7 =	vshrl.u32 v1, $0x10  }
0x1c3: {  	[tilespmem:s1+$0xFFFFFF40] =	vst v0;
	v0 =	vld [tilespmem:s16+$0xFFFFFEE0]  }
0x1c4: {  	v4 =	vshrl.u32 v4, $0x10;
	v1 =	vld [tilespmem:s16+$0xFFFFD660];
	v3 =	vand.u32 $0xFFFF0000, v3  }
0x1c5: {  	v8 =	vld [tilespmem:s16+$0xFFFFFE60];
	v6 =	vshrl.u32 v6, $0x10;
	v3 =	vor.u32 v4, v3  }
0x1c6: {  	v4 =	vand.u32 $0xFFFF0000, v5;
	[tilespmem:s1+$0xD0] =	vst v3;
	v5 =	vld [tilespmem:s31+$0xFFFFFF80];
	s31 =	smov.u32 s16  }
0x1c7: {  	v2 =	vshrl.u32 v2, $0x10;
	v3 =	vor.u32 v6, v4;
	v4 =	vld [tilespmem:s16+$0xFFFFD7F0]  }
0x1c8: {  	v0 =	vand.u32 $0xFFFF0000, v0;
	[tilespmem:s1+$0x40] =	vst v3;
	v6 =	vld [tilespmem:s16+$0xFFFFFFF0]  }
0x1c9: {  	v1 =	vshrl.u32 v1, $0x10;
	v0 =	vor.u32 v2, v0;
	v9 =	vld [tilespmem:s16+$0xFFFFD760]  }
.Ltmp2:
0x1ca: {  	v2 =	vand.u32 $0xFFFF0000, v8;
	[tilespmem:s1+$0xFFFFFFD0] =	vst v0;
	v3 =	vld [tilespmem:s16+$0xFFFFFF60];
	(pc) =	sbr.rel @p1 .LBB2_7-.Ltmp2, $4  }
0x1cb: {  	v1 =	vor.u32 v1, v2;
	v0 =	vld [tilespmem:s16+$0xFFFFD6F0];
	v2 =	vand.u32 $0xFFFF0000, v5  }
0x1cc: {  	[tilespmem:s1+$0xFFFFFF50] =	vst v1;
	v1 =	vld [tilespmem:s16+$0xFFFFFEF0];
	v5 =	vor.u32 v7, v2  }
0x1cd: {  	v7 =	vshrl.u32 v4, $0x10;
	v2 =	vld [tilespmem:s16+$0xFFFFD670];
	v6 =	vand.u32 $0xFFFF0000, v6;
	[tilespmem:s0+$0x70] =	vst v5;
	s0 =	smov.u32 s1  }
0x1ce: {  	s16 =	sadd.s32 $0x200, s16;
	v4 =	vld [tilespmem:s31+$0xFFFFFE70];
	v5 =	vshrl.u32 v9, $0x10;
	v6 =	vor.u32 v7, v6  }
0x1cf: {  	v3 =	vand.u32 $0xFFFF0000, v3  }
0x1d0: {  	v3 =	vor.u32 v5, v3  }
0x1d1: {  	[tilespmem:s1+$0x50] =	vst v3  }
0x1d2: {  	v3 =	vld [tilespmem:s31+$0xFFFFD770]  }
0x1d3: {  	v52 =	vld [tilespmem:s31+$0xFFFFFF70]  }
0x1d4: {  	[tilespmem:s1+$0xE0] =	vst v6;
	v0 =	vshrl.u32 v0, $0x10;
	v1 =	vand.u32 $0xFFFF0000, v1  }
0x1d5: {  	v6 =	vld [tilespmem:s31+$0xFFFFD800];
	v0 =	vor.u32 v0, v1  }
0x1d6: {  	v53 =	vld [tilespmem:s31+$0x0];
	v2 =	vshrl.u32 v2, $0x10;
	v4 =	vand.u32 $0xFFFF0000, v4;
	[tilespmem:s1+$0xFFFFFFE0] =	vst v0  }
0x1d7: {  	v2 =	vor.u32 v2, v4;
	v58 =	vld [tilespmem:s31+$0xFFFFD700]  }
0x1d8: {  	v59 =	vld [tilespmem:s31+$0xFFFFFF00];
	[tilespmem:s1+$0xFFFFFF60] =	vst v2;
	v55 =	vshrl.u32 v3, $0x10;
	v56 =	vand.u32 $0xFFFF0000, v52  }
0x1d9: {  	v54 =	vld [tilespmem:s31+$0xFFFFD680];
	v0 =	vor.u32 v55, v56  }
0x1da: {  	v57 =	vld [tilespmem:s31+$0xFFFFFE80];
	[tilespmem:s0+$0x60] =	vst v0  }
0x1db: {  	v60 =	vld [tilespmem:s31+$0xFFFFD780]  }
0x1dc: {  	v7 =	vld [tilespmem:s31+$0xFFFFFF80];
	_ =	sdelay $0x1  }
0x1dd: {  	s16 =	smul.u32 $0x50, s29;
	v6 =	vshrl.u32 v6, $0x10;
	v4 =	vand.u32 $0xFFFF0000, v53  }
0x1de: {  	s14 =	smul.u32 $0xA000, s30;
	p1 =	sne.s32 s28, $0x13;
	v4 =	vor.u32 v6, v4;
	v2 =	vshrl.u32 v58, $0x10;
	v0 =	vand.u32 $0xFFFF0000, v59  }
.Ltmp3:
0x1df: {  	[tilespmem:s0+$0xF0] =	vst v4;
	v0 =	vor.u32 v2, v0;
	v1 =	vshrl.u32 v54, $0x10;
	v3 =	vand.u32 $0xFFFF0000, v57;
	(pc) =	sbr.rel @p1 .LBB2_6-.Ltmp3, $4  }
0x1e0: {  	s1 =	sadd.s32 s5, s16;
	[tilespmem:s0+$0xFFFFFFF0] =	vst v0;
	v1 =	vor.u32 v1, v3;
	v61 =	vshrl.u32 v60, $0x10;
	v62 =	vand.u32 $0xFFFF0000, v7  }
0x1e1: {  	p0 =	por !p0, !p0;
	s14 =	sshrl.u32 s14, $0x2;
	s1 =	sshll.u32 s1, $0x4;
	[tilespmem:s0+$0xFFFFFF70] =	vst v1;
	v63 =	vor.u32 v61, v62  }
0x1e2: {  	s29 =	smov.u32 s28;
	s1 =	sadd.s32 s4, s1;
	s31 =	sadd.s32 $0xB400, s14;
	[tilespmem:s0+$0x70] =	vst v63  }
0x1e3: {  	[hbm4b:s1+s3] =	stream.linear.scatter [tilespmem:s31], [sflag:$0x2], $0x2800, $0x38;
	[tilespmem:$0x10400] =	vst v63  }
0x1e4: {  	_ =	swait.ge [sflag:s20], $0x2800  }
0x1e5: {  	[sflag:s20] =	ssyncset.done $0x0  }
0x1e6: {  	[sflag:s20] =	ssyncadd.s32 $0xFFFFD800  }
0x1e7: {  	_ =	swait.ge [sflag:s20], $0x2800  }
0x1e8: {  	[sflag:s20] =	ssyncset.done $0x0  }
0x1e9: {  	[sflag:s20] =	ssyncadd.s32 $0xFFFFD800  }
0x1ea: {  	_ =	swait.ge [sflag:s25], $0x2800  }
0x1eb: {  	[sflag:s25] =	ssyncset.done $0x0  }
0x1ec: {  	s28 =	simm.s32 $0x0;
	[sflag:s25] =	ssyncadd.s32 $0xFFFFD800  }
0x1ed: {  	v0 =	vld [tilespmem:s28+$0x6400]  }
0x1ee: {  	v1 =	vld [tilespmem:s28+$0x8C00]  }
0x1ef: {  	v2 =	vld [tilespmem:s28+$0x6410]  }
0x1f0: {  	v3 =	vld [tilespmem:s28+$0x8C10]  }
0x1f1: {  	v4 =	vld [tilespmem:s28+$0x6420]  }
0x1f2: {  	v5 =	vld [tilespmem:s28+$0x8C20]  }
0x1f3: {  	v6 =	vld [tilespmem:s28+$0x6430]  }
0x1f4: {  	v7 =	vld [tilespmem:s28+$0x65F0]  }
0x1f5: {  	v8 =	vld [tilespmem:s28+$0x8DF0]  }
0x1f6: {  	v9 =	vld [tilespmem:s28+$0x8C60]  }
0x1f7: {  	v10 =	vld [tilespmem:s28+$0x6480]  }
0x1f8: {  	v11 =	vld [tilespmem:s28+$0x8C80]  }
0x1f9: {  	v12 =	vld [tilespmem:s28+$0x6490]  }
0x1fa: {  	v13 =	vld [tilespmem:s28+$0x8C90]  }
0x1fb: {  	v14 =	vld [tilespmem:s28+$0x64A0]  }
0x1fc: {  	v15 =	vld [tilespmem:s28+$0x8CA0]  }
0x1fd: {  	v37 =	vld [tilespmem:s28+$0x64B0]  }
0x1fe: {  	v38 =	vld [tilespmem:s28+$0x6470]  }
0x1ff: {  	v40 =	vld [tilespmem:s28+$0x64C0]  }
0x200: {  	v41 =	vld [tilespmem:s28+$0x8CC0]  }
0x201: {  	v16 =	vld [tilespmem:s28+$0x8C70]  }
0x202: {  	v17 =	vld [tilespmem:s28+$0x8CD0]  }
0x203: {  	v18 =	vld [tilespmem:s28+$0x6500]  }
0x204: {  	v19 =	vld [tilespmem:s28+$0x8D00]  }
0x205: {  	v20 =	vld [tilespmem:s28+$0x6510]  }
0x206: {  	v21 =	vld [tilespmem:s28+$0x8D10]  }
0x207: {  	v22 =	vld [tilespmem:s28+$0x6520]  }
0x208: {  	v23 =	vld [tilespmem:s28+$0x8D20]  }
0x209: {  	v44 =	vld [tilespmem:s28+$0x6530]  }
0x20a: {  	v46 =	vld [tilespmem:s28+$0x8D30]  }
0x20b: {  	v47 =	vld [tilespmem:s28+$0x64E0]  }
0x20c: {  	v50 =	vld [tilespmem:s28+$0x6540];
	v0 =	vshrl.u32 v0, $0x10;
	v1 =	vand.u32 $0xFFFF0000, v1  }
0x20d: {  	v0 =	vor.u32 v0, v1;
	v1 =	vld [tilespmem:s28+$0x8C30]  }
0x20e: {  	v51 =	vld [tilespmem:s28+$0x8D40];
	v6 =	vshrl.u32 v6, $0x10;
	v14 =	vshrl.u32 v14, $0x10  }
0x20f: {  	v52 =	vld [tilespmem:s28+$0x8CE0];
	v15 =	vand.u32 $0xFFFF0000, v15;
	v42 =	vshrl.u32 v18, $0x10;
	v43 =	vand.u32 $0xFFFF0000, v19  }
0x210: {  	v55 =	vld [tilespmem:s28+$0x6550];
	v7 =	vshrl.u32 v7, $0x10;
	v8 =	vand.u32 $0xFFFF0000, v8;
	v14 =	vor.u32 v14, v15;
	[tilespmem:s28+$0xDC00] =	vst v0  }
0x211: {  	v45 =	vor.u32 v42, v43;
	v0 =	vshrl.u32 v2, $0x10;
	v2 =	vand.u32 $0xFFFF0000, v3;
	v3 =	vld [tilespmem:s28+$0x6440];
	[tilespmem:s28+$0xDCA0] =	vst v14  }
0x212: {  	v7 =	vor.u32 v7, v8;
	[tilespmem:s28+$0xDD00] =	vst v45;
	v0 =	vor.u32 v0, v2;
	v2 =	vld [tilespmem:s28+$0x8C40];
	v1 =	vand.u32 $0xFFFF0000, v1  }
0x213: {  	v56 =	vld [tilespmem:s28+$0x8D50];
	v36 =	vand.u32 $0xFFFF0000, v11;
	[tilespmem:s28+$0xDDF0] =	vst v7;
	v1 =	vor.u32 v6, v1;
	v6 =	vshrl.u32 v10, $0x10  }
0x214: {  	v48 =	vshrl.u32 v20, $0x10;
	v49 =	vand.u32 $0xFFFF0000, v21;
	[tilespmem:s28+$0xDC30] =	vst v1;
	v1 =	vor.u32 v6, v36;
	v6 =	vld [tilespmem:s28+$0x8CB0]  }
0x215: {  	v14 =	vor.u32 v48, v49;
	[tilespmem:s28+$0xDC10] =	vst v0;
	v0 =	vshrl.u32 v4, $0x10;
	v4 =	vand.u32 $0xFFFF0000, v5;
	v5 =	vld [tilespmem:s28+$0x6450]  }
0x216: {  	[tilespmem:s28+$0xDD10] =	vst v14;
	v0 =	vor.u32 v0, v4;
	v4 =	vld [tilespmem:s28+$0x8C50]  }
0x217: {  	v57 =	vld [tilespmem:s28+$0x64F0];
	[tilespmem:s28+$0xDC20] =	vst v0;
	v3 =	vshrl.u32 v3, $0x10;
	v2 =	vand.u32 $0xFFFF0000, v2  }
0x218: {  	v39 =	vand.u32 $0xFFFF0000, v13;
	v0 =	vld [tilespmem:s28+$0x6460];
	[tilespmem:s28+$0xDC80] =	vst v1;
	v1 =	vshrl.u32 v12, $0x10;
	v2 =	vor.u32 v3, v2  }
0x219: {  	v58 =	vld [tilespmem:s28+$0x6560];
	v11 =	vshrl.u32 v37, $0x10;
	v1 =	vor.u32 v1, v39;
	[tilespmem:s28+$0xDC40] =	vst v2;
	v6 =	vand.u32 $0xFFFF0000, v6  }
0x21a: {  	v59 =	vld [tilespmem:s28+$0x8D60];
	v53 =	vshrl.u32 v22, $0x10;
	v54 =	vand.u32 $0xFFFF0000, v23;
	[tilespmem:s28+$0xDC90] =	vst v1;
	v6 =	vor.u32 v11, v6  }
0x21b: {  	v3 =	vshrl.u32 v5, $0x10;
	v4 =	vand.u32 $0xFFFF0000, v4;
	v1 =	vld [tilespmem:s28+$0x64D0];
	[tilespmem:s28+$0xDCB0] =	vst v6;
	v6 =	vor.u32 v53, v54  }
0x21c: {  	v15 =	vand.u32 $0xFFFF0000, v46;
	v5 =	vld [tilespmem:s28+$0x6580];
	v2 =	vor.u32 v3, v4;
	[tilespmem:s28+$0xDD20] =	vst v6;
	v6 =	vshrl.u32 v44, $0x10  }
0x21d: {  	v0 =	vshrl.u32 v0, $0x10;
	v3 =	vand.u32 $0xFFFF0000, v9;
	v4 =	vld [tilespmem:s28+$0x8D80];
	[tilespmem:s28+$0xDC50] =	vst v2;
	v6 =	vor.u32 v6, v15  }
0x21e: {  	v0 =	vor.u32 v0, v3;
	v2 =	vshrl.u32 v38, $0x10;
	v3 =	vand.u32 $0xFFFF0000, v16;
	[tilespmem:s28+$0xDD30] =	vst v6;
	v6 =	vld [tilespmem:s28+$0x8CF0]  }
0x21f: {  	v60 =	vld [tilespmem:s28+$0x8D90];
	[tilespmem:s28+$0xDC60] =	vst v0;
	v0 =	vor.u32 v2, v3;
	v2 =	vshrl.u32 v40, $0x10;
	v3 =	vand.u32 $0xFFFF0000, v41  }
0x220: {  	v8 =	vld [tilespmem:s28+$0x6590];
	[tilespmem:s28+$0xDC70] =	vst v0;
	v0 =	vor.u32 v2, v3;
	v2 =	vand.u32 $0xFFFF0000, v17;
	v1 =	vshrl.u32 v1, $0x10  }
0x221: {  	v61 =	vld [tilespmem:s28+$0x8DA0];
	[tilespmem:s28+$0xDCC0] =	vst v0;
	v0 =	vor.u32 v1, v2;
	v1 =	vshrl.u32 v47, $0x10;
	v2 =	vand.u32 $0xFFFF0000, v52  }
0x222: {  	v62 =	vld [tilespmem:s28+$0x8D70];
	[tilespmem:s28+$0xDCD0] =	vst v0;
	v0 =	vor.u32 v1, v2;
	v1 =	vshrl.u32 v5, $0x10;
	v2 =	vand.u32 $0xFFFF0000, v4  }
0x223: {  	v3 =	vld [tilespmem:s28+$0x65A0];
	[tilespmem:s28+$0xDCE0] =	vst v0;
	v0 =	vshrl.u32 v57, $0x10;
	v1 =	vor.u32 v1, v2;
	v5 =	vand.u32 $0xFFFF0000, v6  }
0x224: {  	v7 =	vld [tilespmem:s28+$0x6570];
	v2 =	vshrl.u32 v50, $0x10;
	[tilespmem:s28+$0xDD80] =	vst v1;
	v0 =	vor.u32 v0, v5;
	v5 =	vand.u32 $0xFFFF0000, v51  }
0x225: {  	v4 =	vld [tilespmem:s28+$0x65B0];
	[tilespmem:s28+$0xDCF0] =	vst v0;
	v1 =	vor.u32 v2, v5;
	v2 =	vshrl.u32 v8, $0x10;
	v5 =	vand.u32 $0xFFFF0000, v60  }
0x226: {  	v63 =	vand.u32 $0xFFFF0000, v56;
	v6 =	vld [tilespmem:s28+$0x8DB0];
	v8 =	vshrl.u32 v55, $0x10;
	[tilespmem:s28+$0xDD40] =	vst v1;
	v2 =	vor.u32 v2, v5  }
0x227: {  	v0 =	vld [tilespmem:s28+$0x65C0];
	v5 =	vor.u32 v8, v63;
	v8 =	vand.u32 $0xFFFF0000, v59;
	[tilespmem:s28+$0xDD90] =	vst v2;
	v2 =	vshrl.u32 v58, $0x10  }
0x228: {  	v3 =	vshrl.u32 v3, $0x10;
	v1 =	vld [tilespmem:s28+$0x8DC0];
	[tilespmem:s28+$0xDD50] =	vst v5;
	v5 =	vor.u32 v2, v8;
	v8 =	vand.u32 $0xFFFF0000, v61  }
0x229: {  	v2 =	vld [tilespmem:s28+$0x65D0];
	[tilespmem:s28+$0xDD60] =	vst v5;
	v5 =	vshrl.u32 v7, $0x10;
	v7 =	vand.u32 $0xFFFF0000, v62;
	v8 =	vor.u32 v3, v8  }
0x22a: {  	v3 =	vld [tilespmem:s28+$0x8DD0];
	v5 =	vor.u32 v5, v7;
	[tilespmem:s28+$0xDDA0] =	vst v8  }
0x22b: {  	s0 =	simm.s32 $0x0;
	s1 =	simm.s32 $0x800;
	v6 =	vand.u32 $0xFFFF0000, v6;
	[tilespmem:s28+$0xDD70] =	vst v5;
	v5 =	vshrl.u32 v4, $0x10;
	v4 =	vld [tilespmem:s28+$0x65E0]  }
.LBB2_10:
0x22c: {  	s14 =	sshra.s32 s1, $0x2;
	v5 =	vor.u32 v5, v6;
	v0 =	vshrl.u32 v0, $0x10;
	v6 =	vld [tilespmem:s28+$0x8DE0]  }
0x22d: {  	s0 =	sadd.s32 $0x4, s0;
	v7 =	vld [tilespmem:s14+$0x65F0];
	[tilespmem:s28+$0xDDB0] =	vst v5;
	v1 =	vand.u32 $0xFFFF0000, v1  }
0x22e: {  	p0 =	slt.u32 s0, $0x4C;
	v5 =	vld [tilespmem:s14+$0x8DF0];
	v0 =	vor.u32 v0, v1;
	v1 =	vshrl.u32 v2, $0x10  }
0x22f: {  	v2 =	vld [tilespmem:s14+$0x6400];
	[tilespmem:s28+$0xDDC0] =	vst v0;
	v0 =	vand.u32 $0xFFFF0000, v3  }
0x230: {  	v3 =	vld [tilespmem:s14+$0x8C00];
	v0 =	vor.u32 v1, v0;
	v1 =	vshrl.u32 v4, $0x10  }
0x231: {  	v4 =	vld [tilespmem:s14+$0x6410];
	[tilespmem:s28+$0xDDD0] =	vst v0;
	v0 =	vand.u32 $0xFFFF0000, v6  }
0x232: {  	v6 =	vld [tilespmem:s14+$0x8C10];
	v0 =	vor.u32 v1, v0  }
0x233: {  	v7 =	vshrl.u32 v7, $0x10;
	v1 =	vld [tilespmem:s14+$0x6420];
	v5 =	vand.u32 $0xFFFF0000, v5;
	[tilespmem:s28+$0xDDE0] =	vst v0;
	s28 =	smov.u32 s14  }
0x234: {  	v0 =	vshrl.u32 v2, $0x10;
	v2 =	vld [tilespmem:s28+$0x8C20];
	v5 =	vor.u32 v7, v5  }
0x235: {  	v3 =	vand.u32 $0xFFFF0000, v3;
	v7 =	vld [tilespmem:s28+$0x6430];
	[tilespmem:s28+$0xDDF0] =	vst v5  }
0x236: {  	v0 =	vor.u32 v0, v3;
	v3 =	vshrl.u32 v4, $0x10;
	v4 =	vld [tilespmem:s28+$0x8C30]  }
0x237: {  	[tilespmem:s28+$0xDC00] =	vst v0;
	v0 =	vand.u32 $0xFFFF0000, v6;
	v5 =	vld [tilespmem:s28+$0x6440]  }
0x238: {  	v0 =	vor.u32 v3, v0;
	v1 =	vshrl.u32 v1, $0x10;
	v3 =	vld [tilespmem:s28+$0x8C40]  }
0x239: {  	[tilespmem:s28+$0xDC10] =	vst v0;
	v0 =	vand.u32 $0xFFFF0000, v2;
	v2 =	vld [tilespmem:s28+$0x6450]  }
0x23a: {  	v0 =	vor.u32 v1, v0;
	v1 =	vshrl.u32 v7, $0x10;
	v6 =	vld [tilespmem:s28+$0x8C50]  }
0x23b: {  	[tilespmem:s28+$0xDC20] =	vst v0;
	v0 =	vand.u32 $0xFFFF0000, v4;
	v4 =	vld [tilespmem:s28+$0x6460]  }
0x23c: {  	v0 =	vor.u32 v1, v0;
	v1 =	vshrl.u32 v5, $0x10;
	v5 =	vld [tilespmem:s28+$0x8C60]  }
0x23d: {  	[tilespmem:s28+$0xDC30] =	vst v0;
	v0 =	vand.u32 $0xFFFF0000, v3;
	v3 =	vld [tilespmem:s28+$0x6470]  }
0x23e: {  	v0 =	vor.u32 v1, v0;
	v1 =	vshrl.u32 v2, $0x10;
	v2 =	vld [tilespmem:s28+$0x8C70]  }
0x23f: {  	[tilespmem:s28+$0xDC40] =	vst v0;
	v0 =	vand.u32 $0xFFFF0000, v6;
	v6 =	vld [tilespmem:s28+$0x6480]  }
0x240: {  	v0 =	vor.u32 v1, v0;
	v1 =	vshrl.u32 v4, $0x10;
	v4 =	vld [tilespmem:s28+$0x8C80]  }
0x241: {  	[tilespmem:s28+$0xDC50] =	vst v0;
	v0 =	vand.u32 $0xFFFF0000, v5;
	v5 =	vld [tilespmem:s28+$0x6490]  }
0x242: {  	v0 =	vor.u32 v1, v0;
	v1 =	vshrl.u32 v3, $0x10;
	v3 =	vld [tilespmem:s28+$0x8C90]  }
0x243: {  	[tilespmem:s28+$0xDC60] =	vst v0;
	v0 =	vand.u32 $0xFFFF0000, v2;
	v2 =	vld [tilespmem:s28+$0x64A0]  }
0x244: {  	v0 =	vor.u32 v1, v0;
	v1 =	vshrl.u32 v6, $0x10;
	v6 =	vld [tilespmem:s28+$0x8CA0]  }
0x245: {  	[tilespmem:s28+$0xDC70] =	vst v0;
	v0 =	vand.u32 $0xFFFF0000, v4;
	v4 =	vld [tilespmem:s28+$0x64B0]  }
0x246: {  	v0 =	vor.u32 v1, v0;
	v1 =	vshrl.u32 v5, $0x10;
	v5 =	vld [tilespmem:s28+$0x8CB0]  }
0x247: {  	[tilespmem:s28+$0xDC80] =	vst v0;
	v0 =	vand.u32 $0xFFFF0000, v3;
	v3 =	vld [tilespmem:s28+$0x64C0]  }
0x248: {  	v0 =	vor.u32 v1, v0;
	v1 =	vshrl.u32 v2, $0x10;
	v2 =	vld [tilespmem:s28+$0x8CC0]  }
0x249: {  	[tilespmem:s28+$0xDC90] =	vst v0;
	v0 =	vand.u32 $0xFFFF0000, v6;
	v6 =	vld [tilespmem:s28+$0x64D0]  }
0x24a: {  	v0 =	vor.u32 v1, v0;
	v1 =	vshrl.u32 v4, $0x10;
	v4 =	vld [tilespmem:s28+$0x8CD0]  }
0x24b: {  	[tilespmem:s28+$0xDCA0] =	vst v0;
	v0 =	vand.u32 $0xFFFF0000, v5;
	v5 =	vld [tilespmem:s28+$0x64E0]  }
0x24c: {  	v0 =	vor.u32 v1, v0;
	v1 =	vshrl.u32 v3, $0x10;
	v3 =	vld [tilespmem:s28+$0x8CE0]  }
0x24d: {  	[tilespmem:s28+$0xDCB0] =	vst v0;
	v0 =	vand.u32 $0xFFFF0000, v2;
	v2 =	vld [tilespmem:s28+$0x64F0]  }
0x24e: {  	v0 =	vor.u32 v1, v0;
	v1 =	vshrl.u32 v6, $0x10;
	v6 =	vld [tilespmem:s28+$0x8CF0]  }
0x24f: {  	[tilespmem:s28+$0xDCC0] =	vst v0;
	v0 =	vand.u32 $0xFFFF0000, v4;
	v4 =	vld [tilespmem:s28+$0x6500]  }
0x250: {  	v0 =	vor.u32 v1, v0;
	v1 =	vshrl.u32 v5, $0x10;
	v5 =	vld [tilespmem:s28+$0x8D00]  }
0x251: {  	[tilespmem:s28+$0xDCD0] =	vst v0;
	v0 =	vand.u32 $0xFFFF0000, v3;
	v3 =	vld [tilespmem:s28+$0x6510]  }
0x252: {  	v0 =	vor.u32 v1, v0;
	v1 =	vshrl.u32 v2, $0x10;
	v2 =	vld [tilespmem:s28+$0x8D10]  }
0x253: {  	[tilespmem:s28+$0xDCE0] =	vst v0;
	v0 =	vand.u32 $0xFFFF0000, v6;
	v6 =	vld [tilespmem:s28+$0x6520]  }
0x254: {  	v0 =	vor.u32 v1, v0;
	v1 =	vshrl.u32 v4, $0x10;
	v4 =	vld [tilespmem:s28+$0x8D20]  }
0x255: {  	[tilespmem:s28+$0xDCF0] =	vst v0;
	v0 =	vand.u32 $0xFFFF0000, v5;
	v5 =	vld [tilespmem:s28+$0x6530]  }
0x256: {  	v0 =	vor.u32 v1, v0;
	v1 =	vshrl.u32 v3, $0x10;
	v3 =	vld [tilespmem:s28+$0x8D30]  }
0x257: {  	[tilespmem:s28+$0xDD00] =	vst v0;
	v0 =	vand.u32 $0xFFFF0000, v2;
	v2 =	vld [tilespmem:s28+$0x6540]  }
0x258: {  	v0 =	vor.u32 v1, v0;
	v1 =	vshrl.u32 v6, $0x10;
	v6 =	vld [tilespmem:s28+$0x8D40]  }
0x259: {  	[tilespmem:s28+$0xDD10] =	vst v0;
	v0 =	vand.u32 $0xFFFF0000, v4;
	v4 =	vld [tilespmem:s28+$0x6550]  }
0x25a: {  	v0 =	vor.u32 v1, v0;
	v1 =	vshrl.u32 v5, $0x10;
	v5 =	vld [tilespmem:s28+$0x8D50]  }
0x25b: {  	[tilespmem:s28+$0xDD20] =	vst v0;
	v0 =	vand.u32 $0xFFFF0000, v3;
	v3 =	vld [tilespmem:s28+$0x6560]  }
0x25c: {  	v0 =	vor.u32 v1, v0;
	v1 =	vshrl.u32 v2, $0x10;
	v2 =	vld [tilespmem:s28+$0x8D60]  }
0x25d: {  	[tilespmem:s28+$0xDD30] =	vst v0;
	v0 =	vand.u32 $0xFFFF0000, v6;
	v6 =	vld [tilespmem:s28+$0x6570]  }
0x25e: {  	v0 =	vor.u32 v1, v0;
	v1 =	vshrl.u32 v4, $0x10;
	v4 =	vld [tilespmem:s28+$0x8D70]  }
0x25f: {  	[tilespmem:s28+$0xDD40] =	vst v0;
	v0 =	vand.u32 $0xFFFF0000, v5;
	v5 =	vld [tilespmem:s28+$0x6580]  }
0x260: {  	v0 =	vor.u32 v1, v0;
	v1 =	vshrl.u32 v3, $0x10;
	v3 =	vld [tilespmem:s28+$0x8D80]  }
0x261: {  	[tilespmem:s28+$0xDD50] =	vst v0;
	v0 =	vand.u32 $0xFFFF0000, v2;
	v2 =	vld [tilespmem:s28+$0x6590]  }
0x262: {  	v0 =	vor.u32 v1, v0;
	v1 =	vshrl.u32 v6, $0x10;
	v6 =	vld [tilespmem:s28+$0x8D90]  }
0x263: {  	[tilespmem:s28+$0xDD60] =	vst v0;
	v0 =	vand.u32 $0xFFFF0000, v4;
	v4 =	vld [tilespmem:s28+$0x65A0]  }
0x264: {  	v0 =	vor.u32 v1, v0;
	v1 =	vshrl.u32 v5, $0x10;
	v5 =	vld [tilespmem:s28+$0x8DA0]  }
0x265: {  	[tilespmem:s28+$0xDD70] =	vst v0;
	v0 =	vand.u32 $0xFFFF0000, v3;
	v3 =	vld [tilespmem:s28+$0x65B0]  }
0x266: {  	v0 =	vor.u32 v1, v0;
	v1 =	vshrl.u32 v2, $0x10;
	v7 =	vld [tilespmem:s28+$0x8DB0]  }
.Ltmp4:
0x267: {  	[tilespmem:s28+$0xDD80] =	vst v0;
	v2 =	vand.u32 $0xFFFF0000, v6;
	v0 =	vld [tilespmem:s28+$0x65C0];
	(pc) =	sbr.rel @p0 .LBB2_10-.Ltmp4, $4  }
0x268: {  	v2 =	vor.u32 v1, v2;
	v4 =	vshrl.u32 v4, $0x10;
	v1 =	vld [tilespmem:s28+$0x8DC0]  }
0x269: {  	[tilespmem:s28+$0xDD90] =	vst v2;
	v5 =	vand.u32 $0xFFFF0000, v5;
	v2 =	vld [tilespmem:s28+$0x65D0]  }
0x26a: {  	v4 =	vor.u32 v4, v5;
	v5 =	vshrl.u32 v3, $0x10;
	v3 =	vld [tilespmem:s28+$0x8DD0]  }
0x26b: {  	s1 =	sadd.s32 $0x800, s1;
	[tilespmem:s28+$0xDDA0] =	vst v4;
	v6 =	vand.u32 $0xFFFF0000, v7;
	v4 =	vld [tilespmem:s28+$0x65E0]  }
0x26c: {  	v7 =	vld [tilespmem:s28+$0x8DE0];
	_ =	sdelay $0x2  }
0x26d: {  	v5 =	vor.u32 v5, v6;
	v0 =	vshrl.u32 v0, $0x10;
	v1 =	vand.u32 $0xFFFF0000, v1  }
0x26e: {  	[tilespmem:s28+$0xDDB0] =	vst v5;
	v0 =	vor.u32 v0, v1;
	v58 =	vshrl.u32 v2, $0x10;
	v59 =	vand.u32 $0xFFFF0000, v3  }
0x26f: {  	[tilespmem:s28+$0xDDC0] =	vst v0;
	v60 =	vor.u32 v58, v59;
	v61 =	vshrl.u32 v4, $0x10;
	v62 =	vand.u32 $0xFFFF0000, v7  }
0x270: {  	[tilespmem:s28+$0xDDD0] =	vst v60;
	v63 =	vor.u32 v61, v62  }
0x271: {  	s26 =	sadd.s32 $0x1, s26;
	[tilespmem:s28+$0xDDE0] =	vst v63  }
0x272: {  	[hbm4b:s9+s3] =	stream.linear.scatter [tilespmem:s24], [sflag:$0x2], $0x2800, $0x38;
	[tilespmem:$0x10400] =	vst v63  }
0x273: {  	p0 =	sne.s32 s26, s10;
	_ =	swait.ge [sflag:s25], $0x2800  }
.Ltmp5:
0x274: {  	[sflag:s25] =	ssyncset.done $0x0;
	(pc) =	sbr.rel @p0 .LBB2_1-.Ltmp5, $4  }
0x275: {  	[sflag:s25] =	ssyncadd.s32 $0xFFFFD800  }
0x276: {  	_ =	swait.ge [sflag:s25], $0x2800  }
0x277: {  	[sflag:s25] =	ssyncset.done $0x0  }
0x278: {  	[sflag:s25] =	ssyncadd.s32 $0xFFFFD800  }
0x279: {  	_ =	sfence.sel $0x180000  }
0x27a: {  	[bflag:$0x0] =	sbarrier.arrive $0xFFFF  }
0x27b: {  	_ =	strace $0x9000004A  }
0x27c: {  	s0 =	stileid.u32;
	[bflag:$0x2] =	sbarrier.arrive $0xFFFF  }
0x27d: {  	p0 =	sne.s32 s0, $0x0;
	s0 =	rddreg [dreg:$0x2]  }
0x27e: {  	s0 =	sadd.s32 @!p0 $0x100000, s0  }
0x27f: {  	[sflag:s0] =	ssyncadd.tile.s32 @!p0 $0x1;
	_ =	shalt  }
.Lfunc_end2:
_tile_overlayer_lowered:
.L_overlay_start_2:
0x280: {  	(tag) =	ssettag $0x2  }
0x281: {  	s0 =	rddreg [dreg:$0x0];
	s2 =	stileid.u32  }
0x282: {  	s1 =	rddreg [dreg:$0x1];
	p0 =	sne.s32 s2, $0x0  }
0x283: {  	s3 =	rddreg [dreg:$0x2];
	[bflag:$0x3] =	sbarrier.arrive $0xFFFF;
	s2 =	simm.s32 @!p0 $0x1C03  }
0x284: {  	[timem:s3], [sflag:s2] =	dma.local @!p0 [hbm:s0], s1  }
0x285: {  	s0 =	simm.s32 @!p0 $0x3  }
0x286: {  	_ =	swait.ge @!p0 [sflag:s0], s1  }
0x287: {  	s1 =	ssub.s32 @!p0 $0x0, s1;
	[sflag:s0] =	ssyncset.done @!p0 $0x0  }
0x288: {  	[sflag:s0] =	ssyncadd.s32 @!p0 s1  }
0x289: {  	[bflag:$0x3] =	sbarrier.arrive $0xFFFF  }
0x28a: {  	_ =	shalt  }

</sc_bundles>
